<compile_context>
chip_gen: v7x
topology: tpu7x:2x2x1
jax: 0.10.2.dev20260603
libtpu: 0.0.44.dev20260713+nightly
codegen_flags: <defaults>
</compile_context>

<pallas_src>
import functools

import jax
import jax.numpy as jnp
from jax import lax
from jax.experimental import pallas as pl
from jax.experimental.pallas import tpu as pltpu
from jax.experimental.pallas import tpu_sc as plsc

DIN = 768
NFEAT = 16384
KTOP = 32
NTOK = 2048

RBLK = 128
FT_ENC = 1024
NCHUNK = 32
CHUNK = NFEAT // NCHUNK
NCAND = 2048

NC = 2
NS = 16
NW = NC * NS
ROWS_PER_W = NTOK // NW


def _encode_kernel(x_ref, we_ref, be_ref, z_ref, m_ref):
    f = pl.program_id(1)
    nf = pl.num_programs(1)
    z_part = (
        jnp.dot(x_ref[...], we_ref[...], preferred_element_type=jnp.float32)
        + be_ref[...]
    )
    z_ref[:, pl.ds(f * FT_ENC, FT_ENC)] = z_part

    @pl.when(f == nf - 1)
    def _chunk_maxes():
        z = z_ref[...].reshape(RBLK, NCHUNK, CHUNK)
        m_ref[...] = jnp.max(z, axis=2)


def _sc_decode_body(z_hbm, m_hbm, wd_hbm, bd_hbm, out_hbm,
                    z_v, z2_v, m_v, cand_v, ci_v, vals_v, idx_v, rows_v,
                    rec_v, bd_v, tmpf_v, ni_v, semz, semz2, semg):
    wid = lax.axis_index("s") * NC + lax.axis_index("c")
    base = wid * ROWS_PER_W
    pltpu.sync_copy(bd_hbm, bd_v)
    lanes = lax.broadcasted_iota(jnp.int32, (16,), 0)
    neg = jnp.full((16,), -jnp.inf, jnp.float32)
    def _splat_max(v):
        r = v
        for k in (1, 2, 4, 8):
            tmpf_v[pl.ds(0, 16)] = r
            r = jnp.maximum(r, plsc.load_gather(tmpf_v, [lanes ^ k]))
        return r

    def _process(r, zbuf, semx, rnext):
        pltpu.make_async_copy(z_hbm.at[r], zbuf, semx).wait()
        pltpu.sync_copy(m_hbm.at[r], m_v)
        mneg = jnp.maximum(-m_v[pl.ds(0, 16)], -m_v[pl.ds(16, 16)])
        t0v = -_splat_max(mneg)

        def pre(i, c):
            cand_v[pl.ds(i * 16, 16)] = neg
            return c
        lax.fori_loop(0, NCAND // 16, pre, 0, unroll=8)

        def _prefix(m32):
            cs = m32
            for k in (1, 2, 4, 8):
                ni_v[pl.ds(0, 16)] = cs
                g = plsc.load_gather(ni_v, [jnp.maximum(lanes - k, 0)])
                cs = cs + jnp.where(lanes >= k, g, 0)
            return cs

        def scan(i, cnt):
            v = zbuf[pl.ds(i * 16, 16)]
            msk = v >= t0v
            ns = plsc.all_reduce_population_count(msk)[0]

            def compact(c):
                cs = _prefix(jnp.where(msk, 1, 0).astype(jnp.int32))
                pos = jnp.minimum(c + cs - 1, NCAND - 1)
                plsc.store_scatter(cand_v, [pos], v, mask=msk)
                col = (i * 16 + lanes).astype(jnp.int32)
                plsc.store_scatter(ci_v, [pos], col, mask=msk)
                return c + ns

            return lax.cond(ns > 0, compact, lambda c: c, cnt)

        n = lax.fori_loop(0, NFEAT // 16, scan, jnp.int32(0), unroll=8)
        nv = (n + 15) // 16

        @pl.when(rnext < base + ROWS_PER_W)
        def _refill():
            pltpu.async_copy(z_hbm.at[rnext], zbuf, semx)

        def sel(j, m):
            def sweep(i, acc):
                v = cand_v[pl.ds(i * 16, 16)]
                return jnp.maximum(acc, jnp.where(v < m, v, neg))
            acc = lax.fori_loop(0, nv, sweep, neg)
            return _splat_max(acc)

        tv = lax.fori_loop(0, KTOP, sel,
                           jnp.full((16,), jnp.inf, jnp.float32))

        def pick(i, cnt):
            v = cand_v[pl.ds(i * 16, 16)]
            ii = ci_v[pl.ds(i * 16, 16)]
            msk = v >= tv
            ns = plsc.all_reduce_population_count(msk)[0]

            def compact(c):
                cs = _prefix(jnp.where(msk, 1, 0).astype(jnp.int32))
                pos = jnp.minimum(c + cs - 1, KTOP - 1)
                plsc.store_scatter(vals_v, [pos], v, mask=msk)
                plsc.store_scatter(idx_v, [pos], ii, mask=msk)
                return c + ns

            return lax.cond(ns > 0, compact, lambda c: c, cnt)

        lax.fori_loop(0, nv, pick, jnp.int32(0))

        pltpu.async_copy(wd_hbm.at[idx_v], rows_v, semg).wait()

        vlo = vals_v[pl.ds(0, 16)]
        vhi = vals_v[pl.ds(16, 16)]
        vb = [jnp.maximum(jnp.broadcast_to(vlo[j], (16,)), 0.0)
              for j in range(16)]
        vb += [jnp.maximum(jnp.broadcast_to(vhi[j], (16,)), 0.0)
               for j in range(16)]

        def mac(c, carry2):
            a0 = bd_v[pl.ds(c * 16, 16)]
            a1 = jnp.zeros((16,), jnp.float32)
            a2 = jnp.zeros((16,), jnp.float32)
            a3 = jnp.zeros((16,), jnp.float32)
            for j in range(0, KTOP, 4):
                a0 = a0 + rows_v[j, pl.ds(c * 16, 16)] * vb[j]
                a1 = a1 + rows_v[j + 1, pl.ds(c * 16, 16)] * vb[j + 1]
                a2 = a2 + rows_v[j + 2, pl.ds(c * 16, 16)] * vb[j + 2]
                a3 = a3 + rows_v[j + 3, pl.ds(c * 16, 16)] * vb[j + 3]
            rec_v[pl.ds(c * 16, 16)] = (a0 + a1) + (a2 + a3)
            return carry2
        lax.fori_loop(0, DIN // 16, mac, 0, unroll=2)

        pltpu.sync_copy(rec_v, out_hbm.at[r])

    pltpu.async_copy(z_hbm.at[base], z_v, semz)
    pltpu.async_copy(z_hbm.at[base + 1], z2_v, semz2)

    def pair_body(p, carry):
        r0 = base + 2 * p
        _process(r0, z_v, semz, r0 + 2)
        _process(r0 + 1, z2_v, semz2, r0 + 3)
        return carry

    lax.fori_loop(0, ROWS_PER_W // 2, pair_body, 0)


def kernel(x, W_enc, b_enc, W_dec, b_dec):
    z, m = pl.pallas_call(
        _encode_kernel,
        grid=(NTOK // RBLK, NFEAT // FT_ENC),
        in_specs=[
            pl.BlockSpec((RBLK, DIN), lambda t, f: (t, 0)),
            pl.BlockSpec((DIN, FT_ENC), lambda t, f: (0, f)),
            pl.BlockSpec((1, FT_ENC), lambda t, f: (0, f)),
        ],
        out_specs=[
            pl.BlockSpec((RBLK, NFEAT), lambda t, f: (t, 0)),
            pl.BlockSpec((RBLK, NCHUNK), lambda t, f: (t, 0)),
        ],
        out_shape=[
            jax.ShapeDtypeStruct((NTOK, NFEAT), jnp.float32),
            jax.ShapeDtypeStruct((NTOK, NCHUNK), jnp.float32),
        ],
        compiler_params=pltpu.CompilerParams(
            dimension_semantics=("parallel", "arbitrary"),
        ),
    )(x, W_enc, b_enc.reshape(1, NFEAT))

    sc_call = functools.partial(
        pl.kernel,
        out_type=jax.ShapeDtypeStruct((NTOK, DIN), jnp.float32),
        mesh=plsc.VectorSubcoreMesh(core_axis_name="c", subcore_axis_name="s"),
        compiler_params=pltpu.CompilerParams(needs_layout_passes=False),
        scratch_types=[
            pltpu.VMEM((NFEAT,), jnp.float32),
            pltpu.VMEM((NFEAT,), jnp.float32),
            pltpu.VMEM((NCHUNK,), jnp.float32),
            pltpu.VMEM((NCAND,), jnp.float32),
            pltpu.VMEM((NCAND,), jnp.int32),
            pltpu.VMEM((KTOP,), jnp.float32),
            pltpu.VMEM((KTOP,), jnp.int32),
            pltpu.VMEM((KTOP, DIN), jnp.float32),
            pltpu.VMEM((DIN,), jnp.float32),
            pltpu.VMEM((DIN,), jnp.float32),
            pltpu.VMEM((16,), jnp.float32),
            pltpu.VMEM((16,), jnp.int32),
            pltpu.SemaphoreType.DMA,
            pltpu.SemaphoreType.DMA,
            pltpu.SemaphoreType.DMA,
        ],
    )(_sc_decode_body)

    recon = sc_call(z, m, W_dec, b_dec)
    return recon

# --- scband reference (transcript-rebuilt; emitter-appended) ---
"""Pipeline reference for scband-top-kdictionary-88184268521507 (READ-ONLY COPY).

The authoritative reference and input builder live on the scoring server;
editing this copy changes nothing except your own understanding.
"""

import jax, jax.numpy as jnp
import numpy as np

D_IN = 768
N_FEAT = 16384
K = 32
N_TOK = 2048


def _xavier_uniform(key, shape):
    fan_in, fan_out = shape[0], shape[1]
    lim = float(np.sqrt(6.0 / (fan_in + fan_out)))
    return jax.random.uniform(key, shape, minval=-lim, maxval=lim, dtype=jnp.float32)


def setup_inputs(seed: int = 0) -> dict:
    key = jax.random.key(seed)
    k1, k2, k3 = jax.random.split(key, 3)
    x = jax.random.normal(k1, (N_TOK, D_IN), dtype=jnp.float32)
    W_enc = _xavier_uniform(k2, (D_IN, N_FEAT))
    b_enc = jnp.zeros((N_FEAT,), dtype=jnp.float32)
    W_dec = _xavier_uniform(k3, (N_FEAT, D_IN))
    # normalize_rows_ on W_dec (rows = features)
    norms = jnp.clip(jnp.linalg.norm(W_dec, axis=1, keepdims=True), 1e-12, None)
    W_dec = W_dec / norms
    b_dec = jnp.zeros((D_IN,), dtype=jnp.float32)
    return {"x": x, "W_enc": W_enc, "b_enc": b_enc, "W_dec": W_dec, "b_dec": b_dec}


def _topk_sparse_activation(z, k):
    vals, idx = jax.lax.top_k(z, k)
    rows = jnp.arange(z.shape[0])[:, None]
    out = jnp.zeros_like(z).at[rows, idx].set(jax.nn.relu(vals))
    return out


def reference(x, W_enc, b_enc, W_dec, b_dec):
    # encode
    z = x @ W_enc + b_enc
    h = _topk_sparse_activation(z, K)
    # decode (reconstruction)
    recon = h @ W_dec + b_dec
    return recon

if __name__ == "__main__":
    import jax
    _d = setup_inputs()
    print(jax.jit(kernel)(*tuple(_d.values())))

</pallas_src>

<mosaic_0001>
#map = affine_map<(d0, d1) -> (0, 0)>
#map1 = affine_map<(d0, d1) -> (0)>
module attributes {stable_mosaic.version = 14 : i64} {
  func.func @_sc_decode_body(%arg0: i32, %arg1: i32, %arg2: memref<2048x16384xf32, #tpu.memory_space<hbm>>, %arg3: memref<2048x32xf32, #tpu.memory_space<hbm>>, %arg4: memref<16384x768xf32, #tpu.memory_space<hbm>>, %arg5: memref<768xf32, #tpu.memory_space<hbm>>, %arg6: memref<2048x768xf32, #tpu.memory_space<hbm>>, %arg7: memref<16384xf32, #tpu.memory_space<vmem>>, %arg8: memref<16384xf32, #tpu.memory_space<vmem>>, %arg9: memref<32xf32, #tpu.memory_space<vmem>>, %arg10: memref<2048xf32, #tpu.memory_space<vmem>>, %arg11: memref<2048xi32, #tpu.memory_space<vmem>>, %arg12: memref<32xf32, #tpu.memory_space<vmem>>, %arg13: memref<32xi32, #tpu.memory_space<vmem>>, %arg14: memref<32x768xf32, #tpu.memory_space<vmem>>, %arg15: memref<768xf32, #tpu.memory_space<vmem>>, %arg16: memref<768xf32, #tpu.memory_space<vmem>>, %arg17: memref<16xf32, #tpu.memory_space<vmem>>, %arg18: memref<16xi32, #tpu.memory_space<vmem>>, %arg19: memref<!tpu.dma_semaphore, #tpu.memory_space<semaphore_mem>>, %arg20: memref<!tpu.dma_semaphore, #tpu.memory_space<semaphore_mem>>, %arg21: memref<!tpu.dma_semaphore, #tpu.memory_space<semaphore_mem>>) attributes {dimension_semantics = [#tpu.dimension_semantics<core_parallel>, #tpu.dimension_semantics<subcore_parallel>], iteration_bounds = array<i64: 2, 16>, scalar_prefetch = 0 : i64, scratch_operands = 15 : i64, tpu.core_type = #tpu.core_type<sc_vector_subcore>, window_params = [{transform_indices = #map}, {transform_indices = #map}, {transform_indices = #map}, {transform_indices = #map1}, {transform_indices = #map}]} {
    %mul3A = arith.constant 2 : i32
    %mul3A_0 = arith.muli %arg1, %mul3A : i32
    %add3A = arith.addi %mul3A_0, %arg0 : i32
    %mul3A_1 = arith.constant 64 : i32
    %mul3A_2 = arith.muli %add3A, %mul3A_1 : i32
    "tpu.region"() ({
      %run_scoped3A = tpu.sem_alloc : memref<!tpu.dma_semaphore, #tpu.memory_space<semaphore_mem>>
      tpu.enqueue_dma source(%arg5 : memref<768xf32, #tpu.memory_space<hbm>>) target(%arg16 : memref<768xf32, #tpu.memory_space<vmem>>) target_semaphore(%run_scoped3A : memref<!tpu.dma_semaphore, #tpu.memory_space<semaphore_mem>>)
      tpu.wait_dma2 semaphore(%run_scoped3A : memref<!tpu.dma_semaphore, #tpu.memory_space<semaphore_mem>>) src(%arg5 : memref<768xf32, #tpu.memory_space<hbm>>) dst(%arg16 : memref<768xf32, #tpu.memory_space<vmem>>)
      tpu.yield
    }) : () -> ()
    %iota3A = tpu.iota {dimensions = array<i32: 0>} : vector<16xi32>
    %broadcast_in_dim3A = arith.constant 0xFF800000 : f32
    %broadcast_in_dim3A_3 = vector.broadcast %broadcast_in_dim3A : f32 to vector<16xf32>
    %dma_start3A = arith.constant 0 : i32
    %dma_start3A_4 = tpu.memref_slice %arg2[%mul3A_2, %dma_start3A] : memref<2048x16384xf32, #tpu.memory_space<hbm>> -> memref<1x16384xf32, #tpu.memory_space<hbm>>
    %dma_start3A_5 = tpu.memref_squeeze %dma_start3A_4 : memref<1x16384xf32, #tpu.memory_space<hbm>> -> memref<16384xf32, #tpu.memory_space<hbm>>
    %dma_start3A_6 = arith.constant 0 : i32
    %dma_start3A_7 = tpu.memref_slice %arg2[%mul3A_2, %dma_start3A_6] : memref<2048x16384xf32, #tpu.memory_space<hbm>> -> memref<1x16384xf32, #tpu.memory_space<hbm>>
    %dma_start3A_8 = tpu.memref_squeeze %dma_start3A_7 : memref<1x16384xf32, #tpu.memory_space<hbm>> -> memref<16384xf32, #tpu.memory_space<hbm>>
    tpu.enqueue_dma source(%dma_start3A_8 : memref<16384xf32, #tpu.memory_space<hbm>>) target(%arg7 : memref<16384xf32, #tpu.memory_space<vmem>>) target_semaphore(%arg19 : memref<!tpu.dma_semaphore, #tpu.memory_space<semaphore_mem>>)
    %add3A_9 = arith.constant 1 : i32
    %add3A_10 = arith.addi %mul3A_2, %add3A_9 : i32
    %dma_start3A_11 = arith.constant 0 : i32
    %dma_start3A_12 = tpu.memref_slice %arg2[%add3A_10, %dma_start3A_11] : memref<2048x16384xf32, #tpu.memory_space<hbm>> -> memref<1x16384xf32, #tpu.memory_space<hbm>>
    %dma_start3A_13 = tpu.memref_squeeze %dma_start3A_12 : memref<1x16384xf32, #tpu.memory_space<hbm>> -> memref<16384xf32, #tpu.memory_space<hbm>>
    %dma_start3A_14 = arith.constant 0 : i32
    %dma_start3A_15 = tpu.memref_slice %arg2[%add3A_10, %dma_start3A_14] : memref<2048x16384xf32, #tpu.memory_space<hbm>> -> memref<1x16384xf32, #tpu.memory_space<hbm>>
    %dma_start3A_16 = tpu.memref_squeeze %dma_start3A_15 : memref<1x16384xf32, #tpu.memory_space<hbm>> -> memref<16384xf32, #tpu.memory_space<hbm>>
    tpu.enqueue_dma source(%dma_start3A_16 : memref<16384xf32, #tpu.memory_space<hbm>>) target(%arg8 : memref<16384xf32, #tpu.memory_space<vmem>>) target_semaphore(%arg20 : memref<!tpu.dma_semaphore, #tpu.memory_space<semaphore_mem>>)
    %scan3A = arith.constant 0 : i32
    %scan3A_17 = arith.constant 0 : i32
    %scan3A_18 = arith.constant 32 : i32
    %scan3A_19 = arith.addi %scan3A_17, %scan3A_18 : i32
    %scan3A_20 = arith.constant 1 : i32
    scf.for %scan3A_22 = %scan3A_17 to %scan3A_19 step %scan3A_20  : i32 {
      %mul3A_23 = arith.constant 2 : i32
      %mul3A_24 = arith.muli %mul3A_23, %scan3A_22 : i32
      %add3A_25 = arith.addi %mul3A_2, %mul3A_24 : i32
      %add3A_26 = arith.constant 2 : i32
      %add3A_27 = arith.addi %add3A_25, %add3A_26 : i32
      %dma_wait3A = arith.constant 0 : i32
      %dma_wait3A_28 = tpu.memref_slice %arg2[%add3A_25, %dma_wait3A] : memref<2048x16384xf32, #tpu.memory_space<hbm>> -> memref<1x16384xf32, #tpu.memory_space<hbm>>
      %dma_wait3A_29 = tpu.memref_squeeze %dma_wait3A_28 : memref<1x16384xf32, #tpu.memory_space<hbm>> -> memref<16384xf32, #tpu.memory_space<hbm>>
      %dma_wait3A_30 = arith.constant 0 : i32
      %dma_wait3A_31 = tpu.memref_slice %arg2[%add3A_25, %dma_wait3A_30] : memref<2048x16384xf32, #tpu.memory_space<hbm>> -> memref<1x16384xf32, #tpu.memory_space<hbm>>
      %dma_wait3A_32 = tpu.memref_squeeze %dma_wait3A_31 : memref<1x16384xf32, #tpu.memory_space<hbm>> -> memref<16384xf32, #tpu.memory_space<hbm>>
      tpu.wait_dma2 semaphore(%arg19 : memref<!tpu.dma_semaphore, #tpu.memory_space<semaphore_mem>>) src(%dma_wait3A_32 : memref<16384xf32, #tpu.memory_space<hbm>>) dst(%arg7 : memref<16384xf32, #tpu.memory_space<vmem>>)
      "tpu.region"() ({
        %run_scoped3A = tpu.sem_alloc : memref<!tpu.dma_semaphore, #tpu.memory_space<semaphore_mem>>
        %dma_start3A_653 = arith.constant 0 : i32
        %dma_start3A_654 = tpu.memref_slice %arg3[%add3A_25, %dma_start3A_653] : memref<2048x32xf32, #tpu.memory_space<hbm>> -> memref<1x32xf32, #tpu.memory_space<hbm>>
        %dma_start3A_655 = tpu.memref_squeeze %dma_start3A_654 : memref<1x32xf32, #tpu.memory_space<hbm>> -> memref<32xf32, #tpu.memory_space<hbm>>
        %dma_start3A_656 = arith.constant 0 : i32
        %dma_start3A_657 = tpu.memref_slice %arg3[%add3A_25, %dma_start3A_656] : memref<2048x32xf32, #tpu.memory_space<hbm>> -> memref<1x32xf32, #tpu.memory_space<hbm>>
        %dma_start3A_658 = tpu.memref_squeeze %dma_start3A_657 : memref<1x32xf32, #tpu.memory_space<hbm>> -> memref<32xf32, #tpu.memory_space<hbm>>
        tpu.enqueue_dma source(%dma_start3A_658 : memref<32xf32, #tpu.memory_space<hbm>>) target(%arg9 : memref<32xf32, #tpu.memory_space<vmem>>) target_semaphore(%run_scoped3A : memref<!tpu.dma_semaphore, #tpu.memory_space<semaphore_mem>>)
        %dma_wait3A_659 = arith.constant 0 : i32
        %dma_wait3A_660 = tpu.memref_slice %arg3[%add3A_25, %dma_wait3A_659] : memref<2048x32xf32, #tpu.memory_space<hbm>> -> memref<1x32xf32, #tpu.memory_space<hbm>>
        %dma_wait3A_661 = tpu.memref_squeeze %dma_wait3A_660 : memref<1x32xf32, #tpu.memory_space<hbm>> -> memref<32xf32, #tpu.memory_space<hbm>>
        %dma_wait3A_662 = arith.constant 0 : i32
        %dma_wait3A_663 = tpu.memref_slice %arg3[%add3A_25, %dma_wait3A_662] : memref<2048x32xf32, #tpu.memory_space<hbm>> -> memref<1x32xf32, #tpu.memory_space<hbm>>
        %dma_wait3A_664 = tpu.memref_squeeze %dma_wait3A_663 : memref<1x32xf32, #tpu.memory_space<hbm>> -> memref<32xf32, #tpu.memory_space<hbm>>
        tpu.wait_dma2 semaphore(%run_scoped3A : memref<!tpu.dma_semaphore, #tpu.memory_space<semaphore_mem>>) src(%dma_wait3A_664 : memref<32xf32, #tpu.memory_space<hbm>>) dst(%arg9 : memref<32xf32, #tpu.memory_space<vmem>>)
        tpu.yield
      }) : () -> ()
      %get3A = arith.constant 0 : index
      %get3A_33 = tpu.vector_load %arg9[%get3A] {strides = array<i32>} : memref<32xf32, #tpu.memory_space<vmem>>, vector<16xf32>,
      %neg3A = arith.constant 0.000000e+00 : f32
      %neg3A_34 = vector.broadcast %neg3A : f32 to vector<16xf32>
      %neg3A_35 = arith.subf %neg3A_34, %get3A_33 : vector<16xf32>
      %get3A_36 = arith.constant 16 : index
      %get3A_37 = tpu.vector_load %arg9[%get3A_36] {strides = array<i32>} : memref<32xf32, #tpu.memory_space<vmem>>, vector<16xf32>,
      %neg3A_38 = arith.constant 0.000000e+00 : f32
      %neg3A_39 = vector.broadcast %neg3A_38 : f32 to vector<16xf32>
      %neg3A_40 = arith.subf %neg3A_39, %get3A_37 : vector<16xf32>
      %max3A = arith.maximumf %neg3A_35, %neg3A_40 : vector<16xf32>
      %swap3A = arith.constant 0 : index
      %swap3A_41 = tpu.vector_load %arg17[%swap3A] {strides = array<i32>} : memref<16xf32, #tpu.memory_space<vmem>>, vector<16xf32>,
      tpu.vector_store %arg17[%swap3A], %max3A {strides = array<i32>} : memref<16xf32, #tpu.memory_space<vmem>>, vector<16xf32>,
      %xor3A = arith.constant 1 : i32
      %xor3A_42 = vector.broadcast %xor3A : i32 to vector<16xi32>
      %xor3A_43 = arith.xori %iota3A, %xor3A_42 : vector<16xi32>
      %gather3A = tpu.vector_load_idx %arg17[%xor3A_43] : memref<16xf32, #tpu.memory_space<vmem>>[vector<16xi32>], vector<16xf32>,
      %max3A_44 = arith.maximumf %max3A, %gather3A : vector<16xf32>
      %swap3A_45 = arith.constant 0 : index
      %swap3A_46 = tpu.vector_load %arg17[%swap3A_45] {strides = array<i32>} : memref<16xf32, #tpu.memory_space<vmem>>, vector<16xf32>,
      tpu.vector_store %arg17[%swap3A_45], %max3A_44 {strides = array<i32>} : memref<16xf32, #tpu.memory_space<vmem>>, vector<16xf32>,
      %xor3A_47 = arith.constant 2 : i32
      %xor3A_48 = vector.broadcast %xor3A_47 : i32 to vector<16xi32>
      %xor3A_49 = arith.xori %iota3A, %xor3A_48 : vector<16xi32>
      %gather3A_50 = tpu.vector_load_idx %arg17[%xor3A_49] : memref<16xf32, #tpu.memory_space<vmem>>[vector<16xi32>], vector<16xf32>,
      %max3A_51 = arith.maximumf %max3A_44, %gather3A_50 : vector<16xf32>
      %swap3A_52 = arith.constant 0 : index
      %swap3A_53 = tpu.vector_load %arg17[%swap3A_52] {strides = array<i32>} : memref<16xf32, #tpu.memory_space<vmem>>, vector<16xf32>,
      tpu.vector_store %arg17[%swap3A_52], %max3A_51 {strides = array<i32>} : memref<16xf32, #tpu.memory_space<vmem>>, vector<16xf32>,
      %xor3A_54 = arith.constant 4 : i32
      %xor3A_55 = vector.broadcast %xor3A_54 : i32 to vector<16xi32>
      %xor3A_56 = arith.xori %iota3A, %xor3A_55 : vector<16xi32>
      %gather3A_57 = tpu.vector_load_idx %arg17[%xor3A_56] : memref<16xf32, #tpu.memory_space<vmem>>[vector<16xi32>], vector<16xf32>,
      %max3A_58 = arith.maximumf %max3A_51, %gather3A_57 : vector<16xf32>
      %swap3A_59 = arith.constant 0 : index
      %swap3A_60 = tpu.vector_load %arg17[%swap3A_59] {strides = array<i32>} : memref<16xf32, #tpu.memory_space<vmem>>, vector<16xf32>,
      tpu.vector_store %arg17[%swap3A_59], %max3A_58 {strides = array<i32>} : memref<16xf32, #tpu.memory_space<vmem>>, vector<16xf32>,
      %xor3A_61 = arith.constant 8 : i32
      %xor3A_62 = vector.broadcast %xor3A_61 : i32 to vector<16xi32>
      %xor3A_63 = arith.xori %iota3A, %xor3A_62 : vector<16xi32>
      %gather3A_64 = tpu.vector_load_idx %arg17[%xor3A_63] : memref<16xf32, #tpu.memory_space<vmem>>[vector<16xi32>], vector<16xf32>,
      %max3A_65 = arith.maximumf %max3A_58, %gather3A_64 : vector<16xf32>
      %neg3A_66 = arith.constant 0.000000e+00 : f32
      %neg3A_67 = vector.broadcast %neg3A_66 : f32 to vector<16xf32>
      %neg3A_68 = arith.subf %neg3A_67, %max3A_65 : vector<16xf32>
      %scan3A_69 = arith.constant 0 : i32
      %scan3A_70 = arith.constant 0 : i32
      %scan3A_71 = arith.constant 128 : i32
      %scan3A_72 = arith.addi %scan3A_70, %scan3A_71 : i32
      %scan3A_73 = arith.constant 8 : i32
      scf.for %scan3A_653 = %scan3A_70 to %scan3A_72 step %scan3A_73  : i32 {
        %mul3A_654 = arith.constant 16 : i32
        %mul3A_655 = arith.muli %scan3A_653, %mul3A_654 : i32
        %swap3A_656 = arith.index_cast %mul3A_655 : i32 to index
        %swap3A_657 = tpu.vector_load %arg10[%swap3A_656] {strides = array<i32>} : memref<2048xf32, #tpu.memory_space<vmem>>, vector<16xf32>,
        tpu.vector_store %arg10[%swap3A_656], %broadcast_in_dim3A_3 {strides = array<i32>} : memref<2048xf32, #tpu.memory_space<vmem>>, vector<16xf32>,
        %scan3A_658 = arith.constant 1 : i32
        %scan3A_659 = arith.addi %scan3A_653, %scan3A_658 : i32
        %mul3A_660 = arith.constant 16 : i32
        %mul3A_661 = arith.muli %scan3A_659, %mul3A_660 : i32
        %swap3A_662 = arith.index_cast %mul3A_661 : i32 to index
        %swap3A_663 = tpu.vector_load %arg10[%swap3A_662] {strides = array<i32>} : memref<2048xf32, #tpu.memory_space<vmem>>, vector<16xf32>,
        tpu.vector_store %arg10[%swap3A_662], %broadcast_in_dim3A_3 {strides = array<i32>} : memref<2048xf32, #tpu.memory_space<vmem>>, vector<16xf32>,
        %scan3A_664 = arith.constant 2 : i32
        %scan3A_665 = arith.addi %scan3A_653, %scan3A_664 : i32
        %mul3A_666 = arith.constant 16 : i32
        %mul3A_667 = arith.muli %scan3A_665, %mul3A_666 : i32
        %swap3A_668 = arith.index_cast %mul3A_667 : i32 to index
        %swap3A_669 = tpu.vector_load %arg10[%swap3A_668] {strides = array<i32>} : memref<2048xf32, #tpu.memory_space<vmem>>, vector<16xf32>,
        tpu.vector_store %arg10[%swap3A_668], %broadcast_in_dim3A_3 {strides = array<i32>} : memref<2048xf32, #tpu.memory_space<vmem>>, vector<16xf32>,
        %scan3A_670 = arith.constant 3 : i32
        %scan3A_671 = arith.addi %scan3A_653, %scan3A_670 : i32
        %mul3A_672 = arith.constant 16 : i32
        %mul3A_673 = arith.muli %scan3A_671, %mul3A_672 : i32
        %swap3A_674 = arith.index_cast %mul3A_673 : i32 to index
        %swap3A_675 = tpu.vector_load %arg10[%swap3A_674] {strides = array<i32>} : memref<2048xf32, #tpu.memory_space<vmem>>, vector<16xf32>,
        tpu.vector_store %arg10[%swap3A_674], %broadcast_in_dim3A_3 {strides = array<i32>} : memref<2048xf32, #tpu.memory_space<vmem>>, vector<16xf32>,
        %scan3A_676 = arith.constant 4 : i32
        %scan3A_677 = arith.addi %scan3A_653, %scan3A_676 : i32
        %mul3A_678 = arith.constant 16 : i32
        %mul3A_679 = arith.muli %scan3A_677, %mul3A_678 : i32
        %swap3A_680 = arith.index_cast %mul3A_679 : i32 to index
        %swap3A_681 = tpu.vector_load %arg10[%swap3A_680] {strides = array<i32>} : memref<2048xf32, #tpu.memory_space<vmem>>, vector<16xf32>,
        tpu.vector_store %arg10[%swap3A_680], %broadcast_in_dim3A_3 {strides = array<i32>} : memref<2048xf32, #tpu.memory_space<vmem>>, vector<16xf32>,
        %scan3A_682 = arith.constant 5 : i32
        %scan3A_683 = arith.addi %scan3A_653, %scan3A_682 : i32
        %mul3A_684 = arith.constant 16 : i32
        %mul3A_685 = arith.muli %scan3A_683, %mul3A_684 : i32
        %swap3A_686 = arith.index_cast %mul3A_685 : i32 to index
        %swap3A_687 = tpu.vector_load %arg10[%swap3A_686] {strides = array<i32>} : memref<2048xf32, #tpu.memory_space<vmem>>, vector<16xf32>,
        tpu.vector_store %arg10[%swap3A_686], %broadcast_in_dim3A_3 {strides = array<i32>} : memref<2048xf32, #tpu.memory_space<vmem>>, vector<16xf32>,
        %scan3A_688 = arith.constant 6 : i32
        %scan3A_689 = arith.addi %scan3A_653, %scan3A_688 : i32
        %mul3A_690 = arith.constant 16 : i32
        %mul3A_691 = arith.muli %scan3A_689, %mul3A_690 : i32
        %swap3A_692 = arith.index_cast %mul3A_691 : i32 to index
        %swap3A_693 = tpu.vector_load %arg10[%swap3A_692] {strides = array<i32>} : memref<2048xf32, #tpu.memory_space<vmem>>, vector<16xf32>,
        tpu.vector_store %arg10[%swap3A_692], %broadcast_in_dim3A_3 {strides = array<i32>} : memref<2048xf32, #tpu.memory_space<vmem>>, vector<16xf32>,
        %scan3A_694 = arith.constant 7 : i32
        %scan3A_695 = arith.addi %scan3A_653, %scan3A_694 : i32
        %mul3A_696 = arith.constant 16 : i32
        %mul3A_697 = arith.muli %scan3A_695, %mul3A_696 : i32
        %swap3A_698 = arith.index_cast %mul3A_697 : i32 to index
        %swap3A_699 = tpu.vector_load %arg10[%swap3A_698] {strides = array<i32>} : memref<2048xf32, #tpu.memory_space<vmem>>, vector<16xf32>,
        tpu.vector_store %arg10[%swap3A_698], %broadcast_in_dim3A_3 {strides = array<i32>} : memref<2048xf32, #tpu.memory_space<vmem>>, vector<16xf32>,
      }
      %scan3A_74 = arith.constant 128 : i32
      %scan3A_75 = arith.constant 0 : i32
      %scan3A_76 = arith.constant 0 : i32
      %scan3A_77 = arith.constant 1024 : i32
      %scan3A_78 = arith.addi %scan3A_76, %scan3A_77 : i32
      %scan3A_79 = arith.constant 8 : i32
      %scan3A_80 = scf.for %scan3A_653 = %scan3A_76 to %scan3A_78 step %scan3A_79 iter_args(%scan3A_654 = %scan3A_75) -> (i32)  : i32 {
        %mul3A_655 = arith.constant 16 : i32
        %mul3A_656 = arith.muli %scan3A_653, %mul3A_655 : i32
        %get3A_657 = arith.index_cast %mul3A_656 : i32 to index
        %get3A_658 = tpu.vector_load %arg7[%get3A_657] {strides = array<i32>} : memref<16384xf32, #tpu.memory_space<vmem>>, vector<16xf32>,
        %ge3A = arith.cmpf oge, %get3A_658, %neg3A_68 : vector<16xf32>
        %all_reduce_population_count3A = tpu.all_reduce %ge3A {dim = 0 : i64, kind = #tpu.reduction_kind<sum>} : vector<16xi1> -> vector<16xi32>
        %slice3A_659 = vector.extract_strided_slice %all_reduce_population_count3A {offsets = [0], sizes = [1], strides = [1]} : vector<16xi32> to vector<1xi32>
        %squeeze3A_660 = vector.extract %slice3A_659[0] : i32 from vector<1xi32>
        %gt3A = arith.constant 0 : i32
        %gt3A_661 = arith.cmpi sgt, %squeeze3A_660, %gt3A : i32
        %convert_element_type3A_662 = arith.extui %gt3A_661 : i1 to i32
        %cond3A_663 = arith.constant 0 : i32
        %cond3A_664 = arith.cmpi ne, %convert_element_type3A_662, %cond3A_663 : i32
        %cond3A_665 = scf.if %cond3A_664 -> (i32) {
          %jit3A_778 = arith.constant 1 : i32
          %jit3A_779 = arith.constant 0 : i32
          %broadcast_in_dim3A_780 = vector.broadcast %jit3A_778 : i32 to vector<16xi32>
          %broadcast_in_dim3A_781 = vector.broadcast %jit3A_779 : i32 to vector<16xi32>
          %select_n3A_782 = arith.select %ge3A, %broadcast_in_dim3A_780, %broadcast_in_dim3A_781 : vector<16xi1>, vector<16xi32>
          %swap3A_783 = arith.constant 0 : index
          %swap3A_784 = tpu.vector_load %arg18[%swap3A_783] {strides = array<i32>} : memref<16xi32, #tpu.memory_space<vmem>>, vector<16xi32>,
          tpu.vector_store %arg18[%swap3A_783], %select_n3A_782 {strides = array<i32>} : memref<16xi32, #tpu.memory_space<vmem>>, vector<16xi32>,
          %sub3A_785 = arith.constant 1 : i32
          %sub3A_786 = vector.broadcast %sub3A_785 : i32 to vector<16xi32>
          %sub3A_787 = arith.subi %iota3A, %sub3A_786 : vector<16xi32>
          %max3A_788 = arith.constant 0 : i32
          %max3A_789 = vector.broadcast %max3A_788 : i32 to vector<16xi32>
          %max3A_790 = arith.maxsi %sub3A_787, %max3A_789 : vector<16xi32>
          %gather3A_791 = tpu.vector_load_idx %arg18[%max3A_790] : memref<16xi32, #tpu.memory_space<vmem>>[vector<16xi32>], vector<16xi32>,
          %ge3A_792 = arith.constant 1 : i32
          %ge3A_793 = vector.broadcast %ge3A_792 : i32 to vector<16xi32>
          %ge3A_794 = arith.cmpi sge, %iota3A, %ge3A_793 : vector<16xi32>
          %jit3A_795 = arith.constant 0 : i32
          %broadcast_in_dim3A_796 = vector.broadcast %jit3A_795 : i32 to vector<16xi32>
          %select_n3A_797 = arith.select %ge3A_794, %gather3A_791, %broadcast_in_dim3A_796 : vector<16xi1>, vector<16xi32>
          %add3A_798 = arith.addi %select_n3A_782, %select_n3A_797 : vector<16xi32>
          %swap3A_799 = arith.constant 0 : index
          %swap3A_800 = tpu.vector_load %arg18[%swap3A_799] {strides = array<i32>} : memref<16xi32, #tpu.memory_space<vmem>>, vector<16xi32>,
          tpu.vector_store %arg18[%swap3A_799], %add3A_798 {strides = array<i32>} : memref<16xi32, #tpu.memory_space<vmem>>, vector<16xi32>,
          %sub3A_801 = arith.constant 2 : i32
          %sub3A_802 = vector.broadcast %sub3A_801 : i32 to vector<16xi32>
          %sub3A_803 = arith.subi %iota3A, %sub3A_802 : vector<16xi32>
          %max3A_804 = arith.constant 0 : i32
          %max3A_805 = vector.broadcast %max3A_804 : i32 to vector<16xi32>
          %max3A_806 = arith.maxsi %sub3A_803, %max3A_805 : vector<16xi32>
          %gather3A_807 = tpu.vector_load_idx %arg18[%max3A_806] : memref<16xi32, #tpu.memory_space<vmem>>[vector<16xi32>], vector<16xi32>,
          %ge3A_808 = arith.constant 2 : i32
          %ge3A_809 = vector.broadcast %ge3A_808 : i32 to vector<16xi32>
          %ge3A_810 = arith.cmpi sge, %iota3A, %ge3A_809 : vector<16xi32>
          %jit3A_811 = arith.constant 0 : i32
          %broadcast_in_dim3A_812 = vector.broadcast %jit3A_811 : i32 to vector<16xi32>
          %select_n3A_813 = arith.select %ge3A_810, %gather3A_807, %broadcast_in_dim3A_812 : vector<16xi1>, vector<16xi32>
          %add3A_814 = arith.addi %add3A_798, %select_n3A_813 : vector<16xi32>
          %swap3A_815 = arith.constant 0 : index
          %swap3A_816 = tpu.vector_load %arg18[%swap3A_815] {strides = array<i32>} : memref<16xi32, #tpu.memory_space<vmem>>, vector<16xi32>,
          tpu.vector_store %arg18[%swap3A_815], %add3A_814 {strides = array<i32>} : memref<16xi32, #tpu.memory_space<vmem>>, vector<16xi32>,
          %sub3A_817 = arith.constant 4 : i32
          %sub3A_818 = vector.broadcast %sub3A_817 : i32 to vector<16xi32>
          %sub3A_819 = arith.subi %iota3A, %sub3A_818 : vector<16xi32>
          %max3A_820 = arith.constant 0 : i32
          %max3A_821 = vector.broadcast %max3A_820 : i32 to vector<16xi32>
          %max3A_822 = arith.maxsi %sub3A_819, %max3A_821 : vector<16xi32>
          %gather3A_823 = tpu.vector_load_idx %arg18[%max3A_822] : memref<16xi32, #tpu.memory_space<vmem>>[vector<16xi32>], vector<16xi32>,
          %ge3A_824 = arith.constant 4 : i32
          %ge3A_825 = vector.broadcast %ge3A_824 : i32 to vector<16xi32>
          %ge3A_826 = arith.cmpi sge, %iota3A, %ge3A_825 : vector<16xi32>
          %jit3A_827 = arith.constant 0 : i32
          %broadcast_in_dim3A_828 = vector.broadcast %jit3A_827 : i32 to vector<16xi32>
          %select_n3A_829 = arith.select %ge3A_826, %gather3A_823, %broadcast_in_dim3A_828 : vector<16xi1>, vector<16xi32>
          %add3A_830 = arith.addi %add3A_814, %select_n3A_829 : vector<16xi32>
          %swap3A_831 = arith.constant 0 : index
          %swap3A_832 = tpu.vector_load %arg18[%swap3A_831] {strides = array<i32>} : memref<16xi32, #tpu.memory_space<vmem>>, vector<16xi32>,
          tpu.vector_store %arg18[%swap3A_831], %add3A_830 {strides = array<i32>} : memref<16xi32, #tpu.memory_space<vmem>>, vector<16xi32>,
          %sub3A_833 = arith.constant 8 : i32
          %sub3A_834 = vector.broadcast %sub3A_833 : i32 to vector<16xi32>
          %sub3A_835 = arith.subi %iota3A, %sub3A_834 : vector<16xi32>
          %max3A_836 = arith.constant 0 : i32
          %max3A_837 = vector.broadcast %max3A_836 : i32 to vector<16xi32>
          %max3A_838 = arith.maxsi %sub3A_835, %max3A_837 : vector<16xi32>
          %gather3A_839 = tpu.vector_load_idx %arg18[%max3A_838] : memref<16xi32, #tpu.memory_space<vmem>>[vector<16xi32>], vector<16xi32>,
          %ge3A_840 = arith.constant 8 : i32
          %ge3A_841 = vector.broadcast %ge3A_840 : i32 to vector<16xi32>
          %ge3A_842 = arith.cmpi sge, %iota3A, %ge3A_841 : vector<16xi32>
          %jit3A_843 = arith.constant 0 : i32
          %broadcast_in_dim3A_844 = vector.broadcast %jit3A_843 : i32 to vector<16xi32>
          %select_n3A_845 = arith.select %ge3A_842, %gather3A_839, %broadcast_in_dim3A_844 : vector<16xi1>, vector<16xi32>
          %add3A_846 = arith.addi %add3A_830, %select_n3A_845 : vector<16xi32>
          %add3A_847 = vector.broadcast %scan3A_654 : i32 to vector<16xi32>
          %add3A_848 = arith.addi %add3A_847, %add3A_846 : vector<16xi32>
          %sub3A_849 = arith.constant 1 : i32
          %sub3A_850 = vector.broadcast %sub3A_849 : i32 to vector<16xi32>
          %sub3A_851 = arith.subi %add3A_848, %sub3A_850 : vector<16xi32>
          %min3A = arith.constant 2047 : i32
          %min3A_852 = vector.broadcast %min3A : i32 to vector<16xi32>
          %min3A_853 = arith.minsi %sub3A_851, %min3A_852 : vector<16xi32>
          tpu.vector_store_idx %arg10[%min3A_853], %get3A_658 masked %ge3A : memref<2048xf32, #tpu.memory_space<vmem>>[vector<16xi32>], vector<16xf32>, vector<16xi1>
          %mul3A_854 = arith.constant 16 : i32
          %mul3A_855 = arith.muli %scan3A_653, %mul3A_854 : i32
          %add3A_856 = vector.broadcast %mul3A_855 : i32 to vector<16xi32>
          %add3A_857 = arith.addi %add3A_856, %iota3A : vector<16xi32>
          tpu.vector_store_idx %arg11[%min3A_853], %add3A_857 masked %ge3A : memref<2048xi32, #tpu.memory_space<vmem>>[vector<16xi32>], vector<16xi32>, vector<16xi1>
          %add3A_858 = arith.addi %scan3A_654, %squeeze3A_660 : i32
          scf.yield %add3A_858 : i32
        } else {
          scf.yield %scan3A_654 : i32
        }
        %scan3A_666 = arith.constant 1 : i32
        %scan3A_667 = arith.addi %scan3A_653, %scan3A_666 : i32
        %mul3A_668 = arith.constant 16 : i32
        %mul3A_669 = arith.muli %scan3A_667, %mul3A_668 : i32
        %get3A_670 = arith.index_cast %mul3A_669 : i32 to index
        %get3A_671 = tpu.vector_load %arg7[%get3A_670] {strides = array<i32>} : memref<16384xf32, #tpu.memory_space<vmem>>, vector<16xf32>,
        %ge3A_672 = arith.cmpf oge, %get3A_671, %neg3A_68 : vector<16xf32>
        %all_reduce_population_count3A_673 = tpu.all_reduce %ge3A_672 {dim = 0 : i64, kind = #tpu.reduction_kind<sum>} : vector<16xi1> -> vector<16xi32>
        %slice3A_674 = vector.extract_strided_slice %all_reduce_population_count3A_673 {offsets = [0], sizes = [1], strides = [1]} : vector<16xi32> to vector<1xi32>
        %squeeze3A_675 = vector.extract %slice3A_674[0] : i32 from vector<1xi32>
        %gt3A_676 = arith.constant 0 : i32
        %gt3A_677 = arith.cmpi sgt, %squeeze3A_675, %gt3A_676 : i32
        %convert_element_type3A_678 = arith.extui %gt3A_677 : i1 to i32
        %cond3A_679 = arith.constant 0 : i32
        %cond3A_680 = arith.cmpi ne, %convert_element_type3A_678, %cond3A_679 : i32
        %cond3A_681 = scf.if %cond3A_680 -> (i32) {
          %jit3A_778 = arith.constant 1 : i32
          %jit3A_779 = arith.constant 0 : i32
          %broadcast_in_dim3A_780 = vector.broadcast %jit3A_778 : i32 to vector<16xi32>
          %broadcast_in_dim3A_781 = vector.broadcast %jit3A_779 : i32 to vector<16xi32>
          %select_n3A_782 = arith.select %ge3A_672, %broadcast_in_dim3A_780, %broadcast_in_dim3A_781 : vector<16xi1>, vector<16xi32>
          %swap3A_783 = arith.constant 0 : index
          %swap3A_784 = tpu.vector_load %arg18[%swap3A_783] {strides = array<i32>} : memref<16xi32, #tpu.memory_space<vmem>>, vector<16xi32>,
          tpu.vector_store %arg18[%swap3A_783], %select_n3A_782 {strides = array<i32>} : memref<16xi32, #tpu.memory_space<vmem>>, vector<16xi32>,
          %sub3A_785 = arith.constant 1 : i32
          %sub3A_786 = vector.broadcast %sub3A_785 : i32 to vector<16xi32>
          %sub3A_787 = arith.subi %iota3A, %sub3A_786 : vector<16xi32>
          %max3A_788 = arith.constant 0 : i32
          %max3A_789 = vector.broadcast %max3A_788 : i32 to vector<16xi32>
          %max3A_790 = arith.maxsi %sub3A_787, %max3A_789 : vector<16xi32>
          %gather3A_791 = tpu.vector_load_idx %arg18[%max3A_790] : memref<16xi32, #tpu.memory_space<vmem>>[vector<16xi32>], vector<16xi32>,
          %ge3A_792 = arith.constant 1 : i32
          %ge3A_793 = vector.broadcast %ge3A_792 : i32 to vector<16xi32>
          %ge3A_794 = arith.cmpi sge, %iota3A, %ge3A_793 : vector<16xi32>
          %jit3A_795 = arith.constant 0 : i32
          %broadcast_in_dim3A_796 = vector.broadcast %jit3A_795 : i32 to vector<16xi32>
          %select_n3A_797 = arith.select %ge3A_794, %gather3A_791, %broadcast_in_dim3A_796 : vector<16xi1>, vector<16xi32>
          %add3A_798 = arith.addi %select_n3A_782, %select_n3A_797 : vector<16xi32>
          %swap3A_799 = arith.constant 0 : index
          %swap3A_800 = tpu.vector_load %arg18[%swap3A_799] {strides = array<i32>} : memref<16xi32, #tpu.memory_space<vmem>>, vector<16xi32>,
          tpu.vector_store %arg18[%swap3A_799], %add3A_798 {strides = array<i32>} : memref<16xi32, #tpu.memory_space<vmem>>, vector<16xi32>,
          %sub3A_801 = arith.constant 2 : i32
          %sub3A_802 = vector.broadcast %sub3A_801 : i32 to vector<16xi32>
          %sub3A_803 = arith.subi %iota3A, %sub3A_802 : vector<16xi32>
          %max3A_804 = arith.constant 0 : i32
          %max3A_805 = vector.broadcast %max3A_804 : i32 to vector<16xi32>
          %max3A_806 = arith.maxsi %sub3A_803, %max3A_805 : vector<16xi32>
          %gather3A_807 = tpu.vector_load_idx %arg18[%max3A_806] : memref<16xi32, #tpu.memory_space<vmem>>[vector<16xi32>], vector<16xi32>,
          %ge3A_808 = arith.constant 2 : i32
          %ge3A_809 = vector.broadcast %ge3A_808 : i32 to vector<16xi32>
          %ge3A_810 = arith.cmpi sge, %iota3A, %ge3A_809 : vector<16xi32>
          %jit3A_811 = arith.constant 0 : i32
          %broadcast_in_dim3A_812 = vector.broadcast %jit3A_811 : i32 to vector<16xi32>
          %select_n3A_813 = arith.select %ge3A_810, %gather3A_807, %broadcast_in_dim3A_812 : vector<16xi1>, vector<16xi32>
          %add3A_814 = arith.addi %add3A_798, %select_n3A_813 : vector<16xi32>
          %swap3A_815 = arith.constant 0 : index
          %swap3A_816 = tpu.vector_load %arg18[%swap3A_815] {strides = array<i32>} : memref<16xi32, #tpu.memory_space<vmem>>, vector<16xi32>,
          tpu.vector_store %arg18[%swap3A_815], %add3A_814 {strides = array<i32>} : memref<16xi32, #tpu.memory_space<vmem>>, vector<16xi32>,
          %sub3A_817 = arith.constant 4 : i32
          %sub3A_818 = vector.broadcast %sub3A_817 : i32 to vector<16xi32>
          %sub3A_819 = arith.subi %iota3A, %sub3A_818 : vector<16xi32>
          %max3A_820 = arith.constant 0 : i32
          %max3A_821 = vector.broadcast %max3A_820 : i32 to vector<16xi32>
          %max3A_822 = arith.maxsi %sub3A_819, %max3A_821 : vector<16xi32>
          %gather3A_823 = tpu.vector_load_idx %arg18[%max3A_822] : memref<16xi32, #tpu.memory_space<vmem>>[vector<16xi32>], vector<16xi32>,
          %ge3A_824 = arith.constant 4 : i32
          %ge3A_825 = vector.broadcast %ge3A_824 : i32 to vector<16xi32>
          %ge3A_826 = arith.cmpi sge, %iota3A, %ge3A_825 : vector<16xi32>
          %jit3A_827 = arith.constant 0 : i32
          %broadcast_in_dim3A_828 = vector.broadcast %jit3A_827 : i32 to vector<16xi32>
          %select_n3A_829 = arith.select %ge3A_826, %gather3A_823, %broadcast_in_dim3A_828 : vector<16xi1>, vector<16xi32>
          %add3A_830 = arith.addi %add3A_814, %select_n3A_829 : vector<16xi32>
          %swap3A_831 = arith.constant 0 : index
          %swap3A_832 = tpu.vector_load %arg18[%swap3A_831] {strides = array<i32>} : memref<16xi32, #tpu.memory_space<vmem>>, vector<16xi32>,
          tpu.vector_store %arg18[%swap3A_831], %add3A_830 {strides = array<i32>} : memref<16xi32, #tpu.memory_space<vmem>>, vector<16xi32>,
          %sub3A_833 = arith.constant 8 : i32
          %sub3A_834 = vector.broadcast %sub3A_833 : i32 to vector<16xi32>
          %sub3A_835 = arith.subi %iota3A, %sub3A_834 : vector<16xi32>
          %max3A_836 = arith.constant 0 : i32
          %max3A_837 = vector.broadcast %max3A_836 : i32 to vector<16xi32>
          %max3A_838 = arith.maxsi %sub3A_835, %max3A_837 : vector<16xi32>
          %gather3A_839 = tpu.vector_load_idx %arg18[%max3A_838] : memref<16xi32, #tpu.memory_space<vmem>>[vector<16xi32>], vector<16xi32>,
          %ge3A_840 = arith.constant 8 : i32
          %ge3A_841 = vector.broadcast %ge3A_840 : i32 to vector<16xi32>
          %ge3A_842 = arith.cmpi sge, %iota3A, %ge3A_841 : vector<16xi32>
          %jit3A_843 = arith.constant 0 : i32
          %broadcast_in_dim3A_844 = vector.broadcast %jit3A_843 : i32 to vector<16xi32>
          %select_n3A_845 = arith.select %ge3A_842, %gather3A_839, %broadcast_in_dim3A_844 : vector<16xi1>, vector<16xi32>
          %add3A_846 = arith.addi %add3A_830, %select_n3A_845 : vector<16xi32>
          %add3A_847 = vector.broadcast %cond3A_665 : i32 to vector<16xi32>
          %add3A_848 = arith.addi %add3A_847, %add3A_846 : vector<16xi32>
          %sub3A_849 = arith.constant 1 : i32
          %sub3A_850 = vector.broadcast %sub3A_849 : i32 to vector<16xi32>
          %sub3A_851 = arith.subi %add3A_848, %sub3A_850 : vector<16xi32>
          %min3A = arith.constant 2047 : i32
          %min3A_852 = vector.broadcast %min3A : i32 to vector<16xi32>
          %min3A_853 = arith.minsi %sub3A_851, %min3A_852 : vector<16xi32>
          tpu.vector_store_idx %arg10[%min3A_853], %get3A_671 masked %ge3A_672 : memref<2048xf32, #tpu.memory_space<vmem>>[vector<16xi32>], vector<16xf32>, vector<16xi1>
          %mul3A_854 = arith.constant 16 : i32
          %mul3A_855 = arith.muli %scan3A_667, %mul3A_854 : i32
          %add3A_856 = vector.broadcast %mul3A_855 : i32 to vector<16xi32>
          %add3A_857 = arith.addi %add3A_856, %iota3A : vector<16xi32>
          tpu.vector_store_idx %arg11[%min3A_853], %add3A_857 masked %ge3A_672 : memref<2048xi32, #tpu.memory_space<vmem>>[vector<16xi32>], vector<16xi32>, vector<16xi1>
          %add3A_858 = arith.addi %cond3A_665, %squeeze3A_675 : i32
          scf.yield %add3A_858 : i32
        } else {
          scf.yield %cond3A_665 : i32
        }
        %scan3A_682 = arith.constant 2 : i32
        %scan3A_683 = arith.addi %scan3A_653, %scan3A_682 : i32
        %mul3A_684 = arith.constant 16 : i32
        %mul3A_685 = arith.muli %scan3A_683, %mul3A_684 : i32
        %get3A_686 = arith.index_cast %mul3A_685 : i32 to index
        %get3A_687 = tpu.vector_load %arg7[%get3A_686] {strides = array<i32>} : memref<16384xf32, #tpu.memory_space<vmem>>, vector<16xf32>,
        %ge3A_688 = arith.cmpf oge, %get3A_687, %neg3A_68 : vector<16xf32>
        %all_reduce_population_count3A_689 = tpu.all_reduce %ge3A_688 {dim = 0 : i64, kind = #tpu.reduction_kind<sum>} : vector<16xi1> -> vector<16xi32>
        %slice3A_690 = vector.extract_strided_slice %all_reduce_population_count3A_689 {offsets = [0], sizes = [1], strides = [1]} : vector<16xi32> to vector<1xi32>
        %squeeze3A_691 = vector.extract %slice3A_690[0] : i32 from vector<1xi32>
        %gt3A_692 = arith.constant 0 : i32
        %gt3A_693 = arith.cmpi sgt, %squeeze3A_691, %gt3A_692 : i32
        %convert_element_type3A_694 = arith.extui %gt3A_693 : i1 to i32
        %cond3A_695 = arith.constant 0 : i32
        %cond3A_696 = arith.cmpi ne, %convert_element_type3A_694, %cond3A_695 : i32
        %cond3A_697 = scf.if %cond3A_696 -> (i32) {
          %jit3A_778 = arith.constant 1 : i32
          %jit3A_779 = arith.constant 0 : i32
          %broadcast_in_dim3A_780 = vector.broadcast %jit3A_778 : i32 to vector<16xi32>
          %broadcast_in_dim3A_781 = vector.broadcast %jit3A_779 : i32 to vector<16xi32>
          %select_n3A_782 = arith.select %ge3A_688, %broadcast_in_dim3A_780, %broadcast_in_dim3A_781 : vector<16xi1>, vector<16xi32>
          %swap3A_783 = arith.constant 0 : index
          %swap3A_784 = tpu.vector_load %arg18[%swap3A_783] {strides = array<i32>} : memref<16xi32, #tpu.memory_space<vmem>>, vector<16xi32>,
          tpu.vector_store %arg18[%swap3A_783], %select_n3A_782 {strides = array<i32>} : memref<16xi32, #tpu.memory_space<vmem>>, vector<16xi32>,
          %sub3A_785 = arith.constant 1 : i32
          %sub3A_786 = vector.broadcast %sub3A_785 : i32 to vector<16xi32>
          %sub3A_787 = arith.subi %iota3A, %sub3A_786 : vector<16xi32>
          %max3A_788 = arith.constant 0 : i32
          %max3A_789 = vector.broadcast %max3A_788 : i32 to vector<16xi32>
          %max3A_790 = arith.maxsi %sub3A_787, %max3A_789 : vector<16xi32>
          %gather3A_791 = tpu.vector_load_idx %arg18[%max3A_790] : memref<16xi32, #tpu.memory_space<vmem>>[vector<16xi32>], vector<16xi32>,
          %ge3A_792 = arith.constant 1 : i32
          %ge3A_793 = vector.broadcast %ge3A_792 : i32 to vector<16xi32>
          %ge3A_794 = arith.cmpi sge, %iota3A, %ge3A_793 : vector<16xi32>
          %jit3A_795 = arith.constant 0 : i32
          %broadcast_in_dim3A_796 = vector.broadcast %jit3A_795 : i32 to vector<16xi32>
          %select_n3A_797 = arith.select %ge3A_794, %gather3A_791, %broadcast_in_dim3A_796 : vector<16xi1>, vector<16xi32>
          %add3A_798 = arith.addi %select_n3A_782, %select_n3A_797 : vector<16xi32>
          %swap3A_799 = arith.constant 0 : index
          %swap3A_800 = tpu.vector_load %arg18[%swap3A_799] {strides = array<i32>} : memref<16xi32, #tpu.memory_space<vmem>>, vector<16xi32>,
          tpu.vector_store %arg18[%swap3A_799], %add3A_798 {strides = array<i32>} : memref<16xi32, #tpu.memory_space<vmem>>, vector<16xi32>,
          %sub3A_801 = arith.constant 2 : i32
          %sub3A_802 = vector.broadcast %sub3A_801 : i32 to vector<16xi32>
          %sub3A_803 = arith.subi %iota3A, %sub3A_802 : vector<16xi32>
          %max3A_804 = arith.constant 0 : i32
          %max3A_805 = vector.broadcast %max3A_804 : i32 to vector<16xi32>
          %max3A_806 = arith.maxsi %sub3A_803, %max3A_805 : vector<16xi32>
          %gather3A_807 = tpu.vector_load_idx %arg18[%max3A_806] : memref<16xi32, #tpu.memory_space<vmem>>[vector<16xi32>], vector<16xi32>,
          %ge3A_808 = arith.constant 2 : i32
          %ge3A_809 = vector.broadcast %ge3A_808 : i32 to vector<16xi32>
          %ge3A_810 = arith.cmpi sge, %iota3A, %ge3A_809 : vector<16xi32>
          %jit3A_811 = arith.constant 0 : i32
          %broadcast_in_dim3A_812 = vector.broadcast %jit3A_811 : i32 to vector<16xi32>
          %select_n3A_813 = arith.select %ge3A_810, %gather3A_807, %broadcast_in_dim3A_812 : vector<16xi1>, vector<16xi32>
          %add3A_814 = arith.addi %add3A_798, %select_n3A_813 : vector<16xi32>
          %swap3A_815 = arith.constant 0 : index
          %swap3A_816 = tpu.vector_load %arg18[%swap3A_815] {strides = array<i32>} : memref<16xi32, #tpu.memory_space<vmem>>, vector<16xi32>,
          tpu.vector_store %arg18[%swap3A_815], %add3A_814 {strides = array<i32>} : memref<16xi32, #tpu.memory_space<vmem>>, vector<16xi32>,
          %sub3A_817 = arith.constant 4 : i32
          %sub3A_818 = vector.broadcast %sub3A_817 : i32 to vector<16xi32>
          %sub3A_819 = arith.subi %iota3A, %sub3A_818 : vector<16xi32>
          %max3A_820 = arith.constant 0 : i32
          %max3A_821 = vector.broadcast %max3A_820 : i32 to vector<16xi32>
          %max3A_822 = arith.maxsi %sub3A_819, %max3A_821 : vector<16xi32>
          %gather3A_823 = tpu.vector_load_idx %arg18[%max3A_822] : memref<16xi32, #tpu.memory_space<vmem>>[vector<16xi32>], vector<16xi32>,
          %ge3A_824 = arith.constant 4 : i32
          %ge3A_825 = vector.broadcast %ge3A_824 : i32 to vector<16xi32>
          %ge3A_826 = arith.cmpi sge, %iota3A, %ge3A_825 : vector<16xi32>
          %jit3A_827 = arith.constant 0 : i32
          %broadcast_in_dim3A_828 = vector.broadcast %jit3A_827 : i32 to vector<16xi32>
          %select_n3A_829 = arith.select %ge3A_826, %gather3A_823, %broadcast_in_dim3A_828 : vector<16xi1>, vector<16xi32>
          %add3A_830 = arith.addi %add3A_814, %select_n3A_829 : vector<16xi32>
          %swap3A_831 = arith.constant 0 : index
          %swap3A_832 = tpu.vector_load %arg18[%swap3A_831] {strides = array<i32>} : memref<16xi32, #tpu.memory_space<vmem>>, vector<16xi32>,
          tpu.vector_store %arg18[%swap3A_831], %add3A_830 {strides = array<i32>} : memref<16xi32, #tpu.memory_space<vmem>>, vector<16xi32>,
          %sub3A_833 = arith.constant 8 : i32
          %sub3A_834 = vector.broadcast %sub3A_833 : i32 to vector<16xi32>
          %sub3A_835 = arith.subi %iota3A, %sub3A_834 : vector<16xi32>
          %max3A_836 = arith.constant 0 : i32
          %max3A_837 = vector.broadcast %max3A_836 : i32 to vector<16xi32>
          %max3A_838 = arith.maxsi %sub3A_835, %max3A_837 : vector<16xi32>
          %gather3A_839 = tpu.vector_load_idx %arg18[%max3A_838] : memref<16xi32, #tpu.memory_space<vmem>>[vector<16xi32>], vector<16xi32>,
          %ge3A_840 = arith.constant 8 : i32
          %ge3A_841 = vector.broadcast %ge3A_840 : i32 to vector<16xi32>
          %ge3A_842 = arith.cmpi sge, %iota3A, %ge3A_841 : vector<16xi32>
          %jit3A_843 = arith.constant 0 : i32
          %broadcast_in_dim3A_844 = vector.broadcast %jit3A_843 : i32 to vector<16xi32>
          %select_n3A_845 = arith.select %ge3A_842, %gather3A_839, %broadcast_in_dim3A_844 : vector<16xi1>, vector<16xi32>
          %add3A_846 = arith.addi %add3A_830, %select_n3A_845 : vector<16xi32>
          %add3A_847 = vector.broadcast %cond3A_681 : i32 to vector<16xi32>
          %add3A_848 = arith.addi %add3A_847, %add3A_846 : vector<16xi32>
          %sub3A_849 = arith.constant 1 : i32
          %sub3A_850 = vector.broadcast %sub3A_849 : i32 to vector<16xi32>
          %sub3A_851 = arith.subi %add3A_848, %sub3A_850 : vector<16xi32>
          %min3A = arith.constant 2047 : i32
          %min3A_852 = vector.broadcast %min3A : i32 to vector<16xi32>
          %min3A_853 = arith.minsi %sub3A_851, %min3A_852 : vector<16xi32>
          tpu.vector_store_idx %arg10[%min3A_853], %get3A_687 masked %ge3A_688 : memref<2048xf32, #tpu.memory_space<vmem>>[vector<16xi32>], vector<16xf32>, vector<16xi1>
          %mul3A_854 = arith.constant 16 : i32
          %mul3A_855 = arith.muli %scan3A_683, %mul3A_854 : i32
          %add3A_856 = vector.broadcast %mul3A_855 : i32 to vector<16xi32>
          %add3A_857 = arith.addi %add3A_856, %iota3A : vector<16xi32>
          tpu.vector_store_idx %arg11[%min3A_853], %add3A_857 masked %ge3A_688 : memref<2048xi32, #tpu.memory_space<vmem>>[vector<16xi32>], vector<16xi32>, vector<16xi1>
          %add3A_858 = arith.addi %cond3A_681, %squeeze3A_691 : i32
          scf.yield %add3A_858 : i32
        } else {
          scf.yield %cond3A_681 : i32
        }
        %scan3A_698 = arith.constant 3 : i32
        %scan3A_699 = arith.addi %scan3A_653, %scan3A_698 : i32
        %mul3A_700 = arith.constant 16 : i32
        %mul3A_701 = arith.muli %scan3A_699, %mul3A_700 : i32
        %get3A_702 = arith.index_cast %mul3A_701 : i32 to index
        %get3A_703 = tpu.vector_load %arg7[%get3A_702] {strides = array<i32>} : memref<16384xf32, #tpu.memory_space<vmem>>, vector<16xf32>,
        %ge3A_704 = arith.cmpf oge, %get3A_703, %neg3A_68 : vector<16xf32>
        %all_reduce_population_count3A_705 = tpu.all_reduce %ge3A_704 {dim = 0 : i64, kind = #tpu.reduction_kind<sum>} : vector<16xi1> -> vector<16xi32>
        %slice3A_706 = vector.extract_strided_slice %all_reduce_population_count3A_705 {offsets = [0], sizes = [1], strides = [1]} : vector<16xi32> to vector<1xi32>
        %squeeze3A_707 = vector.extract %slice3A_706[0] : i32 from vector<1xi32>
        %gt3A_708 = arith.constant 0 : i32
        %gt3A_709 = arith.cmpi sgt, %squeeze3A_707, %gt3A_708 : i32
        %convert_element_type3A_710 = arith.extui %gt3A_709 : i1 to i32
        %cond3A_711 = arith.constant 0 : i32
        %cond3A_712 = arith.cmpi ne, %convert_element_type3A_710, %cond3A_711 : i32
        %cond3A_713 = scf.if %cond3A_712 -> (i32) {
          %jit3A_778 = arith.constant 1 : i32
          %jit3A_779 = arith.constant 0 : i32
          %broadcast_in_dim3A_780 = vector.broadcast %jit3A_778 : i32 to vector<16xi32>
          %broadcast_in_dim3A_781 = vector.broadcast %jit3A_779 : i32 to vector<16xi32>
          %select_n3A_782 = arith.select %ge3A_704, %broadcast_in_dim3A_780, %broadcast_in_dim3A_781 : vector<16xi1>, vector<16xi32>
          %swap3A_783 = arith.constant 0 : index
          %swap3A_784 = tpu.vector_load %arg18[%swap3A_783] {strides = array<i32>} : memref<16xi32, #tpu.memory_space<vmem>>, vector<16xi32>,
          tpu.vector_store %arg18[%swap3A_783], %select_n3A_782 {strides = array<i32>} : memref<16xi32, #tpu.memory_space<vmem>>, vector<16xi32>,
          %sub3A_785 = arith.constant 1 : i32
          %sub3A_786 = vector.broadcast %sub3A_785 : i32 to vector<16xi32>
          %sub3A_787 = arith.subi %iota3A, %sub3A_786 : vector<16xi32>
          %max3A_788 = arith.constant 0 : i32
          %max3A_789 = vector.broadcast %max3A_788 : i32 to vector<16xi32>
          %max3A_790 = arith.maxsi %sub3A_787, %max3A_789 : vector<16xi32>
          %gather3A_791 = tpu.vector_load_idx %arg18[%max3A_790] : memref<16xi32, #tpu.memory_space<vmem>>[vector<16xi32>], vector<16xi32>,
          %ge3A_792 = arith.constant 1 : i32
          %ge3A_793 = vector.broadcast %ge3A_792 : i32 to vector<16xi32>
          %ge3A_794 = arith.cmpi sge, %iota3A, %ge3A_793 : vector<16xi32>
          %jit3A_795 = arith.constant 0 : i32
          %broadcast_in_dim3A_796 = vector.broadcast %jit3A_795 : i32 to vector<16xi32>
          %select_n3A_797 = arith.select %ge3A_794, %gather3A_791, %broadcast_in_dim3A_796 : vector<16xi1>, vector<16xi32>
          %add3A_798 = arith.addi %select_n3A_782, %select_n3A_797 : vector<16xi32>
          %swap3A_799 = arith.constant 0 : index
          %swap3A_800 = tpu.vector_load %arg18[%swap3A_799] {strides = array<i32>} : memref<16xi32, #tpu.memory_space<vmem>>, vector<16xi32>,
          tpu.vector_store %arg18[%swap3A_799], %add3A_798 {strides = array<i32>} : memref<16xi32, #tpu.memory_space<vmem>>, vector<16xi32>,
          %sub3A_801 = arith.constant 2 : i32
          %sub3A_802 = vector.broadcast %sub3A_801 : i32 to vector<16xi32>
          %sub3A_803 = arith.subi %iota3A, %sub3A_802 : vector<16xi32>
          %max3A_804 = arith.constant 0 : i32
          %max3A_805 = vector.broadcast %max3A_804 : i32 to vector<16xi32>
          %max3A_806 = arith.maxsi %sub3A_803, %max3A_805 : vector<16xi32>
          %gather3A_807 = tpu.vector_load_idx %arg18[%max3A_806] : memref<16xi32, #tpu.memory_space<vmem>>[vector<16xi32>], vector<16xi32>,
          %ge3A_808 = arith.constant 2 : i32
          %ge3A_809 = vector.broadcast %ge3A_808 : i32 to vector<16xi32>
          %ge3A_810 = arith.cmpi sge, %iota3A, %ge3A_809 : vector<16xi32>
          %jit3A_811 = arith.constant 0 : i32
          %broadcast_in_dim3A_812 = vector.broadcast %jit3A_811 : i32 to vector<16xi32>
          %select_n3A_813 = arith.select %ge3A_810, %gather3A_807, %broadcast_in_dim3A_812 : vector<16xi1>, vector<16xi32>
          %add3A_814 = arith.addi %add3A_798, %select_n3A_813 : vector<16xi32>
          %swap3A_815 = arith.constant 0 : index
          %swap3A_816 = tpu.vector_load %arg18[%swap3A_815] {strides = array<i32>} : memref<16xi32, #tpu.memory_space<vmem>>, vector<16xi32>,
          tpu.vector_store %arg18[%swap3A_815], %add3A_814 {strides = array<i32>} : memref<16xi32, #tpu.memory_space<vmem>>, vector<16xi32>,
          %sub3A_817 = arith.constant 4 : i32
          %sub3A_818 = vector.broadcast %sub3A_817 : i32 to vector<16xi32>
          %sub3A_819 = arith.subi %iota3A, %sub3A_818 : vector<16xi32>
          %max3A_820 = arith.constant 0 : i32
          %max3A_821 = vector.broadcast %max3A_820 : i32 to vector<16xi32>
          %max3A_822 = arith.maxsi %sub3A_819, %max3A_821 : vector<16xi32>
          %gather3A_823 = tpu.vector_load_idx %arg18[%max3A_822] : memref<16xi32, #tpu.memory_space<vmem>>[vector<16xi32>], vector<16xi32>,
          %ge3A_824 = arith.constant 4 : i32
          %ge3A_825 = vector.broadcast %ge3A_824 : i32 to vector<16xi32>
          %ge3A_826 = arith.cmpi sge, %iota3A, %ge3A_825 : vector<16xi32>
          %jit3A_827 = arith.constant 0 : i32
          %broadcast_in_dim3A_828 = vector.broadcast %jit3A_827 : i32 to vector<16xi32>
          %select_n3A_829 = arith.select %ge3A_826, %gather3A_823, %broadcast_in_dim3A_828 : vector<16xi1>, vector<16xi32>
          %add3A_830 = arith.addi %add3A_814, %select_n3A_829 : vector<16xi32>
          %swap3A_831 = arith.constant 0 : index
          %swap3A_832 = tpu.vector_load %arg18[%swap3A_831] {strides = array<i32>} : memref<16xi32, #tpu.memory_space<vmem>>, vector<16xi32>,
          tpu.vector_store %arg18[%swap3A_831], %add3A_830 {strides = array<i32>} : memref<16xi32, #tpu.memory_space<vmem>>, vector<16xi32>,
          %sub3A_833 = arith.constant 8 : i32
          %sub3A_834 = vector.broadcast %sub3A_833 : i32 to vector<16xi32>
          %sub3A_835 = arith.subi %iota3A, %sub3A_834 : vector<16xi32>
          %max3A_836 = arith.constant 0 : i32
          %max3A_837 = vector.broadcast %max3A_836 : i32 to vector<16xi32>
          %max3A_838 = arith.maxsi %sub3A_835, %max3A_837 : vector<16xi32>
          %gather3A_839 = tpu.vector_load_idx %arg18[%max3A_838] : memref<16xi32, #tpu.memory_space<vmem>>[vector<16xi32>], vector<16xi32>,
          %ge3A_840 = arith.constant 8 : i32
          %ge3A_841 = vector.broadcast %ge3A_840 : i32 to vector<16xi32>
          %ge3A_842 = arith.cmpi sge, %iota3A, %ge3A_841 : vector<16xi32>
          %jit3A_843 = arith.constant 0 : i32
          %broadcast_in_dim3A_844 = vector.broadcast %jit3A_843 : i32 to vector<16xi32>
          %select_n3A_845 = arith.select %ge3A_842, %gather3A_839, %broadcast_in_dim3A_844 : vector<16xi1>, vector<16xi32>
          %add3A_846 = arith.addi %add3A_830, %select_n3A_845 : vector<16xi32>
          %add3A_847 = vector.broadcast %cond3A_697 : i32 to vector<16xi32>
          %add3A_848 = arith.addi %add3A_847, %add3A_846 : vector<16xi32>
          %sub3A_849 = arith.constant 1 : i32
          %sub3A_850 = vector.broadcast %sub3A_849 : i32 to vector<16xi32>
          %sub3A_851 = arith.subi %add3A_848, %sub3A_850 : vector<16xi32>
          %min3A = arith.constant 2047 : i32
          %min3A_852 = vector.broadcast %min3A : i32 to vector<16xi32>
          %min3A_853 = arith.minsi %sub3A_851, %min3A_852 : vector<16xi32>
          tpu.vector_store_idx %arg10[%min3A_853], %get3A_703 masked %ge3A_704 : memref<2048xf32, #tpu.memory_space<vmem>>[vector<16xi32>], vector<16xf32>, vector<16xi1>
          %mul3A_854 = arith.constant 16 : i32
          %mul3A_855 = arith.muli %scan3A_699, %mul3A_854 : i32
          %add3A_856 = vector.broadcast %mul3A_855 : i32 to vector<16xi32>
          %add3A_857 = arith.addi %add3A_856, %iota3A : vector<16xi32>
          tpu.vector_store_idx %arg11[%min3A_853], %add3A_857 masked %ge3A_704 : memref<2048xi32, #tpu.memory_space<vmem>>[vector<16xi32>], vector<16xi32>, vector<16xi1>
          %add3A_858 = arith.addi %cond3A_697, %squeeze3A_707 : i32
          scf.yield %add3A_858 : i32
        } else {
          scf.yield %cond3A_697 : i32
        }
        %scan3A_714 = arith.constant 4 : i32
        %scan3A_715 = arith.addi %scan3A_653, %scan3A_714 : i32
        %mul3A_716 = arith.constant 16 : i32
        %mul3A_717 = arith.muli %scan3A_715, %mul3A_716 : i32
        %get3A_718 = arith.index_cast %mul3A_717 : i32 to index
        %get3A_719 = tpu.vector_load %arg7[%get3A_718] {strides = array<i32>} : memref<16384xf32, #tpu.memory_space<vmem>>, vector<16xf32>,
        %ge3A_720 = arith.cmpf oge, %get3A_719, %neg3A_68 : vector<16xf32>
        %all_reduce_population_count3A_721 = tpu.all_reduce %ge3A_720 {dim = 0 : i64, kind = #tpu.reduction_kind<sum>} : vector<16xi1> -> vector<16xi32>
        %slice3A_722 = vector.extract_strided_slice %all_reduce_population_count3A_721 {offsets = [0], sizes = [1], strides = [1]} : vector<16xi32> to vector<1xi32>
        %squeeze3A_723 = vector.extract %slice3A_722[0] : i32 from vector<1xi32>
        %gt3A_724 = arith.constant 0 : i32
        %gt3A_725 = arith.cmpi sgt, %squeeze3A_723, %gt3A_724 : i32
        %convert_element_type3A_726 = arith.extui %gt3A_725 : i1 to i32
        %cond3A_727 = arith.constant 0 : i32
        %cond3A_728 = arith.cmpi ne, %convert_element_type3A_726, %cond3A_727 : i32
        %cond3A_729 = scf.if %cond3A_728 -> (i32) {
          %jit3A_778 = arith.constant 1 : i32
          %jit3A_779 = arith.constant 0 : i32
          %broadcast_in_dim3A_780 = vector.broadcast %jit3A_778 : i32 to vector<16xi32>
          %broadcast_in_dim3A_781 = vector.broadcast %jit3A_779 : i32 to vector<16xi32>
          %select_n3A_782 = arith.select %ge3A_720, %broadcast_in_dim3A_780, %broadcast_in_dim3A_781 : vector<16xi1>, vector<16xi32>
          %swap3A_783 = arith.constant 0 : index
          %swap3A_784 = tpu.vector_load %arg18[%swap3A_783] {strides = array<i32>} : memref<16xi32, #tpu.memory_space<vmem>>, vector<16xi32>,
          tpu.vector_store %arg18[%swap3A_783], %select_n3A_782 {strides = array<i32>} : memref<16xi32, #tpu.memory_space<vmem>>, vector<16xi32>,
          %sub3A_785 = arith.constant 1 : i32
          %sub3A_786 = vector.broadcast %sub3A_785 : i32 to vector<16xi32>
          %sub3A_787 = arith.subi %iota3A, %sub3A_786 : vector<16xi32>
          %max3A_788 = arith.constant 0 : i32
          %max3A_789 = vector.broadcast %max3A_788 : i32 to vector<16xi32>
          %max3A_790 = arith.maxsi %sub3A_787, %max3A_789 : vector<16xi32>
          %gather3A_791 = tpu.vector_load_idx %arg18[%max3A_790] : memref<16xi32, #tpu.memory_space<vmem>>[vector<16xi32>], vector<16xi32>,
          %ge3A_792 = arith.constant 1 : i32
          %ge3A_793 = vector.broadcast %ge3A_792 : i32 to vector<16xi32>
          %ge3A_794 = arith.cmpi sge, %iota3A, %ge3A_793 : vector<16xi32>
          %jit3A_795 = arith.constant 0 : i32
          %broadcast_in_dim3A_796 = vector.broadcast %jit3A_795 : i32 to vector<16xi32>
          %select_n3A_797 = arith.select %ge3A_794, %gather3A_791, %broadcast_in_dim3A_796 : vector<16xi1>, vector<16xi32>
          %add3A_798 = arith.addi %select_n3A_782, %select_n3A_797 : vector<16xi32>
          %swap3A_799 = arith.constant 0 : index
          %swap3A_800 = tpu.vector_load %arg18[%swap3A_799] {strides = array<i32>} : memref<16xi32, #tpu.memory_space<vmem>>, vector<16xi32>,
          tpu.vector_store %arg18[%swap3A_799], %add3A_798 {strides = array<i32>} : memref<16xi32, #tpu.memory_space<vmem>>, vector<16xi32>,
          %sub3A_801 = arith.constant 2 : i32
          %sub3A_802 = vector.broadcast %sub3A_801 : i32 to vector<16xi32>
          %sub3A_803 = arith.subi %iota3A, %sub3A_802 : vector<16xi32>
          %max3A_804 = arith.constant 0 : i32
          %max3A_805 = vector.broadcast %max3A_804 : i32 to vector<16xi32>
          %max3A_806 = arith.maxsi %sub3A_803, %max3A_805 : vector<16xi32>
          %gather3A_807 = tpu.vector_load_idx %arg18[%max3A_806] : memref<16xi32, #tpu.memory_space<vmem>>[vector<16xi32>], vector<16xi32>,
          %ge3A_808 = arith.constant 2 : i32
          %ge3A_809 = vector.broadcast %ge3A_808 : i32 to vector<16xi32>
          %ge3A_810 = arith.cmpi sge, %iota3A, %ge3A_809 : vector<16xi32>
          %jit3A_811 = arith.constant 0 : i32
          %broadcast_in_dim3A_812 = vector.broadcast %jit3A_811 : i32 to vector<16xi32>
          %select_n3A_813 = arith.select %ge3A_810, %gather3A_807, %broadcast_in_dim3A_812 : vector<16xi1>, vector<16xi32>
          %add3A_814 = arith.addi %add3A_798, %select_n3A_813 : vector<16xi32>
          %swap3A_815 = arith.constant 0 : index
          %swap3A_816 = tpu.vector_load %arg18[%swap3A_815] {strides = array<i32>} : memref<16xi32, #tpu.memory_space<vmem>>, vector<16xi32>,
          tpu.vector_store %arg18[%swap3A_815], %add3A_814 {strides = array<i32>} : memref<16xi32, #tpu.memory_space<vmem>>, vector<16xi32>,
          %sub3A_817 = arith.constant 4 : i32
          %sub3A_818 = vector.broadcast %sub3A_817 : i32 to vector<16xi32>
          %sub3A_819 = arith.subi %iota3A, %sub3A_818 : vector<16xi32>
          %max3A_820 = arith.constant 0 : i32
          %max3A_821 = vector.broadcast %max3A_820 : i32 to vector<16xi32>
          %max3A_822 = arith.maxsi %sub3A_819, %max3A_821 : vector<16xi32>
          %gather3A_823 = tpu.vector_load_idx %arg18[%max3A_822] : memref<16xi32, #tpu.memory_space<vmem>>[vector<16xi32>], vector<16xi32>,
          %ge3A_824 = arith.constant 4 : i32
          %ge3A_825 = vector.broadcast %ge3A_824 : i32 to vector<16xi32>
          %ge3A_826 = arith.cmpi sge, %iota3A, %ge3A_825 : vector<16xi32>
          %jit3A_827 = arith.constant 0 : i32
          %broadcast_in_dim3A_828 = vector.broadcast %jit3A_827 : i32 to vector<16xi32>
          %select_n3A_829 = arith.select %ge3A_826, %gather3A_823, %broadcast_in_dim3A_828 : vector<16xi1>, vector<16xi32>
          %add3A_830 = arith.addi %add3A_814, %select_n3A_829 : vector<16xi32>
          %swap3A_831 = arith.constant 0 : index
          %swap3A_832 = tpu.vector_load %arg18[%swap3A_831] {strides = array<i32>} : memref<16xi32, #tpu.memory_space<vmem>>, vector<16xi32>,
          tpu.vector_store %arg18[%swap3A_831], %add3A_830 {strides = array<i32>} : memref<16xi32, #tpu.memory_space<vmem>>, vector<16xi32>,
          %sub3A_833 = arith.constant 8 : i32
          %sub3A_834 = vector.broadcast %sub3A_833 : i32 to vector<16xi32>
          %sub3A_835 = arith.subi %iota3A, %sub3A_834 : vector<16xi32>
          %max3A_836 = arith.constant 0 : i32
          %max3A_837 = vector.broadcast %max3A_836 : i32 to vector<16xi32>
          %max3A_838 = arith.maxsi %sub3A_835, %max3A_837 : vector<16xi32>
          %gather3A_839 = tpu.vector_load_idx %arg18[%max3A_838] : memref<16xi32, #tpu.memory_space<vmem>>[vector<16xi32>], vector<16xi32>,
          %ge3A_840 = arith.constant 8 : i32
          %ge3A_841 = vector.broadcast %ge3A_840 : i32 to vector<16xi32>
          %ge3A_842 = arith.cmpi sge, %iota3A, %ge3A_841 : vector<16xi32>
          %jit3A_843 = arith.constant 0 : i32
          %broadcast_in_dim3A_844 = vector.broadcast %jit3A_843 : i32 to vector<16xi32>
          %select_n3A_845 = arith.select %ge3A_842, %gather3A_839, %broadcast_in_dim3A_844 : vector<16xi1>, vector<16xi32>
          %add3A_846 = arith.addi %add3A_830, %select_n3A_845 : vector<16xi32>
          %add3A_847 = vector.broadcast %cond3A_713 : i32 to vector<16xi32>
          %add3A_848 = arith.addi %add3A_847, %add3A_846 : vector<16xi32>
          %sub3A_849 = arith.constant 1 : i32
          %sub3A_850 = vector.broadcast %sub3A_849 : i32 to vector<16xi32>
          %sub3A_851 = arith.subi %add3A_848, %sub3A_850 : vector<16xi32>
          %min3A = arith.constant 2047 : i32
          %min3A_852 = vector.broadcast %min3A : i32 to vector<16xi32>
          %min3A_853 = arith.minsi %sub3A_851, %min3A_852 : vector<16xi32>
          tpu.vector_store_idx %arg10[%min3A_853], %get3A_719 masked %ge3A_720 : memref<2048xf32, #tpu.memory_space<vmem>>[vector<16xi32>], vector<16xf32>, vector<16xi1>
          %mul3A_854 = arith.constant 16 : i32
          %mul3A_855 = arith.muli %scan3A_715, %mul3A_854 : i32
          %add3A_856 = vector.broadcast %mul3A_855 : i32 to vector<16xi32>
          %add3A_857 = arith.addi %add3A_856, %iota3A : vector<16xi32>
          tpu.vector_store_idx %arg11[%min3A_853], %add3A_857 masked %ge3A_720 : memref<2048xi32, #tpu.memory_space<vmem>>[vector<16xi32>], vector<16xi32>, vector<16xi1>
          %add3A_858 = arith.addi %cond3A_713, %squeeze3A_723 : i32
          scf.yield %add3A_858 : i32
        } else {
          scf.yield %cond3A_713 : i32
        }
        %scan3A_730 = arith.constant 5 : i32
        %scan3A_731 = arith.addi %scan3A_653, %scan3A_730 : i32
        %mul3A_732 = arith.constant 16 : i32
        %mul3A_733 = arith.muli %scan3A_731, %mul3A_732 : i32
        %get3A_734 = arith.index_cast %mul3A_733 : i32 to index
        %get3A_735 = tpu.vector_load %arg7[%get3A_734] {strides = array<i32>} : memref<16384xf32, #tpu.memory_space<vmem>>, vector<16xf32>,
        %ge3A_736 = arith.cmpf oge, %get3A_735, %neg3A_68 : vector<16xf32>
        %all_reduce_population_count3A_737 = tpu.all_reduce %ge3A_736 {dim = 0 : i64, kind = #tpu.reduction_kind<sum>} : vector<16xi1> -> vector<16xi32>
        %slice3A_738 = vector.extract_strided_slice %all_reduce_population_count3A_737 {offsets = [0], sizes = [1], strides = [1]} : vector<16xi32> to vector<1xi32>
        %squeeze3A_739 = vector.extract %slice3A_738[0] : i32 from vector<1xi32>
        %gt3A_740 = arith.constant 0 : i32
        %gt3A_741 = arith.cmpi sgt, %squeeze3A_739, %gt3A_740 : i32
        %convert_element_type3A_742 = arith.extui %gt3A_741 : i1 to i32
        %cond3A_743 = arith.constant 0 : i32
        %cond3A_744 = arith.cmpi ne, %convert_element_type3A_742, %cond3A_743 : i32
        %cond3A_745 = scf.if %cond3A_744 -> (i32) {
          %jit3A_778 = arith.constant 1 : i32
          %jit3A_779 = arith.constant 0 : i32
          %broadcast_in_dim3A_780 = vector.broadcast %jit3A_778 : i32 to vector<16xi32>
          %broadcast_in_dim3A_781 = vector.broadcast %jit3A_779 : i32 to vector<16xi32>
          %select_n3A_782 = arith.select %ge3A_736, %broadcast_in_dim3A_780, %broadcast_in_dim3A_781 : vector<16xi1>, vector<16xi32>
          %swap3A_783 = arith.constant 0 : index
          %swap3A_784 = tpu.vector_load %arg18[%swap3A_783] {strides = array<i32>} : memref<16xi32, #tpu.memory_space<vmem>>, vector<16xi32>,
          tpu.vector_store %arg18[%swap3A_783], %select_n3A_782 {strides = array<i32>} : memref<16xi32, #tpu.memory_space<vmem>>, vector<16xi32>,
          %sub3A_785 = arith.constant 1 : i32
          %sub3A_786 = vector.broadcast %sub3A_785 : i32 to vector<16xi32>
          %sub3A_787 = arith.subi %iota3A, %sub3A_786 : vector<16xi32>
          %max3A_788 = arith.constant 0 : i32
          %max3A_789 = vector.broadcast %max3A_788 : i32 to vector<16xi32>
          %max3A_790 = arith.maxsi %sub3A_787, %max3A_789 : vector<16xi32>
          %gather3A_791 = tpu.vector_load_idx %arg18[%max3A_790] : memref<16xi32, #tpu.memory_space<vmem>>[vector<16xi32>], vector<16xi32>,
          %ge3A_792 = arith.constant 1 : i32
          %ge3A_793 = vector.broadcast %ge3A_792 : i32 to vector<16xi32>
          %ge3A_794 = arith.cmpi sge, %iota3A, %ge3A_793 : vector<16xi32>
          %jit3A_795 = arith.constant 0 : i32
          %broadcast_in_dim3A_796 = vector.broadcast %jit3A_795 : i32 to vector<16xi32>
          %select_n3A_797 = arith.select %ge3A_794, %gather3A_791, %broadcast_in_dim3A_796 : vector<16xi1>, vector<16xi32>
          %add3A_798 = arith.addi %select_n3A_782, %select_n3A_797 : vector<16xi32>
          %swap3A_799 = arith.constant 0 : index
          %swap3A_800 = tpu.vector_load %arg18[%swap3A_799] {strides = array<i32>} : memref<16xi32, #tpu.memory_space<vmem>>, vector<16xi32>,
          tpu.vector_store %arg18[%swap3A_799], %add3A_798 {strides = array<i32>} : memref<16xi32, #tpu.memory_space<vmem>>, vector<16xi32>,
          %sub3A_801 = arith.constant 2 : i32
          %sub3A_802 = vector.broadcast %sub3A_801 : i32 to vector<16xi32>
          %sub3A_803 = arith.subi %iota3A, %sub3A_802 : vector<16xi32>
          %max3A_804 = arith.constant 0 : i32
          %max3A_805 = vector.broadcast %max3A_804 : i32 to vector<16xi32>
          %max3A_806 = arith.maxsi %sub3A_803, %max3A_805 : vector<16xi32>
          %gather3A_807 = tpu.vector_load_idx %arg18[%max3A_806] : memref<16xi32, #tpu.memory_space<vmem>>[vector<16xi32>], vector<16xi32>,
          %ge3A_808 = arith.constant 2 : i32
          %ge3A_809 = vector.broadcast %ge3A_808 : i32 to vector<16xi32>
          %ge3A_810 = arith.cmpi sge, %iota3A, %ge3A_809 : vector<16xi32>
          %jit3A_811 = arith.constant 0 : i32
          %broadcast_in_dim3A_812 = vector.broadcast %jit3A_811 : i32 to vector<16xi32>
          %select_n3A_813 = arith.select %ge3A_810, %gather3A_807, %broadcast_in_dim3A_812 : vector<16xi1>, vector<16xi32>
          %add3A_814 = arith.addi %add3A_798, %select_n3A_813 : vector<16xi32>
          %swap3A_815 = arith.constant 0 : index
          %swap3A_816 = tpu.vector_load %arg18[%swap3A_815] {strides = array<i32>} : memref<16xi32, #tpu.memory_space<vmem>>, vector<16xi32>,
          tpu.vector_store %arg18[%swap3A_815], %add3A_814 {strides = array<i32>} : memref<16xi32, #tpu.memory_space<vmem>>, vector<16xi32>,
          %sub3A_817 = arith.constant 4 : i32
          %sub3A_818 = vector.broadcast %sub3A_817 : i32 to vector<16xi32>
          %sub3A_819 = arith.subi %iota3A, %sub3A_818 : vector<16xi32>
          %max3A_820 = arith.constant 0 : i32
          %max3A_821 = vector.broadcast %max3A_820 : i32 to vector<16xi32>
          %max3A_822 = arith.maxsi %sub3A_819, %max3A_821 : vector<16xi32>
          %gather3A_823 = tpu.vector_load_idx %arg18[%max3A_822] : memref<16xi32, #tpu.memory_space<vmem>>[vector<16xi32>], vector<16xi32>,
          %ge3A_824 = arith.constant 4 : i32
          %ge3A_825 = vector.broadcast %ge3A_824 : i32 to vector<16xi32>
          %ge3A_826 = arith.cmpi sge, %iota3A, %ge3A_825 : vector<16xi32>
          %jit3A_827 = arith.constant 0 : i32
          %broadcast_in_dim3A_828 = vector.broadcast %jit3A_827 : i32 to vector<16xi32>
          %select_n3A_829 = arith.select %ge3A_826, %gather3A_823, %broadcast_in_dim3A_828 : vector<16xi1>, vector<16xi32>
          %add3A_830 = arith.addi %add3A_814, %select_n3A_829 : vector<16xi32>
          %swap3A_831 = arith.constant 0 : index
          %swap3A_832 = tpu.vector_load %arg18[%swap3A_831] {strides = array<i32>} : memref<16xi32, #tpu.memory_space<vmem>>, vector<16xi32>,
          tpu.vector_store %arg18[%swap3A_831], %add3A_830 {strides = array<i32>} : memref<16xi32, #tpu.memory_space<vmem>>, vector<16xi32>,
          %sub3A_833 = arith.constant 8 : i32
          %sub3A_834 = vector.broadcast %sub3A_833 : i32 to vector<16xi32>
          %sub3A_835 = arith.subi %iota3A, %sub3A_834 : vector<16xi32>
          %max3A_836 = arith.constant 0 : i32
          %max3A_837 = vector.broadcast %max3A_836 : i32 to vector<16xi32>
          %max3A_838 = arith.maxsi %sub3A_835, %max3A_837 : vector<16xi32>
          %gather3A_839 = tpu.vector_load_idx %arg18[%max3A_838] : memref<16xi32, #tpu.memory_space<vmem>>[vector<16xi32>], vector<16xi32>,
          %ge3A_840 = arith.constant 8 : i32
          %ge3A_841 = vector.broadcast %ge3A_840 : i32 to vector<16xi32>
          %ge3A_842 = arith.cmpi sge, %iota3A, %ge3A_841 : vector<16xi32>
          %jit3A_843 = arith.constant 0 : i32
          %broadcast_in_dim3A_844 = vector.broadcast %jit3A_843 : i32 to vector<16xi32>
          %select_n3A_845 = arith.select %ge3A_842, %gather3A_839, %broadcast_in_dim3A_844 : vector<16xi1>, vector<16xi32>
          %add3A_846 = arith.addi %add3A_830, %select_n3A_845 : vector<16xi32>
          %add3A_847 = vector.broadcast %cond3A_729 : i32 to vector<16xi32>
          %add3A_848 = arith.addi %add3A_847, %add3A_846 : vector<16xi32>
          %sub3A_849 = arith.constant 1 : i32
          %sub3A_850 = vector.broadcast %sub3A_849 : i32 to vector<16xi32>
          %sub3A_851 = arith.subi %add3A_848, %sub3A_850 : vector<16xi32>
          %min3A = arith.constant 2047 : i32
          %min3A_852 = vector.broadcast %min3A : i32 to vector<16xi32>
          %min3A_853 = arith.minsi %sub3A_851, %min3A_852 : vector<16xi32>
          tpu.vector_store_idx %arg10[%min3A_853], %get3A_735 masked %ge3A_736 : memref<2048xf32, #tpu.memory_space<vmem>>[vector<16xi32>], vector<16xf32>, vector<16xi1>
          %mul3A_854 = arith.constant 16 : i32
          %mul3A_855 = arith.muli %scan3A_731, %mul3A_854 : i32
          %add3A_856 = vector.broadcast %mul3A_855 : i32 to vector<16xi32>
          %add3A_857 = arith.addi %add3A_856, %iota3A : vector<16xi32>
          tpu.vector_store_idx %arg11[%min3A_853], %add3A_857 masked %ge3A_736 : memref<2048xi32, #tpu.memory_space<vmem>>[vector<16xi32>], vector<16xi32>, vector<16xi1>
          %add3A_858 = arith.addi %cond3A_729, %squeeze3A_739 : i32
          scf.yield %add3A_858 : i32
        } else {
          scf.yield %cond3A_729 : i32
        }
        %scan3A_746 = arith.constant 6 : i32
        %scan3A_747 = arith.addi %scan3A_653, %scan3A_746 : i32
        %mul3A_748 = arith.constant 16 : i32
        %mul3A_749 = arith.muli %scan3A_747, %mul3A_748 : i32
        %get3A_750 = arith.index_cast %mul3A_749 : i32 to index
        %get3A_751 = tpu.vector_load %arg7[%get3A_750] {strides = array<i32>} : memref<16384xf32, #tpu.memory_space<vmem>>, vector<16xf32>,
        %ge3A_752 = arith.cmpf oge, %get3A_751, %neg3A_68 : vector<16xf32>
        %all_reduce_population_count3A_753 = tpu.all_reduce %ge3A_752 {dim = 0 : i64, kind = #tpu.reduction_kind<sum>} : vector<16xi1> -> vector<16xi32>
        %slice3A_754 = vector.extract_strided_slice %all_reduce_population_count3A_753 {offsets = [0], sizes = [1], strides = [1]} : vector<16xi32> to vector<1xi32>
        %squeeze3A_755 = vector.extract %slice3A_754[0] : i32 from vector<1xi32>
        %gt3A_756 = arith.constant 0 : i32
        %gt3A_757 = arith.cmpi sgt, %squeeze3A_755, %gt3A_756 : i32
        %convert_element_type3A_758 = arith.extui %gt3A_757 : i1 to i32
        %cond3A_759 = arith.constant 0 : i32
        %cond3A_760 = arith.cmpi ne, %convert_element_type3A_758, %cond3A_759 : i32
        %cond3A_761 = scf.if %cond3A_760 -> (i32) {
          %jit3A_778 = arith.constant 1 : i32
          %jit3A_779 = arith.constant 0 : i32
          %broadcast_in_dim3A_780 = vector.broadcast %jit3A_778 : i32 to vector<16xi32>
          %broadcast_in_dim3A_781 = vector.broadcast %jit3A_779 : i32 to vector<16xi32>
          %select_n3A_782 = arith.select %ge3A_752, %broadcast_in_dim3A_780, %broadcast_in_dim3A_781 : vector<16xi1>, vector<16xi32>
          %swap3A_783 = arith.constant 0 : index
          %swap3A_784 = tpu.vector_load %arg18[%swap3A_783] {strides = array<i32>} : memref<16xi32, #tpu.memory_space<vmem>>, vector<16xi32>,
          tpu.vector_store %arg18[%swap3A_783], %select_n3A_782 {strides = array<i32>} : memref<16xi32, #tpu.memory_space<vmem>>, vector<16xi32>,
          %sub3A_785 = arith.constant 1 : i32
          %sub3A_786 = vector.broadcast %sub3A_785 : i32 to vector<16xi32>
          %sub3A_787 = arith.subi %iota3A, %sub3A_786 : vector<16xi32>
          %max3A_788 = arith.constant 0 : i32
          %max3A_789 = vector.broadcast %max3A_788 : i32 to vector<16xi32>
          %max3A_790 = arith.maxsi %sub3A_787, %max3A_789 : vector<16xi32>
          %gather3A_791 = tpu.vector_load_idx %arg18[%max3A_790] : memref<16xi32, #tpu.memory_space<vmem>>[vector<16xi32>], vector<16xi32>,
          %ge3A_792 = arith.constant 1 : i32
          %ge3A_793 = vector.broadcast %ge3A_792 : i32 to vector<16xi32>
          %ge3A_794 = arith.cmpi sge, %iota3A, %ge3A_793 : vector<16xi32>
          %jit3A_795 = arith.constant 0 : i32
          %broadcast_in_dim3A_796 = vector.broadcast %jit3A_795 : i32 to vector<16xi32>
          %select_n3A_797 = arith.select %ge3A_794, %gather3A_791, %broadcast_in_dim3A_796 : vector<16xi1>, vector<16xi32>
          %add3A_798 = arith.addi %select_n3A_782, %select_n3A_797 : vector<16xi32>
          %swap3A_799 = arith.constant 0 : index
          %swap3A_800 = tpu.vector_load %arg18[%swap3A_799] {strides = array<i32>} : memref<16xi32, #tpu.memory_space<vmem>>, vector<16xi32>,
          tpu.vector_store %arg18[%swap3A_799], %add3A_798 {strides = array<i32>} : memref<16xi32, #tpu.memory_space<vmem>>, vector<16xi32>,
          %sub3A_801 = arith.constant 2 : i32
          %sub3A_802 = vector.broadcast %sub3A_801 : i32 to vector<16xi32>
          %sub3A_803 = arith.subi %iota3A, %sub3A_802 : vector<16xi32>
          %max3A_804 = arith.constant 0 : i32
          %max3A_805 = vector.broadcast %max3A_804 : i32 to vector<16xi32>
          %max3A_806 = arith.maxsi %sub3A_803, %max3A_805 : vector<16xi32>
          %gather3A_807 = tpu.vector_load_idx %arg18[%max3A_806] : memref<16xi32, #tpu.memory_space<vmem>>[vector<16xi32>], vector<16xi32>,
          %ge3A_808 = arith.constant 2 : i32
          %ge3A_809 = vector.broadcast %ge3A_808 : i32 to vector<16xi32>
          %ge3A_810 = arith.cmpi sge, %iota3A, %ge3A_809 : vector<16xi32>
          %jit3A_811 = arith.constant 0 : i32
          %broadcast_in_dim3A_812 = vector.broadcast %jit3A_811 : i32 to vector<16xi32>
          %select_n3A_813 = arith.select %ge3A_810, %gather3A_807, %broadcast_in_dim3A_812 : vector<16xi1>, vector<16xi32>
          %add3A_814 = arith.addi %add3A_798, %select_n3A_813 : vector<16xi32>
          %swap3A_815 = arith.constant 0 : index
          %swap3A_816 = tpu.vector_load %arg18[%swap3A_815] {strides = array<i32>} : memref<16xi32, #tpu.memory_space<vmem>>, vector<16xi32>,
          tpu.vector_store %arg18[%swap3A_815], %add3A_814 {strides = array<i32>} : memref<16xi32, #tpu.memory_space<vmem>>, vector<16xi32>,
          %sub3A_817 = arith.constant 4 : i32
          %sub3A_818 = vector.broadcast %sub3A_817 : i32 to vector<16xi32>
          %sub3A_819 = arith.subi %iota3A, %sub3A_818 : vector<16xi32>
          %max3A_820 = arith.constant 0 : i32
          %max3A_821 = vector.broadcast %max3A_820 : i32 to vector<16xi32>
          %max3A_822 = arith.maxsi %sub3A_819, %max3A_821 : vector<16xi32>
          %gather3A_823 = tpu.vector_load_idx %arg18[%max3A_822] : memref<16xi32, #tpu.memory_space<vmem>>[vector<16xi32>], vector<16xi32>,
          %ge3A_824 = arith.constant 4 : i32
          %ge3A_825 = vector.broadcast %ge3A_824 : i32 to vector<16xi32>
          %ge3A_826 = arith.cmpi sge, %iota3A, %ge3A_825 : vector<16xi32>
          %jit3A_827 = arith.constant 0 : i32
          %broadcast_in_dim3A_828 = vector.broadcast %jit3A_827 : i32 to vector<16xi32>
          %select_n3A_829 = arith.select %ge3A_826, %gather3A_823, %broadcast_in_dim3A_828 : vector<16xi1>, vector<16xi32>
          %add3A_830 = arith.addi %add3A_814, %select_n3A_829 : vector<16xi32>
          %swap3A_831 = arith.constant 0 : index
          %swap3A_832 = tpu.vector_load %arg18[%swap3A_831] {strides = array<i32>} : memref<16xi32, #tpu.memory_space<vmem>>, vector<16xi32>,
          tpu.vector_store %arg18[%swap3A_831], %add3A_830 {strides = array<i32>} : memref<16xi32, #tpu.memory_space<vmem>>, vector<16xi32>,
          %sub3A_833 = arith.constant 8 : i32
          %sub3A_834 = vector.broadcast %sub3A_833 : i32 to vector<16xi32>
          %sub3A_835 = arith.subi %iota3A, %sub3A_834 : vector<16xi32>
          %max3A_836 = arith.constant 0 : i32
          %max3A_837 = vector.broadcast %max3A_836 : i32 to vector<16xi32>
          %max3A_838 = arith.maxsi %sub3A_835, %max3A_837 : vector<16xi32>
          %gather3A_839 = tpu.vector_load_idx %arg18[%max3A_838] : memref<16xi32, #tpu.memory_space<vmem>>[vector<16xi32>], vector<16xi32>,
          %ge3A_840 = arith.constant 8 : i32
          %ge3A_841 = vector.broadcast %ge3A_840 : i32 to vector<16xi32>
          %ge3A_842 = arith.cmpi sge, %iota3A, %ge3A_841 : vector<16xi32>
          %jit3A_843 = arith.constant 0 : i32
          %broadcast_in_dim3A_844 = vector.broadcast %jit3A_843 : i32 to vector<16xi32>
          %select_n3A_845 = arith.select %ge3A_842, %gather3A_839, %broadcast_in_dim3A_844 : vector<16xi1>, vector<16xi32>
          %add3A_846 = arith.addi %add3A_830, %select_n3A_845 : vector<16xi32>
          %add3A_847 = vector.broadcast %cond3A_745 : i32 to vector<16xi32>
          %add3A_848 = arith.addi %add3A_847, %add3A_846 : vector<16xi32>
          %sub3A_849 = arith.constant 1 : i32
          %sub3A_850 = vector.broadcast %sub3A_849 : i32 to vector<16xi32>
          %sub3A_851 = arith.subi %add3A_848, %sub3A_850 : vector<16xi32>
          %min3A = arith.constant 2047 : i32
          %min3A_852 = vector.broadcast %min3A : i32 to vector<16xi32>
          %min3A_853 = arith.minsi %sub3A_851, %min3A_852 : vector<16xi32>
          tpu.vector_store_idx %arg10[%min3A_853], %get3A_751 masked %ge3A_752 : memref<2048xf32, #tpu.memory_space<vmem>>[vector<16xi32>], vector<16xf32>, vector<16xi1>
          %mul3A_854 = arith.constant 16 : i32
          %mul3A_855 = arith.muli %scan3A_747, %mul3A_854 : i32
          %add3A_856 = vector.broadcast %mul3A_855 : i32 to vector<16xi32>
          %add3A_857 = arith.addi %add3A_856, %iota3A : vector<16xi32>
          tpu.vector_store_idx %arg11[%min3A_853], %add3A_857 masked %ge3A_752 : memref<2048xi32, #tpu.memory_space<vmem>>[vector<16xi32>], vector<16xi32>, vector<16xi1>
          %add3A_858 = arith.addi %cond3A_745, %squeeze3A_755 : i32
          scf.yield %add3A_858 : i32
        } else {
          scf.yield %cond3A_745 : i32
        }
        %scan3A_762 = arith.constant 7 : i32
        %scan3A_763 = arith.addi %scan3A_653, %scan3A_762 : i32
        %mul3A_764 = arith.constant 16 : i32
        %mul3A_765 = arith.muli %scan3A_763, %mul3A_764 : i32
        %get3A_766 = arith.index_cast %mul3A_765 : i32 to index
        %get3A_767 = tpu.vector_load %arg7[%get3A_766] {strides = array<i32>} : memref<16384xf32, #tpu.memory_space<vmem>>, vector<16xf32>,
        %ge3A_768 = arith.cmpf oge, %get3A_767, %neg3A_68 : vector<16xf32>
        %all_reduce_population_count3A_769 = tpu.all_reduce %ge3A_768 {dim = 0 : i64, kind = #tpu.reduction_kind<sum>} : vector<16xi1> -> vector<16xi32>
        %slice3A_770 = vector.extract_strided_slice %all_reduce_population_count3A_769 {offsets = [0], sizes = [1], strides = [1]} : vector<16xi32> to vector<1xi32>
        %squeeze3A_771 = vector.extract %slice3A_770[0] : i32 from vector<1xi32>
        %gt3A_772 = arith.constant 0 : i32
        %gt3A_773 = arith.cmpi sgt, %squeeze3A_771, %gt3A_772 : i32
        %convert_element_type3A_774 = arith.extui %gt3A_773 : i1 to i32
        %cond3A_775 = arith.constant 0 : i32
        %cond3A_776 = arith.cmpi ne, %convert_element_type3A_774, %cond3A_775 : i32
        %cond3A_777 = scf.if %cond3A_776 -> (i32) {
          %jit3A_778 = arith.constant 1 : i32
          %jit3A_779 = arith.constant 0 : i32
          %broadcast_in_dim3A_780 = vector.broadcast %jit3A_778 : i32 to vector<16xi32>
          %broadcast_in_dim3A_781 = vector.broadcast %jit3A_779 : i32 to vector<16xi32>
          %select_n3A_782 = arith.select %ge3A_768, %broadcast_in_dim3A_780, %broadcast_in_dim3A_781 : vector<16xi1>, vector<16xi32>
          %swap3A_783 = arith.constant 0 : index
          %swap3A_784 = tpu.vector_load %arg18[%swap3A_783] {strides = array<i32>} : memref<16xi32, #tpu.memory_space<vmem>>, vector<16xi32>,
          tpu.vector_store %arg18[%swap3A_783], %select_n3A_782 {strides = array<i32>} : memref<16xi32, #tpu.memory_space<vmem>>, vector<16xi32>,
          %sub3A_785 = arith.constant 1 : i32
          %sub3A_786 = vector.broadcast %sub3A_785 : i32 to vector<16xi32>
          %sub3A_787 = arith.subi %iota3A, %sub3A_786 : vector<16xi32>
          %max3A_788 = arith.constant 0 : i32
          %max3A_789 = vector.broadcast %max3A_788 : i32 to vector<16xi32>
          %max3A_790 = arith.maxsi %sub3A_787, %max3A_789 : vector<16xi32>
          %gather3A_791 = tpu.vector_load_idx %arg18[%max3A_790] : memref<16xi32, #tpu.memory_space<vmem>>[vector<16xi32>], vector<16xi32>,
          %ge3A_792 = arith.constant 1 : i32
          %ge3A_793 = vector.broadcast %ge3A_792 : i32 to vector<16xi32>
          %ge3A_794 = arith.cmpi sge, %iota3A, %ge3A_793 : vector<16xi32>
          %jit3A_795 = arith.constant 0 : i32
          %broadcast_in_dim3A_796 = vector.broadcast %jit3A_795 : i32 to vector<16xi32>
          %select_n3A_797 = arith.select %ge3A_794, %gather3A_791, %broadcast_in_dim3A_796 : vector<16xi1>, vector<16xi32>
          %add3A_798 = arith.addi %select_n3A_782, %select_n3A_797 : vector<16xi32>
          %swap3A_799 = arith.constant 0 : index
          %swap3A_800 = tpu.vector_load %arg18[%swap3A_799] {strides = array<i32>} : memref<16xi32, #tpu.memory_space<vmem>>, vector<16xi32>,
          tpu.vector_store %arg18[%swap3A_799], %add3A_798 {strides = array<i32>} : memref<16xi32, #tpu.memory_space<vmem>>, vector<16xi32>,
          %sub3A_801 = arith.constant 2 : i32
          %sub3A_802 = vector.broadcast %sub3A_801 : i32 to vector<16xi32>
          %sub3A_803 = arith.subi %iota3A, %sub3A_802 : vector<16xi32>
          %max3A_804 = arith.constant 0 : i32
          %max3A_805 = vector.broadcast %max3A_804 : i32 to vector<16xi32>
          %max3A_806 = arith.maxsi %sub3A_803, %max3A_805 : vector<16xi32>
          %gather3A_807 = tpu.vector_load_idx %arg18[%max3A_806] : memref<16xi32, #tpu.memory_space<vmem>>[vector<16xi32>], vector<16xi32>,
          %ge3A_808 = arith.constant 2 : i32
          %ge3A_809 = vector.broadcast %ge3A_808 : i32 to vector<16xi32>
          %ge3A_810 = arith.cmpi sge, %iota3A, %ge3A_809 : vector<16xi32>
          %jit3A_811 = arith.constant 0 : i32
          %broadcast_in_dim3A_812 = vector.broadcast %jit3A_811 : i32 to vector<16xi32>
          %select_n3A_813 = arith.select %ge3A_810, %gather3A_807, %broadcast_in_dim3A_812 : vector<16xi1>, vector<16xi32>
          %add3A_814 = arith.addi %add3A_798, %select_n3A_813 : vector<16xi32>
          %swap3A_815 = arith.constant 0 : index
          %swap3A_816 = tpu.vector_load %arg18[%swap3A_815] {strides = array<i32>} : memref<16xi32, #tpu.memory_space<vmem>>, vector<16xi32>,
          tpu.vector_store %arg18[%swap3A_815], %add3A_814 {strides = array<i32>} : memref<16xi32, #tpu.memory_space<vmem>>, vector<16xi32>,
          %sub3A_817 = arith.constant 4 : i32
          %sub3A_818 = vector.broadcast %sub3A_817 : i32 to vector<16xi32>
          %sub3A_819 = arith.subi %iota3A, %sub3A_818 : vector<16xi32>
          %max3A_820 = arith.constant 0 : i32
          %max3A_821 = vector.broadcast %max3A_820 : i32 to vector<16xi32>
          %max3A_822 = arith.maxsi %sub3A_819, %max3A_821 : vector<16xi32>
          %gather3A_823 = tpu.vector_load_idx %arg18[%max3A_822] : memref<16xi32, #tpu.memory_space<vmem>>[vector<16xi32>], vector<16xi32>,
          %ge3A_824 = arith.constant 4 : i32
          %ge3A_825 = vector.broadcast %ge3A_824 : i32 to vector<16xi32>
          %ge3A_826 = arith.cmpi sge, %iota3A, %ge3A_825 : vector<16xi32>
          %jit3A_827 = arith.constant 0 : i32
          %broadcast_in_dim3A_828 = vector.broadcast %jit3A_827 : i32 to vector<16xi32>
          %select_n3A_829 = arith.select %ge3A_826, %gather3A_823, %broadcast_in_dim3A_828 : vector<16xi1>, vector<16xi32>
          %add3A_830 = arith.addi %add3A_814, %select_n3A_829 : vector<16xi32>
          %swap3A_831 = arith.constant 0 : index
          %swap3A_832 = tpu.vector_load %arg18[%swap3A_831] {strides = array<i32>} : memref<16xi32, #tpu.memory_space<vmem>>, vector<16xi32>,
          tpu.vector_store %arg18[%swap3A_831], %add3A_830 {strides = array<i32>} : memref<16xi32, #tpu.memory_space<vmem>>, vector<16xi32>,
          %sub3A_833 = arith.constant 8 : i32
          %sub3A_834 = vector.broadcast %sub3A_833 : i32 to vector<16xi32>
          %sub3A_835 = arith.subi %iota3A, %sub3A_834 : vector<16xi32>
          %max3A_836 = arith.constant 0 : i32
          %max3A_837 = vector.broadcast %max3A_836 : i32 to vector<16xi32>
          %max3A_838 = arith.maxsi %sub3A_835, %max3A_837 : vector<16xi32>
          %gather3A_839 = tpu.vector_load_idx %arg18[%max3A_838] : memref<16xi32, #tpu.memory_space<vmem>>[vector<16xi32>], vector<16xi32>,
          %ge3A_840 = arith.constant 8 : i32
          %ge3A_841 = vector.broadcast %ge3A_840 : i32 to vector<16xi32>
          %ge3A_842 = arith.cmpi sge, %iota3A, %ge3A_841 : vector<16xi32>
          %jit3A_843 = arith.constant 0 : i32
          %broadcast_in_dim3A_844 = vector.broadcast %jit3A_843 : i32 to vector<16xi32>
          %select_n3A_845 = arith.select %ge3A_842, %gather3A_839, %broadcast_in_dim3A_844 : vector<16xi1>, vector<16xi32>
          %add3A_846 = arith.addi %add3A_830, %select_n3A_845 : vector<16xi32>
          %add3A_847 = vector.broadcast %cond3A_761 : i32 to vector<16xi32>
          %add3A_848 = arith.addi %add3A_847, %add3A_846 : vector<16xi32>
          %sub3A_849 = arith.constant 1 : i32
          %sub3A_850 = vector.broadcast %sub3A_849 : i32 to vector<16xi32>
          %sub3A_851 = arith.subi %add3A_848, %sub3A_850 : vector<16xi32>
          %min3A = arith.constant 2047 : i32
          %min3A_852 = vector.broadcast %min3A : i32 to vector<16xi32>
          %min3A_853 = arith.minsi %sub3A_851, %min3A_852 : vector<16xi32>
          tpu.vector_store_idx %arg10[%min3A_853], %get3A_767 masked %ge3A_768 : memref<2048xf32, #tpu.memory_space<vmem>>[vector<16xi32>], vector<16xf32>, vector<16xi1>
          %mul3A_854 = arith.constant 16 : i32
          %mul3A_855 = arith.muli %scan3A_763, %mul3A_854 : i32
          %add3A_856 = vector.broadcast %mul3A_855 : i32 to vector<16xi32>
          %add3A_857 = arith.addi %add3A_856, %iota3A : vector<16xi32>
          tpu.vector_store_idx %arg11[%min3A_853], %add3A_857 masked %ge3A_768 : memref<2048xi32, #tpu.memory_space<vmem>>[vector<16xi32>], vector<16xi32>, vector<16xi1>
          %add3A_858 = arith.addi %cond3A_761, %squeeze3A_771 : i32
          scf.yield %add3A_858 : i32
        } else {
          scf.yield %cond3A_761 : i32
        }
        scf.yield %cond3A_777 : i32
      }
      %scan3A_81 = arith.constant 1024 : i32
      %add3A_82 = arith.constant 15 : i32
      %add3A_83 = arith.addi %scan3A_80, %add3A_82 : i32
      %jit3A = arith.constant 16 : i32
      %div3A = arith.divsi %add3A_83, %jit3A : i32
      %sign3A = arith.constant 0 : i32
      %sign3A_84 = arith.cmpi sgt, %add3A_83, %sign3A : i32
      %sign3A_85 = arith.extui %sign3A_84 : i1 to i32
      %sign3A_86 = arith.constant 0 : i32
      %sign3A_87 = arith.cmpi slt, %add3A_83, %sign3A_86 : i32
      %sign3A_88 = arith.extui %sign3A_87 : i1 to i32
      %sign3A_89 = arith.subi %sign3A_85, %sign3A_88 : i32
      %sign3A_90 = arith.constant 0 : i32
      %sign3A_91 = arith.cmpi sgt, %jit3A, %sign3A_90 : i32
      %sign3A_92 = arith.extui %sign3A_91 : i1 to i32
      %sign3A_93 = arith.constant 0 : i32
      %sign3A_94 = arith.cmpi slt, %jit3A, %sign3A_93 : i32
      %sign3A_95 = arith.extui %sign3A_94 : i1 to i32
      %sign3A_96 = arith.subi %sign3A_92, %sign3A_95 : i32
      %ne3A = arith.cmpi ne, %sign3A_89, %sign3A_96 : i32
      %rem3A = arith.remsi %add3A_83, %jit3A : i32
      %ne3A_97 = arith.constant 0 : i32
      %ne3A_98 = arith.cmpi ne, %rem3A, %ne3A_97 : i32
      %and3A = arith.andi %ne3A, %ne3A_98 : i1
      %sub3A = arith.constant 1 : i32
      %sub3A_99 = arith.subi %div3A, %sub3A : i32
      %select_n3A = arith.select %and3A, %sub3A_99, %div3A : i32
      %add3A_100 = arith.constant 64 : i32
      %add3A_101 = arith.addi %mul3A_2, %add3A_100 : i32
      %lt3A = arith.cmpi slt, %add3A_27, %add3A_101 : i32
      %convert_element_type3A = arith.extui %lt3A : i1 to i32
      %cond3A = arith.constant 0 : i32
      %cond3A_102 = arith.cmpi ne, %convert_element_type3A, %cond3A : i32
      scf.if %cond3A_102 {
        %dma_start3A_653 = arith.constant 0 : i32
        %dma_start3A_654 = tpu.memref_slice %arg2[%add3A_27, %dma_start3A_653] : memref<2048x16384xf32, #tpu.memory_space<hbm>> -> memref<1x16384xf32, #tpu.memory_space<hbm>>
        %dma_start3A_655 = tpu.memref_squeeze %dma_start3A_654 : memref<1x16384xf32, #tpu.memory_space<hbm>> -> memref<16384xf32, #tpu.memory_space<hbm>>
        %dma_start3A_656 = arith.constant 0 : i32
        %dma_start3A_657 = tpu.memref_slice %arg2[%add3A_27, %dma_start3A_656] : memref<2048x16384xf32, #tpu.memory_space<hbm>> -> memref<1x16384xf32, #tpu.memory_space<hbm>>
        %dma_start3A_658 = tpu.memref_squeeze %dma_start3A_657 : memref<1x16384xf32, #tpu.memory_space<hbm>> -> memref<16384xf32, #tpu.memory_space<hbm>>
        tpu.enqueue_dma source(%dma_start3A_658 : memref<16384xf32, #tpu.memory_space<hbm>>) target(%arg7 : memref<16384xf32, #tpu.memory_space<vmem>>) target_semaphore(%arg19 : memref<!tpu.dma_semaphore, #tpu.memory_space<semaphore_mem>>)
      } else {
      }
      %broadcast_in_dim3A_103 = arith.constant 0x7F800000 : f32
      %broadcast_in_dim3A_104 = vector.broadcast %broadcast_in_dim3A_103 : f32 to vector<16xf32>
      %scan3A_105 = arith.constant 0 : i32
      %scan3A_106 = arith.constant 32 : i32
      %scan3A_107 = arith.addi %scan3A_105, %scan3A_106 : i32
      %scan3A_108 = arith.constant 1 : i32
      %scan3A_109 = scf.for %scan3A_653 = %scan3A_105 to %scan3A_107 step %scan3A_108 iter_args(%scan3A_654 = %broadcast_in_dim3A_104) -> (vector<16xf32>)  : i32 {
        %while3A_655 = arith.constant 0 : i32
        %while3A_656 = arith.subi %select_n3A, %while3A_655 : i32
        %while3A_657 = arith.addi %while3A_655, %while3A_656 : i32
        %while3A_658 = arith.constant 1 : i32
        %while3A_659 = arith.divsi %while3A_656, %while3A_658 : i32
        %while3A_660 = arith.muli %while3A_659, %while3A_658 : i32
        %while3A_661 = arith.addi %while3A_655, %while3A_660 : i32
        %while3A_662 = arith.constant 1 : i32
        %while3A_663 = scf.for %while3A_694 = %while3A_655 to %while3A_661 step %while3A_662 iter_args(%while3A_695 = %broadcast_in_dim3A_3) -> (vector<16xf32>)  : i32 {
          %mul3A_696 = arith.constant 16 : i32
          %mul3A_697 = arith.muli %while3A_694, %mul3A_696 : i32
          %get3A_698 = arith.index_cast %mul3A_697 : i32 to index
          %get3A_699 = tpu.vector_load %arg10[%get3A_698] {strides = array<i32>} : memref<2048xf32, #tpu.memory_space<vmem>>, vector<16xf32>,
          %lt3A_700 = arith.cmpf olt, %get3A_699, %scan3A_654 : vector<16xf32>
          %select_n3A_701 = arith.select %lt3A_700, %get3A_699, %broadcast_in_dim3A_3 : vector<16xi1>, vector<16xf32>
          %max3A_702 = arith.maximumf %while3A_695, %select_n3A_701 : vector<16xf32>
          scf.yield %max3A_702 : vector<16xf32>
        }
        %while3A_664 = arith.constant 1 : i32
        %while3A_665 = scf.for %while3A_694 = %while3A_661 to %while3A_657 step %while3A_664 iter_args(%while3A_695 = %while3A_663) -> (vector<16xf32>)  : i32 {
          %mul3A_696 = arith.constant 16 : i32
          %mul3A_697 = arith.muli %while3A_694, %mul3A_696 : i32
          %get3A_698 = arith.index_cast %mul3A_697 : i32 to index
          %get3A_699 = tpu.vector_load %arg10[%get3A_698] {strides = array<i32>} : memref<2048xf32, #tpu.memory_space<vmem>>, vector<16xf32>,
          %lt3A_700 = arith.cmpf olt, %get3A_699, %scan3A_654 : vector<16xf32>
          %select_n3A_701 = arith.select %lt3A_700, %get3A_699, %broadcast_in_dim3A_3 : vector<16xi1>, vector<16xf32>
          %max3A_702 = arith.maximumf %while3A_695, %select_n3A_701 : vector<16xf32>
          scf.yield %max3A_702 : vector<16xf32>
        }
        %swap3A_666 = arith.constant 0 : index
        %swap3A_667 = tpu.vector_load %arg17[%swap3A_666] {strides = array<i32>} : memref<16xf32, #tpu.memory_space<vmem>>, vector<16xf32>,
        tpu.vector_store %arg17[%swap3A_666], %while3A_665 {strides = array<i32>} : memref<16xf32, #tpu.memory_space<vmem>>, vector<16xf32>,
        %xor3A_668 = arith.constant 1 : i32
        %xor3A_669 = vector.broadcast %xor3A_668 : i32 to vector<16xi32>
        %xor3A_670 = arith.xori %iota3A, %xor3A_669 : vector<16xi32>
        %gather3A_671 = tpu.vector_load_idx %arg17[%xor3A_670] : memref<16xf32, #tpu.memory_space<vmem>>[vector<16xi32>], vector<16xf32>,
        %max3A_672 = arith.maximumf %while3A_665, %gather3A_671 : vector<16xf32>
        %swap3A_673 = arith.constant 0 : index
        %swap3A_674 = tpu.vector_load %arg17[%swap3A_673] {strides = array<i32>} : memref<16xf32, #tpu.memory_space<vmem>>, vector<16xf32>,
        tpu.vector_store %arg17[%swap3A_673], %max3A_672 {strides = array<i32>} : memref<16xf32, #tpu.memory_space<vmem>>, vector<16xf32>,
        %xor3A_675 = arith.constant 2 : i32
        %xor3A_676 = vector.broadcast %xor3A_675 : i32 to vector<16xi32>
        %xor3A_677 = arith.xori %iota3A, %xor3A_676 : vector<16xi32>
        %gather3A_678 = tpu.vector_load_idx %arg17[%xor3A_677] : memref<16xf32, #tpu.memory_space<vmem>>[vector<16xi32>], vector<16xf32>,
        %max3A_679 = arith.maximumf %max3A_672, %gather3A_678 : vector<16xf32>
        %swap3A_680 = arith.constant 0 : index
        %swap3A_681 = tpu.vector_load %arg17[%swap3A_680] {strides = array<i32>} : memref<16xf32, #tpu.memory_space<vmem>>, vector<16xf32>,
        tpu.vector_store %arg17[%swap3A_680], %max3A_679 {strides = array<i32>} : memref<16xf32, #tpu.memory_space<vmem>>, vector<16xf32>,
        %xor3A_682 = arith.constant 4 : i32
        %xor3A_683 = vector.broadcast %xor3A_682 : i32 to vector<16xi32>
        %xor3A_684 = arith.xori %iota3A, %xor3A_683 : vector<16xi32>
        %gather3A_685 = tpu.vector_load_idx %arg17[%xor3A_684] : memref<16xf32, #tpu.memory_space<vmem>>[vector<16xi32>], vector<16xf32>,
        %max3A_686 = arith.maximumf %max3A_679, %gather3A_685 : vector<16xf32>
        %swap3A_687 = arith.constant 0 : index
        %swap3A_688 = tpu.vector_load %arg17[%swap3A_687] {strides = array<i32>} : memref<16xf32, #tpu.memory_space<vmem>>, vector<16xf32>,
        tpu.vector_store %arg17[%swap3A_687], %max3A_686 {strides = array<i32>} : memref<16xf32, #tpu.memory_space<vmem>>, vector<16xf32>,
        %xor3A_689 = arith.constant 8 : i32
        %xor3A_690 = vector.broadcast %xor3A_689 : i32 to vector<16xi32>
        %xor3A_691 = arith.xori %iota3A, %xor3A_690 : vector<16xi32>
        %gather3A_692 = tpu.vector_load_idx %arg17[%xor3A_691] : memref<16xf32, #tpu.memory_space<vmem>>[vector<16xi32>], vector<16xf32>,
        %max3A_693 = arith.maximumf %max3A_686, %gather3A_692 : vector<16xf32>
        scf.yield %max3A_693 : vector<16xf32>
      }
      %scan3A_110 = arith.constant 32 : i32
      %while3A = arith.constant 0 : i32
      %while3A_111 = arith.constant 0 : i32
      %while3A_112 = arith.subi %select_n3A, %while3A : i32
      %while3A_113 = arith.addi %while3A, %while3A_112 : i32
      %while3A_114 = arith.constant 1 : i32
      %while3A_115 = arith.divsi %while3A_112, %while3A_114 : i32
      %while3A_116 = arith.muli %while3A_115, %while3A_114 : i32
      %while3A_117 = arith.addi %while3A, %while3A_116 : i32
      %while3A_118 = arith.constant 1 : i32
      %while3A_119 = scf.for %while3A_653 = %while3A to %while3A_117 step %while3A_118 iter_args(%while3A_654 = %while3A_111) -> (i32)  : i32 {
        %mul3A_655 = arith.constant 16 : i32
        %mul3A_656 = arith.muli %while3A_653, %mul3A_655 : i32
        %get3A_657 = arith.index_cast %mul3A_656 : i32 to index
        %get3A_658 = tpu.vector_load %arg10[%get3A_657] {strides = array<i32>} : memref<2048xf32, #tpu.memory_space<vmem>>, vector<16xf32>,
        %mul3A_659 = arith.constant 16 : i32
        %mul3A_660 = arith.muli %while3A_653, %mul3A_659 : i32
        %get3A_661 = arith.index_cast %mul3A_660 : i32 to index
        %get3A_662 = tpu.vector_load %arg11[%get3A_661] {strides = array<i32>} : memref<2048xi32, #tpu.memory_space<vmem>>, vector<16xi32>,
        %ge3A = arith.cmpf oge, %get3A_658, %scan3A_109 : vector<16xf32>
        %all_reduce_population_count3A = tpu.all_reduce %ge3A {dim = 0 : i64, kind = #tpu.reduction_kind<sum>} : vector<16xi1> -> vector<16xi32>
        %slice3A_663 = vector.extract_strided_slice %all_reduce_population_count3A {offsets = [0], sizes = [1], strides = [1]} : vector<16xi32> to vector<1xi32>
        %squeeze3A_664 = vector.extract %slice3A_663[0] : i32 from vector<1xi32>
        %gt3A = arith.constant 0 : i32
        %gt3A_665 = arith.cmpi sgt, %squeeze3A_664, %gt3A : i32
        %convert_element_type3A_666 = arith.extui %gt3A_665 : i1 to i32
        %cond3A_667 = arith.constant 0 : i32
        %cond3A_668 = arith.cmpi ne, %convert_element_type3A_666, %cond3A_667 : i32
        %cond3A_669 = scf.if %cond3A_668 -> (i32) {
          %jit3A_670 = arith.constant 1 : i32
          %jit3A_671 = arith.constant 0 : i32
          %broadcast_in_dim3A_672 = vector.broadcast %jit3A_670 : i32 to vector<16xi32>
          %broadcast_in_dim3A_673 = vector.broadcast %jit3A_671 : i32 to vector<16xi32>
          %select_n3A_674 = arith.select %ge3A, %broadcast_in_dim3A_672, %broadcast_in_dim3A_673 : vector<16xi1>, vector<16xi32>
          %swap3A_675 = arith.constant 0 : index
          %swap3A_676 = tpu.vector_load %arg18[%swap3A_675] {strides = array<i32>} : memref<16xi32, #tpu.memory_space<vmem>>, vector<16xi32>,
          tpu.vector_store %arg18[%swap3A_675], %select_n3A_674 {strides = array<i32>} : memref<16xi32, #tpu.memory_space<vmem>>, vector<16xi32>,
          %sub3A_677 = arith.constant 1 : i32
          %sub3A_678 = vector.broadcast %sub3A_677 : i32 to vector<16xi32>
          %sub3A_679 = arith.subi %iota3A, %sub3A_678 : vector<16xi32>
          %max3A_680 = arith.constant 0 : i32
          %max3A_681 = vector.broadcast %max3A_680 : i32 to vector<16xi32>
          %max3A_682 = arith.maxsi %sub3A_679, %max3A_681 : vector<16xi32>
          %gather3A_683 = tpu.vector_load_idx %arg18[%max3A_682] : memref<16xi32, #tpu.memory_space<vmem>>[vector<16xi32>], vector<16xi32>,
          %ge3A_684 = arith.constant 1 : i32
          %ge3A_685 = vector.broadcast %ge3A_684 : i32 to vector<16xi32>
          %ge3A_686 = arith.cmpi sge, %iota3A, %ge3A_685 : vector<16xi32>
          %jit3A_687 = arith.constant 0 : i32
          %broadcast_in_dim3A_688 = vector.broadcast %jit3A_687 : i32 to vector<16xi32>
          %select_n3A_689 = arith.select %ge3A_686, %gather3A_683, %broadcast_in_dim3A_688 : vector<16xi1>, vector<16xi32>
          %add3A_690 = arith.addi %select_n3A_674, %select_n3A_689 : vector<16xi32>
          %swap3A_691 = arith.constant 0 : index
          %swap3A_692 = tpu.vector_load %arg18[%swap3A_691] {strides = array<i32>} : memref<16xi32, #tpu.memory_space<vmem>>, vector<16xi32>,
          tpu.vector_store %arg18[%swap3A_691], %add3A_690 {strides = array<i32>} : memref<16xi32, #tpu.memory_space<vmem>>, vector<16xi32>,
          %sub3A_693 = arith.constant 2 : i32
          %sub3A_694 = vector.broadcast %sub3A_693 : i32 to vector<16xi32>
          %sub3A_695 = arith.subi %iota3A, %sub3A_694 : vector<16xi32>
          %max3A_696 = arith.constant 0 : i32
          %max3A_697 = vector.broadcast %max3A_696 : i32 to vector<16xi32>
          %max3A_698 = arith.maxsi %sub3A_695, %max3A_697 : vector<16xi32>
          %gather3A_699 = tpu.vector_load_idx %arg18[%max3A_698] : memref<16xi32, #tpu.memory_space<vmem>>[vector<16xi32>], vector<16xi32>,
          %ge3A_700 = arith.constant 2 : i32
          %ge3A_701 = vector.broadcast %ge3A_700 : i32 to vector<16xi32>
          %ge3A_702 = arith.cmpi sge, %iota3A, %ge3A_701 : vector<16xi32>
          %jit3A_703 = arith.constant 0 : i32
          %broadcast_in_dim3A_704 = vector.broadcast %jit3A_703 : i32 to vector<16xi32>
          %select_n3A_705 = arith.select %ge3A_702, %gather3A_699, %broadcast_in_dim3A_704 : vector<16xi1>, vector<16xi32>
          %add3A_706 = arith.addi %add3A_690, %select_n3A_705 : vector<16xi32>
          %swap3A_707 = arith.constant 0 : index
          %swap3A_708 = tpu.vector_load %arg18[%swap3A_707] {strides = array<i32>} : memref<16xi32, #tpu.memory_space<vmem>>, vector<16xi32>,
          tpu.vector_store %arg18[%swap3A_707], %add3A_706 {strides = array<i32>} : memref<16xi32, #tpu.memory_space<vmem>>, vector<16xi32>,
          %sub3A_709 = arith.constant 4 : i32
          %sub3A_710 = vector.broadcast %sub3A_709 : i32 to vector<16xi32>
          %sub3A_711 = arith.subi %iota3A, %sub3A_710 : vector<16xi32>
          %max3A_712 = arith.constant 0 : i32
          %max3A_713 = vector.broadcast %max3A_712 : i32 to vector<16xi32>
          %max3A_714 = arith.maxsi %sub3A_711, %max3A_713 : vector<16xi32>
          %gather3A_715 = tpu.vector_load_idx %arg18[%max3A_714] : memref<16xi32, #tpu.memory_space<vmem>>[vector<16xi32>], vector<16xi32>,
          %ge3A_716 = arith.constant 4 : i32
          %ge3A_717 = vector.broadcast %ge3A_716 : i32 to vector<16xi32>
          %ge3A_718 = arith.cmpi sge, %iota3A, %ge3A_717 : vector<16xi32>
          %jit3A_719 = arith.constant 0 : i32
          %broadcast_in_dim3A_720 = vector.broadcast %jit3A_719 : i32 to vector<16xi32>
          %select_n3A_721 = arith.select %ge3A_718, %gather3A_715, %broadcast_in_dim3A_720 : vector<16xi1>, vector<16xi32>
          %add3A_722 = arith.addi %add3A_706, %select_n3A_721 : vector<16xi32>
          %swap3A_723 = arith.constant 0 : index
          %swap3A_724 = tpu.vector_load %arg18[%swap3A_723] {strides = array<i32>} : memref<16xi32, #tpu.memory_space<vmem>>, vector<16xi32>,
          tpu.vector_store %arg18[%swap3A_723], %add3A_722 {strides = array<i32>} : memref<16xi32, #tpu.memory_space<vmem>>, vector<16xi32>,
          %sub3A_725 = arith.constant 8 : i32
          %sub3A_726 = vector.broadcast %sub3A_725 : i32 to vector<16xi32>
          %sub3A_727 = arith.subi %iota3A, %sub3A_726 : vector<16xi32>
          %max3A_728 = arith.constant 0 : i32
          %max3A_729 = vector.broadcast %max3A_728 : i32 to vector<16xi32>
          %max3A_730 = arith.maxsi %sub3A_727, %max3A_729 : vector<16xi32>
          %gather3A_731 = tpu.vector_load_idx %arg18[%max3A_730] : memref<16xi32, #tpu.memory_space<vmem>>[vector<16xi32>], vector<16xi32>,
          %ge3A_732 = arith.constant 8 : i32
          %ge3A_733 = vector.broadcast %ge3A_732 : i32 to vector<16xi32>
          %ge3A_734 = arith.cmpi sge, %iota3A, %ge3A_733 : vector<16xi32>
          %jit3A_735 = arith.constant 0 : i32
          %broadcast_in_dim3A_736 = vector.broadcast %jit3A_735 : i32 to vector<16xi32>
          %select_n3A_737 = arith.select %ge3A_734, %gather3A_731, %broadcast_in_dim3A_736 : vector<16xi1>, vector<16xi32>
          %add3A_738 = arith.addi %add3A_722, %select_n3A_737 : vector<16xi32>
          %add3A_739 = vector.broadcast %while3A_654 : i32 to vector<16xi32>
          %add3A_740 = arith.addi %add3A_739, %add3A_738 : vector<16xi32>
          %sub3A_741 = arith.constant 1 : i32
          %sub3A_742 = vector.broadcast %sub3A_741 : i32 to vector<16xi32>
          %sub3A_743 = arith.subi %add3A_740, %sub3A_742 : vector<16xi32>
          %min3A = arith.constant 31 : i32
          %min3A_744 = vector.broadcast %min3A : i32 to vector<16xi32>
          %min3A_745 = arith.minsi %sub3A_743, %min3A_744 : vector<16xi32>
          tpu.vector_store_idx %arg12[%min3A_745], %get3A_658 masked %ge3A : memref<32xf32, #tpu.memory_space<vmem>>[vector<16xi32>], vector<16xf32>, vector<16xi1>
          tpu.vector_store_idx %arg13[%min3A_745], %get3A_662 masked %ge3A : memref<32xi32, #tpu.memory_space<vmem>>[vector<16xi32>], vector<16xi32>, vector<16xi1>
          %add3A_746 = arith.addi %while3A_654, %squeeze3A_664 : i32
          scf.yield %add3A_746 : i32
        } else {
          scf.yield %while3A_654 : i32
        }
        scf.yield %cond3A_669 : i32
      }
      %while3A_120 = arith.constant 1 : i32
      %while3A_121 = scf.for %while3A_653 = %while3A_117 to %while3A_113 step %while3A_120 iter_args(%while3A_654 = %while3A_119) -> (i32)  : i32 {
        %mul3A_655 = arith.constant 16 : i32
        %mul3A_656 = arith.muli %while3A_653, %mul3A_655 : i32
        %get3A_657 = arith.index_cast %mul3A_656 : i32 to index
        %get3A_658 = tpu.vector_load %arg10[%get3A_657] {strides = array<i32>} : memref<2048xf32, #tpu.memory_space<vmem>>, vector<16xf32>,
        %mul3A_659 = arith.constant 16 : i32
        %mul3A_660 = arith.muli %while3A_653, %mul3A_659 : i32
        %get3A_661 = arith.index_cast %mul3A_660 : i32 to index
        %get3A_662 = tpu.vector_load %arg11[%get3A_661] {strides = array<i32>} : memref<2048xi32, #tpu.memory_space<vmem>>, vector<16xi32>,
        %ge3A = arith.cmpf oge, %get3A_658, %scan3A_109 : vector<16xf32>
        %all_reduce_population_count3A = tpu.all_reduce %ge3A {dim = 0 : i64, kind = #tpu.reduction_kind<sum>} : vector<16xi1> -> vector<16xi32>
        %slice3A_663 = vector.extract_strided_slice %all_reduce_population_count3A {offsets = [0], sizes = [1], strides = [1]} : vector<16xi32> to vector<1xi32>
        %squeeze3A_664 = vector.extract %slice3A_663[0] : i32 from vector<1xi32>
        %gt3A = arith.constant 0 : i32
        %gt3A_665 = arith.cmpi sgt, %squeeze3A_664, %gt3A : i32
        %convert_element_type3A_666 = arith.extui %gt3A_665 : i1 to i32
        %cond3A_667 = arith.constant 0 : i32
        %cond3A_668 = arith.cmpi ne, %convert_element_type3A_666, %cond3A_667 : i32
        %cond3A_669 = scf.if %cond3A_668 -> (i32) {
          %jit3A_670 = arith.constant 1 : i32
          %jit3A_671 = arith.constant 0 : i32
          %broadcast_in_dim3A_672 = vector.broadcast %jit3A_670 : i32 to vector<16xi32>
          %broadcast_in_dim3A_673 = vector.broadcast %jit3A_671 : i32 to vector<16xi32>
          %select_n3A_674 = arith.select %ge3A, %broadcast_in_dim3A_672, %broadcast_in_dim3A_673 : vector<16xi1>, vector<16xi32>
          %swap3A_675 = arith.constant 0 : index
          %swap3A_676 = tpu.vector_load %arg18[%swap3A_675] {strides = array<i32>} : memref<16xi32, #tpu.memory_space<vmem>>, vector<16xi32>,
          tpu.vector_store %arg18[%swap3A_675], %select_n3A_674 {strides = array<i32>} : memref<16xi32, #tpu.memory_space<vmem>>, vector<16xi32>,
          %sub3A_677 = arith.constant 1 : i32
          %sub3A_678 = vector.broadcast %sub3A_677 : i32 to vector<16xi32>
          %sub3A_679 = arith.subi %iota3A, %sub3A_678 : vector<16xi32>
          %max3A_680 = arith.constant 0 : i32
          %max3A_681 = vector.broadcast %max3A_680 : i32 to vector<16xi32>
          %max3A_682 = arith.maxsi %sub3A_679, %max3A_681 : vector<16xi32>
          %gather3A_683 = tpu.vector_load_idx %arg18[%max3A_682] : memref<16xi32, #tpu.memory_space<vmem>>[vector<16xi32>], vector<16xi32>,
          %ge3A_684 = arith.constant 1 : i32
          %ge3A_685 = vector.broadcast %ge3A_684 : i32 to vector<16xi32>
          %ge3A_686 = arith.cmpi sge, %iota3A, %ge3A_685 : vector<16xi32>
          %jit3A_687 = arith.constant 0 : i32
          %broadcast_in_dim3A_688 = vector.broadcast %jit3A_687 : i32 to vector<16xi32>
          %select_n3A_689 = arith.select %ge3A_686, %gather3A_683, %broadcast_in_dim3A_688 : vector<16xi1>, vector<16xi32>
          %add3A_690 = arith.addi %select_n3A_674, %select_n3A_689 : vector<16xi32>
          %swap3A_691 = arith.constant 0 : index
          %swap3A_692 = tpu.vector_load %arg18[%swap3A_691] {strides = array<i32>} : memref<16xi32, #tpu.memory_space<vmem>>, vector<16xi32>,
          tpu.vector_store %arg18[%swap3A_691], %add3A_690 {strides = array<i32>} : memref<16xi32, #tpu.memory_space<vmem>>, vector<16xi32>,
          %sub3A_693 = arith.constant 2 : i32
          %sub3A_694 = vector.broadcast %sub3A_693 : i32 to vector<16xi32>
          %sub3A_695 = arith.subi %iota3A, %sub3A_694 : vector<16xi32>
          %max3A_696 = arith.constant 0 : i32
          %max3A_697 = vector.broadcast %max3A_696 : i32 to vector<16xi32>
          %max3A_698 = arith.maxsi %sub3A_695, %max3A_697 : vector<16xi32>
          %gather3A_699 = tpu.vector_load_idx %arg18[%max3A_698] : memref<16xi32, #tpu.memory_space<vmem>>[vector<16xi32>], vector<16xi32>,
          %ge3A_700 = arith.constant 2 : i32
          %ge3A_701 = vector.broadcast %ge3A_700 : i32 to vector<16xi32>
          %ge3A_702 = arith.cmpi sge, %iota3A, %ge3A_701 : vector<16xi32>
          %jit3A_703 = arith.constant 0 : i32
          %broadcast_in_dim3A_704 = vector.broadcast %jit3A_703 : i32 to vector<16xi32>
          %select_n3A_705 = arith.select %ge3A_702, %gather3A_699, %broadcast_in_dim3A_704 : vector<16xi1>, vector<16xi32>
          %add3A_706 = arith.addi %add3A_690, %select_n3A_705 : vector<16xi32>
          %swap3A_707 = arith.constant 0 : index
          %swap3A_708 = tpu.vector_load %arg18[%swap3A_707] {strides = array<i32>} : memref<16xi32, #tpu.memory_space<vmem>>, vector<16xi32>,
          tpu.vector_store %arg18[%swap3A_707], %add3A_706 {strides = array<i32>} : memref<16xi32, #tpu.memory_space<vmem>>, vector<16xi32>,
          %sub3A_709 = arith.constant 4 : i32
          %sub3A_710 = vector.broadcast %sub3A_709 : i32 to vector<16xi32>
          %sub3A_711 = arith.subi %iota3A, %sub3A_710 : vector<16xi32>
          %max3A_712 = arith.constant 0 : i32
          %max3A_713 = vector.broadcast %max3A_712 : i32 to vector<16xi32>
          %max3A_714 = arith.maxsi %sub3A_711, %max3A_713 : vector<16xi32>
          %gather3A_715 = tpu.vector_load_idx %arg18[%max3A_714] : memref<16xi32, #tpu.memory_space<vmem>>[vector<16xi32>], vector<16xi32>,
          %ge3A_716 = arith.constant 4 : i32
          %ge3A_717 = vector.broadcast %ge3A_716 : i32 to vector<16xi32>
          %ge3A_718 = arith.cmpi sge, %iota3A, %ge3A_717 : vector<16xi32>
          %jit3A_719 = arith.constant 0 : i32
          %broadcast_in_dim3A_720 = vector.broadcast %jit3A_719 : i32 to vector<16xi32>
          %select_n3A_721 = arith.select %ge3A_718, %gather3A_715, %broadcast_in_dim3A_720 : vector<16xi1>, vector<16xi32>
          %add3A_722 = arith.addi %add3A_706, %select_n3A_721 : vector<16xi32>
          %swap3A_723 = arith.constant 0 : index
          %swap3A_724 = tpu.vector_load %arg18[%swap3A_723] {strides = array<i32>} : memref<16xi32, #tpu.memory_space<vmem>>, vector<16xi32>,
          tpu.vector_store %arg18[%swap3A_723], %add3A_722 {strides = array<i32>} : memref<16xi32, #tpu.memory_space<vmem>>, vector<16xi32>,
          %sub3A_725 = arith.constant 8 : i32
          %sub3A_726 = vector.broadcast %sub3A_725 : i32 to vector<16xi32>
          %sub3A_727 = arith.subi %iota3A, %sub3A_726 : vector<16xi32>
          %max3A_728 = arith.constant 0 : i32
          %max3A_729 = vector.broadcast %max3A_728 : i32 to vector<16xi32>
          %max3A_730 = arith.maxsi %sub3A_727, %max3A_729 : vector<16xi32>
          %gather3A_731 = tpu.vector_load_idx %arg18[%max3A_730] : memref<16xi32, #tpu.memory_space<vmem>>[vector<16xi32>], vector<16xi32>,
          %ge3A_732 = arith.constant 8 : i32
          %ge3A_733 = vector.broadcast %ge3A_732 : i32 to vector<16xi32>
          %ge3A_734 = arith.cmpi sge, %iota3A, %ge3A_733 : vector<16xi32>
          %jit3A_735 = arith.constant 0 : i32
          %broadcast_in_dim3A_736 = vector.broadcast %jit3A_735 : i32 to vector<16xi32>
          %select_n3A_737 = arith.select %ge3A_734, %gather3A_731, %broadcast_in_dim3A_736 : vector<16xi1>, vector<16xi32>
          %add3A_738 = arith.addi %add3A_722, %select_n3A_737 : vector<16xi32>
          %add3A_739 = vector.broadcast %while3A_654 : i32 to vector<16xi32>
          %add3A_740 = arith.addi %add3A_739, %add3A_738 : vector<16xi32>
          %sub3A_741 = arith.constant 1 : i32
          %sub3A_742 = vector.broadcast %sub3A_741 : i32 to vector<16xi32>
          %sub3A_743 = arith.subi %add3A_740, %sub3A_742 : vector<16xi32>
          %min3A = arith.constant 31 : i32
          %min3A_744 = vector.broadcast %min3A : i32 to vector<16xi32>
          %min3A_745 = arith.minsi %sub3A_743, %min3A_744 : vector<16xi32>
          tpu.vector_store_idx %arg12[%min3A_745], %get3A_658 masked %ge3A : memref<32xf32, #tpu.memory_space<vmem>>[vector<16xi32>], vector<16xf32>, vector<16xi1>
          tpu.vector_store_idx %arg13[%min3A_745], %get3A_662 masked %ge3A : memref<32xi32, #tpu.memory_space<vmem>>[vector<16xi32>], vector<16xi32>, vector<16xi1>
          %add3A_746 = arith.addi %while3A_654, %squeeze3A_664 : i32
          scf.yield %add3A_746 : i32
        } else {
          scf.yield %while3A_654 : i32
        }
        scf.yield %cond3A_669 : i32
      }
      %dma_start3A_122 = arith.constant 0 : i32
      %dma_start3A_123 = arith.constant 0 : i32
      %dma_start3A_124 = tpu.memref_slice %arg4[%dma_start3A_122, %dma_start3A_123] : memref<16384x768xf32, #tpu.memory_space<hbm>> -> memref<16384x768xf32, #tpu.memory_space<hbm>>
      tpu.enqueue_indirect_dma source(%dma_start3A_124 : memref<16384x768xf32, #tpu.memory_space<hbm>>) target(%arg14 : memref<32x768xf32, #tpu.memory_space<vmem>>) offsets(%arg13 : memref<32xi32, #tpu.memory_space<vmem>>) semaphore(%arg21 : memref<!tpu.dma_semaphore, #tpu.memory_space<semaphore_mem>>)
      %dma_wait3A_125 = arith.constant 0 : i32
      %dma_wait3A_126 = arith.constant 0 : i32
      %dma_wait3A_127 = tpu.memref_slice %arg4[%dma_wait3A_125, %dma_wait3A_126] : memref<16384x768xf32, #tpu.memory_space<hbm>> -> memref<16384x768xf32, #tpu.memory_space<hbm>>
      tpu.wait_indirect_dma semaphore(%arg21 : memref<!tpu.dma_semaphore, #tpu.memory_space<semaphore_mem>>) src(%dma_wait3A_127 : memref<16384x768xf32, #tpu.memory_space<hbm>>) dst(%arg14 : memref<32x768xf32, #tpu.memory_space<vmem>>)
      %get3A_128 = arith.constant 0 : index
      %get3A_129 = tpu.vector_load %arg12[%get3A_128] {strides = array<i32>} : memref<32xf32, #tpu.memory_space<vmem>>, vector<16xf32>,
      %get3A_130 = arith.constant 16 : index
      %get3A_131 = tpu.vector_load %arg12[%get3A_130] {strides = array<i32>} : memref<32xf32, #tpu.memory_space<vmem>>, vector<16xf32>,
      %slice3A = vector.extract_strided_slice %get3A_129 {offsets = [0], sizes = [1], strides = [1]} : vector<16xf32> to vector<1xf32>
      %squeeze3A = vector.extract %slice3A[0] : f32 from vector<1xf32>
      %broadcast_in_dim3A_132 = vector.broadcast %squeeze3A : f32 to vector<16xf32>
      %max3A_133 = arith.constant 0.000000e+00 : f32
      %max3A_134 = vector.broadcast %max3A_133 : f32 to vector<16xf32>
      %max3A_135 = arith.maximumf %broadcast_in_dim3A_132, %max3A_134 : vector<16xf32>
      %slice3A_136 = vector.extract_strided_slice %get3A_129 {offsets = [1], sizes = [1], strides = [1]} : vector<16xf32> to vector<1xf32>
      %squeeze3A_137 = vector.extract %slice3A_136[0] : f32 from vector<1xf32>
      %broadcast_in_dim3A_138 = vector.broadcast %squeeze3A_137 : f32 to vector<16xf32>
      %max3A_139 = arith.constant 0.000000e+00 : f32
      %max3A_140 = vector.broadcast %max3A_139 : f32 to vector<16xf32>
      %max3A_141 = arith.maximumf %broadcast_in_dim3A_138, %max3A_140 : vector<16xf32>
      %slice3A_142 = vector.extract_strided_slice %get3A_129 {offsets = [2], sizes = [1], strides = [1]} : vector<16xf32> to vector<1xf32>
      %squeeze3A_143 = vector.extract %slice3A_142[0] : f32 from vector<1xf32>
      %broadcast_in_dim3A_144 = vector.broadcast %squeeze3A_143 : f32 to vector<16xf32>
      %max3A_145 = arith.constant 0.000000e+00 : f32
      %max3A_146 = vector.broadcast %max3A_145 : f32 to vector<16xf32>
      %max3A_147 = arith.maximumf %broadcast_in_dim3A_144, %max3A_146 : vector<16xf32>
      %slice3A_148 = vector.extract_strided_slice %get3A_129 {offsets = [3], sizes = [1], strides = [1]} : vector<16xf32> to vector<1xf32>
      %squeeze3A_149 = vector.extract %slice3A_148[0] : f32 from vector<1xf32>
      %broadcast_in_dim3A_150 = vector.broadcast %squeeze3A_149 : f32 to vector<16xf32>
      %max3A_151 = arith.constant 0.000000e+00 : f32
      %max3A_152 = vector.broadcast %max3A_151 : f32 to vector<16xf32>
      %max3A_153 = arith.maximumf %broadcast_in_dim3A_150, %max3A_152 : vector<16xf32>
      %slice3A_154 = vector.extract_strided_slice %get3A_129 {offsets = [4], sizes = [1], strides = [1]} : vector<16xf32> to vector<1xf32>
      %squeeze3A_155 = vector.extract %slice3A_154[0] : f32 from vector<1xf32>
      %broadcast_in_dim3A_156 = vector.broadcast %squeeze3A_155 : f32 to vector<16xf32>
      %max3A_157 = arith.constant 0.000000e+00 : f32
      %max3A_158 = vector.broadcast %max3A_157 : f32 to vector<16xf32>
      %max3A_159 = arith.maximumf %broadcast_in_dim3A_156, %max3A_158 : vector<16xf32>
      %slice3A_160 = vector.extract_strided_slice %get3A_129 {offsets = [5], sizes = [1], strides = [1]} : vector<16xf32> to vector<1xf32>
      %squeeze3A_161 = vector.extract %slice3A_160[0] : f32 from vector<1xf32>
      %broadcast_in_dim3A_162 = vector.broadcast %squeeze3A_161 : f32 to vector<16xf32>
      %max3A_163 = arith.constant 0.000000e+00 : f32
      %max3A_164 = vector.broadcast %max3A_163 : f32 to vector<16xf32>
      %max3A_165 = arith.maximumf %broadcast_in_dim3A_162, %max3A_164 : vector<16xf32>
      %slice3A_166 = vector.extract_strided_slice %get3A_129 {offsets = [6], sizes = [1], strides = [1]} : vector<16xf32> to vector<1xf32>
      %squeeze3A_167 = vector.extract %slice3A_166[0] : f32 from vector<1xf32>
      %broadcast_in_dim3A_168 = vector.broadcast %squeeze3A_167 : f32 to vector<16xf32>
      %max3A_169 = arith.constant 0.000000e+00 : f32
      %max3A_170 = vector.broadcast %max3A_169 : f32 to vector<16xf32>
      %max3A_171 = arith.maximumf %broadcast_in_dim3A_168, %max3A_170 : vector<16xf32>
      %slice3A_172 = vector.extract_strided_slice %get3A_129 {offsets = [7], sizes = [1], strides = [1]} : vector<16xf32> to vector<1xf32>
      %squeeze3A_173 = vector.extract %slice3A_172[0] : f32 from vector<1xf32>
      %broadcast_in_dim3A_174 = vector.broadcast %squeeze3A_173 : f32 to vector<16xf32>
      %max3A_175 = arith.constant 0.000000e+00 : f32
      %max3A_176 = vector.broadcast %max3A_175 : f32 to vector<16xf32>
      %max3A_177 = arith.maximumf %broadcast_in_dim3A_174, %max3A_176 : vector<16xf32>
      %slice3A_178 = vector.extract_strided_slice %get3A_129 {offsets = [8], sizes = [1], strides = [1]} : vector<16xf32> to vector<1xf32>
      %squeeze3A_179 = vector.extract %slice3A_178[0] : f32 from vector<1xf32>
      %broadcast_in_dim3A_180 = vector.broadcast %squeeze3A_179 : f32 to vector<16xf32>
      %max3A_181 = arith.constant 0.000000e+00 : f32
      %max3A_182 = vector.broadcast %max3A_181 : f32 to vector<16xf32>
      %max3A_183 = arith.maximumf %broadcast_in_dim3A_180, %max3A_182 : vector<16xf32>
      %slice3A_184 = vector.extract_strided_slice %get3A_129 {offsets = [9], sizes = [1], strides = [1]} : vector<16xf32> to vector<1xf32>
      %squeeze3A_185 = vector.extract %slice3A_184[0] : f32 from vector<1xf32>
      %broadcast_in_dim3A_186 = vector.broadcast %squeeze3A_185 : f32 to vector<16xf32>
      %max3A_187 = arith.constant 0.000000e+00 : f32
      %max3A_188 = vector.broadcast %max3A_187 : f32 to vector<16xf32>
      %max3A_189 = arith.maximumf %broadcast_in_dim3A_186, %max3A_188 : vector<16xf32>
      %slice3A_190 = vector.extract_strided_slice %get3A_129 {offsets = [10], sizes = [1], strides = [1]} : vector<16xf32> to vector<1xf32>
      %squeeze3A_191 = vector.extract %slice3A_190[0] : f32 from vector<1xf32>
      %broadcast_in_dim3A_192 = vector.broadcast %squeeze3A_191 : f32 to vector<16xf32>
      %max3A_193 = arith.constant 0.000000e+00 : f32
      %max3A_194 = vector.broadcast %max3A_193 : f32 to vector<16xf32>
      %max3A_195 = arith.maximumf %broadcast_in_dim3A_192, %max3A_194 : vector<16xf32>
      %slice3A_196 = vector.extract_strided_slice %get3A_129 {offsets = [11], sizes = [1], strides = [1]} : vector<16xf32> to vector<1xf32>
      %squeeze3A_197 = vector.extract %slice3A_196[0] : f32 from vector<1xf32>
      %broadcast_in_dim3A_198 = vector.broadcast %squeeze3A_197 : f32 to vector<16xf32>
      %max3A_199 = arith.constant 0.000000e+00 : f32
      %max3A_200 = vector.broadcast %max3A_199 : f32 to vector<16xf32>
      %max3A_201 = arith.maximumf %broadcast_in_dim3A_198, %max3A_200 : vector<16xf32>
      %slice3A_202 = vector.extract_strided_slice %get3A_129 {offsets = [12], sizes = [1], strides = [1]} : vector<16xf32> to vector<1xf32>
      %squeeze3A_203 = vector.extract %slice3A_202[0] : f32 from vector<1xf32>
      %broadcast_in_dim3A_204 = vector.broadcast %squeeze3A_203 : f32 to vector<16xf32>
      %max3A_205 = arith.constant 0.000000e+00 : f32
      %max3A_206 = vector.broadcast %max3A_205 : f32 to vector<16xf32>
      %max3A_207 = arith.maximumf %broadcast_in_dim3A_204, %max3A_206 : vector<16xf32>
      %slice3A_208 = vector.extract_strided_slice %get3A_129 {offsets = [13], sizes = [1], strides = [1]} : vector<16xf32> to vector<1xf32>
      %squeeze3A_209 = vector.extract %slice3A_208[0] : f32 from vector<1xf32>
      %broadcast_in_dim3A_210 = vector.broadcast %squeeze3A_209 : f32 to vector<16xf32>
      %max3A_211 = arith.constant 0.000000e+00 : f32
      %max3A_212 = vector.broadcast %max3A_211 : f32 to vector<16xf32>
      %max3A_213 = arith.maximumf %broadcast_in_dim3A_210, %max3A_212 : vector<16xf32>
      %slice3A_214 = vector.extract_strided_slice %get3A_129 {offsets = [14], sizes = [1], strides = [1]} : vector<16xf32> to vector<1xf32>
      %squeeze3A_215 = vector.extract %slice3A_214[0] : f32 from vector<1xf32>
      %broadcast_in_dim3A_216 = vector.broadcast %squeeze3A_215 : f32 to vector<16xf32>
      %max3A_217 = arith.constant 0.000000e+00 : f32
      %max3A_218 = vector.broadcast %max3A_217 : f32 to vector<16xf32>
      %max3A_219 = arith.maximumf %broadcast_in_dim3A_216, %max3A_218 : vector<16xf32>
      %slice3A_220 = vector.extract_strided_slice %get3A_129 {offsets = [15], sizes = [1], strides = [1]} : vector<16xf32> to vector<1xf32>
      %squeeze3A_221 = vector.extract %slice3A_220[0] : f32 from vector<1xf32>
      %broadcast_in_dim3A_222 = vector.broadcast %squeeze3A_221 : f32 to vector<16xf32>
      %max3A_223 = arith.constant 0.000000e+00 : f32
      %max3A_224 = vector.broadcast %max3A_223 : f32 to vector<16xf32>
      %max3A_225 = arith.maximumf %broadcast_in_dim3A_222, %max3A_224 : vector<16xf32>
      %slice3A_226 = vector.extract_strided_slice %get3A_131 {offsets = [0], sizes = [1], strides = [1]} : vector<16xf32> to vector<1xf32>
      %squeeze3A_227 = vector.extract %slice3A_226[0] : f32 from vector<1xf32>
      %broadcast_in_dim3A_228 = vector.broadcast %squeeze3A_227 : f32 to vector<16xf32>
      %max3A_229 = arith.constant 0.000000e+00 : f32
      %max3A_230 = vector.broadcast %max3A_229 : f32 to vector<16xf32>
      %max3A_231 = arith.maximumf %broadcast_in_dim3A_228, %max3A_230 : vector<16xf32>
      %slice3A_232 = vector.extract_strided_slice %get3A_131 {offsets = [1], sizes = [1], strides = [1]} : vector<16xf32> to vector<1xf32>
      %squeeze3A_233 = vector.extract %slice3A_232[0] : f32 from vector<1xf32>
      %broadcast_in_dim3A_234 = vector.broadcast %squeeze3A_233 : f32 to vector<16xf32>
      %max3A_235 = arith.constant 0.000000e+00 : f32
      %max3A_236 = vector.broadcast %max3A_235 : f32 to vector<16xf32>
      %max3A_237 = arith.maximumf %broadcast_in_dim3A_234, %max3A_236 : vector<16xf32>
      %slice3A_238 = vector.extract_strided_slice %get3A_131 {offsets = [2], sizes = [1], strides = [1]} : vector<16xf32> to vector<1xf32>
      %squeeze3A_239 = vector.extract %slice3A_238[0] : f32 from vector<1xf32>
      %broadcast_in_dim3A_240 = vector.broadcast %squeeze3A_239 : f32 to vector<16xf32>
      %max3A_241 = arith.constant 0.000000e+00 : f32
      %max3A_242 = vector.broadcast %max3A_241 : f32 to vector<16xf32>
      %max3A_243 = arith.maximumf %broadcast_in_dim3A_240, %max3A_242 : vector<16xf32>
      %slice3A_244 = vector.extract_strided_slice %get3A_131 {offsets = [3], sizes = [1], strides = [1]} : vector<16xf32> to vector<1xf32>
      %squeeze3A_245 = vector.extract %slice3A_244[0] : f32 from vector<1xf32>
      %broadcast_in_dim3A_246 = vector.broadcast %squeeze3A_245 : f32 to vector<16xf32>
      %max3A_247 = arith.constant 0.000000e+00 : f32
      %max3A_248 = vector.broadcast %max3A_247 : f32 to vector<16xf32>
      %max3A_249 = arith.maximumf %broadcast_in_dim3A_246, %max3A_248 : vector<16xf32>
      %slice3A_250 = vector.extract_strided_slice %get3A_131 {offsets = [4], sizes = [1], strides = [1]} : vector<16xf32> to vector<1xf32>
      %squeeze3A_251 = vector.extract %slice3A_250[0] : f32 from vector<1xf32>
      %broadcast_in_dim3A_252 = vector.broadcast %squeeze3A_251 : f32 to vector<16xf32>
      %max3A_253 = arith.constant 0.000000e+00 : f32
      %max3A_254 = vector.broadcast %max3A_253 : f32 to vector<16xf32>
      %max3A_255 = arith.maximumf %broadcast_in_dim3A_252, %max3A_254 : vector<16xf32>
      %slice3A_256 = vector.extract_strided_slice %get3A_131 {offsets = [5], sizes = [1], strides = [1]} : vector<16xf32> to vector<1xf32>
      %squeeze3A_257 = vector.extract %slice3A_256[0] : f32 from vector<1xf32>
      %broadcast_in_dim3A_258 = vector.broadcast %squeeze3A_257 : f32 to vector<16xf32>
      %max3A_259 = arith.constant 0.000000e+00 : f32
      %max3A_260 = vector.broadcast %max3A_259 : f32 to vector<16xf32>
      %max3A_261 = arith.maximumf %broadcast_in_dim3A_258, %max3A_260 : vector<16xf32>
      %slice3A_262 = vector.extract_strided_slice %get3A_131 {offsets = [6], sizes = [1], strides = [1]} : vector<16xf32> to vector<1xf32>
      %squeeze3A_263 = vector.extract %slice3A_262[0] : f32 from vector<1xf32>
      %broadcast_in_dim3A_264 = vector.broadcast %squeeze3A_263 : f32 to vector<16xf32>
      %max3A_265 = arith.constant 0.000000e+00 : f32
      %max3A_266 = vector.broadcast %max3A_265 : f32 to vector<16xf32>
      %max3A_267 = arith.maximumf %broadcast_in_dim3A_264, %max3A_266 : vector<16xf32>
      %slice3A_268 = vector.extract_strided_slice %get3A_131 {offsets = [7], sizes = [1], strides = [1]} : vector<16xf32> to vector<1xf32>
      %squeeze3A_269 = vector.extract %slice3A_268[0] : f32 from vector<1xf32>
      %broadcast_in_dim3A_270 = vector.broadcast %squeeze3A_269 : f32 to vector<16xf32>
      %max3A_271 = arith.constant 0.000000e+00 : f32
      %max3A_272 = vector.broadcast %max3A_271 : f32 to vector<16xf32>
      %max3A_273 = arith.maximumf %broadcast_in_dim3A_270, %max3A_272 : vector<16xf32>
      %slice3A_274 = vector.extract_strided_slice %get3A_131 {offsets = [8], sizes = [1], strides = [1]} : vector<16xf32> to vector<1xf32>
      %squeeze3A_275 = vector.extract %slice3A_274[0] : f32 from vector<1xf32>
      %broadcast_in_dim3A_276 = vector.broadcast %squeeze3A_275 : f32 to vector<16xf32>
      %max3A_277 = arith.constant 0.000000e+00 : f32
      %max3A_278 = vector.broadcast %max3A_277 : f32 to vector<16xf32>
      %max3A_279 = arith.maximumf %broadcast_in_dim3A_276, %max3A_278 : vector<16xf32>
      %slice3A_280 = vector.extract_strided_slice %get3A_131 {offsets = [9], sizes = [1], strides = [1]} : vector<16xf32> to vector<1xf32>
      %squeeze3A_281 = vector.extract %slice3A_280[0] : f32 from vector<1xf32>
      %broadcast_in_dim3A_282 = vector.broadcast %squeeze3A_281 : f32 to vector<16xf32>
      %max3A_283 = arith.constant 0.000000e+00 : f32
      %max3A_284 = vector.broadcast %max3A_283 : f32 to vector<16xf32>
      %max3A_285 = arith.maximumf %broadcast_in_dim3A_282, %max3A_284 : vector<16xf32>
      %slice3A_286 = vector.extract_strided_slice %get3A_131 {offsets = [10], sizes = [1], strides = [1]} : vector<16xf32> to vector<1xf32>
      %squeeze3A_287 = vector.extract %slice3A_286[0] : f32 from vector<1xf32>
      %broadcast_in_dim3A_288 = vector.broadcast %squeeze3A_287 : f32 to vector<16xf32>
      %max3A_289 = arith.constant 0.000000e+00 : f32
      %max3A_290 = vector.broadcast %max3A_289 : f32 to vector<16xf32>
      %max3A_291 = arith.maximumf %broadcast_in_dim3A_288, %max3A_290 : vector<16xf32>
      %slice3A_292 = vector.extract_strided_slice %get3A_131 {offsets = [11], sizes = [1], strides = [1]} : vector<16xf32> to vector<1xf32>
      %squeeze3A_293 = vector.extract %slice3A_292[0] : f32 from vector<1xf32>
      %broadcast_in_dim3A_294 = vector.broadcast %squeeze3A_293 : f32 to vector<16xf32>
      %max3A_295 = arith.constant 0.000000e+00 : f32
      %max3A_296 = vector.broadcast %max3A_295 : f32 to vector<16xf32>
      %max3A_297 = arith.maximumf %broadcast_in_dim3A_294, %max3A_296 : vector<16xf32>
      %slice3A_298 = vector.extract_strided_slice %get3A_131 {offsets = [12], sizes = [1], strides = [1]} : vector<16xf32> to vector<1xf32>
      %squeeze3A_299 = vector.extract %slice3A_298[0] : f32 from vector<1xf32>
      %broadcast_in_dim3A_300 = vector.broadcast %squeeze3A_299 : f32 to vector<16xf32>
      %max3A_301 = arith.constant 0.000000e+00 : f32
      %max3A_302 = vector.broadcast %max3A_301 : f32 to vector<16xf32>
      %max3A_303 = arith.maximumf %broadcast_in_dim3A_300, %max3A_302 : vector<16xf32>
      %slice3A_304 = vector.extract_strided_slice %get3A_131 {offsets = [13], sizes = [1], strides = [1]} : vector<16xf32> to vector<1xf32>
      %squeeze3A_305 = vector.extract %slice3A_304[0] : f32 from vector<1xf32>
      %broadcast_in_dim3A_306 = vector.broadcast %squeeze3A_305 : f32 to vector<16xf32>
      %max3A_307 = arith.constant 0.000000e+00 : f32
      %max3A_308 = vector.broadcast %max3A_307 : f32 to vector<16xf32>
      %max3A_309 = arith.maximumf %broadcast_in_dim3A_306, %max3A_308 : vector<16xf32>
      %slice3A_310 = vector.extract_strided_slice %get3A_131 {offsets = [14], sizes = [1], strides = [1]} : vector<16xf32> to vector<1xf32>
      %squeeze3A_311 = vector.extract %slice3A_310[0] : f32 from vector<1xf32>
      %broadcast_in_dim3A_312 = vector.broadcast %squeeze3A_311 : f32 to vector<16xf32>
      %max3A_313 = arith.constant 0.000000e+00 : f32
      %max3A_314 = vector.broadcast %max3A_313 : f32 to vector<16xf32>
      %max3A_315 = arith.maximumf %broadcast_in_dim3A_312, %max3A_314 : vector<16xf32>
      %slice3A_316 = vector.extract_strided_slice %get3A_131 {offsets = [15], sizes = [1], strides = [1]} : vector<16xf32> to vector<1xf32>
      %squeeze3A_317 = vector.extract %slice3A_316[0] : f32 from vector<1xf32>
      %broadcast_in_dim3A_318 = vector.broadcast %squeeze3A_317 : f32 to vector<16xf32>
      %max3A_319 = arith.constant 0.000000e+00 : f32
      %max3A_320 = vector.broadcast %max3A_319 : f32 to vector<16xf32>
      %max3A_321 = arith.maximumf %broadcast_in_dim3A_318, %max3A_320 : vector<16xf32>
      %scan3A_322 = arith.constant 0 : i32
      %scan3A_323 = arith.constant 0 : i32
      %scan3A_324 = arith.constant 48 : i32
      %scan3A_325 = arith.addi %scan3A_323, %scan3A_324 : i32
      %scan3A_326 = arith.constant 2 : i32
      scf.for %scan3A_653 = %scan3A_323 to %scan3A_325 step %scan3A_326  : i32 {
        %mul3A_654 = arith.constant 16 : i32
        %mul3A_655 = arith.muli %scan3A_653, %mul3A_654 : i32
        %get3A_656 = arith.index_cast %mul3A_655 : i32 to index
        %get3A_657 = tpu.vector_load %arg16[%get3A_656] {strides = array<i32>} : memref<768xf32, #tpu.memory_space<vmem>>, vector<16xf32>,
        %broadcast_in_dim3A_658 = arith.constant 0.000000e+00 : f32
        %broadcast_in_dim3A_659 = vector.broadcast %broadcast_in_dim3A_658 : f32 to vector<16xf32>
        %broadcast_in_dim3A_660 = arith.constant 0.000000e+00 : f32
        %broadcast_in_dim3A_661 = vector.broadcast %broadcast_in_dim3A_660 : f32 to vector<16xf32>
        %broadcast_in_dim3A_662 = arith.constant 0.000000e+00 : f32
        %broadcast_in_dim3A_663 = vector.broadcast %broadcast_in_dim3A_662 : f32 to vector<16xf32>
        %mul3A_664 = arith.constant 16 : i32
        %mul3A_665 = arith.muli %scan3A_653, %mul3A_664 : i32
        %get3A_666 = arith.constant 0 : i32
        %get3A_667 = arith.index_cast %get3A_666 : i32 to index
        %get3A_668 = arith.index_cast %mul3A_665 : i32 to index
        %get3A_669 = tpu.vector_load %arg14[%get3A_667, %get3A_668] {strides = array<i32>} : memref<32x768xf32, #tpu.memory_space<vmem>>, vector<16xf32>,
        %mul3A_670 = arith.mulf %get3A_669, %max3A_135 : vector<16xf32>
        %add3A_671 = arith.addf %get3A_657, %mul3A_670 : vector<16xf32>
        %mul3A_672 = arith.constant 16 : i32
        %mul3A_673 = arith.muli %scan3A_653, %mul3A_672 : i32
        %get3A_674 = arith.constant 1 : i32
        %get3A_675 = arith.index_cast %get3A_674 : i32 to index
        %get3A_676 = arith.index_cast %mul3A_673 : i32 to index
        %get3A_677 = tpu.vector_load %arg14[%get3A_675, %get3A_676] {strides = array<i32>} : memref<32x768xf32, #tpu.memory_space<vmem>>, vector<16xf32>,
        %mul3A_678 = arith.mulf %get3A_677, %max3A_141 : vector<16xf32>
        %add3A_679 = arith.addf %broadcast_in_dim3A_659, %mul3A_678 : vector<16xf32>
        %mul3A_680 = arith.constant 16 : i32
        %mul3A_681 = arith.muli %scan3A_653, %mul3A_680 : i32
        %get3A_682 = arith.constant 2 : i32
        %get3A_683 = arith.index_cast %get3A_682 : i32 to index
        %get3A_684 = arith.index_cast %mul3A_681 : i32 to index
        %get3A_685 = tpu.vector_load %arg14[%get3A_683, %get3A_684] {strides = array<i32>} : memref<32x768xf32, #tpu.memory_space<vmem>>, vector<16xf32>,
        %mul3A_686 = arith.mulf %get3A_685, %max3A_147 : vector<16xf32>
        %add3A_687 = arith.addf %broadcast_in_dim3A_661, %mul3A_686 : vector<16xf32>
        %mul3A_688 = arith.constant 16 : i32
        %mul3A_689 = arith.muli %scan3A_653, %mul3A_688 : i32
        %get3A_690 = arith.constant 3 : i32
        %get3A_691 = arith.index_cast %get3A_690 : i32 to index
        %get3A_692 = arith.index_cast %mul3A_689 : i32 to index
        %get3A_693 = tpu.vector_load %arg14[%get3A_691, %get3A_692] {strides = array<i32>} : memref<32x768xf32, #tpu.memory_space<vmem>>, vector<16xf32>,
        %mul3A_694 = arith.mulf %get3A_693, %max3A_153 : vector<16xf32>
        %add3A_695 = arith.addf %broadcast_in_dim3A_663, %mul3A_694 : vector<16xf32>
        %mul3A_696 = arith.constant 16 : i32
        %mul3A_697 = arith.muli %scan3A_653, %mul3A_696 : i32
        %get3A_698 = arith.constant 4 : i32
        %get3A_699 = arith.index_cast %get3A_698 : i32 to index
        %get3A_700 = arith.index_cast %mul3A_697 : i32 to index
        %get3A_701 = tpu.vector_load %arg14[%get3A_699, %get3A_700] {strides = array<i32>} : memref<32x768xf32, #tpu.memory_space<vmem>>, vector<16xf32>,
        %mul3A_702 = arith.mulf %get3A_701, %max3A_159 : vector<16xf32>
        %add3A_703 = arith.addf %add3A_671, %mul3A_702 : vector<16xf32>
        %mul3A_704 = arith.constant 16 : i32
        %mul3A_705 = arith.muli %scan3A_653, %mul3A_704 : i32
        %get3A_706 = arith.constant 5 : i32
        %get3A_707 = arith.index_cast %get3A_706 : i32 to index
        %get3A_708 = arith.index_cast %mul3A_705 : i32 to index
        %get3A_709 = tpu.vector_load %arg14[%get3A_707, %get3A_708] {strides = array<i32>} : memref<32x768xf32, #tpu.memory_space<vmem>>, vector<16xf32>,
        %mul3A_710 = arith.mulf %get3A_709, %max3A_165 : vector<16xf32>
        %add3A_711 = arith.addf %add3A_679, %mul3A_710 : vector<16xf32>
        %mul3A_712 = arith.constant 16 : i32
        %mul3A_713 = arith.muli %scan3A_653, %mul3A_712 : i32
        %get3A_714 = arith.constant 6 : i32
        %get3A_715 = arith.index_cast %get3A_714 : i32 to index
        %get3A_716 = arith.index_cast %mul3A_713 : i32 to index
        %get3A_717 = tpu.vector_load %arg14[%get3A_715, %get3A_716] {strides = array<i32>} : memref<32x768xf32, #tpu.memory_space<vmem>>, vector<16xf32>,
        %mul3A_718 = arith.mulf %get3A_717, %max3A_171 : vector<16xf32>
        %add3A_719 = arith.addf %add3A_687, %mul3A_718 : vector<16xf32>
        %mul3A_720 = arith.constant 16 : i32
        %mul3A_721 = arith.muli %scan3A_653, %mul3A_720 : i32
        %get3A_722 = arith.constant 7 : i32
        %get3A_723 = arith.index_cast %get3A_722 : i32 to index
        %get3A_724 = arith.index_cast %mul3A_721 : i32 to index
        %get3A_725 = tpu.vector_load %arg14[%get3A_723, %get3A_724] {strides = array<i32>} : memref<32x768xf32, #tpu.memory_space<vmem>>, vector<16xf32>,
        %mul3A_726 = arith.mulf %get3A_725, %max3A_177 : vector<16xf32>
        %add3A_727 = arith.addf %add3A_695, %mul3A_726 : vector<16xf32>
        %mul3A_728 = arith.constant 16 : i32
        %mul3A_729 = arith.muli %scan3A_653, %mul3A_728 : i32
        %get3A_730 = arith.constant 8 : i32
        %get3A_731 = arith.index_cast %get3A_730 : i32 to index
        %get3A_732 = arith.index_cast %mul3A_729 : i32 to index
        %get3A_733 = tpu.vector_load %arg14[%get3A_731, %get3A_732] {strides = array<i32>} : memref<32x768xf32, #tpu.memory_space<vmem>>, vector<16xf32>,
        %mul3A_734 = arith.mulf %get3A_733, %max3A_183 : vector<16xf32>
        %add3A_735 = arith.addf %add3A_703, %mul3A_734 : vector<16xf32>
        %mul3A_736 = arith.constant 16 : i32
        %mul3A_737 = arith.muli %scan3A_653, %mul3A_736 : i32
        %get3A_738 = arith.constant 9 : i32
        %get3A_739 = arith.index_cast %get3A_738 : i32 to index
        %get3A_740 = arith.index_cast %mul3A_737 : i32 to index
        %get3A_741 = tpu.vector_load %arg14[%get3A_739, %get3A_740] {strides = array<i32>} : memref<32x768xf32, #tpu.memory_space<vmem>>, vector<16xf32>,
        %mul3A_742 = arith.mulf %get3A_741, %max3A_189 : vector<16xf32>
        %add3A_743 = arith.addf %add3A_711, %mul3A_742 : vector<16xf32>
        %mul3A_744 = arith.constant 16 : i32
        %mul3A_745 = arith.muli %scan3A_653, %mul3A_744 : i32
        %get3A_746 = arith.constant 10 : i32
        %get3A_747 = arith.index_cast %get3A_746 : i32 to index
        %get3A_748 = arith.index_cast %mul3A_745 : i32 to index
        %get3A_749 = tpu.vector_load %arg14[%get3A_747, %get3A_748] {strides = array<i32>} : memref<32x768xf32, #tpu.memory_space<vmem>>, vector<16xf32>,
        %mul3A_750 = arith.mulf %get3A_749, %max3A_195 : vector<16xf32>
        %add3A_751 = arith.addf %add3A_719, %mul3A_750 : vector<16xf32>
        %mul3A_752 = arith.constant 16 : i32
        %mul3A_753 = arith.muli %scan3A_653, %mul3A_752 : i32
        %get3A_754 = arith.constant 11 : i32
        %get3A_755 = arith.index_cast %get3A_754 : i32 to index
        %get3A_756 = arith.index_cast %mul3A_753 : i32 to index
        %get3A_757 = tpu.vector_load %arg14[%get3A_755, %get3A_756] {strides = array<i32>} : memref<32x768xf32, #tpu.memory_space<vmem>>, vector<16xf32>,
        %mul3A_758 = arith.mulf %get3A_757, %max3A_201 : vector<16xf32>
        %add3A_759 = arith.addf %add3A_727, %mul3A_758 : vector<16xf32>
        %mul3A_760 = arith.constant 16 : i32
        %mul3A_761 = arith.muli %scan3A_653, %mul3A_760 : i32
        %get3A_762 = arith.constant 12 : i32
        %get3A_763 = arith.index_cast %get3A_762 : i32 to index
        %get3A_764 = arith.index_cast %mul3A_761 : i32 to index
        %get3A_765 = tpu.vector_load %arg14[%get3A_763, %get3A_764] {strides = array<i32>} : memref<32x768xf32, #tpu.memory_space<vmem>>, vector<16xf32>,
        %mul3A_766 = arith.mulf %get3A_765, %max3A_207 : vector<16xf32>
        %add3A_767 = arith.addf %add3A_735, %mul3A_766 : vector<16xf32>
        %mul3A_768 = arith.constant 16 : i32
        %mul3A_769 = arith.muli %scan3A_653, %mul3A_768 : i32
        %get3A_770 = arith.constant 13 : i32
        %get3A_771 = arith.index_cast %get3A_770 : i32 to index
        %get3A_772 = arith.index_cast %mul3A_769 : i32 to index
        %get3A_773 = tpu.vector_load %arg14[%get3A_771, %get3A_772] {strides = array<i32>} : memref<32x768xf32, #tpu.memory_space<vmem>>, vector<16xf32>,
        %mul3A_774 = arith.mulf %get3A_773, %max3A_213 : vector<16xf32>
        %add3A_775 = arith.addf %add3A_743, %mul3A_774 : vector<16xf32>
        %mul3A_776 = arith.constant 16 : i32
        %mul3A_777 = arith.muli %scan3A_653, %mul3A_776 : i32
        %get3A_778 = arith.constant 14 : i32
        %get3A_779 = arith.index_cast %get3A_778 : i32 to index
        %get3A_780 = arith.index_cast %mul3A_777 : i32 to index
        %get3A_781 = tpu.vector_load %arg14[%get3A_779, %get3A_780] {strides = array<i32>} : memref<32x768xf32, #tpu.memory_space<vmem>>, vector<16xf32>,
        %mul3A_782 = arith.mulf %get3A_781, %max3A_219 : vector<16xf32>
        %add3A_783 = arith.addf %add3A_751, %mul3A_782 : vector<16xf32>
        %mul3A_784 = arith.constant 16 : i32
        %mul3A_785 = arith.muli %scan3A_653, %mul3A_784 : i32
        %get3A_786 = arith.constant 15 : i32
        %get3A_787 = arith.index_cast %get3A_786 : i32 to index
        %get3A_788 = arith.index_cast %mul3A_785 : i32 to index
        %get3A_789 = tpu.vector_load %arg14[%get3A_787, %get3A_788] {strides = array<i32>} : memref<32x768xf32, #tpu.memory_space<vmem>>, vector<16xf32>,
        %mul3A_790 = arith.mulf %get3A_789, %max3A_225 : vector<16xf32>
        %add3A_791 = arith.addf %add3A_759, %mul3A_790 : vector<16xf32>
        %mul3A_792 = arith.constant 16 : i32
        %mul3A_793 = arith.muli %scan3A_653, %mul3A_792 : i32
        %get3A_794 = arith.constant 16 : i32
        %get3A_795 = arith.index_cast %get3A_794 : i32 to index
        %get3A_796 = arith.index_cast %mul3A_793 : i32 to index
        %get3A_797 = tpu.vector_load %arg14[%get3A_795, %get3A_796] {strides = array<i32>} : memref<32x768xf32, #tpu.memory_space<vmem>>, vector<16xf32>,
        %mul3A_798 = arith.mulf %get3A_797, %max3A_231 : vector<16xf32>
        %add3A_799 = arith.addf %add3A_767, %mul3A_798 : vector<16xf32>
        %mul3A_800 = arith.constant 16 : i32
        %mul3A_801 = arith.muli %scan3A_653, %mul3A_800 : i32
        %get3A_802 = arith.constant 17 : i32
        %get3A_803 = arith.index_cast %get3A_802 : i32 to index
        %get3A_804 = arith.index_cast %mul3A_801 : i32 to index
        %get3A_805 = tpu.vector_load %arg14[%get3A_803, %get3A_804] {strides = array<i32>} : memref<32x768xf32, #tpu.memory_space<vmem>>, vector<16xf32>,
        %mul3A_806 = arith.mulf %get3A_805, %max3A_237 : vector<16xf32>
        %add3A_807 = arith.addf %add3A_775, %mul3A_806 : vector<16xf32>
        %mul3A_808 = arith.constant 16 : i32
        %mul3A_809 = arith.muli %scan3A_653, %mul3A_808 : i32
        %get3A_810 = arith.constant 18 : i32
        %get3A_811 = arith.index_cast %get3A_810 : i32 to index
        %get3A_812 = arith.index_cast %mul3A_809 : i32 to index
        %get3A_813 = tpu.vector_load %arg14[%get3A_811, %get3A_812] {strides = array<i32>} : memref<32x768xf32, #tpu.memory_space<vmem>>, vector<16xf32>,
        %mul3A_814 = arith.mulf %get3A_813, %max3A_243 : vector<16xf32>
        %add3A_815 = arith.addf %add3A_783, %mul3A_814 : vector<16xf32>
        %mul3A_816 = arith.constant 16 : i32
        %mul3A_817 = arith.muli %scan3A_653, %mul3A_816 : i32
        %get3A_818 = arith.constant 19 : i32
        %get3A_819 = arith.index_cast %get3A_818 : i32 to index
        %get3A_820 = arith.index_cast %mul3A_817 : i32 to index
        %get3A_821 = tpu.vector_load %arg14[%get3A_819, %get3A_820] {strides = array<i32>} : memref<32x768xf32, #tpu.memory_space<vmem>>, vector<16xf32>,
        %mul3A_822 = arith.mulf %get3A_821, %max3A_249 : vector<16xf32>
        %add3A_823 = arith.addf %add3A_791, %mul3A_822 : vector<16xf32>
        %mul3A_824 = arith.constant 16 : i32
        %mul3A_825 = arith.muli %scan3A_653, %mul3A_824 : i32
        %get3A_826 = arith.constant 20 : i32
        %get3A_827 = arith.index_cast %get3A_826 : i32 to index
        %get3A_828 = arith.index_cast %mul3A_825 : i32 to index
        %get3A_829 = tpu.vector_load %arg14[%get3A_827, %get3A_828] {strides = array<i32>} : memref<32x768xf32, #tpu.memory_space<vmem>>, vector<16xf32>,
        %mul3A_830 = arith.mulf %get3A_829, %max3A_255 : vector<16xf32>
        %add3A_831 = arith.addf %add3A_799, %mul3A_830 : vector<16xf32>
        %mul3A_832 = arith.constant 16 : i32
        %mul3A_833 = arith.muli %scan3A_653, %mul3A_832 : i32
        %get3A_834 = arith.constant 21 : i32
        %get3A_835 = arith.index_cast %get3A_834 : i32 to index
        %get3A_836 = arith.index_cast %mul3A_833 : i32 to index
        %get3A_837 = tpu.vector_load %arg14[%get3A_835, %get3A_836] {strides = array<i32>} : memref<32x768xf32, #tpu.memory_space<vmem>>, vector<16xf32>,
        %mul3A_838 = arith.mulf %get3A_837, %max3A_261 : vector<16xf32>
        %add3A_839 = arith.addf %add3A_807, %mul3A_838 : vector<16xf32>
        %mul3A_840 = arith.constant 16 : i32
        %mul3A_841 = arith.muli %scan3A_653, %mul3A_840 : i32
        %get3A_842 = arith.constant 22 : i32
        %get3A_843 = arith.index_cast %get3A_842 : i32 to index
        %get3A_844 = arith.index_cast %mul3A_841 : i32 to index
        %get3A_845 = tpu.vector_load %arg14[%get3A_843, %get3A_844] {strides = array<i32>} : memref<32x768xf32, #tpu.memory_space<vmem>>, vector<16xf32>,
        %mul3A_846 = arith.mulf %get3A_845, %max3A_267 : vector<16xf32>
        %add3A_847 = arith.addf %add3A_815, %mul3A_846 : vector<16xf32>
        %mul3A_848 = arith.constant 16 : i32
        %mul3A_849 = arith.muli %scan3A_653, %mul3A_848 : i32
        %get3A_850 = arith.constant 23 : i32
        %get3A_851 = arith.index_cast %get3A_850 : i32 to index
        %get3A_852 = arith.index_cast %mul3A_849 : i32 to index
        %get3A_853 = tpu.vector_load %arg14[%get3A_851, %get3A_852] {strides = array<i32>} : memref<32x768xf32, #tpu.memory_space<vmem>>, vector<16xf32>,
        %mul3A_854 = arith.mulf %get3A_853, %max3A_273 : vector<16xf32>
        %add3A_855 = arith.addf %add3A_823, %mul3A_854 : vector<16xf32>
        %mul3A_856 = arith.constant 16 : i32
        %mul3A_857 = arith.muli %scan3A_653, %mul3A_856 : i32
        %get3A_858 = arith.constant 24 : i32
        %get3A_859 = arith.index_cast %get3A_858 : i32 to index
        %get3A_860 = arith.index_cast %mul3A_857 : i32 to index
        %get3A_861 = tpu.vector_load %arg14[%get3A_859, %get3A_860] {strides = array<i32>} : memref<32x768xf32, #tpu.memory_space<vmem>>, vector<16xf32>,
        %mul3A_862 = arith.mulf %get3A_861, %max3A_279 : vector<16xf32>
        %add3A_863 = arith.addf %add3A_831, %mul3A_862 : vector<16xf32>
        %mul3A_864 = arith.constant 16 : i32
        %mul3A_865 = arith.muli %scan3A_653, %mul3A_864 : i32
        %get3A_866 = arith.constant 25 : i32
        %get3A_867 = arith.index_cast %get3A_866 : i32 to index
        %get3A_868 = arith.index_cast %mul3A_865 : i32 to index
        %get3A_869 = tpu.vector_load %arg14[%get3A_867, %get3A_868] {strides = array<i32>} : memref<32x768xf32, #tpu.memory_space<vmem>>, vector<16xf32>,
        %mul3A_870 = arith.mulf %get3A_869, %max3A_285 : vector<16xf32>
        %add3A_871 = arith.addf %add3A_839, %mul3A_870 : vector<16xf32>
        %mul3A_872 = arith.constant 16 : i32
        %mul3A_873 = arith.muli %scan3A_653, %mul3A_872 : i32
        %get3A_874 = arith.constant 26 : i32
        %get3A_875 = arith.index_cast %get3A_874 : i32 to index
        %get3A_876 = arith.index_cast %mul3A_873 : i32 to index
        %get3A_877 = tpu.vector_load %arg14[%get3A_875, %get3A_876] {strides = array<i32>} : memref<32x768xf32, #tpu.memory_space<vmem>>, vector<16xf32>,
        %mul3A_878 = arith.mulf %get3A_877, %max3A_291 : vector<16xf32>
        %add3A_879 = arith.addf %add3A_847, %mul3A_878 : vector<16xf32>
        %mul3A_880 = arith.constant 16 : i32
        %mul3A_881 = arith.muli %scan3A_653, %mul3A_880 : i32
        %get3A_882 = arith.constant 27 : i32
        %get3A_883 = arith.index_cast %get3A_882 : i32 to index
        %get3A_884 = arith.index_cast %mul3A_881 : i32 to index
        %get3A_885 = tpu.vector_load %arg14[%get3A_883, %get3A_884] {strides = array<i32>} : memref<32x768xf32, #tpu.memory_space<vmem>>, vector<16xf32>,
        %mul3A_886 = arith.mulf %get3A_885, %max3A_297 : vector<16xf32>
        %add3A_887 = arith.addf %add3A_855, %mul3A_886 : vector<16xf32>
        %mul3A_888 = arith.constant 16 : i32
        %mul3A_889 = arith.muli %scan3A_653, %mul3A_888 : i32
        %get3A_890 = arith.constant 28 : i32
        %get3A_891 = arith.index_cast %get3A_890 : i32 to index
        %get3A_892 = arith.index_cast %mul3A_889 : i32 to index
        %get3A_893 = tpu.vector_load %arg14[%get3A_891, %get3A_892] {strides = array<i32>} : memref<32x768xf32, #tpu.memory_space<vmem>>, vector<16xf32>,
        %mul3A_894 = arith.mulf %get3A_893, %max3A_303 : vector<16xf32>
        %add3A_895 = arith.addf %add3A_863, %mul3A_894 : vector<16xf32>
        %mul3A_896 = arith.constant 16 : i32
        %mul3A_897 = arith.muli %scan3A_653, %mul3A_896 : i32
        %get3A_898 = arith.constant 29 : i32
        %get3A_899 = arith.index_cast %get3A_898 : i32 to index
        %get3A_900 = arith.index_cast %mul3A_897 : i32 to index
        %get3A_901 = tpu.vector_load %arg14[%get3A_899, %get3A_900] {strides = array<i32>} : memref<32x768xf32, #tpu.memory_space<vmem>>, vector<16xf32>,
        %mul3A_902 = arith.mulf %get3A_901, %max3A_309 : vector<16xf32>
        %add3A_903 = arith.addf %add3A_871, %mul3A_902 : vector<16xf32>
        %mul3A_904 = arith.constant 16 : i32
        %mul3A_905 = arith.muli %scan3A_653, %mul3A_904 : i32
        %get3A_906 = arith.constant 30 : i32
        %get3A_907 = arith.index_cast %get3A_906 : i32 to index
        %get3A_908 = arith.index_cast %mul3A_905 : i32 to index
        %get3A_909 = tpu.vector_load %arg14[%get3A_907, %get3A_908] {strides = array<i32>} : memref<32x768xf32, #tpu.memory_space<vmem>>, vector<16xf32>,
        %mul3A_910 = arith.mulf %get3A_909, %max3A_315 : vector<16xf32>
        %add3A_911 = arith.addf %add3A_879, %mul3A_910 : vector<16xf32>
        %mul3A_912 = arith.constant 16 : i32
        %mul3A_913 = arith.muli %scan3A_653, %mul3A_912 : i32
        %get3A_914 = arith.constant 31 : i32
        %get3A_915 = arith.index_cast %get3A_914 : i32 to index
        %get3A_916 = arith.index_cast %mul3A_913 : i32 to index
        %get3A_917 = tpu.vector_load %arg14[%get3A_915, %get3A_916] {strides = array<i32>} : memref<32x768xf32, #tpu.memory_space<vmem>>, vector<16xf32>,
        %mul3A_918 = arith.mulf %get3A_917, %max3A_321 : vector<16xf32>
        %add3A_919 = arith.addf %add3A_887, %mul3A_918 : vector<16xf32>
        %add3A_920 = arith.addf %add3A_895, %add3A_903 : vector<16xf32>
        %add3A_921 = arith.addf %add3A_911, %add3A_919 : vector<16xf32>
        %add3A_922 = arith.addf %add3A_920, %add3A_921 : vector<16xf32>
        %mul3A_923 = arith.constant 16 : i32
        %mul3A_924 = arith.muli %scan3A_653, %mul3A_923 : i32
        %swap3A_925 = arith.index_cast %mul3A_924 : i32 to index
        %swap3A_926 = tpu.vector_load %arg15[%swap3A_925] {strides = array<i32>} : memref<768xf32, #tpu.memory_space<vmem>>, vector<16xf32>,
        tpu.vector_store %arg15[%swap3A_925], %add3A_922 {strides = array<i32>} : memref<768xf32, #tpu.memory_space<vmem>>, vector<16xf32>,
        %scan3A_927 = arith.constant 1 : i32
        %scan3A_928 = arith.addi %scan3A_653, %scan3A_927 : i32
        %mul3A_929 = arith.constant 16 : i32
        %mul3A_930 = arith.muli %scan3A_928, %mul3A_929 : i32
        %get3A_931 = arith.index_cast %mul3A_930 : i32 to index
        %get3A_932 = tpu.vector_load %arg16[%get3A_931] {strides = array<i32>} : memref<768xf32, #tpu.memory_space<vmem>>, vector<16xf32>,
        %broadcast_in_dim3A_933 = arith.constant 0.000000e+00 : f32
        %broadcast_in_dim3A_934 = vector.broadcast %broadcast_in_dim3A_933 : f32 to vector<16xf32>
        %broadcast_in_dim3A_935 = arith.constant 0.000000e+00 : f32
        %broadcast_in_dim3A_936 = vector.broadcast %broadcast_in_dim3A_935 : f32 to vector<16xf32>
        %broadcast_in_dim3A_937 = arith.constant 0.000000e+00 : f32
        %broadcast_in_dim3A_938 = vector.broadcast %broadcast_in_dim3A_937 : f32 to vector<16xf32>
        %mul3A_939 = arith.constant 16 : i32
        %mul3A_940 = arith.muli %scan3A_928, %mul3A_939 : i32
        %get3A_941 = arith.constant 0 : i32
        %get3A_942 = arith.index_cast %get3A_941 : i32 to index
        %get3A_943 = arith.index_cast %mul3A_940 : i32 to index
        %get3A_944 = tpu.vector_load %arg14[%get3A_942, %get3A_943] {strides = array<i32>} : memref<32x768xf32, #tpu.memory_space<vmem>>, vector<16xf32>,
        %mul3A_945 = arith.mulf %get3A_944, %max3A_135 : vector<16xf32>
        %add3A_946 = arith.addf %get3A_932, %mul3A_945 : vector<16xf32>
        %mul3A_947 = arith.constant 16 : i32
        %mul3A_948 = arith.muli %scan3A_928, %mul3A_947 : i32
        %get3A_949 = arith.constant 1 : i32
        %get3A_950 = arith.index_cast %get3A_949 : i32 to index
        %get3A_951 = arith.index_cast %mul3A_948 : i32 to index
        %get3A_952 = tpu.vector_load %arg14[%get3A_950, %get3A_951] {strides = array<i32>} : memref<32x768xf32, #tpu.memory_space<vmem>>, vector<16xf32>,
        %mul3A_953 = arith.mulf %get3A_952, %max3A_141 : vector<16xf32>
        %add3A_954 = arith.addf %broadcast_in_dim3A_934, %mul3A_953 : vector<16xf32>
        %mul3A_955 = arith.constant 16 : i32
        %mul3A_956 = arith.muli %scan3A_928, %mul3A_955 : i32
        %get3A_957 = arith.constant 2 : i32
        %get3A_958 = arith.index_cast %get3A_957 : i32 to index
        %get3A_959 = arith.index_cast %mul3A_956 : i32 to index
        %get3A_960 = tpu.vector_load %arg14[%get3A_958, %get3A_959] {strides = array<i32>} : memref<32x768xf32, #tpu.memory_space<vmem>>, vector<16xf32>,
        %mul3A_961 = arith.mulf %get3A_960, %max3A_147 : vector<16xf32>
        %add3A_962 = arith.addf %broadcast_in_dim3A_936, %mul3A_961 : vector<16xf32>
        %mul3A_963 = arith.constant 16 : i32
        %mul3A_964 = arith.muli %scan3A_928, %mul3A_963 : i32
        %get3A_965 = arith.constant 3 : i32
        %get3A_966 = arith.index_cast %get3A_965 : i32 to index
        %get3A_967 = arith.index_cast %mul3A_964 : i32 to index
        %get3A_968 = tpu.vector_load %arg14[%get3A_966, %get3A_967] {strides = array<i32>} : memref<32x768xf32, #tpu.memory_space<vmem>>, vector<16xf32>,
        %mul3A_969 = arith.mulf %get3A_968, %max3A_153 : vector<16xf32>
        %add3A_970 = arith.addf %broadcast_in_dim3A_938, %mul3A_969 : vector<16xf32>
        %mul3A_971 = arith.constant 16 : i32
        %mul3A_972 = arith.muli %scan3A_928, %mul3A_971 : i32
        %get3A_973 = arith.constant 4 : i32
        %get3A_974 = arith.index_cast %get3A_973 : i32 to index
        %get3A_975 = arith.index_cast %mul3A_972 : i32 to index
        %get3A_976 = tpu.vector_load %arg14[%get3A_974, %get3A_975] {strides = array<i32>} : memref<32x768xf32, #tpu.memory_space<vmem>>, vector<16xf32>,
        %mul3A_977 = arith.mulf %get3A_976, %max3A_159 : vector<16xf32>
        %add3A_978 = arith.addf %add3A_946, %mul3A_977 : vector<16xf32>
        %mul3A_979 = arith.constant 16 : i32
        %mul3A_980 = arith.muli %scan3A_928, %mul3A_979 : i32
        %get3A_981 = arith.constant 5 : i32
        %get3A_982 = arith.index_cast %get3A_981 : i32 to index
        %get3A_983 = arith.index_cast %mul3A_980 : i32 to index
        %get3A_984 = tpu.vector_load %arg14[%get3A_982, %get3A_983] {strides = array<i32>} : memref<32x768xf32, #tpu.memory_space<vmem>>, vector<16xf32>,
        %mul3A_985 = arith.mulf %get3A_984, %max3A_165 : vector<16xf32>
        %add3A_986 = arith.addf %add3A_954, %mul3A_985 : vector<16xf32>
        %mul3A_987 = arith.constant 16 : i32
        %mul3A_988 = arith.muli %scan3A_928, %mul3A_987 : i32
        %get3A_989 = arith.constant 6 : i32
        %get3A_990 = arith.index_cast %get3A_989 : i32 to index
        %get3A_991 = arith.index_cast %mul3A_988 : i32 to index
        %get3A_992 = tpu.vector_load %arg14[%get3A_990, %get3A_991] {strides = array<i32>} : memref<32x768xf32, #tpu.memory_space<vmem>>, vector<16xf32>,
        %mul3A_993 = arith.mulf %get3A_992, %max3A_171 : vector<16xf32>
        %add3A_994 = arith.addf %add3A_962, %mul3A_993 : vector<16xf32>
        %mul3A_995 = arith.constant 16 : i32
        %mul3A_996 = arith.muli %scan3A_928, %mul3A_995 : i32
        %get3A_997 = arith.constant 7 : i32
        %get3A_998 = arith.index_cast %get3A_997 : i32 to index
        %get3A_999 = arith.index_cast %mul3A_996 : i32 to index
        %get3A_1000 = tpu.vector_load %arg14[%get3A_998, %get3A_999] {strides = array<i32>} : memref<32x768xf32, #tpu.memory_space<vmem>>, vector<16xf32>,
        %mul3A_1001 = arith.mulf %get3A_1000, %max3A_177 : vector<16xf32>
        %add3A_1002 = arith.addf %add3A_970, %mul3A_1001 : vector<16xf32>
        %mul3A_1003 = arith.constant 16 : i32
        %mul3A_1004 = arith.muli %scan3A_928, %mul3A_1003 : i32
        %get3A_1005 = arith.constant 8 : i32
        %get3A_1006 = arith.index_cast %get3A_1005 : i32 to index
        %get3A_1007 = arith.index_cast %mul3A_1004 : i32 to index
        %get3A_1008 = tpu.vector_load %arg14[%get3A_1006, %get3A_1007] {strides = array<i32>} : memref<32x768xf32, #tpu.memory_space<vmem>>, vector<16xf32>,
        %mul3A_1009 = arith.mulf %get3A_1008, %max3A_183 : vector<16xf32>
        %add3A_1010 = arith.addf %add3A_978, %mul3A_1009 : vector<16xf32>
        %mul3A_1011 = arith.constant 16 : i32
        %mul3A_1012 = arith.muli %scan3A_928, %mul3A_1011 : i32
        %get3A_1013 = arith.constant 9 : i32
        %get3A_1014 = arith.index_cast %get3A_1013 : i32 to index
        %get3A_1015 = arith.index_cast %mul3A_1012 : i32 to index
        %get3A_1016 = tpu.vector_load %arg14[%get3A_1014, %get3A_1015] {strides = array<i32>} : memref<32x768xf32, #tpu.memory_space<vmem>>, vector<16xf32>,
        %mul3A_1017 = arith.mulf %get3A_1016, %max3A_189 : vector<16xf32>
        %add3A_1018 = arith.addf %add3A_986, %mul3A_1017 : vector<16xf32>
        %mul3A_1019 = arith.constant 16 : i32
        %mul3A_1020 = arith.muli %scan3A_928, %mul3A_1019 : i32
        %get3A_1021 = arith.constant 10 : i32
        %get3A_1022 = arith.index_cast %get3A_1021 : i32 to index
        %get3A_1023 = arith.index_cast %mul3A_1020 : i32 to index
        %get3A_1024 = tpu.vector_load %arg14[%get3A_1022, %get3A_1023] {strides = array<i32>} : memref<32x768xf32, #tpu.memory_space<vmem>>, vector<16xf32>,
        %mul3A_1025 = arith.mulf %get3A_1024, %max3A_195 : vector<16xf32>
        %add3A_1026 = arith.addf %add3A_994, %mul3A_1025 : vector<16xf32>
        %mul3A_1027 = arith.constant 16 : i32
        %mul3A_1028 = arith.muli %scan3A_928, %mul3A_1027 : i32
        %get3A_1029 = arith.constant 11 : i32
        %get3A_1030 = arith.index_cast %get3A_1029 : i32 to index
        %get3A_1031 = arith.index_cast %mul3A_1028 : i32 to index
        %get3A_1032 = tpu.vector_load %arg14[%get3A_1030, %get3A_1031] {strides = array<i32>} : memref<32x768xf32, #tpu.memory_space<vmem>>, vector<16xf32>,
        %mul3A_1033 = arith.mulf %get3A_1032, %max3A_201 : vector<16xf32>
        %add3A_1034 = arith.addf %add3A_1002, %mul3A_1033 : vector<16xf32>
        %mul3A_1035 = arith.constant 16 : i32
        %mul3A_1036 = arith.muli %scan3A_928, %mul3A_1035 : i32
        %get3A_1037 = arith.constant 12 : i32
        %get3A_1038 = arith.index_cast %get3A_1037 : i32 to index
        %get3A_1039 = arith.index_cast %mul3A_1036 : i32 to index
        %get3A_1040 = tpu.vector_load %arg14[%get3A_1038, %get3A_1039] {strides = array<i32>} : memref<32x768xf32, #tpu.memory_space<vmem>>, vector<16xf32>,
        %mul3A_1041 = arith.mulf %get3A_1040, %max3A_207 : vector<16xf32>
        %add3A_1042 = arith.addf %add3A_1010, %mul3A_1041 : vector<16xf32>
        %mul3A_1043 = arith.constant 16 : i32
        %mul3A_1044 = arith.muli %scan3A_928, %mul3A_1043 : i32
        %get3A_1045 = arith.constant 13 : i32
        %get3A_1046 = arith.index_cast %get3A_1045 : i32 to index
        %get3A_1047 = arith.index_cast %mul3A_1044 : i32 to index
        %get3A_1048 = tpu.vector_load %arg14[%get3A_1046, %get3A_1047] {strides = array<i32>} : memref<32x768xf32, #tpu.memory_space<vmem>>, vector<16xf32>,
        %mul3A_1049 = arith.mulf %get3A_1048, %max3A_213 : vector<16xf32>
        %add3A_1050 = arith.addf %add3A_1018, %mul3A_1049 : vector<16xf32>
        %mul3A_1051 = arith.constant 16 : i32
        %mul3A_1052 = arith.muli %scan3A_928, %mul3A_1051 : i32
        %get3A_1053 = arith.constant 14 : i32
        %get3A_1054 = arith.index_cast %get3A_1053 : i32 to index
        %get3A_1055 = arith.index_cast %mul3A_1052 : i32 to index
        %get3A_1056 = tpu.vector_load %arg14[%get3A_1054, %get3A_1055] {strides = array<i32>} : memref<32x768xf32, #tpu.memory_space<vmem>>, vector<16xf32>,
        %mul3A_1057 = arith.mulf %get3A_1056, %max3A_219 : vector<16xf32>
        %add3A_1058 = arith.addf %add3A_1026, %mul3A_1057 : vector<16xf32>
        %mul3A_1059 = arith.constant 16 : i32
        %mul3A_1060 = arith.muli %scan3A_928, %mul3A_1059 : i32
        %get3A_1061 = arith.constant 15 : i32
        %get3A_1062 = arith.index_cast %get3A_1061 : i32 to index
        %get3A_1063 = arith.index_cast %mul3A_1060 : i32 to index
        %get3A_1064 = tpu.vector_load %arg14[%get3A_1062, %get3A_1063] {strides = array<i32>} : memref<32x768xf32, #tpu.memory_space<vmem>>, vector<16xf32>,
        %mul3A_1065 = arith.mulf %get3A_1064, %max3A_225 : vector<16xf32>
        %add3A_1066 = arith.addf %add3A_1034, %mul3A_1065 : vector<16xf32>
        %mul3A_1067 = arith.constant 16 : i32
        %mul3A_1068 = arith.muli %scan3A_928, %mul3A_1067 : i32
        %get3A_1069 = arith.constant 16 : i32
        %get3A_1070 = arith.index_cast %get3A_1069 : i32 to index
        %get3A_1071 = arith.index_cast %mul3A_1068 : i32 to index
        %get3A_1072 = tpu.vector_load %arg14[%get3A_1070, %get3A_1071] {strides = array<i32>} : memref<32x768xf32, #tpu.memory_space<vmem>>, vector<16xf32>,
        %mul3A_1073 = arith.mulf %get3A_1072, %max3A_231 : vector<16xf32>
        %add3A_1074 = arith.addf %add3A_1042, %mul3A_1073 : vector<16xf32>
        %mul3A_1075 = arith.constant 16 : i32
        %mul3A_1076 = arith.muli %scan3A_928, %mul3A_1075 : i32
        %get3A_1077 = arith.constant 17 : i32
        %get3A_1078 = arith.index_cast %get3A_1077 : i32 to index
        %get3A_1079 = arith.index_cast %mul3A_1076 : i32 to index
        %get3A_1080 = tpu.vector_load %arg14[%get3A_1078, %get3A_1079] {strides = array<i32>} : memref<32x768xf32, #tpu.memory_space<vmem>>, vector<16xf32>,
        %mul3A_1081 = arith.mulf %get3A_1080, %max3A_237 : vector<16xf32>
        %add3A_1082 = arith.addf %add3A_1050, %mul3A_1081 : vector<16xf32>
        %mul3A_1083 = arith.constant 16 : i32
        %mul3A_1084 = arith.muli %scan3A_928, %mul3A_1083 : i32
        %get3A_1085 = arith.constant 18 : i32
        %get3A_1086 = arith.index_cast %get3A_1085 : i32 to index
        %get3A_1087 = arith.index_cast %mul3A_1084 : i32 to index
        %get3A_1088 = tpu.vector_load %arg14[%get3A_1086, %get3A_1087] {strides = array<i32>} : memref<32x768xf32, #tpu.memory_space<vmem>>, vector<16xf32>,
        %mul3A_1089 = arith.mulf %get3A_1088, %max3A_243 : vector<16xf32>
        %add3A_1090 = arith.addf %add3A_1058, %mul3A_1089 : vector<16xf32>
        %mul3A_1091 = arith.constant 16 : i32
        %mul3A_1092 = arith.muli %scan3A_928, %mul3A_1091 : i32
        %get3A_1093 = arith.constant 19 : i32
        %get3A_1094 = arith.index_cast %get3A_1093 : i32 to index
        %get3A_1095 = arith.index_cast %mul3A_1092 : i32 to index
        %get3A_1096 = tpu.vector_load %arg14[%get3A_1094, %get3A_1095] {strides = array<i32>} : memref<32x768xf32, #tpu.memory_space<vmem>>, vector<16xf32>,
        %mul3A_1097 = arith.mulf %get3A_1096, %max3A_249 : vector<16xf32>
        %add3A_1098 = arith.addf %add3A_1066, %mul3A_1097 : vector<16xf32>
        %mul3A_1099 = arith.constant 16 : i32
        %mul3A_1100 = arith.muli %scan3A_928, %mul3A_1099 : i32
        %get3A_1101 = arith.constant 20 : i32
        %get3A_1102 = arith.index_cast %get3A_1101 : i32 to index
        %get3A_1103 = arith.index_cast %mul3A_1100 : i32 to index
        %get3A_1104 = tpu.vector_load %arg14[%get3A_1102, %get3A_1103] {strides = array<i32>} : memref<32x768xf32, #tpu.memory_space<vmem>>, vector<16xf32>,
        %mul3A_1105 = arith.mulf %get3A_1104, %max3A_255 : vector<16xf32>
        %add3A_1106 = arith.addf %add3A_1074, %mul3A_1105 : vector<16xf32>
        %mul3A_1107 = arith.constant 16 : i32
        %mul3A_1108 = arith.muli %scan3A_928, %mul3A_1107 : i32
        %get3A_1109 = arith.constant 21 : i32
        %get3A_1110 = arith.index_cast %get3A_1109 : i32 to index
        %get3A_1111 = arith.index_cast %mul3A_1108 : i32 to index
        %get3A_1112 = tpu.vector_load %arg14[%get3A_1110, %get3A_1111] {strides = array<i32>} : memref<32x768xf32, #tpu.memory_space<vmem>>, vector<16xf32>,
        %mul3A_1113 = arith.mulf %get3A_1112, %max3A_261 : vector<16xf32>
        %add3A_1114 = arith.addf %add3A_1082, %mul3A_1113 : vector<16xf32>
        %mul3A_1115 = arith.constant 16 : i32
        %mul3A_1116 = arith.muli %scan3A_928, %mul3A_1115 : i32
        %get3A_1117 = arith.constant 22 : i32
        %get3A_1118 = arith.index_cast %get3A_1117 : i32 to index
        %get3A_1119 = arith.index_cast %mul3A_1116 : i32 to index
        %get3A_1120 = tpu.vector_load %arg14[%get3A_1118, %get3A_1119] {strides = array<i32>} : memref<32x768xf32, #tpu.memory_space<vmem>>, vector<16xf32>,
        %mul3A_1121 = arith.mulf %get3A_1120, %max3A_267 : vector<16xf32>
        %add3A_1122 = arith.addf %add3A_1090, %mul3A_1121 : vector<16xf32>
        %mul3A_1123 = arith.constant 16 : i32
        %mul3A_1124 = arith.muli %scan3A_928, %mul3A_1123 : i32
        %get3A_1125 = arith.constant 23 : i32
        %get3A_1126 = arith.index_cast %get3A_1125 : i32 to index
        %get3A_1127 = arith.index_cast %mul3A_1124 : i32 to index
        %get3A_1128 = tpu.vector_load %arg14[%get3A_1126, %get3A_1127] {strides = array<i32>} : memref<32x768xf32, #tpu.memory_space<vmem>>, vector<16xf32>,
        %mul3A_1129 = arith.mulf %get3A_1128, %max3A_273 : vector<16xf32>
        %add3A_1130 = arith.addf %add3A_1098, %mul3A_1129 : vector<16xf32>
        %mul3A_1131 = arith.constant 16 : i32
        %mul3A_1132 = arith.muli %scan3A_928, %mul3A_1131 : i32
        %get3A_1133 = arith.constant 24 : i32
        %get3A_1134 = arith.index_cast %get3A_1133 : i32 to index
        %get3A_1135 = arith.index_cast %mul3A_1132 : i32 to index
        %get3A_1136 = tpu.vector_load %arg14[%get3A_1134, %get3A_1135] {strides = array<i32>} : memref<32x768xf32, #tpu.memory_space<vmem>>, vector<16xf32>,
        %mul3A_1137 = arith.mulf %get3A_1136, %max3A_279 : vector<16xf32>
        %add3A_1138 = arith.addf %add3A_1106, %mul3A_1137 : vector<16xf32>
        %mul3A_1139 = arith.constant 16 : i32
        %mul3A_1140 = arith.muli %scan3A_928, %mul3A_1139 : i32
        %get3A_1141 = arith.constant 25 : i32
        %get3A_1142 = arith.index_cast %get3A_1141 : i32 to index
        %get3A_1143 = arith.index_cast %mul3A_1140 : i32 to index
        %get3A_1144 = tpu.vector_load %arg14[%get3A_1142, %get3A_1143] {strides = array<i32>} : memref<32x768xf32, #tpu.memory_space<vmem>>, vector<16xf32>,
        %mul3A_1145 = arith.mulf %get3A_1144, %max3A_285 : vector<16xf32>
        %add3A_1146 = arith.addf %add3A_1114, %mul3A_1145 : vector<16xf32>
        %mul3A_1147 = arith.constant 16 : i32
        %mul3A_1148 = arith.muli %scan3A_928, %mul3A_1147 : i32
        %get3A_1149 = arith.constant 26 : i32
        %get3A_1150 = arith.index_cast %get3A_1149 : i32 to index
        %get3A_1151 = arith.index_cast %mul3A_1148 : i32 to index
        %get3A_1152 = tpu.vector_load %arg14[%get3A_1150, %get3A_1151] {strides = array<i32>} : memref<32x768xf32, #tpu.memory_space<vmem>>, vector<16xf32>,
        %mul3A_1153 = arith.mulf %get3A_1152, %max3A_291 : vector<16xf32>
        %add3A_1154 = arith.addf %add3A_1122, %mul3A_1153 : vector<16xf32>
        %mul3A_1155 = arith.constant 16 : i32
        %mul3A_1156 = arith.muli %scan3A_928, %mul3A_1155 : i32
        %get3A_1157 = arith.constant 27 : i32
        %get3A_1158 = arith.index_cast %get3A_1157 : i32 to index
        %get3A_1159 = arith.index_cast %mul3A_1156 : i32 to index
        %get3A_1160 = tpu.vector_load %arg14[%get3A_1158, %get3A_1159] {strides = array<i32>} : memref<32x768xf32, #tpu.memory_space<vmem>>, vector<16xf32>,
        %mul3A_1161 = arith.mulf %get3A_1160, %max3A_297 : vector<16xf32>
        %add3A_1162 = arith.addf %add3A_1130, %mul3A_1161 : vector<16xf32>
        %mul3A_1163 = arith.constant 16 : i32
        %mul3A_1164 = arith.muli %scan3A_928, %mul3A_1163 : i32
        %get3A_1165 = arith.constant 28 : i32
        %get3A_1166 = arith.index_cast %get3A_1165 : i32 to index
        %get3A_1167 = arith.index_cast %mul3A_1164 : i32 to index
        %get3A_1168 = tpu.vector_load %arg14[%get3A_1166, %get3A_1167] {strides = array<i32>} : memref<32x768xf32, #tpu.memory_space<vmem>>, vector<16xf32>,
        %mul3A_1169 = arith.mulf %get3A_1168, %max3A_303 : vector<16xf32>
        %add3A_1170 = arith.addf %add3A_1138, %mul3A_1169 : vector<16xf32>
        %mul3A_1171 = arith.constant 16 : i32
        %mul3A_1172 = arith.muli %scan3A_928, %mul3A_1171 : i32
        %get3A_1173 = arith.constant 29 : i32
        %get3A_1174 = arith.index_cast %get3A_1173 : i32 to index
        %get3A_1175 = arith.index_cast %mul3A_1172 : i32 to index
        %get3A_1176 = tpu.vector_load %arg14[%get3A_1174, %get3A_1175] {strides = array<i32>} : memref<32x768xf32, #tpu.memory_space<vmem>>, vector<16xf32>,
        %mul3A_1177 = arith.mulf %get3A_1176, %max3A_309 : vector<16xf32>
        %add3A_1178 = arith.addf %add3A_1146, %mul3A_1177 : vector<16xf32>
        %mul3A_1179 = arith.constant 16 : i32
        %mul3A_1180 = arith.muli %scan3A_928, %mul3A_1179 : i32
        %get3A_1181 = arith.constant 30 : i32
        %get3A_1182 = arith.index_cast %get3A_1181 : i32 to index
        %get3A_1183 = arith.index_cast %mul3A_1180 : i32 to index
        %get3A_1184 = tpu.vector_load %arg14[%get3A_1182, %get3A_1183] {strides = array<i32>} : memref<32x768xf32, #tpu.memory_space<vmem>>, vector<16xf32>,
        %mul3A_1185 = arith.mulf %get3A_1184, %max3A_315 : vector<16xf32>
        %add3A_1186 = arith.addf %add3A_1154, %mul3A_1185 : vector<16xf32>
        %mul3A_1187 = arith.constant 16 : i32
        %mul3A_1188 = arith.muli %scan3A_928, %mul3A_1187 : i32
        %get3A_1189 = arith.constant 31 : i32
        %get3A_1190 = arith.index_cast %get3A_1189 : i32 to index
        %get3A_1191 = arith.index_cast %mul3A_1188 : i32 to index
        %get3A_1192 = tpu.vector_load %arg14[%get3A_1190, %get3A_1191] {strides = array<i32>} : memref<32x768xf32, #tpu.memory_space<vmem>>, vector<16xf32>,
        %mul3A_1193 = arith.mulf %get3A_1192, %max3A_321 : vector<16xf32>
        %add3A_1194 = arith.addf %add3A_1162, %mul3A_1193 : vector<16xf32>
        %add3A_1195 = arith.addf %add3A_1170, %add3A_1178 : vector<16xf32>
        %add3A_1196 = arith.addf %add3A_1186, %add3A_1194 : vector<16xf32>
        %add3A_1197 = arith.addf %add3A_1195, %add3A_1196 : vector<16xf32>
        %mul3A_1198 = arith.constant 16 : i32
        %mul3A_1199 = arith.muli %scan3A_928, %mul3A_1198 : i32
        %swap3A_1200 = arith.index_cast %mul3A_1199 : i32 to index
        %swap3A_1201 = tpu.vector_load %arg15[%swap3A_1200] {strides = array<i32>} : memref<768xf32, #tpu.memory_space<vmem>>, vector<16xf32>,
        tpu.vector_store %arg15[%swap3A_1200], %add3A_1197 {strides = array<i32>} : memref<768xf32, #tpu.memory_space<vmem>>, vector<16xf32>,
      }
      %scan3A_327 = arith.constant 48 : i32
      "tpu.region"() ({
        %run_scoped3A = tpu.sem_alloc : memref<!tpu.dma_semaphore, #tpu.memory_space<semaphore_mem>>
        %dma_start3A_653 = arith.constant 0 : i32
        %dma_start3A_654 = tpu.memref_slice %arg6[%add3A_25, %dma_start3A_653] : memref<2048x768xf32, #tpu.memory_space<hbm>> -> memref<1x768xf32, #tpu.memory_space<hbm>>
        %dma_start3A_655 = tpu.memref_squeeze %dma_start3A_654 : memref<1x768xf32, #tpu.memory_space<hbm>> -> memref<768xf32, #tpu.memory_space<hbm>>
        %dma_start3A_656 = arith.constant 0 : i32
        %dma_start3A_657 = tpu.memref_slice %arg6[%add3A_25, %dma_start3A_656] : memref<2048x768xf32, #tpu.memory_space<hbm>> -> memref<1x768xf32, #tpu.memory_space<hbm>>
        %dma_start3A_658 = tpu.memref_squeeze %dma_start3A_657 : memref<1x768xf32, #tpu.memory_space<hbm>> -> memref<768xf32, #tpu.memory_space<hbm>>
        tpu.enqueue_dma source(%arg15 : memref<768xf32, #tpu.memory_space<vmem>>) target(%dma_start3A_658 : memref<768xf32, #tpu.memory_space<hbm>>) target_semaphore(%run_scoped3A : memref<!tpu.dma_semaphore, #tpu.memory_space<semaphore_mem>>)
        %dma_wait3A_659 = arith.constant 0 : i32
        %dma_wait3A_660 = tpu.memref_slice %arg6[%add3A_25, %dma_wait3A_659] : memref<2048x768xf32, #tpu.memory_space<hbm>> -> memref<1x768xf32, #tpu.memory_space<hbm>>
        %dma_wait3A_661 = tpu.memref_squeeze %dma_wait3A_660 : memref<1x768xf32, #tpu.memory_space<hbm>> -> memref<768xf32, #tpu.memory_space<hbm>>
        %dma_wait3A_662 = arith.constant 0 : i32
        %dma_wait3A_663 = tpu.memref_slice %arg6[%add3A_25, %dma_wait3A_662] : memref<2048x768xf32, #tpu.memory_space<hbm>> -> memref<1x768xf32, #tpu.memory_space<hbm>>
        %dma_wait3A_664 = tpu.memref_squeeze %dma_wait3A_663 : memref<1x768xf32, #tpu.memory_space<hbm>> -> memref<768xf32, #tpu.memory_space<hbm>>
        tpu.wait_dma2 semaphore(%run_scoped3A : memref<!tpu.dma_semaphore, #tpu.memory_space<semaphore_mem>>) src(%arg15 : memref<768xf32, #tpu.memory_space<vmem>>) dst(%dma_wait3A_664 : memref<768xf32, #tpu.memory_space<hbm>>)
        tpu.yield
      }) : () -> ()
      %add3A_328 = arith.constant 1 : i32
      %add3A_329 = arith.addi %add3A_25, %add3A_328 : i32
      %add3A_330 = arith.constant 3 : i32
      %add3A_331 = arith.addi %add3A_25, %add3A_330 : i32
      %dma_wait3A_332 = arith.constant 0 : i32
      %dma_wait3A_333 = tpu.memref_slice %arg2[%add3A_329, %dma_wait3A_332] : memref<2048x16384xf32, #tpu.memory_space<hbm>> -> memref<1x16384xf32, #tpu.memory_space<hbm>>
      %dma_wait3A_334 = tpu.memref_squeeze %dma_wait3A_333 : memref<1x16384xf32, #tpu.memory_space<hbm>> -> memref<16384xf32, #tpu.memory_space<hbm>>
      %dma_wait3A_335 = arith.constant 0 : i32
      %dma_wait3A_336 = tpu.memref_slice %arg2[%add3A_329, %dma_wait3A_335] : memref<2048x16384xf32, #tpu.memory_space<hbm>> -> memref<1x16384xf32, #tpu.memory_space<hbm>>
      %dma_wait3A_337 = tpu.memref_squeeze %dma_wait3A_336 : memref<1x16384xf32, #tpu.memory_space<hbm>> -> memref<16384xf32, #tpu.memory_space<hbm>>
      tpu.wait_dma2 semaphore(%arg20 : memref<!tpu.dma_semaphore, #tpu.memory_space<semaphore_mem>>) src(%dma_wait3A_337 : memref<16384xf32, #tpu.memory_space<hbm>>) dst(%arg8 : memref<16384xf32, #tpu.memory_space<vmem>>)
      "tpu.region"() ({
        %run_scoped3A = tpu.sem_alloc : memref<!tpu.dma_semaphore, #tpu.memory_space<semaphore_mem>>
        %dma_start3A_653 = arith.constant 0 : i32
        %dma_start3A_654 = tpu.memref_slice %arg3[%add3A_329, %dma_start3A_653] : memref<2048x32xf32, #tpu.memory_space<hbm>> -> memref<1x32xf32, #tpu.memory_space<hbm>>
        %dma_start3A_655 = tpu.memref_squeeze %dma_start3A_654 : memref<1x32xf32, #tpu.memory_space<hbm>> -> memref<32xf32, #tpu.memory_space<hbm>>
        %dma_start3A_656 = arith.constant 0 : i32
        %dma_start3A_657 = tpu.memref_slice %arg3[%add3A_329, %dma_start3A_656] : memref<2048x32xf32, #tpu.memory_space<hbm>> -> memref<1x32xf32, #tpu.memory_space<hbm>>
        %dma_start3A_658 = tpu.memref_squeeze %dma_start3A_657 : memref<1x32xf32, #tpu.memory_space<hbm>> -> memref<32xf32, #tpu.memory_space<hbm>>
        tpu.enqueue_dma source(%dma_start3A_658 : memref<32xf32, #tpu.memory_space<hbm>>) target(%arg9 : memref<32xf32, #tpu.memory_space<vmem>>) target_semaphore(%run_scoped3A : memref<!tpu.dma_semaphore, #tpu.memory_space<semaphore_mem>>)
        %dma_wait3A_659 = arith.constant 0 : i32
        %dma_wait3A_660 = tpu.memref_slice %arg3[%add3A_329, %dma_wait3A_659] : memref<2048x32xf32, #tpu.memory_space<hbm>> -> memref<1x32xf32, #tpu.memory_space<hbm>>
        %dma_wait3A_661 = tpu.memref_squeeze %dma_wait3A_660 : memref<1x32xf32, #tpu.memory_space<hbm>> -> memref<32xf32, #tpu.memory_space<hbm>>
        %dma_wait3A_662 = arith.constant 0 : i32
        %dma_wait3A_663 = tpu.memref_slice %arg3[%add3A_329, %dma_wait3A_662] : memref<2048x32xf32, #tpu.memory_space<hbm>> -> memref<1x32xf32, #tpu.memory_space<hbm>>
        %dma_wait3A_664 = tpu.memref_squeeze %dma_wait3A_663 : memref<1x32xf32, #tpu.memory_space<hbm>> -> memref<32xf32, #tpu.memory_space<hbm>>
        tpu.wait_dma2 semaphore(%run_scoped3A : memref<!tpu.dma_semaphore, #tpu.memory_space<semaphore_mem>>) src(%dma_wait3A_664 : memref<32xf32, #tpu.memory_space<hbm>>) dst(%arg9 : memref<32xf32, #tpu.memory_space<vmem>>)
        tpu.yield
      }) : () -> ()
      %get3A_338 = arith.constant 0 : index
      %get3A_339 = tpu.vector_load %arg9[%get3A_338] {strides = array<i32>} : memref<32xf32, #tpu.memory_space<vmem>>, vector<16xf32>,
      %neg3A_340 = arith.constant 0.000000e+00 : f32
      %neg3A_341 = vector.broadcast %neg3A_340 : f32 to vector<16xf32>
      %neg3A_342 = arith.subf %neg3A_341, %get3A_339 : vector<16xf32>
      %get3A_343 = arith.constant 16 : index
      %get3A_344 = tpu.vector_load %arg9[%get3A_343] {strides = array<i32>} : memref<32xf32, #tpu.memory_space<vmem>>, vector<16xf32>,
      %neg3A_345 = arith.constant 0.000000e+00 : f32
      %neg3A_346 = vector.broadcast %neg3A_345 : f32 to vector<16xf32>
      %neg3A_347 = arith.subf %neg3A_346, %get3A_344 : vector<16xf32>
      %max3A_348 = arith.maximumf %neg3A_342, %neg3A_347 : vector<16xf32>
      %swap3A_349 = arith.constant 0 : index
      %swap3A_350 = tpu.vector_load %arg17[%swap3A_349] {strides = array<i32>} : memref<16xf32, #tpu.memory_space<vmem>>, vector<16xf32>,
      tpu.vector_store %arg17[%swap3A_349], %max3A_348 {strides = array<i32>} : memref<16xf32, #tpu.memory_space<vmem>>, vector<16xf32>,
      %xor3A_351 = arith.constant 1 : i32
      %xor3A_352 = vector.broadcast %xor3A_351 : i32 to vector<16xi32>
      %xor3A_353 = arith.xori %iota3A, %xor3A_352 : vector<16xi32>
      %gather3A_354 = tpu.vector_load_idx %arg17[%xor3A_353] : memref<16xf32, #tpu.memory_space<vmem>>[vector<16xi32>], vector<16xf32>,
      %max3A_355 = arith.maximumf %max3A_348, %gather3A_354 : vector<16xf32>
      %swap3A_356 = arith.constant 0 : index
      %swap3A_357 = tpu.vector_load %arg17[%swap3A_356] {strides = array<i32>} : memref<16xf32, #tpu.memory_space<vmem>>, vector<16xf32>,
      tpu.vector_store %arg17[%swap3A_356], %max3A_355 {strides = array<i32>} : memref<16xf32, #tpu.memory_space<vmem>>, vector<16xf32>,
      %xor3A_358 = arith.constant 2 : i32
      %xor3A_359 = vector.broadcast %xor3A_358 : i32 to vector<16xi32>
      %xor3A_360 = arith.xori %iota3A, %xor3A_359 : vector<16xi32>
      %gather3A_361 = tpu.vector_load_idx %arg17[%xor3A_360] : memref<16xf32, #tpu.memory_space<vmem>>[vector<16xi32>], vector<16xf32>,
      %max3A_362 = arith.maximumf %max3A_355, %gather3A_361 : vector<16xf32>
      %swap3A_363 = arith.constant 0 : index
      %swap3A_364 = tpu.vector_load %arg17[%swap3A_363] {strides = array<i32>} : memref<16xf32, #tpu.memory_space<vmem>>, vector<16xf32>,
      tpu.vector_store %arg17[%swap3A_363], %max3A_362 {strides = array<i32>} : memref<16xf32, #tpu.memory_space<vmem>>, vector<16xf32>,
      %xor3A_365 = arith.constant 4 : i32
      %xor3A_366 = vector.broadcast %xor3A_365 : i32 to vector<16xi32>
      %xor3A_367 = arith.xori %iota3A, %xor3A_366 : vector<16xi32>
      %gather3A_368 = tpu.vector_load_idx %arg17[%xor3A_367] : memref<16xf32, #tpu.memory_space<vmem>>[vector<16xi32>], vector<16xf32>,
      %max3A_369 = arith.maximumf %max3A_362, %gather3A_368 : vector<16xf32>
      %swap3A_370 = arith.constant 0 : index
      %swap3A_371 = tpu.vector_load %arg17[%swap3A_370] {strides = array<i32>} : memref<16xf32, #tpu.memory_space<vmem>>, vector<16xf32>,
      tpu.vector_store %arg17[%swap3A_370], %max3A_369 {strides = array<i32>} : memref<16xf32, #tpu.memory_space<vmem>>, vector<16xf32>,
      %xor3A_372 = arith.constant 8 : i32
      %xor3A_373 = vector.broadcast %xor3A_372 : i32 to vector<16xi32>
      %xor3A_374 = arith.xori %iota3A, %xor3A_373 : vector<16xi32>
      %gather3A_375 = tpu.vector_load_idx %arg17[%xor3A_374] : memref<16xf32, #tpu.memory_space<vmem>>[vector<16xi32>], vector<16xf32>,
      %max3A_376 = arith.maximumf %max3A_369, %gather3A_375 : vector<16xf32>
      %neg3A_377 = arith.constant 0.000000e+00 : f32
      %neg3A_378 = vector.broadcast %neg3A_377 : f32 to vector<16xf32>
      %neg3A_379 = arith.subf %neg3A_378, %max3A_376 : vector<16xf32>
      %scan3A_380 = arith.constant 0 : i32
      %scan3A_381 = arith.constant 0 : i32
      %scan3A_382 = arith.constant 128 : i32
      %scan3A_383 = arith.addi %scan3A_381, %scan3A_382 : i32
      %scan3A_384 = arith.constant 8 : i32
      scf.for %scan3A_653 = %scan3A_381 to %scan3A_383 step %scan3A_384  : i32 {
        %mul3A_654 = arith.constant 16 : i32
        %mul3A_655 = arith.muli %scan3A_653, %mul3A_654 : i32
        %swap3A_656 = arith.index_cast %mul3A_655 : i32 to index
        %swap3A_657 = tpu.vector_load %arg10[%swap3A_656] {strides = array<i32>} : memref<2048xf32, #tpu.memory_space<vmem>>, vector<16xf32>,
        tpu.vector_store %arg10[%swap3A_656], %broadcast_in_dim3A_3 {strides = array<i32>} : memref<2048xf32, #tpu.memory_space<vmem>>, vector<16xf32>,
        %scan3A_658 = arith.constant 1 : i32
        %scan3A_659 = arith.addi %scan3A_653, %scan3A_658 : i32
        %mul3A_660 = arith.constant 16 : i32
        %mul3A_661 = arith.muli %scan3A_659, %mul3A_660 : i32
        %swap3A_662 = arith.index_cast %mul3A_661 : i32 to index
        %swap3A_663 = tpu.vector_load %arg10[%swap3A_662] {strides = array<i32>} : memref<2048xf32, #tpu.memory_space<vmem>>, vector<16xf32>,
        tpu.vector_store %arg10[%swap3A_662], %broadcast_in_dim3A_3 {strides = array<i32>} : memref<2048xf32, #tpu.memory_space<vmem>>, vector<16xf32>,
        %scan3A_664 = arith.constant 2 : i32
        %scan3A_665 = arith.addi %scan3A_653, %scan3A_664 : i32
        %mul3A_666 = arith.constant 16 : i32
        %mul3A_667 = arith.muli %scan3A_665, %mul3A_666 : i32
        %swap3A_668 = arith.index_cast %mul3A_667 : i32 to index
        %swap3A_669 = tpu.vector_load %arg10[%swap3A_668] {strides = array<i32>} : memref<2048xf32, #tpu.memory_space<vmem>>, vector<16xf32>,
        tpu.vector_store %arg10[%swap3A_668], %broadcast_in_dim3A_3 {strides = array<i32>} : memref<2048xf32, #tpu.memory_space<vmem>>, vector<16xf32>,
        %scan3A_670 = arith.constant 3 : i32
        %scan3A_671 = arith.addi %scan3A_653, %scan3A_670 : i32
        %mul3A_672 = arith.constant 16 : i32
        %mul3A_673 = arith.muli %scan3A_671, %mul3A_672 : i32
        %swap3A_674 = arith.index_cast %mul3A_673 : i32 to index
        %swap3A_675 = tpu.vector_load %arg10[%swap3A_674] {strides = array<i32>} : memref<2048xf32, #tpu.memory_space<vmem>>, vector<16xf32>,
        tpu.vector_store %arg10[%swap3A_674], %broadcast_in_dim3A_3 {strides = array<i32>} : memref<2048xf32, #tpu.memory_space<vmem>>, vector<16xf32>,
        %scan3A_676 = arith.constant 4 : i32
        %scan3A_677 = arith.addi %scan3A_653, %scan3A_676 : i32
        %mul3A_678 = arith.constant 16 : i32
        %mul3A_679 = arith.muli %scan3A_677, %mul3A_678 : i32
        %swap3A_680 = arith.index_cast %mul3A_679 : i32 to index
        %swap3A_681 = tpu.vector_load %arg10[%swap3A_680] {strides = array<i32>} : memref<2048xf32, #tpu.memory_space<vmem>>, vector<16xf32>,
        tpu.vector_store %arg10[%swap3A_680], %broadcast_in_dim3A_3 {strides = array<i32>} : memref<2048xf32, #tpu.memory_space<vmem>>, vector<16xf32>,
        %scan3A_682 = arith.constant 5 : i32
        %scan3A_683 = arith.addi %scan3A_653, %scan3A_682 : i32
        %mul3A_684 = arith.constant 16 : i32
        %mul3A_685 = arith.muli %scan3A_683, %mul3A_684 : i32
        %swap3A_686 = arith.index_cast %mul3A_685 : i32 to index
        %swap3A_687 = tpu.vector_load %arg10[%swap3A_686] {strides = array<i32>} : memref<2048xf32, #tpu.memory_space<vmem>>, vector<16xf32>,
        tpu.vector_store %arg10[%swap3A_686], %broadcast_in_dim3A_3 {strides = array<i32>} : memref<2048xf32, #tpu.memory_space<vmem>>, vector<16xf32>,
        %scan3A_688 = arith.constant 6 : i32
        %scan3A_689 = arith.addi %scan3A_653, %scan3A_688 : i32
        %mul3A_690 = arith.constant 16 : i32
        %mul3A_691 = arith.muli %scan3A_689, %mul3A_690 : i32
        %swap3A_692 = arith.index_cast %mul3A_691 : i32 to index
        %swap3A_693 = tpu.vector_load %arg10[%swap3A_692] {strides = array<i32>} : memref<2048xf32, #tpu.memory_space<vmem>>, vector<16xf32>,
        tpu.vector_store %arg10[%swap3A_692], %broadcast_in_dim3A_3 {strides = array<i32>} : memref<2048xf32, #tpu.memory_space<vmem>>, vector<16xf32>,
        %scan3A_694 = arith.constant 7 : i32
        %scan3A_695 = arith.addi %scan3A_653, %scan3A_694 : i32
        %mul3A_696 = arith.constant 16 : i32
        %mul3A_697 = arith.muli %scan3A_695, %mul3A_696 : i32
        %swap3A_698 = arith.index_cast %mul3A_697 : i32 to index
        %swap3A_699 = tpu.vector_load %arg10[%swap3A_698] {strides = array<i32>} : memref<2048xf32, #tpu.memory_space<vmem>>, vector<16xf32>,
        tpu.vector_store %arg10[%swap3A_698], %broadcast_in_dim3A_3 {strides = array<i32>} : memref<2048xf32, #tpu.memory_space<vmem>>, vector<16xf32>,
      }
      %scan3A_385 = arith.constant 128 : i32
      %scan3A_386 = arith.constant 0 : i32
      %scan3A_387 = arith.constant 0 : i32
      %scan3A_388 = arith.constant 1024 : i32
      %scan3A_389 = arith.addi %scan3A_387, %scan3A_388 : i32
      %scan3A_390 = arith.constant 8 : i32
      %scan3A_391 = scf.for %scan3A_653 = %scan3A_387 to %scan3A_389 step %scan3A_390 iter_args(%scan3A_654 = %scan3A_386) -> (i32)  : i32 {
        %mul3A_655 = arith.constant 16 : i32
        %mul3A_656 = arith.muli %scan3A_653, %mul3A_655 : i32
        %get3A_657 = arith.index_cast %mul3A_656 : i32 to index
        %get3A_658 = tpu.vector_load %arg8[%get3A_657] {strides = array<i32>} : memref<16384xf32, #tpu.memory_space<vmem>>, vector<16xf32>,
        %ge3A = arith.cmpf oge, %get3A_658, %neg3A_379 : vector<16xf32>
        %all_reduce_population_count3A = tpu.all_reduce %ge3A {dim = 0 : i64, kind = #tpu.reduction_kind<sum>} : vector<16xi1> -> vector<16xi32>
        %slice3A_659 = vector.extract_strided_slice %all_reduce_population_count3A {offsets = [0], sizes = [1], strides = [1]} : vector<16xi32> to vector<1xi32>
        %squeeze3A_660 = vector.extract %slice3A_659[0] : i32 from vector<1xi32>
        %gt3A = arith.constant 0 : i32
        %gt3A_661 = arith.cmpi sgt, %squeeze3A_660, %gt3A : i32
        %convert_element_type3A_662 = arith.extui %gt3A_661 : i1 to i32
        %cond3A_663 = arith.constant 0 : i32
        %cond3A_664 = arith.cmpi ne, %convert_element_type3A_662, %cond3A_663 : i32
        %cond3A_665 = scf.if %cond3A_664 -> (i32) {
          %jit3A_778 = arith.constant 1 : i32
          %jit3A_779 = arith.constant 0 : i32
          %broadcast_in_dim3A_780 = vector.broadcast %jit3A_778 : i32 to vector<16xi32>
          %broadcast_in_dim3A_781 = vector.broadcast %jit3A_779 : i32 to vector<16xi32>
          %select_n3A_782 = arith.select %ge3A, %broadcast_in_dim3A_780, %broadcast_in_dim3A_781 : vector<16xi1>, vector<16xi32>
          %swap3A_783 = arith.constant 0 : index
          %swap3A_784 = tpu.vector_load %arg18[%swap3A_783] {strides = array<i32>} : memref<16xi32, #tpu.memory_space<vmem>>, vector<16xi32>,
          tpu.vector_store %arg18[%swap3A_783], %select_n3A_782 {strides = array<i32>} : memref<16xi32, #tpu.memory_space<vmem>>, vector<16xi32>,
          %sub3A_785 = arith.constant 1 : i32
          %sub3A_786 = vector.broadcast %sub3A_785 : i32 to vector<16xi32>
          %sub3A_787 = arith.subi %iota3A, %sub3A_786 : vector<16xi32>
          %max3A_788 = arith.constant 0 : i32
          %max3A_789 = vector.broadcast %max3A_788 : i32 to vector<16xi32>
          %max3A_790 = arith.maxsi %sub3A_787, %max3A_789 : vector<16xi32>
          %gather3A_791 = tpu.vector_load_idx %arg18[%max3A_790] : memref<16xi32, #tpu.memory_space<vmem>>[vector<16xi32>], vector<16xi32>,
          %ge3A_792 = arith.constant 1 : i32
          %ge3A_793 = vector.broadcast %ge3A_792 : i32 to vector<16xi32>
          %ge3A_794 = arith.cmpi sge, %iota3A, %ge3A_793 : vector<16xi32>
          %jit3A_795 = arith.constant 0 : i32
          %broadcast_in_dim3A_796 = vector.broadcast %jit3A_795 : i32 to vector<16xi32>
          %select_n3A_797 = arith.select %ge3A_794, %gather3A_791, %broadcast_in_dim3A_796 : vector<16xi1>, vector<16xi32>
          %add3A_798 = arith.addi %select_n3A_782, %select_n3A_797 : vector<16xi32>
          %swap3A_799 = arith.constant 0 : index
          %swap3A_800 = tpu.vector_load %arg18[%swap3A_799] {strides = array<i32>} : memref<16xi32, #tpu.memory_space<vmem>>, vector<16xi32>,
          tpu.vector_store %arg18[%swap3A_799], %add3A_798 {strides = array<i32>} : memref<16xi32, #tpu.memory_space<vmem>>, vector<16xi32>,
          %sub3A_801 = arith.constant 2 : i32
          %sub3A_802 = vector.broadcast %sub3A_801 : i32 to vector<16xi32>
          %sub3A_803 = arith.subi %iota3A, %sub3A_802 : vector<16xi32>
          %max3A_804 = arith.constant 0 : i32
          %max3A_805 = vector.broadcast %max3A_804 : i32 to vector<16xi32>
          %max3A_806 = arith.maxsi %sub3A_803, %max3A_805 : vector<16xi32>
          %gather3A_807 = tpu.vector_load_idx %arg18[%max3A_806] : memref<16xi32, #tpu.memory_space<vmem>>[vector<16xi32>], vector<16xi32>,
          %ge3A_808 = arith.constant 2 : i32
          %ge3A_809 = vector.broadcast %ge3A_808 : i32 to vector<16xi32>
          %ge3A_810 = arith.cmpi sge, %iota3A, %ge3A_809 : vector<16xi32>
          %jit3A_811 = arith.constant 0 : i32
          %broadcast_in_dim3A_812 = vector.broadcast %jit3A_811 : i32 to vector<16xi32>
          %select_n3A_813 = arith.select %ge3A_810, %gather3A_807, %broadcast_in_dim3A_812 : vector<16xi1>, vector<16xi32>
          %add3A_814 = arith.addi %add3A_798, %select_n3A_813 : vector<16xi32>
          %swap3A_815 = arith.constant 0 : index
          %swap3A_816 = tpu.vector_load %arg18[%swap3A_815] {strides = array<i32>} : memref<16xi32, #tpu.memory_space<vmem>>, vector<16xi32>,
          tpu.vector_store %arg18[%swap3A_815], %add3A_814 {strides = array<i32>} : memref<16xi32, #tpu.memory_space<vmem>>, vector<16xi32>,
          %sub3A_817 = arith.constant 4 : i32
          %sub3A_818 = vector.broadcast %sub3A_817 : i32 to vector<16xi32>
          %sub3A_819 = arith.subi %iota3A, %sub3A_818 : vector<16xi32>
          %max3A_820 = arith.constant 0 : i32
          %max3A_821 = vector.broadcast %max3A_820 : i32 to vector<16xi32>
          %max3A_822 = arith.maxsi %sub3A_819, %max3A_821 : vector<16xi32>
          %gather3A_823 = tpu.vector_load_idx %arg18[%max3A_822] : memref<16xi32, #tpu.memory_space<vmem>>[vector<16xi32>], vector<16xi32>,
          %ge3A_824 = arith.constant 4 : i32
          %ge3A_825 = vector.broadcast %ge3A_824 : i32 to vector<16xi32>
          %ge3A_826 = arith.cmpi sge, %iota3A, %ge3A_825 : vector<16xi32>
          %jit3A_827 = arith.constant 0 : i32
          %broadcast_in_dim3A_828 = vector.broadcast %jit3A_827 : i32 to vector<16xi32>
          %select_n3A_829 = arith.select %ge3A_826, %gather3A_823, %broadcast_in_dim3A_828 : vector<16xi1>, vector<16xi32>
          %add3A_830 = arith.addi %add3A_814, %select_n3A_829 : vector<16xi32>
          %swap3A_831 = arith.constant 0 : index
          %swap3A_832 = tpu.vector_load %arg18[%swap3A_831] {strides = array<i32>} : memref<16xi32, #tpu.memory_space<vmem>>, vector<16xi32>,
          tpu.vector_store %arg18[%swap3A_831], %add3A_830 {strides = array<i32>} : memref<16xi32, #tpu.memory_space<vmem>>, vector<16xi32>,
          %sub3A_833 = arith.constant 8 : i32
          %sub3A_834 = vector.broadcast %sub3A_833 : i32 to vector<16xi32>
          %sub3A_835 = arith.subi %iota3A, %sub3A_834 : vector<16xi32>
          %max3A_836 = arith.constant 0 : i32
          %max3A_837 = vector.broadcast %max3A_836 : i32 to vector<16xi32>
          %max3A_838 = arith.maxsi %sub3A_835, %max3A_837 : vector<16xi32>
          %gather3A_839 = tpu.vector_load_idx %arg18[%max3A_838] : memref<16xi32, #tpu.memory_space<vmem>>[vector<16xi32>], vector<16xi32>,
          %ge3A_840 = arith.constant 8 : i32
          %ge3A_841 = vector.broadcast %ge3A_840 : i32 to vector<16xi32>
          %ge3A_842 = arith.cmpi sge, %iota3A, %ge3A_841 : vector<16xi32>
          %jit3A_843 = arith.constant 0 : i32
          %broadcast_in_dim3A_844 = vector.broadcast %jit3A_843 : i32 to vector<16xi32>
          %select_n3A_845 = arith.select %ge3A_842, %gather3A_839, %broadcast_in_dim3A_844 : vector<16xi1>, vector<16xi32>
          %add3A_846 = arith.addi %add3A_830, %select_n3A_845 : vector<16xi32>
          %add3A_847 = vector.broadcast %scan3A_654 : i32 to vector<16xi32>
          %add3A_848 = arith.addi %add3A_847, %add3A_846 : vector<16xi32>
          %sub3A_849 = arith.constant 1 : i32
          %sub3A_850 = vector.broadcast %sub3A_849 : i32 to vector<16xi32>
          %sub3A_851 = arith.subi %add3A_848, %sub3A_850 : vector<16xi32>
          %min3A = arith.constant 2047 : i32
          %min3A_852 = vector.broadcast %min3A : i32 to vector<16xi32>
          %min3A_853 = arith.minsi %sub3A_851, %min3A_852 : vector<16xi32>
          tpu.vector_store_idx %arg10[%min3A_853], %get3A_658 masked %ge3A : memref<2048xf32, #tpu.memory_space<vmem>>[vector<16xi32>], vector<16xf32>, vector<16xi1>
          %mul3A_854 = arith.constant 16 : i32
          %mul3A_855 = arith.muli %scan3A_653, %mul3A_854 : i32
          %add3A_856 = vector.broadcast %mul3A_855 : i32 to vector<16xi32>
          %add3A_857 = arith.addi %add3A_856, %iota3A : vector<16xi32>
          tpu.vector_store_idx %arg11[%min3A_853], %add3A_857 masked %ge3A : memref<2048xi32, #tpu.memory_space<vmem>>[vector<16xi32>], vector<16xi32>, vector<16xi1>
          %add3A_858 = arith.addi %scan3A_654, %squeeze3A_660 : i32
          scf.yield %add3A_858 : i32
        } else {
          scf.yield %scan3A_654 : i32
        }
        %scan3A_666 = arith.constant 1 : i32
        %scan3A_667 = arith.addi %scan3A_653, %scan3A_666 : i32
        %mul3A_668 = arith.constant 16 : i32
        %mul3A_669 = arith.muli %scan3A_667, %mul3A_668 : i32
        %get3A_670 = arith.index_cast %mul3A_669 : i32 to index
        %get3A_671 = tpu.vector_load %arg8[%get3A_670] {strides = array<i32>} : memref<16384xf32, #tpu.memory_space<vmem>>, vector<16xf32>,
        %ge3A_672 = arith.cmpf oge, %get3A_671, %neg3A_379 : vector<16xf32>
        %all_reduce_population_count3A_673 = tpu.all_reduce %ge3A_672 {dim = 0 : i64, kind = #tpu.reduction_kind<sum>} : vector<16xi1> -> vector<16xi32>
        %slice3A_674 = vector.extract_strided_slice %all_reduce_population_count3A_673 {offsets = [0], sizes = [1], strides = [1]} : vector<16xi32> to vector<1xi32>
        %squeeze3A_675 = vector.extract %slice3A_674[0] : i32 from vector<1xi32>
        %gt3A_676 = arith.constant 0 : i32
        %gt3A_677 = arith.cmpi sgt, %squeeze3A_675, %gt3A_676 : i32
        %convert_element_type3A_678 = arith.extui %gt3A_677 : i1 to i32
        %cond3A_679 = arith.constant 0 : i32
        %cond3A_680 = arith.cmpi ne, %convert_element_type3A_678, %cond3A_679 : i32
        %cond3A_681 = scf.if %cond3A_680 -> (i32) {
          %jit3A_778 = arith.constant 1 : i32
          %jit3A_779 = arith.constant 0 : i32
          %broadcast_in_dim3A_780 = vector.broadcast %jit3A_778 : i32 to vector<16xi32>
          %broadcast_in_dim3A_781 = vector.broadcast %jit3A_779 : i32 to vector<16xi32>
          %select_n3A_782 = arith.select %ge3A_672, %broadcast_in_dim3A_780, %broadcast_in_dim3A_781 : vector<16xi1>, vector<16xi32>
          %swap3A_783 = arith.constant 0 : index
          %swap3A_784 = tpu.vector_load %arg18[%swap3A_783] {strides = array<i32>} : memref<16xi32, #tpu.memory_space<vmem>>, vector<16xi32>,
          tpu.vector_store %arg18[%swap3A_783], %select_n3A_782 {strides = array<i32>} : memref<16xi32, #tpu.memory_space<vmem>>, vector<16xi32>,
          %sub3A_785 = arith.constant 1 : i32
          %sub3A_786 = vector.broadcast %sub3A_785 : i32 to vector<16xi32>
          %sub3A_787 = arith.subi %iota3A, %sub3A_786 : vector<16xi32>
          %max3A_788 = arith.constant 0 : i32
          %max3A_789 = vector.broadcast %max3A_788 : i32 to vector<16xi32>
          %max3A_790 = arith.maxsi %sub3A_787, %max3A_789 : vector<16xi32>
          %gather3A_791 = tpu.vector_load_idx %arg18[%max3A_790] : memref<16xi32, #tpu.memory_space<vmem>>[vector<16xi32>], vector<16xi32>,
          %ge3A_792 = arith.constant 1 : i32
          %ge3A_793 = vector.broadcast %ge3A_792 : i32 to vector<16xi32>
          %ge3A_794 = arith.cmpi sge, %iota3A, %ge3A_793 : vector<16xi32>
          %jit3A_795 = arith.constant 0 : i32
          %broadcast_in_dim3A_796 = vector.broadcast %jit3A_795 : i32 to vector<16xi32>
          %select_n3A_797 = arith.select %ge3A_794, %gather3A_791, %broadcast_in_dim3A_796 : vector<16xi1>, vector<16xi32>
          %add3A_798 = arith.addi %select_n3A_782, %select_n3A_797 : vector<16xi32>
          %swap3A_799 = arith.constant 0 : index
          %swap3A_800 = tpu.vector_load %arg18[%swap3A_799] {strides = array<i32>} : memref<16xi32, #tpu.memory_space<vmem>>, vector<16xi32>,
          tpu.vector_store %arg18[%swap3A_799], %add3A_798 {strides = array<i32>} : memref<16xi32, #tpu.memory_space<vmem>>, vector<16xi32>,
          %sub3A_801 = arith.constant 2 : i32
          %sub3A_802 = vector.broadcast %sub3A_801 : i32 to vector<16xi32>
          %sub3A_803 = arith.subi %iota3A, %sub3A_802 : vector<16xi32>
          %max3A_804 = arith.constant 0 : i32
          %max3A_805 = vector.broadcast %max3A_804 : i32 to vector<16xi32>
          %max3A_806 = arith.maxsi %sub3A_803, %max3A_805 : vector<16xi32>
          %gather3A_807 = tpu.vector_load_idx %arg18[%max3A_806] : memref<16xi32, #tpu.memory_space<vmem>>[vector<16xi32>], vector<16xi32>,
          %ge3A_808 = arith.constant 2 : i32
          %ge3A_809 = vector.broadcast %ge3A_808 : i32 to vector<16xi32>
          %ge3A_810 = arith.cmpi sge, %iota3A, %ge3A_809 : vector<16xi32>
          %jit3A_811 = arith.constant 0 : i32
          %broadcast_in_dim3A_812 = vector.broadcast %jit3A_811 : i32 to vector<16xi32>
          %select_n3A_813 = arith.select %ge3A_810, %gather3A_807, %broadcast_in_dim3A_812 : vector<16xi1>, vector<16xi32>
          %add3A_814 = arith.addi %add3A_798, %select_n3A_813 : vector<16xi32>
          %swap3A_815 = arith.constant 0 : index
          %swap3A_816 = tpu.vector_load %arg18[%swap3A_815] {strides = array<i32>} : memref<16xi32, #tpu.memory_space<vmem>>, vector<16xi32>,
          tpu.vector_store %arg18[%swap3A_815], %add3A_814 {strides = array<i32>} : memref<16xi32, #tpu.memory_space<vmem>>, vector<16xi32>,
          %sub3A_817 = arith.constant 4 : i32
          %sub3A_818 = vector.broadcast %sub3A_817 : i32 to vector<16xi32>
          %sub3A_819 = arith.subi %iota3A, %sub3A_818 : vector<16xi32>
          %max3A_820 = arith.constant 0 : i32
          %max3A_821 = vector.broadcast %max3A_820 : i32 to vector<16xi32>
          %max3A_822 = arith.maxsi %sub3A_819, %max3A_821 : vector<16xi32>
          %gather3A_823 = tpu.vector_load_idx %arg18[%max3A_822] : memref<16xi32, #tpu.memory_space<vmem>>[vector<16xi32>], vector<16xi32>,
          %ge3A_824 = arith.constant 4 : i32
          %ge3A_825 = vector.broadcast %ge3A_824 : i32 to vector<16xi32>
          %ge3A_826 = arith.cmpi sge, %iota3A, %ge3A_825 : vector<16xi32>
          %jit3A_827 = arith.constant 0 : i32
          %broadcast_in_dim3A_828 = vector.broadcast %jit3A_827 : i32 to vector<16xi32>
          %select_n3A_829 = arith.select %ge3A_826, %gather3A_823, %broadcast_in_dim3A_828 : vector<16xi1>, vector<16xi32>
          %add3A_830 = arith.addi %add3A_814, %select_n3A_829 : vector<16xi32>
          %swap3A_831 = arith.constant 0 : index
          %swap3A_832 = tpu.vector_load %arg18[%swap3A_831] {strides = array<i32>} : memref<16xi32, #tpu.memory_space<vmem>>, vector<16xi32>,
          tpu.vector_store %arg18[%swap3A_831], %add3A_830 {strides = array<i32>} : memref<16xi32, #tpu.memory_space<vmem>>, vector<16xi32>,
          %sub3A_833 = arith.constant 8 : i32
          %sub3A_834 = vector.broadcast %sub3A_833 : i32 to vector<16xi32>
          %sub3A_835 = arith.subi %iota3A, %sub3A_834 : vector<16xi32>
          %max3A_836 = arith.constant 0 : i32
          %max3A_837 = vector.broadcast %max3A_836 : i32 to vector<16xi32>
          %max3A_838 = arith.maxsi %sub3A_835, %max3A_837 : vector<16xi32>
          %gather3A_839 = tpu.vector_load_idx %arg18[%max3A_838] : memref<16xi32, #tpu.memory_space<vmem>>[vector<16xi32>], vector<16xi32>,
          %ge3A_840 = arith.constant 8 : i32
          %ge3A_841 = vector.broadcast %ge3A_840 : i32 to vector<16xi32>
          %ge3A_842 = arith.cmpi sge, %iota3A, %ge3A_841 : vector<16xi32>
          %jit3A_843 = arith.constant 0 : i32
          %broadcast_in_dim3A_844 = vector.broadcast %jit3A_843 : i32 to vector<16xi32>
          %select_n3A_845 = arith.select %ge3A_842, %gather3A_839, %broadcast_in_dim3A_844 : vector<16xi1>, vector<16xi32>
          %add3A_846 = arith.addi %add3A_830, %select_n3A_845 : vector<16xi32>
          %add3A_847 = vector.broadcast %cond3A_665 : i32 to vector<16xi32>
          %add3A_848 = arith.addi %add3A_847, %add3A_846 : vector<16xi32>
          %sub3A_849 = arith.constant 1 : i32
          %sub3A_850 = vector.broadcast %sub3A_849 : i32 to vector<16xi32>
          %sub3A_851 = arith.subi %add3A_848, %sub3A_850 : vector<16xi32>
          %min3A = arith.constant 2047 : i32
          %min3A_852 = vector.broadcast %min3A : i32 to vector<16xi32>
          %min3A_853 = arith.minsi %sub3A_851, %min3A_852 : vector<16xi32>
          tpu.vector_store_idx %arg10[%min3A_853], %get3A_671 masked %ge3A_672 : memref<2048xf32, #tpu.memory_space<vmem>>[vector<16xi32>], vector<16xf32>, vector<16xi1>
          %mul3A_854 = arith.constant 16 : i32
          %mul3A_855 = arith.muli %scan3A_667, %mul3A_854 : i32
          %add3A_856 = vector.broadcast %mul3A_855 : i32 to vector<16xi32>
          %add3A_857 = arith.addi %add3A_856, %iota3A : vector<16xi32>
          tpu.vector_store_idx %arg11[%min3A_853], %add3A_857 masked %ge3A_672 : memref<2048xi32, #tpu.memory_space<vmem>>[vector<16xi32>], vector<16xi32>, vector<16xi1>
          %add3A_858 = arith.addi %cond3A_665, %squeeze3A_675 : i32
          scf.yield %add3A_858 : i32
        } else {
          scf.yield %cond3A_665 : i32
        }
        %scan3A_682 = arith.constant 2 : i32
        %scan3A_683 = arith.addi %scan3A_653, %scan3A_682 : i32
        %mul3A_684 = arith.constant 16 : i32
        %mul3A_685 = arith.muli %scan3A_683, %mul3A_684 : i32
        %get3A_686 = arith.index_cast %mul3A_685 : i32 to index
        %get3A_687 = tpu.vector_load %arg8[%get3A_686] {strides = array<i32>} : memref<16384xf32, #tpu.memory_space<vmem>>, vector<16xf32>,
        %ge3A_688 = arith.cmpf oge, %get3A_687, %neg3A_379 : vector<16xf32>
        %all_reduce_population_count3A_689 = tpu.all_reduce %ge3A_688 {dim = 0 : i64, kind = #tpu.reduction_kind<sum>} : vector<16xi1> -> vector<16xi32>
        %slice3A_690 = vector.extract_strided_slice %all_reduce_population_count3A_689 {offsets = [0], sizes = [1], strides = [1]} : vector<16xi32> to vector<1xi32>
        %squeeze3A_691 = vector.extract %slice3A_690[0] : i32 from vector<1xi32>
        %gt3A_692 = arith.constant 0 : i32
        %gt3A_693 = arith.cmpi sgt, %squeeze3A_691, %gt3A_692 : i32
        %convert_element_type3A_694 = arith.extui %gt3A_693 : i1 to i32
        %cond3A_695 = arith.constant 0 : i32
        %cond3A_696 = arith.cmpi ne, %convert_element_type3A_694, %cond3A_695 : i32
        %cond3A_697 = scf.if %cond3A_696 -> (i32) {
          %jit3A_778 = arith.constant 1 : i32
          %jit3A_779 = arith.constant 0 : i32
          %broadcast_in_dim3A_780 = vector.broadcast %jit3A_778 : i32 to vector<16xi32>
          %broadcast_in_dim3A_781 = vector.broadcast %jit3A_779 : i32 to vector<16xi32>
          %select_n3A_782 = arith.select %ge3A_688, %broadcast_in_dim3A_780, %broadcast_in_dim3A_781 : vector<16xi1>, vector<16xi32>
          %swap3A_783 = arith.constant 0 : index
          %swap3A_784 = tpu.vector_load %arg18[%swap3A_783] {strides = array<i32>} : memref<16xi32, #tpu.memory_space<vmem>>, vector<16xi32>,
          tpu.vector_store %arg18[%swap3A_783], %select_n3A_782 {strides = array<i32>} : memref<16xi32, #tpu.memory_space<vmem>>, vector<16xi32>,
          %sub3A_785 = arith.constant 1 : i32
          %sub3A_786 = vector.broadcast %sub3A_785 : i32 to vector<16xi32>
          %sub3A_787 = arith.subi %iota3A, %sub3A_786 : vector<16xi32>
          %max3A_788 = arith.constant 0 : i32
          %max3A_789 = vector.broadcast %max3A_788 : i32 to vector<16xi32>
          %max3A_790 = arith.maxsi %sub3A_787, %max3A_789 : vector<16xi32>
          %gather3A_791 = tpu.vector_load_idx %arg18[%max3A_790] : memref<16xi32, #tpu.memory_space<vmem>>[vector<16xi32>], vector<16xi32>,
          %ge3A_792 = arith.constant 1 : i32
          %ge3A_793 = vector.broadcast %ge3A_792 : i32 to vector<16xi32>
          %ge3A_794 = arith.cmpi sge, %iota3A, %ge3A_793 : vector<16xi32>
          %jit3A_795 = arith.constant 0 : i32
          %broadcast_in_dim3A_796 = vector.broadcast %jit3A_795 : i32 to vector<16xi32>
          %select_n3A_797 = arith.select %ge3A_794, %gather3A_791, %broadcast_in_dim3A_796 : vector<16xi1>, vector<16xi32>
          %add3A_798 = arith.addi %select_n3A_782, %select_n3A_797 : vector<16xi32>
          %swap3A_799 = arith.constant 0 : index
          %swap3A_800 = tpu.vector_load %arg18[%swap3A_799] {strides = array<i32>} : memref<16xi32, #tpu.memory_space<vmem>>, vector<16xi32>,
          tpu.vector_store %arg18[%swap3A_799], %add3A_798 {strides = array<i32>} : memref<16xi32, #tpu.memory_space<vmem>>, vector<16xi32>,
          %sub3A_801 = arith.constant 2 : i32
          %sub3A_802 = vector.broadcast %sub3A_801 : i32 to vector<16xi32>
          %sub3A_803 = arith.subi %iota3A, %sub3A_802 : vector<16xi32>
          %max3A_804 = arith.constant 0 : i32
          %max3A_805 = vector.broadcast %max3A_804 : i32 to vector<16xi32>
          %max3A_806 = arith.maxsi %sub3A_803, %max3A_805 : vector<16xi32>
          %gather3A_807 = tpu.vector_load_idx %arg18[%max3A_806] : memref<16xi32, #tpu.memory_space<vmem>>[vector<16xi32>], vector<16xi32>,
          %ge3A_808 = arith.constant 2 : i32
          %ge3A_809 = vector.broadcast %ge3A_808 : i32 to vector<16xi32>
          %ge3A_810 = arith.cmpi sge, %iota3A, %ge3A_809 : vector<16xi32>
          %jit3A_811 = arith.constant 0 : i32
          %broadcast_in_dim3A_812 = vector.broadcast %jit3A_811 : i32 to vector<16xi32>
          %select_n3A_813 = arith.select %ge3A_810, %gather3A_807, %broadcast_in_dim3A_812 : vector<16xi1>, vector<16xi32>
          %add3A_814 = arith.addi %add3A_798, %select_n3A_813 : vector<16xi32>
          %swap3A_815 = arith.constant 0 : index
          %swap3A_816 = tpu.vector_load %arg18[%swap3A_815] {strides = array<i32>} : memref<16xi32, #tpu.memory_space<vmem>>, vector<16xi32>,
          tpu.vector_store %arg18[%swap3A_815], %add3A_814 {strides = array<i32>} : memref<16xi32, #tpu.memory_space<vmem>>, vector<16xi32>,
          %sub3A_817 = arith.constant 4 : i32
          %sub3A_818 = vector.broadcast %sub3A_817 : i32 to vector<16xi32>
          %sub3A_819 = arith.subi %iota3A, %sub3A_818 : vector<16xi32>
          %max3A_820 = arith.constant 0 : i32
          %max3A_821 = vector.broadcast %max3A_820 : i32 to vector<16xi32>
          %max3A_822 = arith.maxsi %sub3A_819, %max3A_821 : vector<16xi32>
          %gather3A_823 = tpu.vector_load_idx %arg18[%max3A_822] : memref<16xi32, #tpu.memory_space<vmem>>[vector<16xi32>], vector<16xi32>,
          %ge3A_824 = arith.constant 4 : i32
          %ge3A_825 = vector.broadcast %ge3A_824 : i32 to vector<16xi32>
          %ge3A_826 = arith.cmpi sge, %iota3A, %ge3A_825 : vector<16xi32>
          %jit3A_827 = arith.constant 0 : i32
          %broadcast_in_dim3A_828 = vector.broadcast %jit3A_827 : i32 to vector<16xi32>
          %select_n3A_829 = arith.select %ge3A_826, %gather3A_823, %broadcast_in_dim3A_828 : vector<16xi1>, vector<16xi32>
          %add3A_830 = arith.addi %add3A_814, %select_n3A_829 : vector<16xi32>
          %swap3A_831 = arith.constant 0 : index
          %swap3A_832 = tpu.vector_load %arg18[%swap3A_831] {strides = array<i32>} : memref<16xi32, #tpu.memory_space<vmem>>, vector<16xi32>,
          tpu.vector_store %arg18[%swap3A_831], %add3A_830 {strides = array<i32>} : memref<16xi32, #tpu.memory_space<vmem>>, vector<16xi32>,
          %sub3A_833 = arith.constant 8 : i32
          %sub3A_834 = vector.broadcast %sub3A_833 : i32 to vector<16xi32>
          %sub3A_835 = arith.subi %iota3A, %sub3A_834 : vector<16xi32>
          %max3A_836 = arith.constant 0 : i32
          %max3A_837 = vector.broadcast %max3A_836 : i32 to vector<16xi32>
          %max3A_838 = arith.maxsi %sub3A_835, %max3A_837 : vector<16xi32>
          %gather3A_839 = tpu.vector_load_idx %arg18[%max3A_838] : memref<16xi32, #tpu.memory_space<vmem>>[vector<16xi32>], vector<16xi32>,
          %ge3A_840 = arith.constant 8 : i32
          %ge3A_841 = vector.broadcast %ge3A_840 : i32 to vector<16xi32>
          %ge3A_842 = arith.cmpi sge, %iota3A, %ge3A_841 : vector<16xi32>
          %jit3A_843 = arith.constant 0 : i32
          %broadcast_in_dim3A_844 = vector.broadcast %jit3A_843 : i32 to vector<16xi32>
          %select_n3A_845 = arith.select %ge3A_842, %gather3A_839, %broadcast_in_dim3A_844 : vector<16xi1>, vector<16xi32>
          %add3A_846 = arith.addi %add3A_830, %select_n3A_845 : vector<16xi32>
          %add3A_847 = vector.broadcast %cond3A_681 : i32 to vector<16xi32>
          %add3A_848 = arith.addi %add3A_847, %add3A_846 : vector<16xi32>
          %sub3A_849 = arith.constant 1 : i32
          %sub3A_850 = vector.broadcast %sub3A_849 : i32 to vector<16xi32>
          %sub3A_851 = arith.subi %add3A_848, %sub3A_850 : vector<16xi32>
          %min3A = arith.constant 2047 : i32
          %min3A_852 = vector.broadcast %min3A : i32 to vector<16xi32>
          %min3A_853 = arith.minsi %sub3A_851, %min3A_852 : vector<16xi32>
          tpu.vector_store_idx %arg10[%min3A_853], %get3A_687 masked %ge3A_688 : memref<2048xf32, #tpu.memory_space<vmem>>[vector<16xi32>], vector<16xf32>, vector<16xi1>
          %mul3A_854 = arith.constant 16 : i32
          %mul3A_855 = arith.muli %scan3A_683, %mul3A_854 : i32
          %add3A_856 = vector.broadcast %mul3A_855 : i32 to vector<16xi32>
          %add3A_857 = arith.addi %add3A_856, %iota3A : vector<16xi32>
          tpu.vector_store_idx %arg11[%min3A_853], %add3A_857 masked %ge3A_688 : memref<2048xi32, #tpu.memory_space<vmem>>[vector<16xi32>], vector<16xi32>, vector<16xi1>
          %add3A_858 = arith.addi %cond3A_681, %squeeze3A_691 : i32
          scf.yield %add3A_858 : i32
        } else {
          scf.yield %cond3A_681 : i32
        }
        %scan3A_698 = arith.constant 3 : i32
        %scan3A_699 = arith.addi %scan3A_653, %scan3A_698 : i32
        %mul3A_700 = arith.constant 16 : i32
        %mul3A_701 = arith.muli %scan3A_699, %mul3A_700 : i32
        %get3A_702 = arith.index_cast %mul3A_701 : i32 to index
        %get3A_703 = tpu.vector_load %arg8[%get3A_702] {strides = array<i32>} : memref<16384xf32, #tpu.memory_space<vmem>>, vector<16xf32>,
        %ge3A_704 = arith.cmpf oge, %get3A_703, %neg3A_379 : vector<16xf32>
        %all_reduce_population_count3A_705 = tpu.all_reduce %ge3A_704 {dim = 0 : i64, kind = #tpu.reduction_kind<sum>} : vector<16xi1> -> vector<16xi32>
        %slice3A_706 = vector.extract_strided_slice %all_reduce_population_count3A_705 {offsets = [0], sizes = [1], strides = [1]} : vector<16xi32> to vector<1xi32>
        %squeeze3A_707 = vector.extract %slice3A_706[0] : i32 from vector<1xi32>
        %gt3A_708 = arith.constant 0 : i32
        %gt3A_709 = arith.cmpi sgt, %squeeze3A_707, %gt3A_708 : i32
        %convert_element_type3A_710 = arith.extui %gt3A_709 : i1 to i32
        %cond3A_711 = arith.constant 0 : i32
        %cond3A_712 = arith.cmpi ne, %convert_element_type3A_710, %cond3A_711 : i32
        %cond3A_713 = scf.if %cond3A_712 -> (i32) {
          %jit3A_778 = arith.constant 1 : i32
          %jit3A_779 = arith.constant 0 : i32
          %broadcast_in_dim3A_780 = vector.broadcast %jit3A_778 : i32 to vector<16xi32>
          %broadcast_in_dim3A_781 = vector.broadcast %jit3A_779 : i32 to vector<16xi32>
          %select_n3A_782 = arith.select %ge3A_704, %broadcast_in_dim3A_780, %broadcast_in_dim3A_781 : vector<16xi1>, vector<16xi32>
          %swap3A_783 = arith.constant 0 : index
          %swap3A_784 = tpu.vector_load %arg18[%swap3A_783] {strides = array<i32>} : memref<16xi32, #tpu.memory_space<vmem>>, vector<16xi32>,
          tpu.vector_store %arg18[%swap3A_783], %select_n3A_782 {strides = array<i32>} : memref<16xi32, #tpu.memory_space<vmem>>, vector<16xi32>,
          %sub3A_785 = arith.constant 1 : i32
          %sub3A_786 = vector.broadcast %sub3A_785 : i32 to vector<16xi32>
          %sub3A_787 = arith.subi %iota3A, %sub3A_786 : vector<16xi32>
          %max3A_788 = arith.constant 0 : i32
          %max3A_789 = vector.broadcast %max3A_788 : i32 to vector<16xi32>
          %max3A_790 = arith.maxsi %sub3A_787, %max3A_789 : vector<16xi32>
          %gather3A_791 = tpu.vector_load_idx %arg18[%max3A_790] : memref<16xi32, #tpu.memory_space<vmem>>[vector<16xi32>], vector<16xi32>,
          %ge3A_792 = arith.constant 1 : i32
          %ge3A_793 = vector.broadcast %ge3A_792 : i32 to vector<16xi32>
          %ge3A_794 = arith.cmpi sge, %iota3A, %ge3A_793 : vector<16xi32>
          %jit3A_795 = arith.constant 0 : i32
          %broadcast_in_dim3A_796 = vector.broadcast %jit3A_795 : i32 to vector<16xi32>
          %select_n3A_797 = arith.select %ge3A_794, %gather3A_791, %broadcast_in_dim3A_796 : vector<16xi1>, vector<16xi32>
          %add3A_798 = arith.addi %select_n3A_782, %select_n3A_797 : vector<16xi32>
          %swap3A_799 = arith.constant 0 : index
          %swap3A_800 = tpu.vector_load %arg18[%swap3A_799] {strides = array<i32>} : memref<16xi32, #tpu.memory_space<vmem>>, vector<16xi32>,
          tpu.vector_store %arg18[%swap3A_799], %add3A_798 {strides = array<i32>} : memref<16xi32, #tpu.memory_space<vmem>>, vector<16xi32>,
          %sub3A_801 = arith.constant 2 : i32
          %sub3A_802 = vector.broadcast %sub3A_801 : i32 to vector<16xi32>
          %sub3A_803 = arith.subi %iota3A, %sub3A_802 : vector<16xi32>
          %max3A_804 = arith.constant 0 : i32
          %max3A_805 = vector.broadcast %max3A_804 : i32 to vector<16xi32>
          %max3A_806 = arith.maxsi %sub3A_803, %max3A_805 : vector<16xi32>
          %gather3A_807 = tpu.vector_load_idx %arg18[%max3A_806] : memref<16xi32, #tpu.memory_space<vmem>>[vector<16xi32>], vector<16xi32>,
          %ge3A_808 = arith.constant 2 : i32
          %ge3A_809 = vector.broadcast %ge3A_808 : i32 to vector<16xi32>
          %ge3A_810 = arith.cmpi sge, %iota3A, %ge3A_809 : vector<16xi32>
          %jit3A_811 = arith.constant 0 : i32
          %broadcast_in_dim3A_812 = vector.broadcast %jit3A_811 : i32 to vector<16xi32>
          %select_n3A_813 = arith.select %ge3A_810, %gather3A_807, %broadcast_in_dim3A_812 : vector<16xi1>, vector<16xi32>
          %add3A_814 = arith.addi %add3A_798, %select_n3A_813 : vector<16xi32>
          %swap3A_815 = arith.constant 0 : index
          %swap3A_816 = tpu.vector_load %arg18[%swap3A_815] {strides = array<i32>} : memref<16xi32, #tpu.memory_space<vmem>>, vector<16xi32>,
          tpu.vector_store %arg18[%swap3A_815], %add3A_814 {strides = array<i32>} : memref<16xi32, #tpu.memory_space<vmem>>, vector<16xi32>,
          %sub3A_817 = arith.constant 4 : i32
          %sub3A_818 = vector.broadcast %sub3A_817 : i32 to vector<16xi32>
          %sub3A_819 = arith.subi %iota3A, %sub3A_818 : vector<16xi32>
          %max3A_820 = arith.constant 0 : i32
          %max3A_821 = vector.broadcast %max3A_820 : i32 to vector<16xi32>
          %max3A_822 = arith.maxsi %sub3A_819, %max3A_821 : vector<16xi32>
          %gather3A_823 = tpu.vector_load_idx %arg18[%max3A_822] : memref<16xi32, #tpu.memory_space<vmem>>[vector<16xi32>], vector<16xi32>,
          %ge3A_824 = arith.constant 4 : i32
          %ge3A_825 = vector.broadcast %ge3A_824 : i32 to vector<16xi32>
          %ge3A_826 = arith.cmpi sge, %iota3A, %ge3A_825 : vector<16xi32>
          %jit3A_827 = arith.constant 0 : i32
          %broadcast_in_dim3A_828 = vector.broadcast %jit3A_827 : i32 to vector<16xi32>
          %select_n3A_829 = arith.select %ge3A_826, %gather3A_823, %broadcast_in_dim3A_828 : vector<16xi1>, vector<16xi32>
          %add3A_830 = arith.addi %add3A_814, %select_n3A_829 : vector<16xi32>
          %swap3A_831 = arith.constant 0 : index
          %swap3A_832 = tpu.vector_load %arg18[%swap3A_831] {strides = array<i32>} : memref<16xi32, #tpu.memory_space<vmem>>, vector<16xi32>,
          tpu.vector_store %arg18[%swap3A_831], %add3A_830 {strides = array<i32>} : memref<16xi32, #tpu.memory_space<vmem>>, vector<16xi32>,
          %sub3A_833 = arith.constant 8 : i32
          %sub3A_834 = vector.broadcast %sub3A_833 : i32 to vector<16xi32>
          %sub3A_835 = arith.subi %iota3A, %sub3A_834 : vector<16xi32>
          %max3A_836 = arith.constant 0 : i32
          %max3A_837 = vector.broadcast %max3A_836 : i32 to vector<16xi32>
          %max3A_838 = arith.maxsi %sub3A_835, %max3A_837 : vector<16xi32>
          %gather3A_839 = tpu.vector_load_idx %arg18[%max3A_838] : memref<16xi32, #tpu.memory_space<vmem>>[vector<16xi32>], vector<16xi32>,
          %ge3A_840 = arith.constant 8 : i32
          %ge3A_841 = vector.broadcast %ge3A_840 : i32 to vector<16xi32>
          %ge3A_842 = arith.cmpi sge, %iota3A, %ge3A_841 : vector<16xi32>
          %jit3A_843 = arith.constant 0 : i32
          %broadcast_in_dim3A_844 = vector.broadcast %jit3A_843 : i32 to vector<16xi32>
          %select_n3A_845 = arith.select %ge3A_842, %gather3A_839, %broadcast_in_dim3A_844 : vector<16xi1>, vector<16xi32>
          %add3A_846 = arith.addi %add3A_830, %select_n3A_845 : vector<16xi32>
          %add3A_847 = vector.broadcast %cond3A_697 : i32 to vector<16xi32>
          %add3A_848 = arith.addi %add3A_847, %add3A_846 : vector<16xi32>
          %sub3A_849 = arith.constant 1 : i32
          %sub3A_850 = vector.broadcast %sub3A_849 : i32 to vector<16xi32>
          %sub3A_851 = arith.subi %add3A_848, %sub3A_850 : vector<16xi32>
          %min3A = arith.constant 2047 : i32
          %min3A_852 = vector.broadcast %min3A : i32 to vector<16xi32>
          %min3A_853 = arith.minsi %sub3A_851, %min3A_852 : vector<16xi32>
          tpu.vector_store_idx %arg10[%min3A_853], %get3A_703 masked %ge3A_704 : memref<2048xf32, #tpu.memory_space<vmem>>[vector<16xi32>], vector<16xf32>, vector<16xi1>
          %mul3A_854 = arith.constant 16 : i32
          %mul3A_855 = arith.muli %scan3A_699, %mul3A_854 : i32
          %add3A_856 = vector.broadcast %mul3A_855 : i32 to vector<16xi32>
          %add3A_857 = arith.addi %add3A_856, %iota3A : vector<16xi32>
          tpu.vector_store_idx %arg11[%min3A_853], %add3A_857 masked %ge3A_704 : memref<2048xi32, #tpu.memory_space<vmem>>[vector<16xi32>], vector<16xi32>, vector<16xi1>
          %add3A_858 = arith.addi %cond3A_697, %squeeze3A_707 : i32
          scf.yield %add3A_858 : i32
        } else {
          scf.yield %cond3A_697 : i32
        }
        %scan3A_714 = arith.constant 4 : i32
        %scan3A_715 = arith.addi %scan3A_653, %scan3A_714 : i32
        %mul3A_716 = arith.constant 16 : i32
        %mul3A_717 = arith.muli %scan3A_715, %mul3A_716 : i32
        %get3A_718 = arith.index_cast %mul3A_717 : i32 to index
        %get3A_719 = tpu.vector_load %arg8[%get3A_718] {strides = array<i32>} : memref<16384xf32, #tpu.memory_space<vmem>>, vector<16xf32>,
        %ge3A_720 = arith.cmpf oge, %get3A_719, %neg3A_379 : vector<16xf32>
        %all_reduce_population_count3A_721 = tpu.all_reduce %ge3A_720 {dim = 0 : i64, kind = #tpu.reduction_kind<sum>} : vector<16xi1> -> vector<16xi32>
        %slice3A_722 = vector.extract_strided_slice %all_reduce_population_count3A_721 {offsets = [0], sizes = [1], strides = [1]} : vector<16xi32> to vector<1xi32>
        %squeeze3A_723 = vector.extract %slice3A_722[0] : i32 from vector<1xi32>
        %gt3A_724 = arith.constant 0 : i32
        %gt3A_725 = arith.cmpi sgt, %squeeze3A_723, %gt3A_724 : i32
        %convert_element_type3A_726 = arith.extui %gt3A_725 : i1 to i32
        %cond3A_727 = arith.constant 0 : i32
        %cond3A_728 = arith.cmpi ne, %convert_element_type3A_726, %cond3A_727 : i32
        %cond3A_729 = scf.if %cond3A_728 -> (i32) {
          %jit3A_778 = arith.constant 1 : i32
          %jit3A_779 = arith.constant 0 : i32
          %broadcast_in_dim3A_780 = vector.broadcast %jit3A_778 : i32 to vector<16xi32>
          %broadcast_in_dim3A_781 = vector.broadcast %jit3A_779 : i32 to vector<16xi32>
          %select_n3A_782 = arith.select %ge3A_720, %broadcast_in_dim3A_780, %broadcast_in_dim3A_781 : vector<16xi1>, vector<16xi32>
          %swap3A_783 = arith.constant 0 : index
          %swap3A_784 = tpu.vector_load %arg18[%swap3A_783] {strides = array<i32>} : memref<16xi32, #tpu.memory_space<vmem>>, vector<16xi32>,
          tpu.vector_store %arg18[%swap3A_783], %select_n3A_782 {strides = array<i32>} : memref<16xi32, #tpu.memory_space<vmem>>, vector<16xi32>,
          %sub3A_785 = arith.constant 1 : i32
          %sub3A_786 = vector.broadcast %sub3A_785 : i32 to vector<16xi32>
          %sub3A_787 = arith.subi %iota3A, %sub3A_786 : vector<16xi32>
          %max3A_788 = arith.constant 0 : i32
          %max3A_789 = vector.broadcast %max3A_788 : i32 to vector<16xi32>
          %max3A_790 = arith.maxsi %sub3A_787, %max3A_789 : vector<16xi32>
          %gather3A_791 = tpu.vector_load_idx %arg18[%max3A_790] : memref<16xi32, #tpu.memory_space<vmem>>[vector<16xi32>], vector<16xi32>,
          %ge3A_792 = arith.constant 1 : i32
          %ge3A_793 = vector.broadcast %ge3A_792 : i32 to vector<16xi32>
          %ge3A_794 = arith.cmpi sge, %iota3A, %ge3A_793 : vector<16xi32>
          %jit3A_795 = arith.constant 0 : i32
          %broadcast_in_dim3A_796 = vector.broadcast %jit3A_795 : i32 to vector<16xi32>
          %select_n3A_797 = arith.select %ge3A_794, %gather3A_791, %broadcast_in_dim3A_796 : vector<16xi1>, vector<16xi32>
          %add3A_798 = arith.addi %select_n3A_782, %select_n3A_797 : vector<16xi32>
          %swap3A_799 = arith.constant 0 : index
          %swap3A_800 = tpu.vector_load %arg18[%swap3A_799] {strides = array<i32>} : memref<16xi32, #tpu.memory_space<vmem>>, vector<16xi32>,
          tpu.vector_store %arg18[%swap3A_799], %add3A_798 {strides = array<i32>} : memref<16xi32, #tpu.memory_space<vmem>>, vector<16xi32>,
          %sub3A_801 = arith.constant 2 : i32
          %sub3A_802 = vector.broadcast %sub3A_801 : i32 to vector<16xi32>
          %sub3A_803 = arith.subi %iota3A, %sub3A_802 : vector<16xi32>
          %max3A_804 = arith.constant 0 : i32
          %max3A_805 = vector.broadcast %max3A_804 : i32 to vector<16xi32>
          %max3A_806 = arith.maxsi %sub3A_803, %max3A_805 : vector<16xi32>
          %gather3A_807 = tpu.vector_load_idx %arg18[%max3A_806] : memref<16xi32, #tpu.memory_space<vmem>>[vector<16xi32>], vector<16xi32>,
          %ge3A_808 = arith.constant 2 : i32
          %ge3A_809 = vector.broadcast %ge3A_808 : i32 to vector<16xi32>
          %ge3A_810 = arith.cmpi sge, %iota3A, %ge3A_809 : vector<16xi32>
          %jit3A_811 = arith.constant 0 : i32
          %broadcast_in_dim3A_812 = vector.broadcast %jit3A_811 : i32 to vector<16xi32>
          %select_n3A_813 = arith.select %ge3A_810, %gather3A_807, %broadcast_in_dim3A_812 : vector<16xi1>, vector<16xi32>
          %add3A_814 = arith.addi %add3A_798, %select_n3A_813 : vector<16xi32>
          %swap3A_815 = arith.constant 0 : index
          %swap3A_816 = tpu.vector_load %arg18[%swap3A_815] {strides = array<i32>} : memref<16xi32, #tpu.memory_space<vmem>>, vector<16xi32>,
          tpu.vector_store %arg18[%swap3A_815], %add3A_814 {strides = array<i32>} : memref<16xi32, #tpu.memory_space<vmem>>, vector<16xi32>,
          %sub3A_817 = arith.constant 4 : i32
          %sub3A_818 = vector.broadcast %sub3A_817 : i32 to vector<16xi32>
          %sub3A_819 = arith.subi %iota3A, %sub3A_818 : vector<16xi32>
          %max3A_820 = arith.constant 0 : i32
          %max3A_821 = vector.broadcast %max3A_820 : i32 to vector<16xi32>
          %max3A_822 = arith.maxsi %sub3A_819, %max3A_821 : vector<16xi32>
          %gather3A_823 = tpu.vector_load_idx %arg18[%max3A_822] : memref<16xi32, #tpu.memory_space<vmem>>[vector<16xi32>], vector<16xi32>,
          %ge3A_824 = arith.constant 4 : i32
          %ge3A_825 = vector.broadcast %ge3A_824 : i32 to vector<16xi32>
          %ge3A_826 = arith.cmpi sge, %iota3A, %ge3A_825 : vector<16xi32>
          %jit3A_827 = arith.constant 0 : i32
          %broadcast_in_dim3A_828 = vector.broadcast %jit3A_827 : i32 to vector<16xi32>
          %select_n3A_829 = arith.select %ge3A_826, %gather3A_823, %broadcast_in_dim3A_828 : vector<16xi1>, vector<16xi32>
          %add3A_830 = arith.addi %add3A_814, %select_n3A_829 : vector<16xi32>
          %swap3A_831 = arith.constant 0 : index
          %swap3A_832 = tpu.vector_load %arg18[%swap3A_831] {strides = array<i32>} : memref<16xi32, #tpu.memory_space<vmem>>, vector<16xi32>,
          tpu.vector_store %arg18[%swap3A_831], %add3A_830 {strides = array<i32>} : memref<16xi32, #tpu.memory_space<vmem>>, vector<16xi32>,
          %sub3A_833 = arith.constant 8 : i32
          %sub3A_834 = vector.broadcast %sub3A_833 : i32 to vector<16xi32>
          %sub3A_835 = arith.subi %iota3A, %sub3A_834 : vector<16xi32>
          %max3A_836 = arith.constant 0 : i32
          %max3A_837 = vector.broadcast %max3A_836 : i32 to vector<16xi32>
          %max3A_838 = arith.maxsi %sub3A_835, %max3A_837 : vector<16xi32>
          %gather3A_839 = tpu.vector_load_idx %arg18[%max3A_838] : memref<16xi32, #tpu.memory_space<vmem>>[vector<16xi32>], vector<16xi32>,
          %ge3A_840 = arith.constant 8 : i32
          %ge3A_841 = vector.broadcast %ge3A_840 : i32 to vector<16xi32>
          %ge3A_842 = arith.cmpi sge, %iota3A, %ge3A_841 : vector<16xi32>
          %jit3A_843 = arith.constant 0 : i32
          %broadcast_in_dim3A_844 = vector.broadcast %jit3A_843 : i32 to vector<16xi32>
          %select_n3A_845 = arith.select %ge3A_842, %gather3A_839, %broadcast_in_dim3A_844 : vector<16xi1>, vector<16xi32>
          %add3A_846 = arith.addi %add3A_830, %select_n3A_845 : vector<16xi32>
          %add3A_847 = vector.broadcast %cond3A_713 : i32 to vector<16xi32>
          %add3A_848 = arith.addi %add3A_847, %add3A_846 : vector<16xi32>
          %sub3A_849 = arith.constant 1 : i32
          %sub3A_850 = vector.broadcast %sub3A_849 : i32 to vector<16xi32>
          %sub3A_851 = arith.subi %add3A_848, %sub3A_850 : vector<16xi32>
          %min3A = arith.constant 2047 : i32
          %min3A_852 = vector.broadcast %min3A : i32 to vector<16xi32>
          %min3A_853 = arith.minsi %sub3A_851, %min3A_852 : vector<16xi32>
          tpu.vector_store_idx %arg10[%min3A_853], %get3A_719 masked %ge3A_720 : memref<2048xf32, #tpu.memory_space<vmem>>[vector<16xi32>], vector<16xf32>, vector<16xi1>
          %mul3A_854 = arith.constant 16 : i32
          %mul3A_855 = arith.muli %scan3A_715, %mul3A_854 : i32
          %add3A_856 = vector.broadcast %mul3A_855 : i32 to vector<16xi32>
          %add3A_857 = arith.addi %add3A_856, %iota3A : vector<16xi32>
          tpu.vector_store_idx %arg11[%min3A_853], %add3A_857 masked %ge3A_720 : memref<2048xi32, #tpu.memory_space<vmem>>[vector<16xi32>], vector<16xi32>, vector<16xi1>
          %add3A_858 = arith.addi %cond3A_713, %squeeze3A_723 : i32
          scf.yield %add3A_858 : i32
        } else {
          scf.yield %cond3A_713 : i32
        }
        %scan3A_730 = arith.constant 5 : i32
        %scan3A_731 = arith.addi %scan3A_653, %scan3A_730 : i32
        %mul3A_732 = arith.constant 16 : i32
        %mul3A_733 = arith.muli %scan3A_731, %mul3A_732 : i32
        %get3A_734 = arith.index_cast %mul3A_733 : i32 to index
        %get3A_735 = tpu.vector_load %arg8[%get3A_734] {strides = array<i32>} : memref<16384xf32, #tpu.memory_space<vmem>>, vector<16xf32>,
        %ge3A_736 = arith.cmpf oge, %get3A_735, %neg3A_379 : vector<16xf32>
        %all_reduce_population_count3A_737 = tpu.all_reduce %ge3A_736 {dim = 0 : i64, kind = #tpu.reduction_kind<sum>} : vector<16xi1> -> vector<16xi32>
        %slice3A_738 = vector.extract_strided_slice %all_reduce_population_count3A_737 {offsets = [0], sizes = [1], strides = [1]} : vector<16xi32> to vector<1xi32>
        %squeeze3A_739 = vector.extract %slice3A_738[0] : i32 from vector<1xi32>
        %gt3A_740 = arith.constant 0 : i32
        %gt3A_741 = arith.cmpi sgt, %squeeze3A_739, %gt3A_740 : i32
        %convert_element_type3A_742 = arith.extui %gt3A_741 : i1 to i32
        %cond3A_743 = arith.constant 0 : i32
        %cond3A_744 = arith.cmpi ne, %convert_element_type3A_742, %cond3A_743 : i32
        %cond3A_745 = scf.if %cond3A_744 -> (i32) {
          %jit3A_778 = arith.constant 1 : i32
          %jit3A_779 = arith.constant 0 : i32
          %broadcast_in_dim3A_780 = vector.broadcast %jit3A_778 : i32 to vector<16xi32>
          %broadcast_in_dim3A_781 = vector.broadcast %jit3A_779 : i32 to vector<16xi32>
          %select_n3A_782 = arith.select %ge3A_736, %broadcast_in_dim3A_780, %broadcast_in_dim3A_781 : vector<16xi1>, vector<16xi32>
          %swap3A_783 = arith.constant 0 : index
          %swap3A_784 = tpu.vector_load %arg18[%swap3A_783] {strides = array<i32>} : memref<16xi32, #tpu.memory_space<vmem>>, vector<16xi32>,
          tpu.vector_store %arg18[%swap3A_783], %select_n3A_782 {strides = array<i32>} : memref<16xi32, #tpu.memory_space<vmem>>, vector<16xi32>,
          %sub3A_785 = arith.constant 1 : i32
          %sub3A_786 = vector.broadcast %sub3A_785 : i32 to vector<16xi32>
          %sub3A_787 = arith.subi %iota3A, %sub3A_786 : vector<16xi32>
          %max3A_788 = arith.constant 0 : i32
          %max3A_789 = vector.broadcast %max3A_788 : i32 to vector<16xi32>
          %max3A_790 = arith.maxsi %sub3A_787, %max3A_789 : vector<16xi32>
          %gather3A_791 = tpu.vector_load_idx %arg18[%max3A_790] : memref<16xi32, #tpu.memory_space<vmem>>[vector<16xi32>], vector<16xi32>,
          %ge3A_792 = arith.constant 1 : i32
          %ge3A_793 = vector.broadcast %ge3A_792 : i32 to vector<16xi32>
          %ge3A_794 = arith.cmpi sge, %iota3A, %ge3A_793 : vector<16xi32>
          %jit3A_795 = arith.constant 0 : i32
          %broadcast_in_dim3A_796 = vector.broadcast %jit3A_795 : i32 to vector<16xi32>
          %select_n3A_797 = arith.select %ge3A_794, %gather3A_791, %broadcast_in_dim3A_796 : vector<16xi1>, vector<16xi32>
          %add3A_798 = arith.addi %select_n3A_782, %select_n3A_797 : vector<16xi32>
          %swap3A_799 = arith.constant 0 : index
          %swap3A_800 = tpu.vector_load %arg18[%swap3A_799] {strides = array<i32>} : memref<16xi32, #tpu.memory_space<vmem>>, vector<16xi32>,
          tpu.vector_store %arg18[%swap3A_799], %add3A_798 {strides = array<i32>} : memref<16xi32, #tpu.memory_space<vmem>>, vector<16xi32>,
          %sub3A_801 = arith.constant 2 : i32
          %sub3A_802 = vector.broadcast %sub3A_801 : i32 to vector<16xi32>
          %sub3A_803 = arith.subi %iota3A, %sub3A_802 : vector<16xi32>
          %max3A_804 = arith.constant 0 : i32
          %max3A_805 = vector.broadcast %max3A_804 : i32 to vector<16xi32>
          %max3A_806 = arith.maxsi %sub3A_803, %max3A_805 : vector<16xi32>
          %gather3A_807 = tpu.vector_load_idx %arg18[%max3A_806] : memref<16xi32, #tpu.memory_space<vmem>>[vector<16xi32>], vector<16xi32>,
          %ge3A_808 = arith.constant 2 : i32
          %ge3A_809 = vector.broadcast %ge3A_808 : i32 to vector<16xi32>
          %ge3A_810 = arith.cmpi sge, %iota3A, %ge3A_809 : vector<16xi32>
          %jit3A_811 = arith.constant 0 : i32
          %broadcast_in_dim3A_812 = vector.broadcast %jit3A_811 : i32 to vector<16xi32>
          %select_n3A_813 = arith.select %ge3A_810, %gather3A_807, %broadcast_in_dim3A_812 : vector<16xi1>, vector<16xi32>
          %add3A_814 = arith.addi %add3A_798, %select_n3A_813 : vector<16xi32>
          %swap3A_815 = arith.constant 0 : index
          %swap3A_816 = tpu.vector_load %arg18[%swap3A_815] {strides = array<i32>} : memref<16xi32, #tpu.memory_space<vmem>>, vector<16xi32>,
          tpu.vector_store %arg18[%swap3A_815], %add3A_814 {strides = array<i32>} : memref<16xi32, #tpu.memory_space<vmem>>, vector<16xi32>,
          %sub3A_817 = arith.constant 4 : i32
          %sub3A_818 = vector.broadcast %sub3A_817 : i32 to vector<16xi32>
          %sub3A_819 = arith.subi %iota3A, %sub3A_818 : vector<16xi32>
          %max3A_820 = arith.constant 0 : i32
          %max3A_821 = vector.broadcast %max3A_820 : i32 to vector<16xi32>
          %max3A_822 = arith.maxsi %sub3A_819, %max3A_821 : vector<16xi32>
          %gather3A_823 = tpu.vector_load_idx %arg18[%max3A_822] : memref<16xi32, #tpu.memory_space<vmem>>[vector<16xi32>], vector<16xi32>,
          %ge3A_824 = arith.constant 4 : i32
          %ge3A_825 = vector.broadcast %ge3A_824 : i32 to vector<16xi32>
          %ge3A_826 = arith.cmpi sge, %iota3A, %ge3A_825 : vector<16xi32>
          %jit3A_827 = arith.constant 0 : i32
          %broadcast_in_dim3A_828 = vector.broadcast %jit3A_827 : i32 to vector<16xi32>
          %select_n3A_829 = arith.select %ge3A_826, %gather3A_823, %broadcast_in_dim3A_828 : vector<16xi1>, vector<16xi32>
          %add3A_830 = arith.addi %add3A_814, %select_n3A_829 : vector<16xi32>
          %swap3A_831 = arith.constant 0 : index
          %swap3A_832 = tpu.vector_load %arg18[%swap3A_831] {strides = array<i32>} : memref<16xi32, #tpu.memory_space<vmem>>, vector<16xi32>,
          tpu.vector_store %arg18[%swap3A_831], %add3A_830 {strides = array<i32>} : memref<16xi32, #tpu.memory_space<vmem>>, vector<16xi32>,
          %sub3A_833 = arith.constant 8 : i32
          %sub3A_834 = vector.broadcast %sub3A_833 : i32 to vector<16xi32>
          %sub3A_835 = arith.subi %iota3A, %sub3A_834 : vector<16xi32>
          %max3A_836 = arith.constant 0 : i32
          %max3A_837 = vector.broadcast %max3A_836 : i32 to vector<16xi32>
          %max3A_838 = arith.maxsi %sub3A_835, %max3A_837 : vector<16xi32>
          %gather3A_839 = tpu.vector_load_idx %arg18[%max3A_838] : memref<16xi32, #tpu.memory_space<vmem>>[vector<16xi32>], vector<16xi32>,
          %ge3A_840 = arith.constant 8 : i32
          %ge3A_841 = vector.broadcast %ge3A_840 : i32 to vector<16xi32>
          %ge3A_842 = arith.cmpi sge, %iota3A, %ge3A_841 : vector<16xi32>
          %jit3A_843 = arith.constant 0 : i32
          %broadcast_in_dim3A_844 = vector.broadcast %jit3A_843 : i32 to vector<16xi32>
          %select_n3A_845 = arith.select %ge3A_842, %gather3A_839, %broadcast_in_dim3A_844 : vector<16xi1>, vector<16xi32>
          %add3A_846 = arith.addi %add3A_830, %select_n3A_845 : vector<16xi32>
          %add3A_847 = vector.broadcast %cond3A_729 : i32 to vector<16xi32>
          %add3A_848 = arith.addi %add3A_847, %add3A_846 : vector<16xi32>
          %sub3A_849 = arith.constant 1 : i32
          %sub3A_850 = vector.broadcast %sub3A_849 : i32 to vector<16xi32>
          %sub3A_851 = arith.subi %add3A_848, %sub3A_850 : vector<16xi32>
          %min3A = arith.constant 2047 : i32
          %min3A_852 = vector.broadcast %min3A : i32 to vector<16xi32>
          %min3A_853 = arith.minsi %sub3A_851, %min3A_852 : vector<16xi32>
          tpu.vector_store_idx %arg10[%min3A_853], %get3A_735 masked %ge3A_736 : memref<2048xf32, #tpu.memory_space<vmem>>[vector<16xi32>], vector<16xf32>, vector<16xi1>
          %mul3A_854 = arith.constant 16 : i32
          %mul3A_855 = arith.muli %scan3A_731, %mul3A_854 : i32
          %add3A_856 = vector.broadcast %mul3A_855 : i32 to vector<16xi32>
          %add3A_857 = arith.addi %add3A_856, %iota3A : vector<16xi32>
          tpu.vector_store_idx %arg11[%min3A_853], %add3A_857 masked %ge3A_736 : memref<2048xi32, #tpu.memory_space<vmem>>[vector<16xi32>], vector<16xi32>, vector<16xi1>
          %add3A_858 = arith.addi %cond3A_729, %squeeze3A_739 : i32
          scf.yield %add3A_858 : i32
        } else {
          scf.yield %cond3A_729 : i32
        }
        %scan3A_746 = arith.constant 6 : i32
        %scan3A_747 = arith.addi %scan3A_653, %scan3A_746 : i32
        %mul3A_748 = arith.constant 16 : i32
        %mul3A_749 = arith.muli %scan3A_747, %mul3A_748 : i32
        %get3A_750 = arith.index_cast %mul3A_749 : i32 to index
        %get3A_751 = tpu.vector_load %arg8[%get3A_750] {strides = array<i32>} : memref<16384xf32, #tpu.memory_space<vmem>>, vector<16xf32>,
        %ge3A_752 = arith.cmpf oge, %get3A_751, %neg3A_379 : vector<16xf32>
        %all_reduce_population_count3A_753 = tpu.all_reduce %ge3A_752 {dim = 0 : i64, kind = #tpu.reduction_kind<sum>} : vector<16xi1> -> vector<16xi32>
        %slice3A_754 = vector.extract_strided_slice %all_reduce_population_count3A_753 {offsets = [0], sizes = [1], strides = [1]} : vector<16xi32> to vector<1xi32>
        %squeeze3A_755 = vector.extract %slice3A_754[0] : i32 from vector<1xi32>
        %gt3A_756 = arith.constant 0 : i32
        %gt3A_757 = arith.cmpi sgt, %squeeze3A_755, %gt3A_756 : i32
        %convert_element_type3A_758 = arith.extui %gt3A_757 : i1 to i32
        %cond3A_759 = arith.constant 0 : i32
        %cond3A_760 = arith.cmpi ne, %convert_element_type3A_758, %cond3A_759 : i32
        %cond3A_761 = scf.if %cond3A_760 -> (i32) {
          %jit3A_778 = arith.constant 1 : i32
          %jit3A_779 = arith.constant 0 : i32
          %broadcast_in_dim3A_780 = vector.broadcast %jit3A_778 : i32 to vector<16xi32>
          %broadcast_in_dim3A_781 = vector.broadcast %jit3A_779 : i32 to vector<16xi32>
          %select_n3A_782 = arith.select %ge3A_752, %broadcast_in_dim3A_780, %broadcast_in_dim3A_781 : vector<16xi1>, vector<16xi32>
          %swap3A_783 = arith.constant 0 : index
          %swap3A_784 = tpu.vector_load %arg18[%swap3A_783] {strides = array<i32>} : memref<16xi32, #tpu.memory_space<vmem>>, vector<16xi32>,
          tpu.vector_store %arg18[%swap3A_783], %select_n3A_782 {strides = array<i32>} : memref<16xi32, #tpu.memory_space<vmem>>, vector<16xi32>,
          %sub3A_785 = arith.constant 1 : i32
          %sub3A_786 = vector.broadcast %sub3A_785 : i32 to vector<16xi32>
          %sub3A_787 = arith.subi %iota3A, %sub3A_786 : vector<16xi32>
          %max3A_788 = arith.constant 0 : i32
          %max3A_789 = vector.broadcast %max3A_788 : i32 to vector<16xi32>
          %max3A_790 = arith.maxsi %sub3A_787, %max3A_789 : vector<16xi32>
          %gather3A_791 = tpu.vector_load_idx %arg18[%max3A_790] : memref<16xi32, #tpu.memory_space<vmem>>[vector<16xi32>], vector<16xi32>,
          %ge3A_792 = arith.constant 1 : i32
          %ge3A_793 = vector.broadcast %ge3A_792 : i32 to vector<16xi32>
          %ge3A_794 = arith.cmpi sge, %iota3A, %ge3A_793 : vector<16xi32>
          %jit3A_795 = arith.constant 0 : i32
          %broadcast_in_dim3A_796 = vector.broadcast %jit3A_795 : i32 to vector<16xi32>
          %select_n3A_797 = arith.select %ge3A_794, %gather3A_791, %broadcast_in_dim3A_796 : vector<16xi1>, vector<16xi32>
          %add3A_798 = arith.addi %select_n3A_782, %select_n3A_797 : vector<16xi32>
          %swap3A_799 = arith.constant 0 : index
          %swap3A_800 = tpu.vector_load %arg18[%swap3A_799] {strides = array<i32>} : memref<16xi32, #tpu.memory_space<vmem>>, vector<16xi32>,
          tpu.vector_store %arg18[%swap3A_799], %add3A_798 {strides = array<i32>} : memref<16xi32, #tpu.memory_space<vmem>>, vector<16xi32>,
          %sub3A_801 = arith.constant 2 : i32
          %sub3A_802 = vector.broadcast %sub3A_801 : i32 to vector<16xi32>
          %sub3A_803 = arith.subi %iota3A, %sub3A_802 : vector<16xi32>
          %max3A_804 = arith.constant 0 : i32
          %max3A_805 = vector.broadcast %max3A_804 : i32 to vector<16xi32>
          %max3A_806 = arith.maxsi %sub3A_803, %max3A_805 : vector<16xi32>
          %gather3A_807 = tpu.vector_load_idx %arg18[%max3A_806] : memref<16xi32, #tpu.memory_space<vmem>>[vector<16xi32>], vector<16xi32>,
          %ge3A_808 = arith.constant 2 : i32
          %ge3A_809 = vector.broadcast %ge3A_808 : i32 to vector<16xi32>
          %ge3A_810 = arith.cmpi sge, %iota3A, %ge3A_809 : vector<16xi32>
          %jit3A_811 = arith.constant 0 : i32
          %broadcast_in_dim3A_812 = vector.broadcast %jit3A_811 : i32 to vector<16xi32>
          %select_n3A_813 = arith.select %ge3A_810, %gather3A_807, %broadcast_in_dim3A_812 : vector<16xi1>, vector<16xi32>
          %add3A_814 = arith.addi %add3A_798, %select_n3A_813 : vector<16xi32>
          %swap3A_815 = arith.constant 0 : index
          %swap3A_816 = tpu.vector_load %arg18[%swap3A_815] {strides = array<i32>} : memref<16xi32, #tpu.memory_space<vmem>>, vector<16xi32>,
          tpu.vector_store %arg18[%swap3A_815], %add3A_814 {strides = array<i32>} : memref<16xi32, #tpu.memory_space<vmem>>, vector<16xi32>,
          %sub3A_817 = arith.constant 4 : i32
          %sub3A_818 = vector.broadcast %sub3A_817 : i32 to vector<16xi32>
          %sub3A_819 = arith.subi %iota3A, %sub3A_818 : vector<16xi32>
          %max3A_820 = arith.constant 0 : i32
          %max3A_821 = vector.broadcast %max3A_820 : i32 to vector<16xi32>
          %max3A_822 = arith.maxsi %sub3A_819, %max3A_821 : vector<16xi32>
          %gather3A_823 = tpu.vector_load_idx %arg18[%max3A_822] : memref<16xi32, #tpu.memory_space<vmem>>[vector<16xi32>], vector<16xi32>,
          %ge3A_824 = arith.constant 4 : i32
          %ge3A_825 = vector.broadcast %ge3A_824 : i32 to vector<16xi32>
          %ge3A_826 = arith.cmpi sge, %iota3A, %ge3A_825 : vector<16xi32>
          %jit3A_827 = arith.constant 0 : i32
          %broadcast_in_dim3A_828 = vector.broadcast %jit3A_827 : i32 to vector<16xi32>
          %select_n3A_829 = arith.select %ge3A_826, %gather3A_823, %broadcast_in_dim3A_828 : vector<16xi1>, vector<16xi32>
          %add3A_830 = arith.addi %add3A_814, %select_n3A_829 : vector<16xi32>
          %swap3A_831 = arith.constant 0 : index
          %swap3A_832 = tpu.vector_load %arg18[%swap3A_831] {strides = array<i32>} : memref<16xi32, #tpu.memory_space<vmem>>, vector<16xi32>,
          tpu.vector_store %arg18[%swap3A_831], %add3A_830 {strides = array<i32>} : memref<16xi32, #tpu.memory_space<vmem>>, vector<16xi32>,
          %sub3A_833 = arith.constant 8 : i32
          %sub3A_834 = vector.broadcast %sub3A_833 : i32 to vector<16xi32>
          %sub3A_835 = arith.subi %iota3A, %sub3A_834 : vector<16xi32>
          %max3A_836 = arith.constant 0 : i32
          %max3A_837 = vector.broadcast %max3A_836 : i32 to vector<16xi32>
          %max3A_838 = arith.maxsi %sub3A_835, %max3A_837 : vector<16xi32>
          %gather3A_839 = tpu.vector_load_idx %arg18[%max3A_838] : memref<16xi32, #tpu.memory_space<vmem>>[vector<16xi32>], vector<16xi32>,
          %ge3A_840 = arith.constant 8 : i32
          %ge3A_841 = vector.broadcast %ge3A_840 : i32 to vector<16xi32>
          %ge3A_842 = arith.cmpi sge, %iota3A, %ge3A_841 : vector<16xi32>
          %jit3A_843 = arith.constant 0 : i32
          %broadcast_in_dim3A_844 = vector.broadcast %jit3A_843 : i32 to vector<16xi32>
          %select_n3A_845 = arith.select %ge3A_842, %gather3A_839, %broadcast_in_dim3A_844 : vector<16xi1>, vector<16xi32>
          %add3A_846 = arith.addi %add3A_830, %select_n3A_845 : vector<16xi32>
          %add3A_847 = vector.broadcast %cond3A_745 : i32 to vector<16xi32>
          %add3A_848 = arith.addi %add3A_847, %add3A_846 : vector<16xi32>
          %sub3A_849 = arith.constant 1 : i32
          %sub3A_850 = vector.broadcast %sub3A_849 : i32 to vector<16xi32>
          %sub3A_851 = arith.subi %add3A_848, %sub3A_850 : vector<16xi32>
          %min3A = arith.constant 2047 : i32
          %min3A_852 = vector.broadcast %min3A : i32 to vector<16xi32>
          %min3A_853 = arith.minsi %sub3A_851, %min3A_852 : vector<16xi32>
          tpu.vector_store_idx %arg10[%min3A_853], %get3A_751 masked %ge3A_752 : memref<2048xf32, #tpu.memory_space<vmem>>[vector<16xi32>], vector<16xf32>, vector<16xi1>
          %mul3A_854 = arith.constant 16 : i32
          %mul3A_855 = arith.muli %scan3A_747, %mul3A_854 : i32
          %add3A_856 = vector.broadcast %mul3A_855 : i32 to vector<16xi32>
          %add3A_857 = arith.addi %add3A_856, %iota3A : vector<16xi32>
          tpu.vector_store_idx %arg11[%min3A_853], %add3A_857 masked %ge3A_752 : memref<2048xi32, #tpu.memory_space<vmem>>[vector<16xi32>], vector<16xi32>, vector<16xi1>
          %add3A_858 = arith.addi %cond3A_745, %squeeze3A_755 : i32
          scf.yield %add3A_858 : i32
        } else {
          scf.yield %cond3A_745 : i32
        }
        %scan3A_762 = arith.constant 7 : i32
        %scan3A_763 = arith.addi %scan3A_653, %scan3A_762 : i32
        %mul3A_764 = arith.constant 16 : i32
        %mul3A_765 = arith.muli %scan3A_763, %mul3A_764 : i32
        %get3A_766 = arith.index_cast %mul3A_765 : i32 to index
        %get3A_767 = tpu.vector_load %arg8[%get3A_766] {strides = array<i32>} : memref<16384xf32, #tpu.memory_space<vmem>>, vector<16xf32>,
        %ge3A_768 = arith.cmpf oge, %get3A_767, %neg3A_379 : vector<16xf32>
        %all_reduce_population_count3A_769 = tpu.all_reduce %ge3A_768 {dim = 0 : i64, kind = #tpu.reduction_kind<sum>} : vector<16xi1> -> vector<16xi32>
        %slice3A_770 = vector.extract_strided_slice %all_reduce_population_count3A_769 {offsets = [0], sizes = [1], strides = [1]} : vector<16xi32> to vector<1xi32>
        %squeeze3A_771 = vector.extract %slice3A_770[0] : i32 from vector<1xi32>
        %gt3A_772 = arith.constant 0 : i32
        %gt3A_773 = arith.cmpi sgt, %squeeze3A_771, %gt3A_772 : i32
        %convert_element_type3A_774 = arith.extui %gt3A_773 : i1 to i32
        %cond3A_775 = arith.constant 0 : i32
        %cond3A_776 = arith.cmpi ne, %convert_element_type3A_774, %cond3A_775 : i32
        %cond3A_777 = scf.if %cond3A_776 -> (i32) {
          %jit3A_778 = arith.constant 1 : i32
          %jit3A_779 = arith.constant 0 : i32
          %broadcast_in_dim3A_780 = vector.broadcast %jit3A_778 : i32 to vector<16xi32>
          %broadcast_in_dim3A_781 = vector.broadcast %jit3A_779 : i32 to vector<16xi32>
          %select_n3A_782 = arith.select %ge3A_768, %broadcast_in_dim3A_780, %broadcast_in_dim3A_781 : vector<16xi1>, vector<16xi32>
          %swap3A_783 = arith.constant 0 : index
          %swap3A_784 = tpu.vector_load %arg18[%swap3A_783] {strides = array<i32>} : memref<16xi32, #tpu.memory_space<vmem>>, vector<16xi32>,
          tpu.vector_store %arg18[%swap3A_783], %select_n3A_782 {strides = array<i32>} : memref<16xi32, #tpu.memory_space<vmem>>, vector<16xi32>,
          %sub3A_785 = arith.constant 1 : i32
          %sub3A_786 = vector.broadcast %sub3A_785 : i32 to vector<16xi32>
          %sub3A_787 = arith.subi %iota3A, %sub3A_786 : vector<16xi32>
          %max3A_788 = arith.constant 0 : i32
          %max3A_789 = vector.broadcast %max3A_788 : i32 to vector<16xi32>
          %max3A_790 = arith.maxsi %sub3A_787, %max3A_789 : vector<16xi32>
          %gather3A_791 = tpu.vector_load_idx %arg18[%max3A_790] : memref<16xi32, #tpu.memory_space<vmem>>[vector<16xi32>], vector<16xi32>,
          %ge3A_792 = arith.constant 1 : i32
          %ge3A_793 = vector.broadcast %ge3A_792 : i32 to vector<16xi32>
          %ge3A_794 = arith.cmpi sge, %iota3A, %ge3A_793 : vector<16xi32>
          %jit3A_795 = arith.constant 0 : i32
          %broadcast_in_dim3A_796 = vector.broadcast %jit3A_795 : i32 to vector<16xi32>
          %select_n3A_797 = arith.select %ge3A_794, %gather3A_791, %broadcast_in_dim3A_796 : vector<16xi1>, vector<16xi32>
          %add3A_798 = arith.addi %select_n3A_782, %select_n3A_797 : vector<16xi32>
          %swap3A_799 = arith.constant 0 : index
          %swap3A_800 = tpu.vector_load %arg18[%swap3A_799] {strides = array<i32>} : memref<16xi32, #tpu.memory_space<vmem>>, vector<16xi32>,
          tpu.vector_store %arg18[%swap3A_799], %add3A_798 {strides = array<i32>} : memref<16xi32, #tpu.memory_space<vmem>>, vector<16xi32>,
          %sub3A_801 = arith.constant 2 : i32
          %sub3A_802 = vector.broadcast %sub3A_801 : i32 to vector<16xi32>
          %sub3A_803 = arith.subi %iota3A, %sub3A_802 : vector<16xi32>
          %max3A_804 = arith.constant 0 : i32
          %max3A_805 = vector.broadcast %max3A_804 : i32 to vector<16xi32>
          %max3A_806 = arith.maxsi %sub3A_803, %max3A_805 : vector<16xi32>
          %gather3A_807 = tpu.vector_load_idx %arg18[%max3A_806] : memref<16xi32, #tpu.memory_space<vmem>>[vector<16xi32>], vector<16xi32>,
          %ge3A_808 = arith.constant 2 : i32
          %ge3A_809 = vector.broadcast %ge3A_808 : i32 to vector<16xi32>
          %ge3A_810 = arith.cmpi sge, %iota3A, %ge3A_809 : vector<16xi32>
          %jit3A_811 = arith.constant 0 : i32
          %broadcast_in_dim3A_812 = vector.broadcast %jit3A_811 : i32 to vector<16xi32>
          %select_n3A_813 = arith.select %ge3A_810, %gather3A_807, %broadcast_in_dim3A_812 : vector<16xi1>, vector<16xi32>
          %add3A_814 = arith.addi %add3A_798, %select_n3A_813 : vector<16xi32>
          %swap3A_815 = arith.constant 0 : index
          %swap3A_816 = tpu.vector_load %arg18[%swap3A_815] {strides = array<i32>} : memref<16xi32, #tpu.memory_space<vmem>>, vector<16xi32>,
          tpu.vector_store %arg18[%swap3A_815], %add3A_814 {strides = array<i32>} : memref<16xi32, #tpu.memory_space<vmem>>, vector<16xi32>,
          %sub3A_817 = arith.constant 4 : i32
          %sub3A_818 = vector.broadcast %sub3A_817 : i32 to vector<16xi32>
          %sub3A_819 = arith.subi %iota3A, %sub3A_818 : vector<16xi32>
          %max3A_820 = arith.constant 0 : i32
          %max3A_821 = vector.broadcast %max3A_820 : i32 to vector<16xi32>
          %max3A_822 = arith.maxsi %sub3A_819, %max3A_821 : vector<16xi32>
          %gather3A_823 = tpu.vector_load_idx %arg18[%max3A_822] : memref<16xi32, #tpu.memory_space<vmem>>[vector<16xi32>], vector<16xi32>,
          %ge3A_824 = arith.constant 4 : i32
          %ge3A_825 = vector.broadcast %ge3A_824 : i32 to vector<16xi32>
          %ge3A_826 = arith.cmpi sge, %iota3A, %ge3A_825 : vector<16xi32>
          %jit3A_827 = arith.constant 0 : i32
          %broadcast_in_dim3A_828 = vector.broadcast %jit3A_827 : i32 to vector<16xi32>
          %select_n3A_829 = arith.select %ge3A_826, %gather3A_823, %broadcast_in_dim3A_828 : vector<16xi1>, vector<16xi32>
          %add3A_830 = arith.addi %add3A_814, %select_n3A_829 : vector<16xi32>
          %swap3A_831 = arith.constant 0 : index
          %swap3A_832 = tpu.vector_load %arg18[%swap3A_831] {strides = array<i32>} : memref<16xi32, #tpu.memory_space<vmem>>, vector<16xi32>,
          tpu.vector_store %arg18[%swap3A_831], %add3A_830 {strides = array<i32>} : memref<16xi32, #tpu.memory_space<vmem>>, vector<16xi32>,
          %sub3A_833 = arith.constant 8 : i32
          %sub3A_834 = vector.broadcast %sub3A_833 : i32 to vector<16xi32>
          %sub3A_835 = arith.subi %iota3A, %sub3A_834 : vector<16xi32>
          %max3A_836 = arith.constant 0 : i32
          %max3A_837 = vector.broadcast %max3A_836 : i32 to vector<16xi32>
          %max3A_838 = arith.maxsi %sub3A_835, %max3A_837 : vector<16xi32>
          %gather3A_839 = tpu.vector_load_idx %arg18[%max3A_838] : memref<16xi32, #tpu.memory_space<vmem>>[vector<16xi32>], vector<16xi32>,
          %ge3A_840 = arith.constant 8 : i32
          %ge3A_841 = vector.broadcast %ge3A_840 : i32 to vector<16xi32>
          %ge3A_842 = arith.cmpi sge, %iota3A, %ge3A_841 : vector<16xi32>
          %jit3A_843 = arith.constant 0 : i32
          %broadcast_in_dim3A_844 = vector.broadcast %jit3A_843 : i32 to vector<16xi32>
          %select_n3A_845 = arith.select %ge3A_842, %gather3A_839, %broadcast_in_dim3A_844 : vector<16xi1>, vector<16xi32>
          %add3A_846 = arith.addi %add3A_830, %select_n3A_845 : vector<16xi32>
          %add3A_847 = vector.broadcast %cond3A_761 : i32 to vector<16xi32>
          %add3A_848 = arith.addi %add3A_847, %add3A_846 : vector<16xi32>
          %sub3A_849 = arith.constant 1 : i32
          %sub3A_850 = vector.broadcast %sub3A_849 : i32 to vector<16xi32>
          %sub3A_851 = arith.subi %add3A_848, %sub3A_850 : vector<16xi32>
          %min3A = arith.constant 2047 : i32
          %min3A_852 = vector.broadcast %min3A : i32 to vector<16xi32>
          %min3A_853 = arith.minsi %sub3A_851, %min3A_852 : vector<16xi32>
          tpu.vector_store_idx %arg10[%min3A_853], %get3A_767 masked %ge3A_768 : memref<2048xf32, #tpu.memory_space<vmem>>[vector<16xi32>], vector<16xf32>, vector<16xi1>
          %mul3A_854 = arith.constant 16 : i32
          %mul3A_855 = arith.muli %scan3A_763, %mul3A_854 : i32
          %add3A_856 = vector.broadcast %mul3A_855 : i32 to vector<16xi32>
          %add3A_857 = arith.addi %add3A_856, %iota3A : vector<16xi32>
          tpu.vector_store_idx %arg11[%min3A_853], %add3A_857 masked %ge3A_768 : memref<2048xi32, #tpu.memory_space<vmem>>[vector<16xi32>], vector<16xi32>, vector<16xi1>
          %add3A_858 = arith.addi %cond3A_761, %squeeze3A_771 : i32
          scf.yield %add3A_858 : i32
        } else {
          scf.yield %cond3A_761 : i32
        }
        scf.yield %cond3A_777 : i32
      }
      %scan3A_392 = arith.constant 1024 : i32
      %add3A_393 = arith.constant 15 : i32
      %add3A_394 = arith.addi %scan3A_391, %add3A_393 : i32
      %jit3A_395 = arith.constant 16 : i32
      %div3A_396 = arith.divsi %add3A_394, %jit3A_395 : i32
      %sign3A_397 = arith.constant 0 : i32
      %sign3A_398 = arith.cmpi sgt, %add3A_394, %sign3A_397 : i32
      %sign3A_399 = arith.extui %sign3A_398 : i1 to i32
      %sign3A_400 = arith.constant 0 : i32
      %sign3A_401 = arith.cmpi slt, %add3A_394, %sign3A_400 : i32
      %sign3A_402 = arith.extui %sign3A_401 : i1 to i32
      %sign3A_403 = arith.subi %sign3A_399, %sign3A_402 : i32
      %sign3A_404 = arith.constant 0 : i32
      %sign3A_405 = arith.cmpi sgt, %jit3A_395, %sign3A_404 : i32
      %sign3A_406 = arith.extui %sign3A_405 : i1 to i32
      %sign3A_407 = arith.constant 0 : i32
      %sign3A_408 = arith.cmpi slt, %jit3A_395, %sign3A_407 : i32
      %sign3A_409 = arith.extui %sign3A_408 : i1 to i32
      %sign3A_410 = arith.subi %sign3A_406, %sign3A_409 : i32
      %ne3A_411 = arith.cmpi ne, %sign3A_403, %sign3A_410 : i32
      %rem3A_412 = arith.remsi %add3A_394, %jit3A_395 : i32
      %ne3A_413 = arith.constant 0 : i32
      %ne3A_414 = arith.cmpi ne, %rem3A_412, %ne3A_413 : i32
      %and3A_415 = arith.andi %ne3A_411, %ne3A_414 : i1
      %sub3A_416 = arith.constant 1 : i32
      %sub3A_417 = arith.subi %div3A_396, %sub3A_416 : i32
      %select_n3A_418 = arith.select %and3A_415, %sub3A_417, %div3A_396 : i32
      %add3A_419 = arith.constant 64 : i32
      %add3A_420 = arith.addi %mul3A_2, %add3A_419 : i32
      %lt3A_421 = arith.cmpi slt, %add3A_331, %add3A_420 : i32
      %convert_element_type3A_422 = arith.extui %lt3A_421 : i1 to i32
      %cond3A_423 = arith.constant 0 : i32
      %cond3A_424 = arith.cmpi ne, %convert_element_type3A_422, %cond3A_423 : i32
      scf.if %cond3A_424 {
        %dma_start3A_653 = arith.constant 0 : i32
        %dma_start3A_654 = tpu.memref_slice %arg2[%add3A_331, %dma_start3A_653] : memref<2048x16384xf32, #tpu.memory_space<hbm>> -> memref<1x16384xf32, #tpu.memory_space<hbm>>
        %dma_start3A_655 = tpu.memref_squeeze %dma_start3A_654 : memref<1x16384xf32, #tpu.memory_space<hbm>> -> memref<16384xf32, #tpu.memory_space<hbm>>
        %dma_start3A_656 = arith.constant 0 : i32
        %dma_start3A_657 = tpu.memref_slice %arg2[%add3A_331, %dma_start3A_656] : memref<2048x16384xf32, #tpu.memory_space<hbm>> -> memref<1x16384xf32, #tpu.memory_space<hbm>>
        %dma_start3A_658 = tpu.memref_squeeze %dma_start3A_657 : memref<1x16384xf32, #tpu.memory_space<hbm>> -> memref<16384xf32, #tpu.memory_space<hbm>>
        tpu.enqueue_dma source(%dma_start3A_658 : memref<16384xf32, #tpu.memory_space<hbm>>) target(%arg8 : memref<16384xf32, #tpu.memory_space<vmem>>) target_semaphore(%arg20 : memref<!tpu.dma_semaphore, #tpu.memory_space<semaphore_mem>>)
      } else {
      }
      %broadcast_in_dim3A_425 = arith.constant 0x7F800000 : f32
      %broadcast_in_dim3A_426 = vector.broadcast %broadcast_in_dim3A_425 : f32 to vector<16xf32>
      %scan3A_427 = arith.constant 0 : i32
      %scan3A_428 = arith.constant 32 : i32
      %scan3A_429 = arith.addi %scan3A_427, %scan3A_428 : i32
      %scan3A_430 = arith.constant 1 : i32
      %scan3A_431 = scf.for %scan3A_653 = %scan3A_427 to %scan3A_429 step %scan3A_430 iter_args(%scan3A_654 = %broadcast_in_dim3A_426) -> (vector<16xf32>)  : i32 {
        %while3A_655 = arith.constant 0 : i32
        %while3A_656 = arith.subi %select_n3A_418, %while3A_655 : i32
        %while3A_657 = arith.addi %while3A_655, %while3A_656 : i32
        %while3A_658 = arith.constant 1 : i32
        %while3A_659 = arith.divsi %while3A_656, %while3A_658 : i32
        %while3A_660 = arith.muli %while3A_659, %while3A_658 : i32
        %while3A_661 = arith.addi %while3A_655, %while3A_660 : i32
        %while3A_662 = arith.constant 1 : i32
        %while3A_663 = scf.for %while3A_694 = %while3A_655 to %while3A_661 step %while3A_662 iter_args(%while3A_695 = %broadcast_in_dim3A_3) -> (vector<16xf32>)  : i32 {
          %mul3A_696 = arith.constant 16 : i32
          %mul3A_697 = arith.muli %while3A_694, %mul3A_696 : i32
          %get3A_698 = arith.index_cast %mul3A_697 : i32 to index
          %get3A_699 = tpu.vector_load %arg10[%get3A_698] {strides = array<i32>} : memref<2048xf32, #tpu.memory_space<vmem>>, vector<16xf32>,
          %lt3A_700 = arith.cmpf olt, %get3A_699, %scan3A_654 : vector<16xf32>
          %select_n3A_701 = arith.select %lt3A_700, %get3A_699, %broadcast_in_dim3A_3 : vector<16xi1>, vector<16xf32>
          %max3A_702 = arith.maximumf %while3A_695, %select_n3A_701 : vector<16xf32>
          scf.yield %max3A_702 : vector<16xf32>
        }
        %while3A_664 = arith.constant 1 : i32
        %while3A_665 = scf.for %while3A_694 = %while3A_661 to %while3A_657 step %while3A_664 iter_args(%while3A_695 = %while3A_663) -> (vector<16xf32>)  : i32 {
          %mul3A_696 = arith.constant 16 : i32
          %mul3A_697 = arith.muli %while3A_694, %mul3A_696 : i32
          %get3A_698 = arith.index_cast %mul3A_697 : i32 to index
          %get3A_699 = tpu.vector_load %arg10[%get3A_698] {strides = array<i32>} : memref<2048xf32, #tpu.memory_space<vmem>>, vector<16xf32>,
          %lt3A_700 = arith.cmpf olt, %get3A_699, %scan3A_654 : vector<16xf32>
          %select_n3A_701 = arith.select %lt3A_700, %get3A_699, %broadcast_in_dim3A_3 : vector<16xi1>, vector<16xf32>
          %max3A_702 = arith.maximumf %while3A_695, %select_n3A_701 : vector<16xf32>
          scf.yield %max3A_702 : vector<16xf32>
        }
        %swap3A_666 = arith.constant 0 : index
        %swap3A_667 = tpu.vector_load %arg17[%swap3A_666] {strides = array<i32>} : memref<16xf32, #tpu.memory_space<vmem>>, vector<16xf32>,
        tpu.vector_store %arg17[%swap3A_666], %while3A_665 {strides = array<i32>} : memref<16xf32, #tpu.memory_space<vmem>>, vector<16xf32>,
        %xor3A_668 = arith.constant 1 : i32
        %xor3A_669 = vector.broadcast %xor3A_668 : i32 to vector<16xi32>
        %xor3A_670 = arith.xori %iota3A, %xor3A_669 : vector<16xi32>
        %gather3A_671 = tpu.vector_load_idx %arg17[%xor3A_670] : memref<16xf32, #tpu.memory_space<vmem>>[vector<16xi32>], vector<16xf32>,
        %max3A_672 = arith.maximumf %while3A_665, %gather3A_671 : vector<16xf32>
        %swap3A_673 = arith.constant 0 : index
        %swap3A_674 = tpu.vector_load %arg17[%swap3A_673] {strides = array<i32>} : memref<16xf32, #tpu.memory_space<vmem>>, vector<16xf32>,
        tpu.vector_store %arg17[%swap3A_673], %max3A_672 {strides = array<i32>} : memref<16xf32, #tpu.memory_space<vmem>>, vector<16xf32>,
        %xor3A_675 = arith.constant 2 : i32
        %xor3A_676 = vector.broadcast %xor3A_675 : i32 to vector<16xi32>
        %xor3A_677 = arith.xori %iota3A, %xor3A_676 : vector<16xi32>
        %gather3A_678 = tpu.vector_load_idx %arg17[%xor3A_677] : memref<16xf32, #tpu.memory_space<vmem>>[vector<16xi32>], vector<16xf32>,
        %max3A_679 = arith.maximumf %max3A_672, %gather3A_678 : vector<16xf32>
        %swap3A_680 = arith.constant 0 : index
        %swap3A_681 = tpu.vector_load %arg17[%swap3A_680] {strides = array<i32>} : memref<16xf32, #tpu.memory_space<vmem>>, vector<16xf32>,
        tpu.vector_store %arg17[%swap3A_680], %max3A_679 {strides = array<i32>} : memref<16xf32, #tpu.memory_space<vmem>>, vector<16xf32>,
        %xor3A_682 = arith.constant 4 : i32
        %xor3A_683 = vector.broadcast %xor3A_682 : i32 to vector<16xi32>
        %xor3A_684 = arith.xori %iota3A, %xor3A_683 : vector<16xi32>
        %gather3A_685 = tpu.vector_load_idx %arg17[%xor3A_684] : memref<16xf32, #tpu.memory_space<vmem>>[vector<16xi32>], vector<16xf32>,
        %max3A_686 = arith.maximumf %max3A_679, %gather3A_685 : vector<16xf32>
        %swap3A_687 = arith.constant 0 : index
        %swap3A_688 = tpu.vector_load %arg17[%swap3A_687] {strides = array<i32>} : memref<16xf32, #tpu.memory_space<vmem>>, vector<16xf32>,
        tpu.vector_store %arg17[%swap3A_687], %max3A_686 {strides = array<i32>} : memref<16xf32, #tpu.memory_space<vmem>>, vector<16xf32>,
        %xor3A_689 = arith.constant 8 : i32
        %xor3A_690 = vector.broadcast %xor3A_689 : i32 to vector<16xi32>
        %xor3A_691 = arith.xori %iota3A, %xor3A_690 : vector<16xi32>
        %gather3A_692 = tpu.vector_load_idx %arg17[%xor3A_691] : memref<16xf32, #tpu.memory_space<vmem>>[vector<16xi32>], vector<16xf32>,
        %max3A_693 = arith.maximumf %max3A_686, %gather3A_692 : vector<16xf32>
        scf.yield %max3A_693 : vector<16xf32>
      }
      %scan3A_432 = arith.constant 32 : i32
      %while3A_433 = arith.constant 0 : i32
      %while3A_434 = arith.constant 0 : i32
      %while3A_435 = arith.subi %select_n3A_418, %while3A_433 : i32
      %while3A_436 = arith.addi %while3A_433, %while3A_435 : i32
      %while3A_437 = arith.constant 1 : i32
      %while3A_438 = arith.divsi %while3A_435, %while3A_437 : i32
      %while3A_439 = arith.muli %while3A_438, %while3A_437 : i32
      %while3A_440 = arith.addi %while3A_433, %while3A_439 : i32
      %while3A_441 = arith.constant 1 : i32
      %while3A_442 = scf.for %while3A_653 = %while3A_433 to %while3A_440 step %while3A_441 iter_args(%while3A_654 = %while3A_434) -> (i32)  : i32 {
        %mul3A_655 = arith.constant 16 : i32
        %mul3A_656 = arith.muli %while3A_653, %mul3A_655 : i32
        %get3A_657 = arith.index_cast %mul3A_656 : i32 to index
        %get3A_658 = tpu.vector_load %arg10[%get3A_657] {strides = array<i32>} : memref<2048xf32, #tpu.memory_space<vmem>>, vector<16xf32>,
        %mul3A_659 = arith.constant 16 : i32
        %mul3A_660 = arith.muli %while3A_653, %mul3A_659 : i32
        %get3A_661 = arith.index_cast %mul3A_660 : i32 to index
        %get3A_662 = tpu.vector_load %arg11[%get3A_661] {strides = array<i32>} : memref<2048xi32, #tpu.memory_space<vmem>>, vector<16xi32>,
        %ge3A = arith.cmpf oge, %get3A_658, %scan3A_431 : vector<16xf32>
        %all_reduce_population_count3A = tpu.all_reduce %ge3A {dim = 0 : i64, kind = #tpu.reduction_kind<sum>} : vector<16xi1> -> vector<16xi32>
        %slice3A_663 = vector.extract_strided_slice %all_reduce_population_count3A {offsets = [0], sizes = [1], strides = [1]} : vector<16xi32> to vector<1xi32>
        %squeeze3A_664 = vector.extract %slice3A_663[0] : i32 from vector<1xi32>
        %gt3A = arith.constant 0 : i32
        %gt3A_665 = arith.cmpi sgt, %squeeze3A_664, %gt3A : i32
        %convert_element_type3A_666 = arith.extui %gt3A_665 : i1 to i32
        %cond3A_667 = arith.constant 0 : i32
        %cond3A_668 = arith.cmpi ne, %convert_element_type3A_666, %cond3A_667 : i32
        %cond3A_669 = scf.if %cond3A_668 -> (i32) {
          %jit3A_670 = arith.constant 1 : i32
          %jit3A_671 = arith.constant 0 : i32
          %broadcast_in_dim3A_672 = vector.broadcast %jit3A_670 : i32 to vector<16xi32>
          %broadcast_in_dim3A_673 = vector.broadcast %jit3A_671 : i32 to vector<16xi32>
          %select_n3A_674 = arith.select %ge3A, %broadcast_in_dim3A_672, %broadcast_in_dim3A_673 : vector<16xi1>, vector<16xi32>
          %swap3A_675 = arith.constant 0 : index
          %swap3A_676 = tpu.vector_load %arg18[%swap3A_675] {strides = array<i32>} : memref<16xi32, #tpu.memory_space<vmem>>, vector<16xi32>,
          tpu.vector_store %arg18[%swap3A_675], %select_n3A_674 {strides = array<i32>} : memref<16xi32, #tpu.memory_space<vmem>>, vector<16xi32>,
          %sub3A_677 = arith.constant 1 : i32
          %sub3A_678 = vector.broadcast %sub3A_677 : i32 to vector<16xi32>
          %sub3A_679 = arith.subi %iota3A, %sub3A_678 : vector<16xi32>
          %max3A_680 = arith.constant 0 : i32
          %max3A_681 = vector.broadcast %max3A_680 : i32 to vector<16xi32>
          %max3A_682 = arith.maxsi %sub3A_679, %max3A_681 : vector<16xi32>
          %gather3A_683 = tpu.vector_load_idx %arg18[%max3A_682] : memref<16xi32, #tpu.memory_space<vmem>>[vector<16xi32>], vector<16xi32>,
          %ge3A_684 = arith.constant 1 : i32
          %ge3A_685 = vector.broadcast %ge3A_684 : i32 to vector<16xi32>
          %ge3A_686 = arith.cmpi sge, %iota3A, %ge3A_685 : vector<16xi32>
          %jit3A_687 = arith.constant 0 : i32
          %broadcast_in_dim3A_688 = vector.broadcast %jit3A_687 : i32 to vector<16xi32>
          %select_n3A_689 = arith.select %ge3A_686, %gather3A_683, %broadcast_in_dim3A_688 : vector<16xi1>, vector<16xi32>
          %add3A_690 = arith.addi %select_n3A_674, %select_n3A_689 : vector<16xi32>
          %swap3A_691 = arith.constant 0 : index
          %swap3A_692 = tpu.vector_load %arg18[%swap3A_691] {strides = array<i32>} : memref<16xi32, #tpu.memory_space<vmem>>, vector<16xi32>,
          tpu.vector_store %arg18[%swap3A_691], %add3A_690 {strides = array<i32>} : memref<16xi32, #tpu.memory_space<vmem>>, vector<16xi32>,
          %sub3A_693 = arith.constant 2 : i32
          %sub3A_694 = vector.broadcast %sub3A_693 : i32 to vector<16xi32>
          %sub3A_695 = arith.subi %iota3A, %sub3A_694 : vector<16xi32>
          %max3A_696 = arith.constant 0 : i32
          %max3A_697 = vector.broadcast %max3A_696 : i32 to vector<16xi32>
          %max3A_698 = arith.maxsi %sub3A_695, %max3A_697 : vector<16xi32>
          %gather3A_699 = tpu.vector_load_idx %arg18[%max3A_698] : memref<16xi32, #tpu.memory_space<vmem>>[vector<16xi32>], vector<16xi32>,
          %ge3A_700 = arith.constant 2 : i32
          %ge3A_701 = vector.broadcast %ge3A_700 : i32 to vector<16xi32>
          %ge3A_702 = arith.cmpi sge, %iota3A, %ge3A_701 : vector<16xi32>
          %jit3A_703 = arith.constant 0 : i32
          %broadcast_in_dim3A_704 = vector.broadcast %jit3A_703 : i32 to vector<16xi32>
          %select_n3A_705 = arith.select %ge3A_702, %gather3A_699, %broadcast_in_dim3A_704 : vector<16xi1>, vector<16xi32>
          %add3A_706 = arith.addi %add3A_690, %select_n3A_705 : vector<16xi32>
          %swap3A_707 = arith.constant 0 : index
          %swap3A_708 = tpu.vector_load %arg18[%swap3A_707] {strides = array<i32>} : memref<16xi32, #tpu.memory_space<vmem>>, vector<16xi32>,
          tpu.vector_store %arg18[%swap3A_707], %add3A_706 {strides = array<i32>} : memref<16xi32, #tpu.memory_space<vmem>>, vector<16xi32>,
          %sub3A_709 = arith.constant 4 : i32
          %sub3A_710 = vector.broadcast %sub3A_709 : i32 to vector<16xi32>
          %sub3A_711 = arith.subi %iota3A, %sub3A_710 : vector<16xi32>
          %max3A_712 = arith.constant 0 : i32
          %max3A_713 = vector.broadcast %max3A_712 : i32 to vector<16xi32>
          %max3A_714 = arith.maxsi %sub3A_711, %max3A_713 : vector<16xi32>
          %gather3A_715 = tpu.vector_load_idx %arg18[%max3A_714] : memref<16xi32, #tpu.memory_space<vmem>>[vector<16xi32>], vector<16xi32>,
          %ge3A_716 = arith.constant 4 : i32
          %ge3A_717 = vector.broadcast %ge3A_716 : i32 to vector<16xi32>
          %ge3A_718 = arith.cmpi sge, %iota3A, %ge3A_717 : vector<16xi32>
          %jit3A_719 = arith.constant 0 : i32
          %broadcast_in_dim3A_720 = vector.broadcast %jit3A_719 : i32 to vector<16xi32>
          %select_n3A_721 = arith.select %ge3A_718, %gather3A_715, %broadcast_in_dim3A_720 : vector<16xi1>, vector<16xi32>
          %add3A_722 = arith.addi %add3A_706, %select_n3A_721 : vector<16xi32>
          %swap3A_723 = arith.constant 0 : index
          %swap3A_724 = tpu.vector_load %arg18[%swap3A_723] {strides = array<i32>} : memref<16xi32, #tpu.memory_space<vmem>>, vector<16xi32>,
          tpu.vector_store %arg18[%swap3A_723], %add3A_722 {strides = array<i32>} : memref<16xi32, #tpu.memory_space<vmem>>, vector<16xi32>,
          %sub3A_725 = arith.constant 8 : i32
          %sub3A_726 = vector.broadcast %sub3A_725 : i32 to vector<16xi32>
          %sub3A_727 = arith.subi %iota3A, %sub3A_726 : vector<16xi32>
          %max3A_728 = arith.constant 0 : i32
          %max3A_729 = vector.broadcast %max3A_728 : i32 to vector<16xi32>
          %max3A_730 = arith.maxsi %sub3A_727, %max3A_729 : vector<16xi32>
          %gather3A_731 = tpu.vector_load_idx %arg18[%max3A_730] : memref<16xi32, #tpu.memory_space<vmem>>[vector<16xi32>], vector<16xi32>,
          %ge3A_732 = arith.constant 8 : i32
          %ge3A_733 = vector.broadcast %ge3A_732 : i32 to vector<16xi32>
          %ge3A_734 = arith.cmpi sge, %iota3A, %ge3A_733 : vector<16xi32>
          %jit3A_735 = arith.constant 0 : i32
          %broadcast_in_dim3A_736 = vector.broadcast %jit3A_735 : i32 to vector<16xi32>
          %select_n3A_737 = arith.select %ge3A_734, %gather3A_731, %broadcast_in_dim3A_736 : vector<16xi1>, vector<16xi32>
          %add3A_738 = arith.addi %add3A_722, %select_n3A_737 : vector<16xi32>
          %add3A_739 = vector.broadcast %while3A_654 : i32 to vector<16xi32>
          %add3A_740 = arith.addi %add3A_739, %add3A_738 : vector<16xi32>
          %sub3A_741 = arith.constant 1 : i32
          %sub3A_742 = vector.broadcast %sub3A_741 : i32 to vector<16xi32>
          %sub3A_743 = arith.subi %add3A_740, %sub3A_742 : vector<16xi32>
          %min3A = arith.constant 31 : i32
          %min3A_744 = vector.broadcast %min3A : i32 to vector<16xi32>
          %min3A_745 = arith.minsi %sub3A_743, %min3A_744 : vector<16xi32>
          tpu.vector_store_idx %arg12[%min3A_745], %get3A_658 masked %ge3A : memref<32xf32, #tpu.memory_space<vmem>>[vector<16xi32>], vector<16xf32>, vector<16xi1>
          tpu.vector_store_idx %arg13[%min3A_745], %get3A_662 masked %ge3A : memref<32xi32, #tpu.memory_space<vmem>>[vector<16xi32>], vector<16xi32>, vector<16xi1>
          %add3A_746 = arith.addi %while3A_654, %squeeze3A_664 : i32
          scf.yield %add3A_746 : i32
        } else {
          scf.yield %while3A_654 : i32
        }
        scf.yield %cond3A_669 : i32
      }
      %while3A_443 = arith.constant 1 : i32
      %while3A_444 = scf.for %while3A_653 = %while3A_440 to %while3A_436 step %while3A_443 iter_args(%while3A_654 = %while3A_442) -> (i32)  : i32 {
        %mul3A_655 = arith.constant 16 : i32
        %mul3A_656 = arith.muli %while3A_653, %mul3A_655 : i32
        %get3A_657 = arith.index_cast %mul3A_656 : i32 to index
        %get3A_658 = tpu.vector_load %arg10[%get3A_657] {strides = array<i32>} : memref<2048xf32, #tpu.memory_space<vmem>>, vector<16xf32>,
        %mul3A_659 = arith.constant 16 : i32
        %mul3A_660 = arith.muli %while3A_653, %mul3A_659 : i32
        %get3A_661 = arith.index_cast %mul3A_660 : i32 to index
        %get3A_662 = tpu.vector_load %arg11[%get3A_661] {strides = array<i32>} : memref<2048xi32, #tpu.memory_space<vmem>>, vector<16xi32>,
        %ge3A = arith.cmpf oge, %get3A_658, %scan3A_431 : vector<16xf32>
        %all_reduce_population_count3A = tpu.all_reduce %ge3A {dim = 0 : i64, kind = #tpu.reduction_kind<sum>} : vector<16xi1> -> vector<16xi32>
        %slice3A_663 = vector.extract_strided_slice %all_reduce_population_count3A {offsets = [0], sizes = [1], strides = [1]} : vector<16xi32> to vector<1xi32>
        %squeeze3A_664 = vector.extract %slice3A_663[0] : i32 from vector<1xi32>
        %gt3A = arith.constant 0 : i32
        %gt3A_665 = arith.cmpi sgt, %squeeze3A_664, %gt3A : i32
        %convert_element_type3A_666 = arith.extui %gt3A_665 : i1 to i32
        %cond3A_667 = arith.constant 0 : i32
        %cond3A_668 = arith.cmpi ne, %convert_element_type3A_666, %cond3A_667 : i32
        %cond3A_669 = scf.if %cond3A_668 -> (i32) {
          %jit3A_670 = arith.constant 1 : i32
          %jit3A_671 = arith.constant 0 : i32
          %broadcast_in_dim3A_672 = vector.broadcast %jit3A_670 : i32 to vector<16xi32>
          %broadcast_in_dim3A_673 = vector.broadcast %jit3A_671 : i32 to vector<16xi32>
          %select_n3A_674 = arith.select %ge3A, %broadcast_in_dim3A_672, %broadcast_in_dim3A_673 : vector<16xi1>, vector<16xi32>
          %swap3A_675 = arith.constant 0 : index
          %swap3A_676 = tpu.vector_load %arg18[%swap3A_675] {strides = array<i32>} : memref<16xi32, #tpu.memory_space<vmem>>, vector<16xi32>,
          tpu.vector_store %arg18[%swap3A_675], %select_n3A_674 {strides = array<i32>} : memref<16xi32, #tpu.memory_space<vmem>>, vector<16xi32>,
          %sub3A_677 = arith.constant 1 : i32
          %sub3A_678 = vector.broadcast %sub3A_677 : i32 to vector<16xi32>
          %sub3A_679 = arith.subi %iota3A, %sub3A_678 : vector<16xi32>
          %max3A_680 = arith.constant 0 : i32
          %max3A_681 = vector.broadcast %max3A_680 : i32 to vector<16xi32>
          %max3A_682 = arith.maxsi %sub3A_679, %max3A_681 : vector<16xi32>
          %gather3A_683 = tpu.vector_load_idx %arg18[%max3A_682] : memref<16xi32, #tpu.memory_space<vmem>>[vector<16xi32>], vector<16xi32>,
          %ge3A_684 = arith.constant 1 : i32
          %ge3A_685 = vector.broadcast %ge3A_684 : i32 to vector<16xi32>
          %ge3A_686 = arith.cmpi sge, %iota3A, %ge3A_685 : vector<16xi32>
          %jit3A_687 = arith.constant 0 : i32
          %broadcast_in_dim3A_688 = vector.broadcast %jit3A_687 : i32 to vector<16xi32>
          %select_n3A_689 = arith.select %ge3A_686, %gather3A_683, %broadcast_in_dim3A_688 : vector<16xi1>, vector<16xi32>
          %add3A_690 = arith.addi %select_n3A_674, %select_n3A_689 : vector<16xi32>
          %swap3A_691 = arith.constant 0 : index
          %swap3A_692 = tpu.vector_load %arg18[%swap3A_691] {strides = array<i32>} : memref<16xi32, #tpu.memory_space<vmem>>, vector<16xi32>,
          tpu.vector_store %arg18[%swap3A_691], %add3A_690 {strides = array<i32>} : memref<16xi32, #tpu.memory_space<vmem>>, vector<16xi32>,
          %sub3A_693 = arith.constant 2 : i32
          %sub3A_694 = vector.broadcast %sub3A_693 : i32 to vector<16xi32>
          %sub3A_695 = arith.subi %iota3A, %sub3A_694 : vector<16xi32>
          %max3A_696 = arith.constant 0 : i32
          %max3A_697 = vector.broadcast %max3A_696 : i32 to vector<16xi32>
          %max3A_698 = arith.maxsi %sub3A_695, %max3A_697 : vector<16xi32>
          %gather3A_699 = tpu.vector_load_idx %arg18[%max3A_698] : memref<16xi32, #tpu.memory_space<vmem>>[vector<16xi32>], vector<16xi32>,
          %ge3A_700 = arith.constant 2 : i32
          %ge3A_701 = vector.broadcast %ge3A_700 : i32 to vector<16xi32>
          %ge3A_702 = arith.cmpi sge, %iota3A, %ge3A_701 : vector<16xi32>
          %jit3A_703 = arith.constant 0 : i32
          %broadcast_in_dim3A_704 = vector.broadcast %jit3A_703 : i32 to vector<16xi32>
          %select_n3A_705 = arith.select %ge3A_702, %gather3A_699, %broadcast_in_dim3A_704 : vector<16xi1>, vector<16xi32>
          %add3A_706 = arith.addi %add3A_690, %select_n3A_705 : vector<16xi32>
          %swap3A_707 = arith.constant 0 : index
          %swap3A_708 = tpu.vector_load %arg18[%swap3A_707] {strides = array<i32>} : memref<16xi32, #tpu.memory_space<vmem>>, vector<16xi32>,
          tpu.vector_store %arg18[%swap3A_707], %add3A_706 {strides = array<i32>} : memref<16xi32, #tpu.memory_space<vmem>>, vector<16xi32>,
          %sub3A_709 = arith.constant 4 : i32
          %sub3A_710 = vector.broadcast %sub3A_709 : i32 to vector<16xi32>
          %sub3A_711 = arith.subi %iota3A, %sub3A_710 : vector<16xi32>
          %max3A_712 = arith.constant 0 : i32
          %max3A_713 = vector.broadcast %max3A_712 : i32 to vector<16xi32>
          %max3A_714 = arith.maxsi %sub3A_711, %max3A_713 : vector<16xi32>
          %gather3A_715 = tpu.vector_load_idx %arg18[%max3A_714] : memref<16xi32, #tpu.memory_space<vmem>>[vector<16xi32>], vector<16xi32>,
          %ge3A_716 = arith.constant 4 : i32
          %ge3A_717 = vector.broadcast %ge3A_716 : i32 to vector<16xi32>
          %ge3A_718 = arith.cmpi sge, %iota3A, %ge3A_717 : vector<16xi32>
          %jit3A_719 = arith.constant 0 : i32
          %broadcast_in_dim3A_720 = vector.broadcast %jit3A_719 : i32 to vector<16xi32>
          %select_n3A_721 = arith.select %ge3A_718, %gather3A_715, %broadcast_in_dim3A_720 : vector<16xi1>, vector<16xi32>
          %add3A_722 = arith.addi %add3A_706, %select_n3A_721 : vector<16xi32>
          %swap3A_723 = arith.constant 0 : index
          %swap3A_724 = tpu.vector_load %arg18[%swap3A_723] {strides = array<i32>} : memref<16xi32, #tpu.memory_space<vmem>>, vector<16xi32>,
          tpu.vector_store %arg18[%swap3A_723], %add3A_722 {strides = array<i32>} : memref<16xi32, #tpu.memory_space<vmem>>, vector<16xi32>,
          %sub3A_725 = arith.constant 8 : i32
          %sub3A_726 = vector.broadcast %sub3A_725 : i32 to vector<16xi32>
          %sub3A_727 = arith.subi %iota3A, %sub3A_726 : vector<16xi32>
          %max3A_728 = arith.constant 0 : i32
          %max3A_729 = vector.broadcast %max3A_728 : i32 to vector<16xi32>
          %max3A_730 = arith.maxsi %sub3A_727, %max3A_729 : vector<16xi32>
          %gather3A_731 = tpu.vector_load_idx %arg18[%max3A_730] : memref<16xi32, #tpu.memory_space<vmem>>[vector<16xi32>], vector<16xi32>,
          %ge3A_732 = arith.constant 8 : i32
          %ge3A_733 = vector.broadcast %ge3A_732 : i32 to vector<16xi32>
          %ge3A_734 = arith.cmpi sge, %iota3A, %ge3A_733 : vector<16xi32>
          %jit3A_735 = arith.constant 0 : i32
          %broadcast_in_dim3A_736 = vector.broadcast %jit3A_735 : i32 to vector<16xi32>
          %select_n3A_737 = arith.select %ge3A_734, %gather3A_731, %broadcast_in_dim3A_736 : vector<16xi1>, vector<16xi32>
          %add3A_738 = arith.addi %add3A_722, %select_n3A_737 : vector<16xi32>
          %add3A_739 = vector.broadcast %while3A_654 : i32 to vector<16xi32>
          %add3A_740 = arith.addi %add3A_739, %add3A_738 : vector<16xi32>
          %sub3A_741 = arith.constant 1 : i32
          %sub3A_742 = vector.broadcast %sub3A_741 : i32 to vector<16xi32>
          %sub3A_743 = arith.subi %add3A_740, %sub3A_742 : vector<16xi32>
          %min3A = arith.constant 31 : i32
          %min3A_744 = vector.broadcast %min3A : i32 to vector<16xi32>
          %min3A_745 = arith.minsi %sub3A_743, %min3A_744 : vector<16xi32>
          tpu.vector_store_idx %arg12[%min3A_745], %get3A_658 masked %ge3A : memref<32xf32, #tpu.memory_space<vmem>>[vector<16xi32>], vector<16xf32>, vector<16xi1>
          tpu.vector_store_idx %arg13[%min3A_745], %get3A_662 masked %ge3A : memref<32xi32, #tpu.memory_space<vmem>>[vector<16xi32>], vector<16xi32>, vector<16xi1>
          %add3A_746 = arith.addi %while3A_654, %squeeze3A_664 : i32
          scf.yield %add3A_746 : i32
        } else {
          scf.yield %while3A_654 : i32
        }
        scf.yield %cond3A_669 : i32
      }
      %dma_start3A_445 = arith.constant 0 : i32
      %dma_start3A_446 = arith.constant 0 : i32
      %dma_start3A_447 = tpu.memref_slice %arg4[%dma_start3A_445, %dma_start3A_446] : memref<16384x768xf32, #tpu.memory_space<hbm>> -> memref<16384x768xf32, #tpu.memory_space<hbm>>
      tpu.enqueue_indirect_dma source(%dma_start3A_447 : memref<16384x768xf32, #tpu.memory_space<hbm>>) target(%arg14 : memref<32x768xf32, #tpu.memory_space<vmem>>) offsets(%arg13 : memref<32xi32, #tpu.memory_space<vmem>>) semaphore(%arg21 : memref<!tpu.dma_semaphore, #tpu.memory_space<semaphore_mem>>)
      %dma_wait3A_448 = arith.constant 0 : i32
      %dma_wait3A_449 = arith.constant 0 : i32
      %dma_wait3A_450 = tpu.memref_slice %arg4[%dma_wait3A_448, %dma_wait3A_449] : memref<16384x768xf32, #tpu.memory_space<hbm>> -> memref<16384x768xf32, #tpu.memory_space<hbm>>
      tpu.wait_indirect_dma semaphore(%arg21 : memref<!tpu.dma_semaphore, #tpu.memory_space<semaphore_mem>>) src(%dma_wait3A_450 : memref<16384x768xf32, #tpu.memory_space<hbm>>) dst(%arg14 : memref<32x768xf32, #tpu.memory_space<vmem>>)
      %get3A_451 = arith.constant 0 : index
      %get3A_452 = tpu.vector_load %arg12[%get3A_451] {strides = array<i32>} : memref<32xf32, #tpu.memory_space<vmem>>, vector<16xf32>,
      %get3A_453 = arith.constant 16 : index
      %get3A_454 = tpu.vector_load %arg12[%get3A_453] {strides = array<i32>} : memref<32xf32, #tpu.memory_space<vmem>>, vector<16xf32>,
      %slice3A_455 = vector.extract_strided_slice %get3A_452 {offsets = [0], sizes = [1], strides = [1]} : vector<16xf32> to vector<1xf32>
      %squeeze3A_456 = vector.extract %slice3A_455[0] : f32 from vector<1xf32>
      %broadcast_in_dim3A_457 = vector.broadcast %squeeze3A_456 : f32 to vector<16xf32>
      %max3A_458 = arith.constant 0.000000e+00 : f32
      %max3A_459 = vector.broadcast %max3A_458 : f32 to vector<16xf32>
      %max3A_460 = arith.maximumf %broadcast_in_dim3A_457, %max3A_459 : vector<16xf32>
      %slice3A_461 = vector.extract_strided_slice %get3A_452 {offsets = [1], sizes = [1], strides = [1]} : vector<16xf32> to vector<1xf32>
      %squeeze3A_462 = vector.extract %slice3A_461[0] : f32 from vector<1xf32>
      %broadcast_in_dim3A_463 = vector.broadcast %squeeze3A_462 : f32 to vector<16xf32>
      %max3A_464 = arith.constant 0.000000e+00 : f32
      %max3A_465 = vector.broadcast %max3A_464 : f32 to vector<16xf32>
      %max3A_466 = arith.maximumf %broadcast_in_dim3A_463, %max3A_465 : vector<16xf32>
      %slice3A_467 = vector.extract_strided_slice %get3A_452 {offsets = [2], sizes = [1], strides = [1]} : vector<16xf32> to vector<1xf32>
      %squeeze3A_468 = vector.extract %slice3A_467[0] : f32 from vector<1xf32>
      %broadcast_in_dim3A_469 = vector.broadcast %squeeze3A_468 : f32 to vector<16xf32>
      %max3A_470 = arith.constant 0.000000e+00 : f32
      %max3A_471 = vector.broadcast %max3A_470 : f32 to vector<16xf32>
      %max3A_472 = arith.maximumf %broadcast_in_dim3A_469, %max3A_471 : vector<16xf32>
      %slice3A_473 = vector.extract_strided_slice %get3A_452 {offsets = [3], sizes = [1], strides = [1]} : vector<16xf32> to vector<1xf32>
      %squeeze3A_474 = vector.extract %slice3A_473[0] : f32 from vector<1xf32>
      %broadcast_in_dim3A_475 = vector.broadcast %squeeze3A_474 : f32 to vector<16xf32>
      %max3A_476 = arith.constant 0.000000e+00 : f32
      %max3A_477 = vector.broadcast %max3A_476 : f32 to vector<16xf32>
      %max3A_478 = arith.maximumf %broadcast_in_dim3A_475, %max3A_477 : vector<16xf32>
      %slice3A_479 = vector.extract_strided_slice %get3A_452 {offsets = [4], sizes = [1], strides = [1]} : vector<16xf32> to vector<1xf32>
      %squeeze3A_480 = vector.extract %slice3A_479[0] : f32 from vector<1xf32>
      %broadcast_in_dim3A_481 = vector.broadcast %squeeze3A_480 : f32 to vector<16xf32>
      %max3A_482 = arith.constant 0.000000e+00 : f32
      %max3A_483 = vector.broadcast %max3A_482 : f32 to vector<16xf32>
      %max3A_484 = arith.maximumf %broadcast_in_dim3A_481, %max3A_483 : vector<16xf32>
      %slice3A_485 = vector.extract_strided_slice %get3A_452 {offsets = [5], sizes = [1], strides = [1]} : vector<16xf32> to vector<1xf32>
      %squeeze3A_486 = vector.extract %slice3A_485[0] : f32 from vector<1xf32>
      %broadcast_in_dim3A_487 = vector.broadcast %squeeze3A_486 : f32 to vector<16xf32>
      %max3A_488 = arith.constant 0.000000e+00 : f32
      %max3A_489 = vector.broadcast %max3A_488 : f32 to vector<16xf32>
      %max3A_490 = arith.maximumf %broadcast_in_dim3A_487, %max3A_489 : vector<16xf32>
      %slice3A_491 = vector.extract_strided_slice %get3A_452 {offsets = [6], sizes = [1], strides = [1]} : vector<16xf32> to vector<1xf32>
      %squeeze3A_492 = vector.extract %slice3A_491[0] : f32 from vector<1xf32>
      %broadcast_in_dim3A_493 = vector.broadcast %squeeze3A_492 : f32 to vector<16xf32>
      %max3A_494 = arith.constant 0.000000e+00 : f32
      %max3A_495 = vector.broadcast %max3A_494 : f32 to vector<16xf32>
      %max3A_496 = arith.maximumf %broadcast_in_dim3A_493, %max3A_495 : vector<16xf32>
      %slice3A_497 = vector.extract_strided_slice %get3A_452 {offsets = [7], sizes = [1], strides = [1]} : vector<16xf32> to vector<1xf32>
      %squeeze3A_498 = vector.extract %slice3A_497[0] : f32 from vector<1xf32>
      %broadcast_in_dim3A_499 = vector.broadcast %squeeze3A_498 : f32 to vector<16xf32>
      %max3A_500 = arith.constant 0.000000e+00 : f32
      %max3A_501 = vector.broadcast %max3A_500 : f32 to vector<16xf32>
      %max3A_502 = arith.maximumf %broadcast_in_dim3A_499, %max3A_501 : vector<16xf32>
      %slice3A_503 = vector.extract_strided_slice %get3A_452 {offsets = [8], sizes = [1], strides = [1]} : vector<16xf32> to vector<1xf32>
      %squeeze3A_504 = vector.extract %slice3A_503[0] : f32 from vector<1xf32>
      %broadcast_in_dim3A_505 = vector.broadcast %squeeze3A_504 : f32 to vector<16xf32>
      %max3A_506 = arith.constant 0.000000e+00 : f32
      %max3A_507 = vector.broadcast %max3A_506 : f32 to vector<16xf32>
      %max3A_508 = arith.maximumf %broadcast_in_dim3A_505, %max3A_507 : vector<16xf32>
      %slice3A_509 = vector.extract_strided_slice %get3A_452 {offsets = [9], sizes = [1], strides = [1]} : vector<16xf32> to vector<1xf32>
      %squeeze3A_510 = vector.extract %slice3A_509[0] : f32 from vector<1xf32>
      %broadcast_in_dim3A_511 = vector.broadcast %squeeze3A_510 : f32 to vector<16xf32>
      %max3A_512 = arith.constant 0.000000e+00 : f32
      %max3A_513 = vector.broadcast %max3A_512 : f32 to vector<16xf32>
      %max3A_514 = arith.maximumf %broadcast_in_dim3A_511, %max3A_513 : vector<16xf32>
      %slice3A_515 = vector.extract_strided_slice %get3A_452 {offsets = [10], sizes = [1], strides = [1]} : vector<16xf32> to vector<1xf32>
      %squeeze3A_516 = vector.extract %slice3A_515[0] : f32 from vector<1xf32>
      %broadcast_in_dim3A_517 = vector.broadcast %squeeze3A_516 : f32 to vector<16xf32>
      %max3A_518 = arith.constant 0.000000e+00 : f32
      %max3A_519 = vector.broadcast %max3A_518 : f32 to vector<16xf32>
      %max3A_520 = arith.maximumf %broadcast_in_dim3A_517, %max3A_519 : vector<16xf32>
      %slice3A_521 = vector.extract_strided_slice %get3A_452 {offsets = [11], sizes = [1], strides = [1]} : vector<16xf32> to vector<1xf32>
      %squeeze3A_522 = vector.extract %slice3A_521[0] : f32 from vector<1xf32>
      %broadcast_in_dim3A_523 = vector.broadcast %squeeze3A_522 : f32 to vector<16xf32>
      %max3A_524 = arith.constant 0.000000e+00 : f32
      %max3A_525 = vector.broadcast %max3A_524 : f32 to vector<16xf32>
      %max3A_526 = arith.maximumf %broadcast_in_dim3A_523, %max3A_525 : vector<16xf32>
      %slice3A_527 = vector.extract_strided_slice %get3A_452 {offsets = [12], sizes = [1], strides = [1]} : vector<16xf32> to vector<1xf32>
      %squeeze3A_528 = vector.extract %slice3A_527[0] : f32 from vector<1xf32>
      %broadcast_in_dim3A_529 = vector.broadcast %squeeze3A_528 : f32 to vector<16xf32>
      %max3A_530 = arith.constant 0.000000e+00 : f32
      %max3A_531 = vector.broadcast %max3A_530 : f32 to vector<16xf32>
      %max3A_532 = arith.maximumf %broadcast_in_dim3A_529, %max3A_531 : vector<16xf32>
      %slice3A_533 = vector.extract_strided_slice %get3A_452 {offsets = [13], sizes = [1], strides = [1]} : vector<16xf32> to vector<1xf32>
      %squeeze3A_534 = vector.extract %slice3A_533[0] : f32 from vector<1xf32>
      %broadcast_in_dim3A_535 = vector.broadcast %squeeze3A_534 : f32 to vector<16xf32>
      %max3A_536 = arith.constant 0.000000e+00 : f32
      %max3A_537 = vector.broadcast %max3A_536 : f32 to vector<16xf32>
      %max3A_538 = arith.maximumf %broadcast_in_dim3A_535, %max3A_537 : vector<16xf32>
      %slice3A_539 = vector.extract_strided_slice %get3A_452 {offsets = [14], sizes = [1], strides = [1]} : vector<16xf32> to vector<1xf32>
      %squeeze3A_540 = vector.extract %slice3A_539[0] : f32 from vector<1xf32>
      %broadcast_in_dim3A_541 = vector.broadcast %squeeze3A_540 : f32 to vector<16xf32>
      %max3A_542 = arith.constant 0.000000e+00 : f32
      %max3A_543 = vector.broadcast %max3A_542 : f32 to vector<16xf32>
      %max3A_544 = arith.maximumf %broadcast_in_dim3A_541, %max3A_543 : vector<16xf32>
      %slice3A_545 = vector.extract_strided_slice %get3A_452 {offsets = [15], sizes = [1], strides = [1]} : vector<16xf32> to vector<1xf32>
      %squeeze3A_546 = vector.extract %slice3A_545[0] : f32 from vector<1xf32>
      %broadcast_in_dim3A_547 = vector.broadcast %squeeze3A_546 : f32 to vector<16xf32>
      %max3A_548 = arith.constant 0.000000e+00 : f32
      %max3A_549 = vector.broadcast %max3A_548 : f32 to vector<16xf32>
      %max3A_550 = arith.maximumf %broadcast_in_dim3A_547, %max3A_549 : vector<16xf32>
      %slice3A_551 = vector.extract_strided_slice %get3A_454 {offsets = [0], sizes = [1], strides = [1]} : vector<16xf32> to vector<1xf32>
      %squeeze3A_552 = vector.extract %slice3A_551[0] : f32 from vector<1xf32>
      %broadcast_in_dim3A_553 = vector.broadcast %squeeze3A_552 : f32 to vector<16xf32>
      %max3A_554 = arith.constant 0.000000e+00 : f32
      %max3A_555 = vector.broadcast %max3A_554 : f32 to vector<16xf32>
      %max3A_556 = arith.maximumf %broadcast_in_dim3A_553, %max3A_555 : vector<16xf32>
      %slice3A_557 = vector.extract_strided_slice %get3A_454 {offsets = [1], sizes = [1], strides = [1]} : vector<16xf32> to vector<1xf32>
      %squeeze3A_558 = vector.extract %slice3A_557[0] : f32 from vector<1xf32>
      %broadcast_in_dim3A_559 = vector.broadcast %squeeze3A_558 : f32 to vector<16xf32>
      %max3A_560 = arith.constant 0.000000e+00 : f32
      %max3A_561 = vector.broadcast %max3A_560 : f32 to vector<16xf32>
      %max3A_562 = arith.maximumf %broadcast_in_dim3A_559, %max3A_561 : vector<16xf32>
      %slice3A_563 = vector.extract_strided_slice %get3A_454 {offsets = [2], sizes = [1], strides = [1]} : vector<16xf32> to vector<1xf32>
      %squeeze3A_564 = vector.extract %slice3A_563[0] : f32 from vector<1xf32>
      %broadcast_in_dim3A_565 = vector.broadcast %squeeze3A_564 : f32 to vector<16xf32>
      %max3A_566 = arith.constant 0.000000e+00 : f32
      %max3A_567 = vector.broadcast %max3A_566 : f32 to vector<16xf32>
      %max3A_568 = arith.maximumf %broadcast_in_dim3A_565, %max3A_567 : vector<16xf32>
      %slice3A_569 = vector.extract_strided_slice %get3A_454 {offsets = [3], sizes = [1], strides = [1]} : vector<16xf32> to vector<1xf32>
      %squeeze3A_570 = vector.extract %slice3A_569[0] : f32 from vector<1xf32>
      %broadcast_in_dim3A_571 = vector.broadcast %squeeze3A_570 : f32 to vector<16xf32>
      %max3A_572 = arith.constant 0.000000e+00 : f32
      %max3A_573 = vector.broadcast %max3A_572 : f32 to vector<16xf32>
      %max3A_574 = arith.maximumf %broadcast_in_dim3A_571, %max3A_573 : vector<16xf32>
      %slice3A_575 = vector.extract_strided_slice %get3A_454 {offsets = [4], sizes = [1], strides = [1]} : vector<16xf32> to vector<1xf32>
      %squeeze3A_576 = vector.extract %slice3A_575[0] : f32 from vector<1xf32>
      %broadcast_in_dim3A_577 = vector.broadcast %squeeze3A_576 : f32 to vector<16xf32>
      %max3A_578 = arith.constant 0.000000e+00 : f32
      %max3A_579 = vector.broadcast %max3A_578 : f32 to vector<16xf32>
      %max3A_580 = arith.maximumf %broadcast_in_dim3A_577, %max3A_579 : vector<16xf32>
      %slice3A_581 = vector.extract_strided_slice %get3A_454 {offsets = [5], sizes = [1], strides = [1]} : vector<16xf32> to vector<1xf32>
      %squeeze3A_582 = vector.extract %slice3A_581[0] : f32 from vector<1xf32>
      %broadcast_in_dim3A_583 = vector.broadcast %squeeze3A_582 : f32 to vector<16xf32>
      %max3A_584 = arith.constant 0.000000e+00 : f32
      %max3A_585 = vector.broadcast %max3A_584 : f32 to vector<16xf32>
      %max3A_586 = arith.maximumf %broadcast_in_dim3A_583, %max3A_585 : vector<16xf32>
      %slice3A_587 = vector.extract_strided_slice %get3A_454 {offsets = [6], sizes = [1], strides = [1]} : vector<16xf32> to vector<1xf32>
      %squeeze3A_588 = vector.extract %slice3A_587[0] : f32 from vector<1xf32>
      %broadcast_in_dim3A_589 = vector.broadcast %squeeze3A_588 : f32 to vector<16xf32>
      %max3A_590 = arith.constant 0.000000e+00 : f32
      %max3A_591 = vector.broadcast %max3A_590 : f32 to vector<16xf32>
      %max3A_592 = arith.maximumf %broadcast_in_dim3A_589, %max3A_591 : vector<16xf32>
      %slice3A_593 = vector.extract_strided_slice %get3A_454 {offsets = [7], sizes = [1], strides = [1]} : vector<16xf32> to vector<1xf32>
      %squeeze3A_594 = vector.extract %slice3A_593[0] : f32 from vector<1xf32>
      %broadcast_in_dim3A_595 = vector.broadcast %squeeze3A_594 : f32 to vector<16xf32>
      %max3A_596 = arith.constant 0.000000e+00 : f32
      %max3A_597 = vector.broadcast %max3A_596 : f32 to vector<16xf32>
      %max3A_598 = arith.maximumf %broadcast_in_dim3A_595, %max3A_597 : vector<16xf32>
      %slice3A_599 = vector.extract_strided_slice %get3A_454 {offsets = [8], sizes = [1], strides = [1]} : vector<16xf32> to vector<1xf32>
      %squeeze3A_600 = vector.extract %slice3A_599[0] : f32 from vector<1xf32>
      %broadcast_in_dim3A_601 = vector.broadcast %squeeze3A_600 : f32 to vector<16xf32>
      %max3A_602 = arith.constant 0.000000e+00 : f32
      %max3A_603 = vector.broadcast %max3A_602 : f32 to vector<16xf32>
      %max3A_604 = arith.maximumf %broadcast_in_dim3A_601, %max3A_603 : vector<16xf32>
      %slice3A_605 = vector.extract_strided_slice %get3A_454 {offsets = [9], sizes = [1], strides = [1]} : vector<16xf32> to vector<1xf32>
      %squeeze3A_606 = vector.extract %slice3A_605[0] : f32 from vector<1xf32>
      %broadcast_in_dim3A_607 = vector.broadcast %squeeze3A_606 : f32 to vector<16xf32>
      %max3A_608 = arith.constant 0.000000e+00 : f32
      %max3A_609 = vector.broadcast %max3A_608 : f32 to vector<16xf32>
      %max3A_610 = arith.maximumf %broadcast_in_dim3A_607, %max3A_609 : vector<16xf32>
      %slice3A_611 = vector.extract_strided_slice %get3A_454 {offsets = [10], sizes = [1], strides = [1]} : vector<16xf32> to vector<1xf32>
      %squeeze3A_612 = vector.extract %slice3A_611[0] : f32 from vector<1xf32>
      %broadcast_in_dim3A_613 = vector.broadcast %squeeze3A_612 : f32 to vector<16xf32>
      %max3A_614 = arith.constant 0.000000e+00 : f32
      %max3A_615 = vector.broadcast %max3A_614 : f32 to vector<16xf32>
      %max3A_616 = arith.maximumf %broadcast_in_dim3A_613, %max3A_615 : vector<16xf32>
      %slice3A_617 = vector.extract_strided_slice %get3A_454 {offsets = [11], sizes = [1], strides = [1]} : vector<16xf32> to vector<1xf32>
      %squeeze3A_618 = vector.extract %slice3A_617[0] : f32 from vector<1xf32>
      %broadcast_in_dim3A_619 = vector.broadcast %squeeze3A_618 : f32 to vector<16xf32>
      %max3A_620 = arith.constant 0.000000e+00 : f32
      %max3A_621 = vector.broadcast %max3A_620 : f32 to vector<16xf32>
      %max3A_622 = arith.maximumf %broadcast_in_dim3A_619, %max3A_621 : vector<16xf32>
      %slice3A_623 = vector.extract_strided_slice %get3A_454 {offsets = [12], sizes = [1], strides = [1]} : vector<16xf32> to vector<1xf32>
      %squeeze3A_624 = vector.extract %slice3A_623[0] : f32 from vector<1xf32>
      %broadcast_in_dim3A_625 = vector.broadcast %squeeze3A_624 : f32 to vector<16xf32>
      %max3A_626 = arith.constant 0.000000e+00 : f32
      %max3A_627 = vector.broadcast %max3A_626 : f32 to vector<16xf32>
      %max3A_628 = arith.maximumf %broadcast_in_dim3A_625, %max3A_627 : vector<16xf32>
      %slice3A_629 = vector.extract_strided_slice %get3A_454 {offsets = [13], sizes = [1], strides = [1]} : vector<16xf32> to vector<1xf32>
      %squeeze3A_630 = vector.extract %slice3A_629[0] : f32 from vector<1xf32>
      %broadcast_in_dim3A_631 = vector.broadcast %squeeze3A_630 : f32 to vector<16xf32>
      %max3A_632 = arith.constant 0.000000e+00 : f32
      %max3A_633 = vector.broadcast %max3A_632 : f32 to vector<16xf32>
      %max3A_634 = arith.maximumf %broadcast_in_dim3A_631, %max3A_633 : vector<16xf32>
      %slice3A_635 = vector.extract_strided_slice %get3A_454 {offsets = [14], sizes = [1], strides = [1]} : vector<16xf32> to vector<1xf32>
      %squeeze3A_636 = vector.extract %slice3A_635[0] : f32 from vector<1xf32>
      %broadcast_in_dim3A_637 = vector.broadcast %squeeze3A_636 : f32 to vector<16xf32>
      %max3A_638 = arith.constant 0.000000e+00 : f32
      %max3A_639 = vector.broadcast %max3A_638 : f32 to vector<16xf32>
      %max3A_640 = arith.maximumf %broadcast_in_dim3A_637, %max3A_639 : vector<16xf32>
      %slice3A_641 = vector.extract_strided_slice %get3A_454 {offsets = [15], sizes = [1], strides = [1]} : vector<16xf32> to vector<1xf32>
      %squeeze3A_642 = vector.extract %slice3A_641[0] : f32 from vector<1xf32>
      %broadcast_in_dim3A_643 = vector.broadcast %squeeze3A_642 : f32 to vector<16xf32>
      %max3A_644 = arith.constant 0.000000e+00 : f32
      %max3A_645 = vector.broadcast %max3A_644 : f32 to vector<16xf32>
      %max3A_646 = arith.maximumf %broadcast_in_dim3A_643, %max3A_645 : vector<16xf32>
      %scan3A_647 = arith.constant 0 : i32
      %scan3A_648 = arith.constant 0 : i32
      %scan3A_649 = arith.constant 48 : i32
      %scan3A_650 = arith.addi %scan3A_648, %scan3A_649 : i32
      %scan3A_651 = arith.constant 2 : i32
      scf.for %scan3A_653 = %scan3A_648 to %scan3A_650 step %scan3A_651  : i32 {
        %mul3A_654 = arith.constant 16 : i32
        %mul3A_655 = arith.muli %scan3A_653, %mul3A_654 : i32
        %get3A_656 = arith.index_cast %mul3A_655 : i32 to index
        %get3A_657 = tpu.vector_load %arg16[%get3A_656] {strides = array<i32>} : memref<768xf32, #tpu.memory_space<vmem>>, vector<16xf32>,
        %broadcast_in_dim3A_658 = arith.constant 0.000000e+00 : f32
        %broadcast_in_dim3A_659 = vector.broadcast %broadcast_in_dim3A_658 : f32 to vector<16xf32>
        %broadcast_in_dim3A_660 = arith.constant 0.000000e+00 : f32
        %broadcast_in_dim3A_661 = vector.broadcast %broadcast_in_dim3A_660 : f32 to vector<16xf32>
        %broadcast_in_dim3A_662 = arith.constant 0.000000e+00 : f32
        %broadcast_in_dim3A_663 = vector.broadcast %broadcast_in_dim3A_662 : f32 to vector<16xf32>
        %mul3A_664 = arith.constant 16 : i32
        %mul3A_665 = arith.muli %scan3A_653, %mul3A_664 : i32
        %get3A_666 = arith.constant 0 : i32
        %get3A_667 = arith.index_cast %get3A_666 : i32 to index
        %get3A_668 = arith.index_cast %mul3A_665 : i32 to index
        %get3A_669 = tpu.vector_load %arg14[%get3A_667, %get3A_668] {strides = array<i32>} : memref<32x768xf32, #tpu.memory_space<vmem>>, vector<16xf32>,
        %mul3A_670 = arith.mulf %get3A_669, %max3A_460 : vector<16xf32>
        %add3A_671 = arith.addf %get3A_657, %mul3A_670 : vector<16xf32>
        %mul3A_672 = arith.constant 16 : i32
        %mul3A_673 = arith.muli %scan3A_653, %mul3A_672 : i32
        %get3A_674 = arith.constant 1 : i32
        %get3A_675 = arith.index_cast %get3A_674 : i32 to index
        %get3A_676 = arith.index_cast %mul3A_673 : i32 to index
        %get3A_677 = tpu.vector_load %arg14[%get3A_675, %get3A_676] {strides = array<i32>} : memref<32x768xf32, #tpu.memory_space<vmem>>, vector<16xf32>,
        %mul3A_678 = arith.mulf %get3A_677, %max3A_466 : vector<16xf32>
        %add3A_679 = arith.addf %broadcast_in_dim3A_659, %mul3A_678 : vector<16xf32>
        %mul3A_680 = arith.constant 16 : i32
        %mul3A_681 = arith.muli %scan3A_653, %mul3A_680 : i32
        %get3A_682 = arith.constant 2 : i32
        %get3A_683 = arith.index_cast %get3A_682 : i32 to index
        %get3A_684 = arith.index_cast %mul3A_681 : i32 to index
        %get3A_685 = tpu.vector_load %arg14[%get3A_683, %get3A_684] {strides = array<i32>} : memref<32x768xf32, #tpu.memory_space<vmem>>, vector<16xf32>,
        %mul3A_686 = arith.mulf %get3A_685, %max3A_472 : vector<16xf32>
        %add3A_687 = arith.addf %broadcast_in_dim3A_661, %mul3A_686 : vector<16xf32>
        %mul3A_688 = arith.constant 16 : i32
        %mul3A_689 = arith.muli %scan3A_653, %mul3A_688 : i32
        %get3A_690 = arith.constant 3 : i32
        %get3A_691 = arith.index_cast %get3A_690 : i32 to index
        %get3A_692 = arith.index_cast %mul3A_689 : i32 to index
        %get3A_693 = tpu.vector_load %arg14[%get3A_691, %get3A_692] {strides = array<i32>} : memref<32x768xf32, #tpu.memory_space<vmem>>, vector<16xf32>,
        %mul3A_694 = arith.mulf %get3A_693, %max3A_478 : vector<16xf32>
        %add3A_695 = arith.addf %broadcast_in_dim3A_663, %mul3A_694 : vector<16xf32>
        %mul3A_696 = arith.constant 16 : i32
        %mul3A_697 = arith.muli %scan3A_653, %mul3A_696 : i32
        %get3A_698 = arith.constant 4 : i32
        %get3A_699 = arith.index_cast %get3A_698 : i32 to index
        %get3A_700 = arith.index_cast %mul3A_697 : i32 to index
        %get3A_701 = tpu.vector_load %arg14[%get3A_699, %get3A_700] {strides = array<i32>} : memref<32x768xf32, #tpu.memory_space<vmem>>, vector<16xf32>,
        %mul3A_702 = arith.mulf %get3A_701, %max3A_484 : vector<16xf32>
        %add3A_703 = arith.addf %add3A_671, %mul3A_702 : vector<16xf32>
        %mul3A_704 = arith.constant 16 : i32
        %mul3A_705 = arith.muli %scan3A_653, %mul3A_704 : i32
        %get3A_706 = arith.constant 5 : i32
        %get3A_707 = arith.index_cast %get3A_706 : i32 to index
        %get3A_708 = arith.index_cast %mul3A_705 : i32 to index
        %get3A_709 = tpu.vector_load %arg14[%get3A_707, %get3A_708] {strides = array<i32>} : memref<32x768xf32, #tpu.memory_space<vmem>>, vector<16xf32>,
        %mul3A_710 = arith.mulf %get3A_709, %max3A_490 : vector<16xf32>
        %add3A_711 = arith.addf %add3A_679, %mul3A_710 : vector<16xf32>
        %mul3A_712 = arith.constant 16 : i32
        %mul3A_713 = arith.muli %scan3A_653, %mul3A_712 : i32
        %get3A_714 = arith.constant 6 : i32
        %get3A_715 = arith.index_cast %get3A_714 : i32 to index
        %get3A_716 = arith.index_cast %mul3A_713 : i32 to index
        %get3A_717 = tpu.vector_load %arg14[%get3A_715, %get3A_716] {strides = array<i32>} : memref<32x768xf32, #tpu.memory_space<vmem>>, vector<16xf32>,
        %mul3A_718 = arith.mulf %get3A_717, %max3A_496 : vector<16xf32>
        %add3A_719 = arith.addf %add3A_687, %mul3A_718 : vector<16xf32>
        %mul3A_720 = arith.constant 16 : i32
        %mul3A_721 = arith.muli %scan3A_653, %mul3A_720 : i32
        %get3A_722 = arith.constant 7 : i32
        %get3A_723 = arith.index_cast %get3A_722 : i32 to index
        %get3A_724 = arith.index_cast %mul3A_721 : i32 to index
        %get3A_725 = tpu.vector_load %arg14[%get3A_723, %get3A_724] {strides = array<i32>} : memref<32x768xf32, #tpu.memory_space<vmem>>, vector<16xf32>,
        %mul3A_726 = arith.mulf %get3A_725, %max3A_502 : vector<16xf32>
        %add3A_727 = arith.addf %add3A_695, %mul3A_726 : vector<16xf32>
        %mul3A_728 = arith.constant 16 : i32
        %mul3A_729 = arith.muli %scan3A_653, %mul3A_728 : i32
        %get3A_730 = arith.constant 8 : i32
        %get3A_731 = arith.index_cast %get3A_730 : i32 to index
        %get3A_732 = arith.index_cast %mul3A_729 : i32 to index
        %get3A_733 = tpu.vector_load %arg14[%get3A_731, %get3A_732] {strides = array<i32>} : memref<32x768xf32, #tpu.memory_space<vmem>>, vector<16xf32>,
        %mul3A_734 = arith.mulf %get3A_733, %max3A_508 : vector<16xf32>
        %add3A_735 = arith.addf %add3A_703, %mul3A_734 : vector<16xf32>
        %mul3A_736 = arith.constant 16 : i32
        %mul3A_737 = arith.muli %scan3A_653, %mul3A_736 : i32
        %get3A_738 = arith.constant 9 : i32
        %get3A_739 = arith.index_cast %get3A_738 : i32 to index
        %get3A_740 = arith.index_cast %mul3A_737 : i32 to index
        %get3A_741 = tpu.vector_load %arg14[%get3A_739, %get3A_740] {strides = array<i32>} : memref<32x768xf32, #tpu.memory_space<vmem>>, vector<16xf32>,
        %mul3A_742 = arith.mulf %get3A_741, %max3A_514 : vector<16xf32>
        %add3A_743 = arith.addf %add3A_711, %mul3A_742 : vector<16xf32>
        %mul3A_744 = arith.constant 16 : i32
        %mul3A_745 = arith.muli %scan3A_653, %mul3A_744 : i32
        %get3A_746 = arith.constant 10 : i32
        %get3A_747 = arith.index_cast %get3A_746 : i32 to index
        %get3A_748 = arith.index_cast %mul3A_745 : i32 to index
        %get3A_749 = tpu.vector_load %arg14[%get3A_747, %get3A_748] {strides = array<i32>} : memref<32x768xf32, #tpu.memory_space<vmem>>, vector<16xf32>,
        %mul3A_750 = arith.mulf %get3A_749, %max3A_520 : vector<16xf32>
        %add3A_751 = arith.addf %add3A_719, %mul3A_750 : vector<16xf32>
        %mul3A_752 = arith.constant 16 : i32
        %mul3A_753 = arith.muli %scan3A_653, %mul3A_752 : i32
        %get3A_754 = arith.constant 11 : i32
        %get3A_755 = arith.index_cast %get3A_754 : i32 to index
        %get3A_756 = arith.index_cast %mul3A_753 : i32 to index
        %get3A_757 = tpu.vector_load %arg14[%get3A_755, %get3A_756] {strides = array<i32>} : memref<32x768xf32, #tpu.memory_space<vmem>>, vector<16xf32>,
        %mul3A_758 = arith.mulf %get3A_757, %max3A_526 : vector<16xf32>
        %add3A_759 = arith.addf %add3A_727, %mul3A_758 : vector<16xf32>
        %mul3A_760 = arith.constant 16 : i32
        %mul3A_761 = arith.muli %scan3A_653, %mul3A_760 : i32
        %get3A_762 = arith.constant 12 : i32
        %get3A_763 = arith.index_cast %get3A_762 : i32 to index
        %get3A_764 = arith.index_cast %mul3A_761 : i32 to index
        %get3A_765 = tpu.vector_load %arg14[%get3A_763, %get3A_764] {strides = array<i32>} : memref<32x768xf32, #tpu.memory_space<vmem>>, vector<16xf32>,
        %mul3A_766 = arith.mulf %get3A_765, %max3A_532 : vector<16xf32>
        %add3A_767 = arith.addf %add3A_735, %mul3A_766 : vector<16xf32>
        %mul3A_768 = arith.constant 16 : i32
        %mul3A_769 = arith.muli %scan3A_653, %mul3A_768 : i32
        %get3A_770 = arith.constant 13 : i32
        %get3A_771 = arith.index_cast %get3A_770 : i32 to index
        %get3A_772 = arith.index_cast %mul3A_769 : i32 to index
        %get3A_773 = tpu.vector_load %arg14[%get3A_771, %get3A_772] {strides = array<i32>} : memref<32x768xf32, #tpu.memory_space<vmem>>, vector<16xf32>,
        %mul3A_774 = arith.mulf %get3A_773, %max3A_538 : vector<16xf32>
        %add3A_775 = arith.addf %add3A_743, %mul3A_774 : vector<16xf32>
        %mul3A_776 = arith.constant 16 : i32
        %mul3A_777 = arith.muli %scan3A_653, %mul3A_776 : i32
        %get3A_778 = arith.constant 14 : i32
        %get3A_779 = arith.index_cast %get3A_778 : i32 to index
        %get3A_780 = arith.index_cast %mul3A_777 : i32 to index
        %get3A_781 = tpu.vector_load %arg14[%get3A_779, %get3A_780] {strides = array<i32>} : memref<32x768xf32, #tpu.memory_space<vmem>>, vector<16xf32>,
        %mul3A_782 = arith.mulf %get3A_781, %max3A_544 : vector<16xf32>
        %add3A_783 = arith.addf %add3A_751, %mul3A_782 : vector<16xf32>
        %mul3A_784 = arith.constant 16 : i32
        %mul3A_785 = arith.muli %scan3A_653, %mul3A_784 : i32
        %get3A_786 = arith.constant 15 : i32
        %get3A_787 = arith.index_cast %get3A_786 : i32 to index
        %get3A_788 = arith.index_cast %mul3A_785 : i32 to index
        %get3A_789 = tpu.vector_load %arg14[%get3A_787, %get3A_788] {strides = array<i32>} : memref<32x768xf32, #tpu.memory_space<vmem>>, vector<16xf32>,
        %mul3A_790 = arith.mulf %get3A_789, %max3A_550 : vector<16xf32>
        %add3A_791 = arith.addf %add3A_759, %mul3A_790 : vector<16xf32>
        %mul3A_792 = arith.constant 16 : i32
        %mul3A_793 = arith.muli %scan3A_653, %mul3A_792 : i32
        %get3A_794 = arith.constant 16 : i32
        %get3A_795 = arith.index_cast %get3A_794 : i32 to index
        %get3A_796 = arith.index_cast %mul3A_793 : i32 to index
        %get3A_797 = tpu.vector_load %arg14[%get3A_795, %get3A_796] {strides = array<i32>} : memref<32x768xf32, #tpu.memory_space<vmem>>, vector<16xf32>,
        %mul3A_798 = arith.mulf %get3A_797, %max3A_556 : vector<16xf32>
        %add3A_799 = arith.addf %add3A_767, %mul3A_798 : vector<16xf32>
        %mul3A_800 = arith.constant 16 : i32
        %mul3A_801 = arith.muli %scan3A_653, %mul3A_800 : i32
        %get3A_802 = arith.constant 17 : i32
        %get3A_803 = arith.index_cast %get3A_802 : i32 to index
        %get3A_804 = arith.index_cast %mul3A_801 : i32 to index
        %get3A_805 = tpu.vector_load %arg14[%get3A_803, %get3A_804] {strides = array<i32>} : memref<32x768xf32, #tpu.memory_space<vmem>>, vector<16xf32>,
        %mul3A_806 = arith.mulf %get3A_805, %max3A_562 : vector<16xf32>
        %add3A_807 = arith.addf %add3A_775, %mul3A_806 : vector<16xf32>
        %mul3A_808 = arith.constant 16 : i32
        %mul3A_809 = arith.muli %scan3A_653, %mul3A_808 : i32
        %get3A_810 = arith.constant 18 : i32
        %get3A_811 = arith.index_cast %get3A_810 : i32 to index
        %get3A_812 = arith.index_cast %mul3A_809 : i32 to index
        %get3A_813 = tpu.vector_load %arg14[%get3A_811, %get3A_812] {strides = array<i32>} : memref<32x768xf32, #tpu.memory_space<vmem>>, vector<16xf32>,
        %mul3A_814 = arith.mulf %get3A_813, %max3A_568 : vector<16xf32>
        %add3A_815 = arith.addf %add3A_783, %mul3A_814 : vector<16xf32>
        %mul3A_816 = arith.constant 16 : i32
        %mul3A_817 = arith.muli %scan3A_653, %mul3A_816 : i32
        %get3A_818 = arith.constant 19 : i32
        %get3A_819 = arith.index_cast %get3A_818 : i32 to index
        %get3A_820 = arith.index_cast %mul3A_817 : i32 to index
        %get3A_821 = tpu.vector_load %arg14[%get3A_819, %get3A_820] {strides = array<i32>} : memref<32x768xf32, #tpu.memory_space<vmem>>, vector<16xf32>,
        %mul3A_822 = arith.mulf %get3A_821, %max3A_574 : vector<16xf32>
        %add3A_823 = arith.addf %add3A_791, %mul3A_822 : vector<16xf32>
        %mul3A_824 = arith.constant 16 : i32
        %mul3A_825 = arith.muli %scan3A_653, %mul3A_824 : i32
        %get3A_826 = arith.constant 20 : i32
        %get3A_827 = arith.index_cast %get3A_826 : i32 to index
        %get3A_828 = arith.index_cast %mul3A_825 : i32 to index
        %get3A_829 = tpu.vector_load %arg14[%get3A_827, %get3A_828] {strides = array<i32>} : memref<32x768xf32, #tpu.memory_space<vmem>>, vector<16xf32>,
        %mul3A_830 = arith.mulf %get3A_829, %max3A_580 : vector<16xf32>
        %add3A_831 = arith.addf %add3A_799, %mul3A_830 : vector<16xf32>
        %mul3A_832 = arith.constant 16 : i32
        %mul3A_833 = arith.muli %scan3A_653, %mul3A_832 : i32
        %get3A_834 = arith.constant 21 : i32
        %get3A_835 = arith.index_cast %get3A_834 : i32 to index
        %get3A_836 = arith.index_cast %mul3A_833 : i32 to index
        %get3A_837 = tpu.vector_load %arg14[%get3A_835, %get3A_836] {strides = array<i32>} : memref<32x768xf32, #tpu.memory_space<vmem>>, vector<16xf32>,
        %mul3A_838 = arith.mulf %get3A_837, %max3A_586 : vector<16xf32>
        %add3A_839 = arith.addf %add3A_807, %mul3A_838 : vector<16xf32>
        %mul3A_840 = arith.constant 16 : i32
        %mul3A_841 = arith.muli %scan3A_653, %mul3A_840 : i32
        %get3A_842 = arith.constant 22 : i32
        %get3A_843 = arith.index_cast %get3A_842 : i32 to index
        %get3A_844 = arith.index_cast %mul3A_841 : i32 to index
        %get3A_845 = tpu.vector_load %arg14[%get3A_843, %get3A_844] {strides = array<i32>} : memref<32x768xf32, #tpu.memory_space<vmem>>, vector<16xf32>,
        %mul3A_846 = arith.mulf %get3A_845, %max3A_592 : vector<16xf32>
        %add3A_847 = arith.addf %add3A_815, %mul3A_846 : vector<16xf32>
        %mul3A_848 = arith.constant 16 : i32
        %mul3A_849 = arith.muli %scan3A_653, %mul3A_848 : i32
        %get3A_850 = arith.constant 23 : i32
        %get3A_851 = arith.index_cast %get3A_850 : i32 to index
        %get3A_852 = arith.index_cast %mul3A_849 : i32 to index
        %get3A_853 = tpu.vector_load %arg14[%get3A_851, %get3A_852] {strides = array<i32>} : memref<32x768xf32, #tpu.memory_space<vmem>>, vector<16xf32>,
        %mul3A_854 = arith.mulf %get3A_853, %max3A_598 : vector<16xf32>
        %add3A_855 = arith.addf %add3A_823, %mul3A_854 : vector<16xf32>
        %mul3A_856 = arith.constant 16 : i32
        %mul3A_857 = arith.muli %scan3A_653, %mul3A_856 : i32
        %get3A_858 = arith.constant 24 : i32
        %get3A_859 = arith.index_cast %get3A_858 : i32 to index
        %get3A_860 = arith.index_cast %mul3A_857 : i32 to index
        %get3A_861 = tpu.vector_load %arg14[%get3A_859, %get3A_860] {strides = array<i32>} : memref<32x768xf32, #tpu.memory_space<vmem>>, vector<16xf32>,
        %mul3A_862 = arith.mulf %get3A_861, %max3A_604 : vector<16xf32>
        %add3A_863 = arith.addf %add3A_831, %mul3A_862 : vector<16xf32>
        %mul3A_864 = arith.constant 16 : i32
        %mul3A_865 = arith.muli %scan3A_653, %mul3A_864 : i32
        %get3A_866 = arith.constant 25 : i32
        %get3A_867 = arith.index_cast %get3A_866 : i32 to index
        %get3A_868 = arith.index_cast %mul3A_865 : i32 to index
        %get3A_869 = tpu.vector_load %arg14[%get3A_867, %get3A_868] {strides = array<i32>} : memref<32x768xf32, #tpu.memory_space<vmem>>, vector<16xf32>,
        %mul3A_870 = arith.mulf %get3A_869, %max3A_610 : vector<16xf32>
        %add3A_871 = arith.addf %add3A_839, %mul3A_870 : vector<16xf32>
        %mul3A_872 = arith.constant 16 : i32
        %mul3A_873 = arith.muli %scan3A_653, %mul3A_872 : i32
        %get3A_874 = arith.constant 26 : i32
        %get3A_875 = arith.index_cast %get3A_874 : i32 to index
        %get3A_876 = arith.index_cast %mul3A_873 : i32 to index
        %get3A_877 = tpu.vector_load %arg14[%get3A_875, %get3A_876] {strides = array<i32>} : memref<32x768xf32, #tpu.memory_space<vmem>>, vector<16xf32>,
        %mul3A_878 = arith.mulf %get3A_877, %max3A_616 : vector<16xf32>
        %add3A_879 = arith.addf %add3A_847, %mul3A_878 : vector<16xf32>
        %mul3A_880 = arith.constant 16 : i32
        %mul3A_881 = arith.muli %scan3A_653, %mul3A_880 : i32
        %get3A_882 = arith.constant 27 : i32
        %get3A_883 = arith.index_cast %get3A_882 : i32 to index
        %get3A_884 = arith.index_cast %mul3A_881 : i32 to index
        %get3A_885 = tpu.vector_load %arg14[%get3A_883, %get3A_884] {strides = array<i32>} : memref<32x768xf32, #tpu.memory_space<vmem>>, vector<16xf32>,
        %mul3A_886 = arith.mulf %get3A_885, %max3A_622 : vector<16xf32>
        %add3A_887 = arith.addf %add3A_855, %mul3A_886 : vector<16xf32>
        %mul3A_888 = arith.constant 16 : i32
        %mul3A_889 = arith.muli %scan3A_653, %mul3A_888 : i32
        %get3A_890 = arith.constant 28 : i32
        %get3A_891 = arith.index_cast %get3A_890 : i32 to index
        %get3A_892 = arith.index_cast %mul3A_889 : i32 to index
        %get3A_893 = tpu.vector_load %arg14[%get3A_891, %get3A_892] {strides = array<i32>} : memref<32x768xf32, #tpu.memory_space<vmem>>, vector<16xf32>,
        %mul3A_894 = arith.mulf %get3A_893, %max3A_628 : vector<16xf32>
        %add3A_895 = arith.addf %add3A_863, %mul3A_894 : vector<16xf32>
        %mul3A_896 = arith.constant 16 : i32
        %mul3A_897 = arith.muli %scan3A_653, %mul3A_896 : i32
        %get3A_898 = arith.constant 29 : i32
        %get3A_899 = arith.index_cast %get3A_898 : i32 to index
        %get3A_900 = arith.index_cast %mul3A_897 : i32 to index
        %get3A_901 = tpu.vector_load %arg14[%get3A_899, %get3A_900] {strides = array<i32>} : memref<32x768xf32, #tpu.memory_space<vmem>>, vector<16xf32>,
        %mul3A_902 = arith.mulf %get3A_901, %max3A_634 : vector<16xf32>
        %add3A_903 = arith.addf %add3A_871, %mul3A_902 : vector<16xf32>
        %mul3A_904 = arith.constant 16 : i32
        %mul3A_905 = arith.muli %scan3A_653, %mul3A_904 : i32
        %get3A_906 = arith.constant 30 : i32
        %get3A_907 = arith.index_cast %get3A_906 : i32 to index
        %get3A_908 = arith.index_cast %mul3A_905 : i32 to index
        %get3A_909 = tpu.vector_load %arg14[%get3A_907, %get3A_908] {strides = array<i32>} : memref<32x768xf32, #tpu.memory_space<vmem>>, vector<16xf32>,
        %mul3A_910 = arith.mulf %get3A_909, %max3A_640 : vector<16xf32>
        %add3A_911 = arith.addf %add3A_879, %mul3A_910 : vector<16xf32>
        %mul3A_912 = arith.constant 16 : i32
        %mul3A_913 = arith.muli %scan3A_653, %mul3A_912 : i32
        %get3A_914 = arith.constant 31 : i32
        %get3A_915 = arith.index_cast %get3A_914 : i32 to index
        %get3A_916 = arith.index_cast %mul3A_913 : i32 to index
        %get3A_917 = tpu.vector_load %arg14[%get3A_915, %get3A_916] {strides = array<i32>} : memref<32x768xf32, #tpu.memory_space<vmem>>, vector<16xf32>,
        %mul3A_918 = arith.mulf %get3A_917, %max3A_646 : vector<16xf32>
        %add3A_919 = arith.addf %add3A_887, %mul3A_918 : vector<16xf32>
        %add3A_920 = arith.addf %add3A_895, %add3A_903 : vector<16xf32>
        %add3A_921 = arith.addf %add3A_911, %add3A_919 : vector<16xf32>
        %add3A_922 = arith.addf %add3A_920, %add3A_921 : vector<16xf32>
        %mul3A_923 = arith.constant 16 : i32
        %mul3A_924 = arith.muli %scan3A_653, %mul3A_923 : i32
        %swap3A_925 = arith.index_cast %mul3A_924 : i32 to index
        %swap3A_926 = tpu.vector_load %arg15[%swap3A_925] {strides = array<i32>} : memref<768xf32, #tpu.memory_space<vmem>>, vector<16xf32>,
        tpu.vector_store %arg15[%swap3A_925], %add3A_922 {strides = array<i32>} : memref<768xf32, #tpu.memory_space<vmem>>, vector<16xf32>,
        %scan3A_927 = arith.constant 1 : i32
        %scan3A_928 = arith.addi %scan3A_653, %scan3A_927 : i32
        %mul3A_929 = arith.constant 16 : i32
        %mul3A_930 = arith.muli %scan3A_928, %mul3A_929 : i32
        %get3A_931 = arith.index_cast %mul3A_930 : i32 to index
        %get3A_932 = tpu.vector_load %arg16[%get3A_931] {strides = array<i32>} : memref<768xf32, #tpu.memory_space<vmem>>, vector<16xf32>,
        %broadcast_in_dim3A_933 = arith.constant 0.000000e+00 : f32
        %broadcast_in_dim3A_934 = vector.broadcast %broadcast_in_dim3A_933 : f32 to vector<16xf32>
        %broadcast_in_dim3A_935 = arith.constant 0.000000e+00 : f32
        %broadcast_in_dim3A_936 = vector.broadcast %broadcast_in_dim3A_935 : f32 to vector<16xf32>
        %broadcast_in_dim3A_937 = arith.constant 0.000000e+00 : f32
        %broadcast_in_dim3A_938 = vector.broadcast %broadcast_in_dim3A_937 : f32 to vector<16xf32>
        %mul3A_939 = arith.constant 16 : i32
        %mul3A_940 = arith.muli %scan3A_928, %mul3A_939 : i32
        %get3A_941 = arith.constant 0 : i32
        %get3A_942 = arith.index_cast %get3A_941 : i32 to index
        %get3A_943 = arith.index_cast %mul3A_940 : i32 to index
        %get3A_944 = tpu.vector_load %arg14[%get3A_942, %get3A_943] {strides = array<i32>} : memref<32x768xf32, #tpu.memory_space<vmem>>, vector<16xf32>,
        %mul3A_945 = arith.mulf %get3A_944, %max3A_460 : vector<16xf32>
        %add3A_946 = arith.addf %get3A_932, %mul3A_945 : vector<16xf32>
        %mul3A_947 = arith.constant 16 : i32
        %mul3A_948 = arith.muli %scan3A_928, %mul3A_947 : i32
        %get3A_949 = arith.constant 1 : i32
        %get3A_950 = arith.index_cast %get3A_949 : i32 to index
        %get3A_951 = arith.index_cast %mul3A_948 : i32 to index
        %get3A_952 = tpu.vector_load %arg14[%get3A_950, %get3A_951] {strides = array<i32>} : memref<32x768xf32, #tpu.memory_space<vmem>>, vector<16xf32>,
        %mul3A_953 = arith.mulf %get3A_952, %max3A_466 : vector<16xf32>
        %add3A_954 = arith.addf %broadcast_in_dim3A_934, %mul3A_953 : vector<16xf32>
        %mul3A_955 = arith.constant 16 : i32
        %mul3A_956 = arith.muli %scan3A_928, %mul3A_955 : i32
        %get3A_957 = arith.constant 2 : i32
        %get3A_958 = arith.index_cast %get3A_957 : i32 to index
        %get3A_959 = arith.index_cast %mul3A_956 : i32 to index
        %get3A_960 = tpu.vector_load %arg14[%get3A_958, %get3A_959] {strides = array<i32>} : memref<32x768xf32, #tpu.memory_space<vmem>>, vector<16xf32>,
        %mul3A_961 = arith.mulf %get3A_960, %max3A_472 : vector<16xf32>
        %add3A_962 = arith.addf %broadcast_in_dim3A_936, %mul3A_961 : vector<16xf32>
        %mul3A_963 = arith.constant 16 : i32
        %mul3A_964 = arith.muli %scan3A_928, %mul3A_963 : i32
        %get3A_965 = arith.constant 3 : i32
        %get3A_966 = arith.index_cast %get3A_965 : i32 to index
        %get3A_967 = arith.index_cast %mul3A_964 : i32 to index
        %get3A_968 = tpu.vector_load %arg14[%get3A_966, %get3A_967] {strides = array<i32>} : memref<32x768xf32, #tpu.memory_space<vmem>>, vector<16xf32>,
        %mul3A_969 = arith.mulf %get3A_968, %max3A_478 : vector<16xf32>
        %add3A_970 = arith.addf %broadcast_in_dim3A_938, %mul3A_969 : vector<16xf32>
        %mul3A_971 = arith.constant 16 : i32
        %mul3A_972 = arith.muli %scan3A_928, %mul3A_971 : i32
        %get3A_973 = arith.constant 4 : i32
        %get3A_974 = arith.index_cast %get3A_973 : i32 to index
        %get3A_975 = arith.index_cast %mul3A_972 : i32 to index
        %get3A_976 = tpu.vector_load %arg14[%get3A_974, %get3A_975] {strides = array<i32>} : memref<32x768xf32, #tpu.memory_space<vmem>>, vector<16xf32>,
        %mul3A_977 = arith.mulf %get3A_976, %max3A_484 : vector<16xf32>
        %add3A_978 = arith.addf %add3A_946, %mul3A_977 : vector<16xf32>
        %mul3A_979 = arith.constant 16 : i32
        %mul3A_980 = arith.muli %scan3A_928, %mul3A_979 : i32
        %get3A_981 = arith.constant 5 : i32
        %get3A_982 = arith.index_cast %get3A_981 : i32 to index
        %get3A_983 = arith.index_cast %mul3A_980 : i32 to index
        %get3A_984 = tpu.vector_load %arg14[%get3A_982, %get3A_983] {strides = array<i32>} : memref<32x768xf32, #tpu.memory_space<vmem>>, vector<16xf32>,
        %mul3A_985 = arith.mulf %get3A_984, %max3A_490 : vector<16xf32>
        %add3A_986 = arith.addf %add3A_954, %mul3A_985 : vector<16xf32>
        %mul3A_987 = arith.constant 16 : i32
        %mul3A_988 = arith.muli %scan3A_928, %mul3A_987 : i32
        %get3A_989 = arith.constant 6 : i32
        %get3A_990 = arith.index_cast %get3A_989 : i32 to index
        %get3A_991 = arith.index_cast %mul3A_988 : i32 to index
        %get3A_992 = tpu.vector_load %arg14[%get3A_990, %get3A_991] {strides = array<i32>} : memref<32x768xf32, #tpu.memory_space<vmem>>, vector<16xf32>,
        %mul3A_993 = arith.mulf %get3A_992, %max3A_496 : vector<16xf32>
        %add3A_994 = arith.addf %add3A_962, %mul3A_993 : vector<16xf32>
        %mul3A_995 = arith.constant 16 : i32
        %mul3A_996 = arith.muli %scan3A_928, %mul3A_995 : i32
        %get3A_997 = arith.constant 7 : i32
        %get3A_998 = arith.index_cast %get3A_997 : i32 to index
        %get3A_999 = arith.index_cast %mul3A_996 : i32 to index
        %get3A_1000 = tpu.vector_load %arg14[%get3A_998, %get3A_999] {strides = array<i32>} : memref<32x768xf32, #tpu.memory_space<vmem>>, vector<16xf32>,
        %mul3A_1001 = arith.mulf %get3A_1000, %max3A_502 : vector<16xf32>
        %add3A_1002 = arith.addf %add3A_970, %mul3A_1001 : vector<16xf32>
        %mul3A_1003 = arith.constant 16 : i32
        %mul3A_1004 = arith.muli %scan3A_928, %mul3A_1003 : i32
        %get3A_1005 = arith.constant 8 : i32
        %get3A_1006 = arith.index_cast %get3A_1005 : i32 to index
        %get3A_1007 = arith.index_cast %mul3A_1004 : i32 to index
        %get3A_1008 = tpu.vector_load %arg14[%get3A_1006, %get3A_1007] {strides = array<i32>} : memref<32x768xf32, #tpu.memory_space<vmem>>, vector<16xf32>,
        %mul3A_1009 = arith.mulf %get3A_1008, %max3A_508 : vector<16xf32>
        %add3A_1010 = arith.addf %add3A_978, %mul3A_1009 : vector<16xf32>
        %mul3A_1011 = arith.constant 16 : i32
        %mul3A_1012 = arith.muli %scan3A_928, %mul3A_1011 : i32
        %get3A_1013 = arith.constant 9 : i32
        %get3A_1014 = arith.index_cast %get3A_1013 : i32 to index
        %get3A_1015 = arith.index_cast %mul3A_1012 : i32 to index
        %get3A_1016 = tpu.vector_load %arg14[%get3A_1014, %get3A_1015] {strides = array<i32>} : memref<32x768xf32, #tpu.memory_space<vmem>>, vector<16xf32>,
        %mul3A_1017 = arith.mulf %get3A_1016, %max3A_514 : vector<16xf32>
        %add3A_1018 = arith.addf %add3A_986, %mul3A_1017 : vector<16xf32>
        %mul3A_1019 = arith.constant 16 : i32
        %mul3A_1020 = arith.muli %scan3A_928, %mul3A_1019 : i32
        %get3A_1021 = arith.constant 10 : i32
        %get3A_1022 = arith.index_cast %get3A_1021 : i32 to index
        %get3A_1023 = arith.index_cast %mul3A_1020 : i32 to index
        %get3A_1024 = tpu.vector_load %arg14[%get3A_1022, %get3A_1023] {strides = array<i32>} : memref<32x768xf32, #tpu.memory_space<vmem>>, vector<16xf32>,
        %mul3A_1025 = arith.mulf %get3A_1024, %max3A_520 : vector<16xf32>
        %add3A_1026 = arith.addf %add3A_994, %mul3A_1025 : vector<16xf32>
        %mul3A_1027 = arith.constant 16 : i32
        %mul3A_1028 = arith.muli %scan3A_928, %mul3A_1027 : i32
        %get3A_1029 = arith.constant 11 : i32
        %get3A_1030 = arith.index_cast %get3A_1029 : i32 to index
        %get3A_1031 = arith.index_cast %mul3A_1028 : i32 to index
        %get3A_1032 = tpu.vector_load %arg14[%get3A_1030, %get3A_1031] {strides = array<i32>} : memref<32x768xf32, #tpu.memory_space<vmem>>, vector<16xf32>,
        %mul3A_1033 = arith.mulf %get3A_1032, %max3A_526 : vector<16xf32>
        %add3A_1034 = arith.addf %add3A_1002, %mul3A_1033 : vector<16xf32>
        %mul3A_1035 = arith.constant 16 : i32
        %mul3A_1036 = arith.muli %scan3A_928, %mul3A_1035 : i32
        %get3A_1037 = arith.constant 12 : i32
        %get3A_1038 = arith.index_cast %get3A_1037 : i32 to index
        %get3A_1039 = arith.index_cast %mul3A_1036 : i32 to index
        %get3A_1040 = tpu.vector_load %arg14[%get3A_1038, %get3A_1039] {strides = array<i32>} : memref<32x768xf32, #tpu.memory_space<vmem>>, vector<16xf32>,
        %mul3A_1041 = arith.mulf %get3A_1040, %max3A_532 : vector<16xf32>
        %add3A_1042 = arith.addf %add3A_1010, %mul3A_1041 : vector<16xf32>
        %mul3A_1043 = arith.constant 16 : i32
        %mul3A_1044 = arith.muli %scan3A_928, %mul3A_1043 : i32
        %get3A_1045 = arith.constant 13 : i32
        %get3A_1046 = arith.index_cast %get3A_1045 : i32 to index
        %get3A_1047 = arith.index_cast %mul3A_1044 : i32 to index
        %get3A_1048 = tpu.vector_load %arg14[%get3A_1046, %get3A_1047] {strides = array<i32>} : memref<32x768xf32, #tpu.memory_space<vmem>>, vector<16xf32>,
        %mul3A_1049 = arith.mulf %get3A_1048, %max3A_538 : vector<16xf32>
        %add3A_1050 = arith.addf %add3A_1018, %mul3A_1049 : vector<16xf32>
        %mul3A_1051 = arith.constant 16 : i32
        %mul3A_1052 = arith.muli %scan3A_928, %mul3A_1051 : i32
        %get3A_1053 = arith.constant 14 : i32
        %get3A_1054 = arith.index_cast %get3A_1053 : i32 to index
        %get3A_1055 = arith.index_cast %mul3A_1052 : i32 to index
        %get3A_1056 = tpu.vector_load %arg14[%get3A_1054, %get3A_1055] {strides = array<i32>} : memref<32x768xf32, #tpu.memory_space<vmem>>, vector<16xf32>,
        %mul3A_1057 = arith.mulf %get3A_1056, %max3A_544 : vector<16xf32>
        %add3A_1058 = arith.addf %add3A_1026, %mul3A_1057 : vector<16xf32>
        %mul3A_1059 = arith.constant 16 : i32
        %mul3A_1060 = arith.muli %scan3A_928, %mul3A_1059 : i32
        %get3A_1061 = arith.constant 15 : i32
        %get3A_1062 = arith.index_cast %get3A_1061 : i32 to index
        %get3A_1063 = arith.index_cast %mul3A_1060 : i32 to index
        %get3A_1064 = tpu.vector_load %arg14[%get3A_1062, %get3A_1063] {strides = array<i32>} : memref<32x768xf32, #tpu.memory_space<vmem>>, vector<16xf32>,
        %mul3A_1065 = arith.mulf %get3A_1064, %max3A_550 : vector<16xf32>
        %add3A_1066 = arith.addf %add3A_1034, %mul3A_1065 : vector<16xf32>
        %mul3A_1067 = arith.constant 16 : i32
        %mul3A_1068 = arith.muli %scan3A_928, %mul3A_1067 : i32
        %get3A_1069 = arith.constant 16 : i32
        %get3A_1070 = arith.index_cast %get3A_1069 : i32 to index
        %get3A_1071 = arith.index_cast %mul3A_1068 : i32 to index
        %get3A_1072 = tpu.vector_load %arg14[%get3A_1070, %get3A_1071] {strides = array<i32>} : memref<32x768xf32, #tpu.memory_space<vmem>>, vector<16xf32>,
        %mul3A_1073 = arith.mulf %get3A_1072, %max3A_556 : vector<16xf32>
        %add3A_1074 = arith.addf %add3A_1042, %mul3A_1073 : vector<16xf32>
        %mul3A_1075 = arith.constant 16 : i32
        %mul3A_1076 = arith.muli %scan3A_928, %mul3A_1075 : i32
        %get3A_1077 = arith.constant 17 : i32
        %get3A_1078 = arith.index_cast %get3A_1077 : i32 to index
        %get3A_1079 = arith.index_cast %mul3A_1076 : i32 to index
        %get3A_1080 = tpu.vector_load %arg14[%get3A_1078, %get3A_1079] {strides = array<i32>} : memref<32x768xf32, #tpu.memory_space<vmem>>, vector<16xf32>,
        %mul3A_1081 = arith.mulf %get3A_1080, %max3A_562 : vector<16xf32>
        %add3A_1082 = arith.addf %add3A_1050, %mul3A_1081 : vector<16xf32>
        %mul3A_1083 = arith.constant 16 : i32
        %mul3A_1084 = arith.muli %scan3A_928, %mul3A_1083 : i32
        %get3A_1085 = arith.constant 18 : i32
        %get3A_1086 = arith.index_cast %get3A_1085 : i32 to index
        %get3A_1087 = arith.index_cast %mul3A_1084 : i32 to index
        %get3A_1088 = tpu.vector_load %arg14[%get3A_1086, %get3A_1087] {strides = array<i32>} : memref<32x768xf32, #tpu.memory_space<vmem>>, vector<16xf32>,
        %mul3A_1089 = arith.mulf %get3A_1088, %max3A_568 : vector<16xf32>
        %add3A_1090 = arith.addf %add3A_1058, %mul3A_1089 : vector<16xf32>
        %mul3A_1091 = arith.constant 16 : i32
        %mul3A_1092 = arith.muli %scan3A_928, %mul3A_1091 : i32
        %get3A_1093 = arith.constant 19 : i32
        %get3A_1094 = arith.index_cast %get3A_1093 : i32 to index
        %get3A_1095 = arith.index_cast %mul3A_1092 : i32 to index
        %get3A_1096 = tpu.vector_load %arg14[%get3A_1094, %get3A_1095] {strides = array<i32>} : memref<32x768xf32, #tpu.memory_space<vmem>>, vector<16xf32>,
        %mul3A_1097 = arith.mulf %get3A_1096, %max3A_574 : vector<16xf32>
        %add3A_1098 = arith.addf %add3A_1066, %mul3A_1097 : vector<16xf32>
        %mul3A_1099 = arith.constant 16 : i32
        %mul3A_1100 = arith.muli %scan3A_928, %mul3A_1099 : i32
        %get3A_1101 = arith.constant 20 : i32
        %get3A_1102 = arith.index_cast %get3A_1101 : i32 to index
        %get3A_1103 = arith.index_cast %mul3A_1100 : i32 to index
        %get3A_1104 = tpu.vector_load %arg14[%get3A_1102, %get3A_1103] {strides = array<i32>} : memref<32x768xf32, #tpu.memory_space<vmem>>, vector<16xf32>,
        %mul3A_1105 = arith.mulf %get3A_1104, %max3A_580 : vector<16xf32>
        %add3A_1106 = arith.addf %add3A_1074, %mul3A_1105 : vector<16xf32>
        %mul3A_1107 = arith.constant 16 : i32
        %mul3A_1108 = arith.muli %scan3A_928, %mul3A_1107 : i32
        %get3A_1109 = arith.constant 21 : i32
        %get3A_1110 = arith.index_cast %get3A_1109 : i32 to index
        %get3A_1111 = arith.index_cast %mul3A_1108 : i32 to index
        %get3A_1112 = tpu.vector_load %arg14[%get3A_1110, %get3A_1111] {strides = array<i32>} : memref<32x768xf32, #tpu.memory_space<vmem>>, vector<16xf32>,
        %mul3A_1113 = arith.mulf %get3A_1112, %max3A_586 : vector<16xf32>
        %add3A_1114 = arith.addf %add3A_1082, %mul3A_1113 : vector<16xf32>
        %mul3A_1115 = arith.constant 16 : i32
        %mul3A_1116 = arith.muli %scan3A_928, %mul3A_1115 : i32
        %get3A_1117 = arith.constant 22 : i32
        %get3A_1118 = arith.index_cast %get3A_1117 : i32 to index
        %get3A_1119 = arith.index_cast %mul3A_1116 : i32 to index
        %get3A_1120 = tpu.vector_load %arg14[%get3A_1118, %get3A_1119] {strides = array<i32>} : memref<32x768xf32, #tpu.memory_space<vmem>>, vector<16xf32>,
        %mul3A_1121 = arith.mulf %get3A_1120, %max3A_592 : vector<16xf32>
        %add3A_1122 = arith.addf %add3A_1090, %mul3A_1121 : vector<16xf32>
        %mul3A_1123 = arith.constant 16 : i32
        %mul3A_1124 = arith.muli %scan3A_928, %mul3A_1123 : i32
        %get3A_1125 = arith.constant 23 : i32
        %get3A_1126 = arith.index_cast %get3A_1125 : i32 to index
        %get3A_1127 = arith.index_cast %mul3A_1124 : i32 to index
        %get3A_1128 = tpu.vector_load %arg14[%get3A_1126, %get3A_1127] {strides = array<i32>} : memref<32x768xf32, #tpu.memory_space<vmem>>, vector<16xf32>,
        %mul3A_1129 = arith.mulf %get3A_1128, %max3A_598 : vector<16xf32>
        %add3A_1130 = arith.addf %add3A_1098, %mul3A_1129 : vector<16xf32>
        %mul3A_1131 = arith.constant 16 : i32
        %mul3A_1132 = arith.muli %scan3A_928, %mul3A_1131 : i32
        %get3A_1133 = arith.constant 24 : i32
        %get3A_1134 = arith.index_cast %get3A_1133 : i32 to index
        %get3A_1135 = arith.index_cast %mul3A_1132 : i32 to index
        %get3A_1136 = tpu.vector_load %arg14[%get3A_1134, %get3A_1135] {strides = array<i32>} : memref<32x768xf32, #tpu.memory_space<vmem>>, vector<16xf32>,
        %mul3A_1137 = arith.mulf %get3A_1136, %max3A_604 : vector<16xf32>
        %add3A_1138 = arith.addf %add3A_1106, %mul3A_1137 : vector<16xf32>
        %mul3A_1139 = arith.constant 16 : i32
        %mul3A_1140 = arith.muli %scan3A_928, %mul3A_1139 : i32
        %get3A_1141 = arith.constant 25 : i32
        %get3A_1142 = arith.index_cast %get3A_1141 : i32 to index
        %get3A_1143 = arith.index_cast %mul3A_1140 : i32 to index
        %get3A_1144 = tpu.vector_load %arg14[%get3A_1142, %get3A_1143] {strides = array<i32>} : memref<32x768xf32, #tpu.memory_space<vmem>>, vector<16xf32>,
        %mul3A_1145 = arith.mulf %get3A_1144, %max3A_610 : vector<16xf32>
        %add3A_1146 = arith.addf %add3A_1114, %mul3A_1145 : vector<16xf32>
        %mul3A_1147 = arith.constant 16 : i32
        %mul3A_1148 = arith.muli %scan3A_928, %mul3A_1147 : i32
        %get3A_1149 = arith.constant 26 : i32
        %get3A_1150 = arith.index_cast %get3A_1149 : i32 to index
        %get3A_1151 = arith.index_cast %mul3A_1148 : i32 to index
        %get3A_1152 = tpu.vector_load %arg14[%get3A_1150, %get3A_1151] {strides = array<i32>} : memref<32x768xf32, #tpu.memory_space<vmem>>, vector<16xf32>,
        %mul3A_1153 = arith.mulf %get3A_1152, %max3A_616 : vector<16xf32>
        %add3A_1154 = arith.addf %add3A_1122, %mul3A_1153 : vector<16xf32>
        %mul3A_1155 = arith.constant 16 : i32
        %mul3A_1156 = arith.muli %scan3A_928, %mul3A_1155 : i32
        %get3A_1157 = arith.constant 27 : i32
        %get3A_1158 = arith.index_cast %get3A_1157 : i32 to index
        %get3A_1159 = arith.index_cast %mul3A_1156 : i32 to index
        %get3A_1160 = tpu.vector_load %arg14[%get3A_1158, %get3A_1159] {strides = array<i32>} : memref<32x768xf32, #tpu.memory_space<vmem>>, vector<16xf32>,
        %mul3A_1161 = arith.mulf %get3A_1160, %max3A_622 : vector<16xf32>
        %add3A_1162 = arith.addf %add3A_1130, %mul3A_1161 : vector<16xf32>
        %mul3A_1163 = arith.constant 16 : i32
        %mul3A_1164 = arith.muli %scan3A_928, %mul3A_1163 : i32
        %get3A_1165 = arith.constant 28 : i32
        %get3A_1166 = arith.index_cast %get3A_1165 : i32 to index
        %get3A_1167 = arith.index_cast %mul3A_1164 : i32 to index
        %get3A_1168 = tpu.vector_load %arg14[%get3A_1166, %get3A_1167] {strides = array<i32>} : memref<32x768xf32, #tpu.memory_space<vmem>>, vector<16xf32>,
        %mul3A_1169 = arith.mulf %get3A_1168, %max3A_628 : vector<16xf32>
        %add3A_1170 = arith.addf %add3A_1138, %mul3A_1169 : vector<16xf32>
        %mul3A_1171 = arith.constant 16 : i32
        %mul3A_1172 = arith.muli %scan3A_928, %mul3A_1171 : i32
        %get3A_1173 = arith.constant 29 : i32
        %get3A_1174 = arith.index_cast %get3A_1173 : i32 to index
        %get3A_1175 = arith.index_cast %mul3A_1172 : i32 to index
        %get3A_1176 = tpu.vector_load %arg14[%get3A_1174, %get3A_1175] {strides = array<i32>} : memref<32x768xf32, #tpu.memory_space<vmem>>, vector<16xf32>,
        %mul3A_1177 = arith.mulf %get3A_1176, %max3A_634 : vector<16xf32>
        %add3A_1178 = arith.addf %add3A_1146, %mul3A_1177 : vector<16xf32>
        %mul3A_1179 = arith.constant 16 : i32
        %mul3A_1180 = arith.muli %scan3A_928, %mul3A_1179 : i32
        %get3A_1181 = arith.constant 30 : i32
        %get3A_1182 = arith.index_cast %get3A_1181 : i32 to index
        %get3A_1183 = arith.index_cast %mul3A_1180 : i32 to index
        %get3A_1184 = tpu.vector_load %arg14[%get3A_1182, %get3A_1183] {strides = array<i32>} : memref<32x768xf32, #tpu.memory_space<vmem>>, vector<16xf32>,
        %mul3A_1185 = arith.mulf %get3A_1184, %max3A_640 : vector<16xf32>
        %add3A_1186 = arith.addf %add3A_1154, %mul3A_1185 : vector<16xf32>
        %mul3A_1187 = arith.constant 16 : i32
        %mul3A_1188 = arith.muli %scan3A_928, %mul3A_1187 : i32
        %get3A_1189 = arith.constant 31 : i32
        %get3A_1190 = arith.index_cast %get3A_1189 : i32 to index
        %get3A_1191 = arith.index_cast %mul3A_1188 : i32 to index
        %get3A_1192 = tpu.vector_load %arg14[%get3A_1190, %get3A_1191] {strides = array<i32>} : memref<32x768xf32, #tpu.memory_space<vmem>>, vector<16xf32>,
        %mul3A_1193 = arith.mulf %get3A_1192, %max3A_646 : vector<16xf32>
        %add3A_1194 = arith.addf %add3A_1162, %mul3A_1193 : vector<16xf32>
        %add3A_1195 = arith.addf %add3A_1170, %add3A_1178 : vector<16xf32>
        %add3A_1196 = arith.addf %add3A_1186, %add3A_1194 : vector<16xf32>
        %add3A_1197 = arith.addf %add3A_1195, %add3A_1196 : vector<16xf32>
        %mul3A_1198 = arith.constant 16 : i32
        %mul3A_1199 = arith.muli %scan3A_928, %mul3A_1198 : i32
        %swap3A_1200 = arith.index_cast %mul3A_1199 : i32 to index
        %swap3A_1201 = tpu.vector_load %arg15[%swap3A_1200] {strides = array<i32>} : memref<768xf32, #tpu.memory_space<vmem>>, vector<16xf32>,
        tpu.vector_store %arg15[%swap3A_1200], %add3A_1197 {strides = array<i32>} : memref<768xf32, #tpu.memory_space<vmem>>, vector<16xf32>,
      }
      %scan3A_652 = arith.constant 48 : i32
      "tpu.region"() ({
        %run_scoped3A = tpu.sem_alloc : memref<!tpu.dma_semaphore, #tpu.memory_space<semaphore_mem>>
        %dma_start3A_653 = arith.constant 0 : i32
        %dma_start3A_654 = tpu.memref_slice %arg6[%add3A_329, %dma_start3A_653] : memref<2048x768xf32, #tpu.memory_space<hbm>> -> memref<1x768xf32, #tpu.memory_space<hbm>>
        %dma_start3A_655 = tpu.memref_squeeze %dma_start3A_654 : memref<1x768xf32, #tpu.memory_space<hbm>> -> memref<768xf32, #tpu.memory_space<hbm>>
        %dma_start3A_656 = arith.constant 0 : i32
        %dma_start3A_657 = tpu.memref_slice %arg6[%add3A_329, %dma_start3A_656] : memref<2048x768xf32, #tpu.memory_space<hbm>> -> memref<1x768xf32, #tpu.memory_space<hbm>>
        %dma_start3A_658 = tpu.memref_squeeze %dma_start3A_657 : memref<1x768xf32, #tpu.memory_space<hbm>> -> memref<768xf32, #tpu.memory_space<hbm>>
        tpu.enqueue_dma source(%arg15 : memref<768xf32, #tpu.memory_space<vmem>>) target(%dma_start3A_658 : memref<768xf32, #tpu.memory_space<hbm>>) target_semaphore(%run_scoped3A : memref<!tpu.dma_semaphore, #tpu.memory_space<semaphore_mem>>)
        %dma_wait3A_659 = arith.constant 0 : i32
        %dma_wait3A_660 = tpu.memref_slice %arg6[%add3A_329, %dma_wait3A_659] : memref<2048x768xf32, #tpu.memory_space<hbm>> -> memref<1x768xf32, #tpu.memory_space<hbm>>
        %dma_wait3A_661 = tpu.memref_squeeze %dma_wait3A_660 : memref<1x768xf32, #tpu.memory_space<hbm>> -> memref<768xf32, #tpu.memory_space<hbm>>
        %dma_wait3A_662 = arith.constant 0 : i32
        %dma_wait3A_663 = tpu.memref_slice %arg6[%add3A_329, %dma_wait3A_662] : memref<2048x768xf32, #tpu.memory_space<hbm>> -> memref<1x768xf32, #tpu.memory_space<hbm>>
        %dma_wait3A_664 = tpu.memref_squeeze %dma_wait3A_663 : memref<1x768xf32, #tpu.memory_space<hbm>> -> memref<768xf32, #tpu.memory_space<hbm>>
        tpu.wait_dma2 semaphore(%run_scoped3A : memref<!tpu.dma_semaphore, #tpu.memory_space<semaphore_mem>>) src(%arg15 : memref<768xf32, #tpu.memory_space<vmem>>) dst(%dma_wait3A_664 : memref<768xf32, #tpu.memory_space<hbm>>)
        tpu.yield
      }) : () -> ()
    }
    %scan3A_21 = arith.constant 32 : i32
    return
  }
}

module attributes {stable_mosaic.version = 14 : i64} {
  func.func @_encode_kernel(%arg0: i32, %arg1: i32, %arg2: memref<128x768xf32, #tpu.memory_space<vmem>>, %arg3: memref<768x1024xf32, #tpu.memory_space<vmem>>, %arg4: memref<1x1024xf32, #tpu.memory_space<vmem>>, %arg5: memref<128x16384xf32, #tpu.memory_space<vmem>>, %arg6: memref<128x32xf32, #tpu.memory_space<vmem>>) attributes {dimension_semantics = [#tpu.dimension_semantics<parallel>, #tpu.dimension_semantics<arbitrary>], iteration_bounds = array<i64: 16, 16>, scalar_prefetch = 0 : i64, scratch_operands = 0 : i64, tpu.core_type = #tpu.core_type<tc>, window_params = [{transform_indices = @transform_0, window_bounds = array<i64: 128, 768>}, {transform_indices = @transform_1, window_bounds = array<i64: 768, 1024>}, {transform_indices = @transform_2, window_bounds = array<i64: 1, 1024>}, {transform_indices = @transform_3, window_bounds = array<i64: 128, 16384>}, {transform_indices = @transform_4, window_bounds = array<i64: 128, 32>}]} {
    %get3A = arith.constant 0 : index
    %get3A_0 = arith.constant 0 : index
    %get3A_1 = vector.load %arg2[%get3A, %get3A_0] : memref<128x768xf32, #tpu.memory_space<vmem>>, vector<128x768xf32>
    %get3A_2 = arith.constant 0 : index
    %get3A_3 = arith.constant 0 : index
    %get3A_4 = vector.load %arg3[%get3A_2, %get3A_3] : memref<768x1024xf32, #tpu.memory_space<vmem>>, vector<768x1024xf32>
    %dot_general3A = arith.constant dense<0.000000e+00> : vector<128x1024xf32>
    %dot_general3A_5 = tpu.matmul %get3A_1, %get3A_4, %dot_general3A {dimension_numbers = #tpu.dot_dimension_numbers<[1], [0], [0], [1], [0, 0, 1, 1], [], []>, transpose_lhs_hint = false} : vector<128x768xf32>, vector<768x1024xf32>, vector<128x1024xf32> -> vector<128x1024xf32>
    %get3A_6 = arith.constant 0 : index
    %get3A_7 = arith.constant 0 : index
    %get3A_8 = vector.load %arg4[%get3A_6, %get3A_7] : memref<1x1024xf32, #tpu.memory_space<vmem>>, vector<1x1024xf32>
    %add3A = vector.broadcast %get3A_8 : vector<1x1024xf32> to vector<128x1024xf32>
    %add3A_9 = arith.addf %dot_general3A_5, %add3A : vector<128x1024xf32>
    %mul3A = arith.constant 1024 : i32
    %mul3A_10 = arith.muli %arg1, %mul3A : i32
    %swap3A = arith.constant 0 : index
    %swap3A_11 = arith.index_cast %mul3A_10 : i32 to index
    %swap3A_12 = vector.load %arg5[%swap3A, %swap3A_11] : memref<128x16384xf32, #tpu.memory_space<vmem>>, vector<128x1024xf32>
    tpu.vector_store %arg5[%swap3A, %swap3A_11], %add3A_9 {strides = array<i32>} : memref<128x16384xf32, #tpu.memory_space<vmem>>, vector<128x1024xf32>,
    %eq3A = arith.constant 15 : i32
    %eq3A_13 = arith.cmpi eq, %arg1, %eq3A : i32
    %convert_element_type3A = arith.extui %eq3A_13 : i1 to i32
    %cond3A = arith.constant 0 : i32
    %cond3A_14 = arith.cmpi ne, %convert_element_type3A, %cond3A : i32
    scf.if %cond3A_14 {
      %get3A_15 = arith.constant 0 : index
      %get3A_16 = arith.constant 0 : index
      %get3A_17 = vector.load %arg5[%get3A_15, %get3A_16] : memref<128x16384xf32, #tpu.memory_space<vmem>>, vector<128x16384xf32>
      %reshape3A = vector.shape_cast %get3A_17 : vector<128x16384xf32> to vector<128x32x512xf32>
      %reduce_max3A = arith.constant dense<0xFF800000> : vector<128x32xf32>
      %reduce_max3A_18 = vector.multi_reduction <maximumf>, %reshape3A, %reduce_max3A [2] : vector<128x32x512xf32> to vector<128x32xf32>
      %swap3A_19 = arith.constant 0 : index
      %swap3A_20 = arith.constant 0 : index
      %swap3A_21 = vector.load %arg6[%swap3A_19, %swap3A_20] : memref<128x32xf32, #tpu.memory_space<vmem>>, vector<128x32xf32>
      tpu.vector_store %arg6[%swap3A_19, %swap3A_20], %reduce_max3A_18 {strides = array<i32>} : memref<128x32xf32, #tpu.memory_space<vmem>>, vector<128x32xf32>,
    } else {
    }
    return
  }
  func.func @transform_0(%arg0: i32, %arg1: i32) -> (i32, i32) {
    %c0_i32 = arith.constant 0 : i32
    %c0_i32_0 = arith.constant 0 : i32
    return %arg0, %c0_i32 : i32, i32
  }
  func.func @transform_1(%arg0: i32, %arg1: i32) -> (i32, i32) {
    %c0_i32 = arith.constant 0 : i32
    %c0_i32_0 = arith.constant 0 : i32
    return %c0_i32, %arg1 : i32, i32
  }
  func.func @transform_2(%arg0: i32, %arg1: i32) -> (i32, i32) {
    %c0_i32 = arith.constant 0 : i32
    %c0_i32_0 = arith.constant 0 : i32
    return %c0_i32, %arg1 : i32, i32
  }
  func.func @transform_3(%arg0: i32, %arg1: i32) -> (i32, i32) {
    %c0_i32 = arith.constant 0 : i32
    %c0_i32_0 = arith.constant 0 : i32
    return %arg0, %c0_i32 : i32, i32
  }
  func.func @transform_4(%arg0: i32, %arg1: i32) -> (i32, i32) {
    %c0_i32 = arith.constant 0 : i32
    %c0_i32_0 = arith.constant 0 : i32
    return %arg0, %c0_i32 : i32, i32
  }
}

</mosaic_0001>

<sc_bundles>
// kernel: kernel.4.cloned.1.call-start
scs
__scs_entry_jumppad:
0x0: {  	(pc) =	sbr.rel $0x88, $3  }
0x1: {  	(tag) =	ssettag $0x0;
	lr =	simm.s32 $0x1  }
0x2: {  	[smem:$0x3F9C] =	sst lr;
	_ =	strace $0xD0000000  }
0x3: {  	_ = 	snop  }
0x4: {  	_ = 	snop  }
0x5: {  	_ = 	snop  }
0x6: {  	_ = 	snop  }
0x7: {  	_ = 	snop  }
__scs_overlays_trampoline_lowered:
0x8: {  	[smem:$0x3FAB] =	sst s0  }
0x9: {  	[smem:$0x3FAC] =	sst s1  }
0xa: {  	[smem:$0x3FAD] =	sst s2  }
0xb: {  	[smem:$0x3FAE] =	sst s3  }
0xc: {  	[smem:$0x3FAF] =	sst s4  }
0xd: {  	[smem:$0x3FB0] =	sst s5  }
0xe: {  	[smem:$0x3FB1] =	sst s6  }
0xf: {  	[smem:$0x3FB2] =	sst s7  }
0x10: {  	[smem:$0x3FB3] =	sst s8  }
0x11: {  	[smem:$0x3FB4] =	sst s9;
	s0 =	simm.s32 @!p0 $0x0  }
0x12: {  	s1 =	sld [smem:$0x3F9A];
	s0 =	simm.s32 @p0 $0x1  }
0x13: {  	[smem:$0x3FB5] =	sst s0;
	s0 =	simm.s32 @!p1 $0x0  }
0x14: {  	s2 =	sld [smem:$0x3F99];
	s0 =	simm.s32 @p1 $0x1  }
0x15: {  	[smem:$0x3FB6] =	sst s0;
	s0 =	simm.s32 @!p2 $0x0  }
0x16: {  	s3 =	sld [smem:$0x3FDB];
	s0 =	simm.s32 @p2 $0x1  }
0x17: {  	s4 =	simm.s32 $0x1BF5;
	[smem:$0x3FB8] =	sst s0  }
0x18: {  	s0 =	sld [smem:$0x3F9B];
	_ =	swait.ge [sflag:s4], $0x0  }
0x19: {  	s7 =	sld [smem:$0x3F9C]  }
0x1a: {  	s8 =	sadd.s32 $0xFFFFE003, lr  }
0x1b: {  	s9 =	sadd.s32 $0xFFFFFEF7, lr;
	s5 =	simm.s32 $0xFFFFFFFF;
	p2 =	slt.u32 s8, $0xFFFFF086  }
0x1c: {  	p1 =	slt.u32 s9, $0xF7A;
	s5 =	simm.s32 @!p2 $0x0  }
0x1d: {  	s5 =	simm.s32 @p1 $0x1;
	p0 =	seq.s32 s7, s2  }
0x1e: {  	s7 =	smul.u32 @!p0 $0xF7A, s2;
	p2 =	seq.s32 @!p0 s5, $0x0  }
0x1f: {  	s9 =	smul.u32 $0xF7A, s1;
	s8 =	simm.s32 @!p0 $0x1BF5;
	p2 =	por !p2, p0  }
0x20: {  	[sflag:s8] =	ssyncset.s32 @!p0 $0xFFFFF086;
	s6 =	sadd.s32 @!p0 s3, s7;
	s7 =	simm.s32 @!p0 $0x108  }
0x21: {  	s3 =	sadd.s32 s3, s9;
	s6 =	sadd.s32 @!p0 $0x88, s6;
	s7 =	simm.s32 @p2 $0x1082  }
0x22: {  	[simem:s7], [sflag:s8] =	dma.local @!p0 [hbm:s6], $0xF7A  }
0x23: {  	s9 =	sor.u32 $0xD0000000, s2;
	s6 =	simm.s32 $0x108;
	_ =	swait.ge @!p0 [sflag:s8], $0x0  }
0x24: {  	s3 =	sadd.s32 $0x88, s3;
	s6 =	simm.s32 @!p1 $0x1082;
	[sflag:s4] =	ssyncset.s32 $0xFFFFF086  }
0x25: {  	[simem:s6], [sflag:s4] =	dma.local [hbm:s3], $0xF7A  }
0x26: {  	[smem:$0x3F9C] =	sst s1;
	(tag) =	ssettag s2;
	_ =	strace s9  }
0x27: {  	s1 =	sld [smem:$0x3FAC]  }
0x28: {  	s2 =	sld [smem:$0x3FAD]  }
0x29: {  	s4 =	sld [smem:$0x3FAF]  }
0x2a: {  	p0 =	seq.s32 s5, $0x0;
	s5 =	sld [smem:$0x3FB0]  }
0x2b: {  	s6 =	sld [smem:$0x3FB1]  }
0x2c: {  	s7 =	sld [smem:$0x3FB2]  }
0x2d: {  	s3 =	simm.s32 $0x108;
	s8 =	sld [smem:$0x3FB3]  }
0x2e: {  	s3 =	simm.s32 @!p0 $0x1082;
	s9 =	sld [smem:$0x3FB4]  }
0x2f: {  	lr =	sadd.s32 s0, s3;
	s0 =	sld [smem:$0x3FAB]  }
0x30: {  	s3 =	sld [smem:$0x3FAE]  }
0x31: {  	[smem:$0x3FB7] =	sst s10  }
0x32: {  	s10 =	sld [smem:$0x3FB5];
	_ =	sdelay $0x3  }
0x33: {  	p0 =	seq.s32 s10, $0x1;
	s10 =	sld [smem:$0x3FB7];
	_ =	sdelay $0x3  }
0x34: {  	[smem:$0x3FB7] =	sst s10  }
0x35: {  	s10 =	sld [smem:$0x3FB6];
	_ =	sdelay $0x3  }
0x36: {  	p1 =	seq.s32 s10, $0x1;
	s10 =	sld [smem:$0x3FB7];
	_ =	sdelay $0x3  }
0x37: {  	[smem:$0x3FB7] =	sst s10  }
0x38: {  	s10 =	sld [smem:$0x3FB8]  }
0x39: {  	_ = 	snop;
	(pc) =	sbr.ind lr, $3  }
0x3a: {  	_ = 	snop  }
0x3b: {  	_ = 	snop  }
0x3c: {  	p2 =	seq.s32 s10, $0x1;
	s10 =	sld [smem:$0x3FB7]  }
0x3d: {  	_ =	shalt  }
0x3e: {  	_ =	shalt  }
0x3f: {  	_ =	shalt  }
0x40: {  	_ =	shalt  }
0x41: {  	_ =	shalt  }
0x42: {  	_ =	shalt  }
0x43: {  	_ =	shalt  }
0x44: {  	_ =	shalt  }
0x45: {  	_ =	shalt  }
0x46: {  	_ =	shalt  }
0x47: {  	_ =	shalt  }
0x48: {  	_ =	shalt  }
0x49: {  	_ =	shalt  }
0x4a: {  	_ =	shalt  }
0x4b: {  	_ =	shalt  }
0x4c: {  	_ =	shalt  }
0x4d: {  	_ =	shalt  }
0x4e: {  	_ =	shalt  }
0x4f: {  	_ =	shalt  }
0x50: {  	_ =	shalt  }
0x51: {  	_ =	shalt  }
0x52: {  	_ =	shalt  }
0x53: {  	_ =	shalt  }
0x54: {  	_ =	shalt  }
0x55: {  	_ =	shalt  }
0x56: {  	_ =	shalt  }
0x57: {  	_ =	shalt  }
0x58: {  	_ =	shalt  }
0x59: {  	_ =	shalt  }
0x5a: {  	_ =	shalt  }
0x5b: {  	_ =	shalt  }
0x5c: {  	_ =	shalt  }
0x5d: {  	_ =	shalt  }
0x5e: {  	_ =	shalt  }
0x5f: {  	_ =	shalt  }
0x60: {  	_ =	shalt  }
0x61: {  	_ =	shalt  }
0x62: {  	_ =	shalt  }
0x63: {  	_ =	shalt  }
0x64: {  	_ =	shalt  }
0x65: {  	_ =	shalt  }
0x66: {  	_ =	shalt  }
0x67: {  	_ =	shalt  }
0x68: {  	_ =	shalt  }
0x69: {  	_ =	shalt  }
0x6a: {  	_ =	shalt  }
0x6b: {  	_ =	shalt  }
0x6c: {  	_ =	shalt  }
0x6d: {  	_ =	shalt  }
0x6e: {  	_ =	shalt  }
0x6f: {  	_ =	shalt  }
0x70: {  	_ =	shalt  }
0x71: {  	_ =	shalt  }
0x72: {  	_ =	shalt  }
0x73: {  	_ =	shalt  }
0x74: {  	_ =	shalt  }
0x75: {  	_ =	shalt  }
0x76: {  	_ =	shalt  }
0x77: {  	_ =	shalt  }
0x78: {  	_ =	shalt  }
0x79: {  	_ =	shalt  }
0x7a: {  	_ =	shalt  }
0x7b: {  	_ =	shalt  }
0x7c: {  	_ =	shalt  }
0x7d: {  	_ =	shalt  }
0x7e: {  	_ =	shalt  }
0x7f: {  	_ =	shalt  }
0x80: {  	_ =	shalt  }
0x81: {  	_ =	shalt  }
0x82: {  	_ =	shalt  }
0x83: {  	_ =	shalt  }
0x84: {  	_ =	shalt  }
0x85: {  	_ =	shalt  }
0x86: {  	_ =	shalt  }
0x87: {  	_ =	shalt  }
.Lfunc_end0:
.L_simem_size_0:
called_computation_lowered:
.L_overlay_start_0:
0x88: {  	s2 =	sld [smem:$0x3FD9]  }
0x89: {  	s3 =	sld [smem:$0x3FFE];
	_ =	sdelay $0x1  }
0x8a: {  	s1 =	srdreg.scid  }
0x8b: {  	s0 =	sand.u32 $0x1, s1  }
0x8c: {  	s17 =	sshll.u32 s0, $0xA;
	s2 =	sadd.s32 s3, s2  }
0x8d: {  	s2 =	sadd.s32 s2, s17  }
0x8e: {  	[smem:$0x3FC3] =	sst s2  }
0x8f: {  	_ = 	snop  }
0x90: {  	s2 =	sld [smem:$0x3FC6]  }
0x91: {  	s18 =	sld [smem:$0x3FC5]  }
0x92: {  	s4 =	sld [smem:$0x3FD0];
	(tm) =	ssettm $0x1  }
0x93: {  	s5 =	sld [smem:$0x3FFB];
	_ =	sdelay $0x3  }
0x94: {  	_ =	strace s5  }
0x95: {  	s5 =	sld [smem:$0x3FFC];
	_ =	sdelay $0x3  }
0x96: {  	_ =	strace s5  }
0x97: {  	s5 =	sld [smem:$0x3FFD];
	_ =	sdelay $0x3  }
0x98: {  	_ =	strace s5  }
0x99: {  	_ =	strace $0x8FFFFFFF  }
0x9a: {  	s19 =	sld [smem:$0x3FDB];
	_ =	sdelay $0x1  }
0x9b: {  	s6 =	simm.s32 $_scs_section_size  }
0x9c: {  	s7 =	simm.s32 $_size__tile_overlayer_lowered;
	s8 =	simm.s32 $_tile_overlayer_lowered  }
0x9d: {  	s22 =	simm.s32 $0x1BFF;
	s21 =	sshll.u32 s8, $0x1;
	s5 =	sadd.s32 s6, s19  }
0x9e: {  	s9 =	simm.s32 $0x0;
	s20 =	sshll.u32 s7, $0x1;
	s7 =	sadd.s32 s21, s5  }
0x9f: {  	[timem:s9], [sflag:s22] =	dma.local [hbm:s7], s20  }
0xa0: {  	_ =	swait.ge [sflag:s22], s20  }
0xa1: {  	s6 =	ssub.s32 $0x0, s20;
	[sflag:s22] =	ssyncset.done $0x0  }
0xa2: {  	[sflag:s22] =	ssyncadd.s32 s6;
	_ =	sdelay $0x1  }
0xa3: {  	s23 =	simm.s32 $0x1B8B  }
0xa4: {  	_ =	swait.ge [sflag:s23], $0x1  }
0xa5: {  	[sflag:s23] =	ssyncset.done $0x0  }
0xa6: {  	s25 =	simm.s32 $0x1B8E;
	s24 =	sld [smem:$0x3FFE];
	[sflag:s23] =	ssyncadd.s32 $0xFFFFFFFF  }
0xa7: {  	s26 =	simm.s32 $execute0_lowered;
	[smem:$0x3FD2] =	sst s25  }
0xa8: {  	s7 =	sshll.u32 s26, $0x1;
	_ =	strace $0x80000046;
	[dreg:$0x1] =	wrdreg $0xFFFFFFFF  }
0xa9: {  	s28 =	simm.s32 $_size_execute0_lowered;
	s5 =	sadd.s32 s5, s7;
	[dreg:$0x0] =	wrdreg $0x0  }
0xaa: {  	s7 =	sshll.u32 s28, $0x1;
	[dreg:$0x2] =	wrdreg s5  }
0xab: {  	[dreg:$0x3] =	wrdreg s7  }
0xac: {  	[dreg:$0x4] =	wrdreg $0xC0  }
0xad: {  	_ =	task [dreg:s9], $0x5FFFF  }
0xae: {  	[dreg:$0x1] =	wrdreg $0xFFFFFFFF  }
0xaf: {  	[dreg:$0x0] =	wrdreg $0x60  }
0xb0: {  	[dreg:$0x2] =	wrdreg s24  }
0xb1: {  	[dreg:$0x3] =	wrdreg s2  }
0xb2: {  	[dreg:$0x4] =	wrdreg s18  }
0xb3: {  	[dreg:$0x5] =	wrdreg s4  }
0xb4: {  	[dreg:$0x6] =	wrdreg $0x9  }
0xb5: {  	_ =	task.clear_ibuf [dreg:s9], $0x7FFFF;
	_ =	strace $0x90000046  }
0xb6: {  	s29 =	simm.s32 $0x9;
	_ =	strace $0x80000048  }
0xb7: {  	_ =	swait.ge [sflag:s29], $0x1  }
0xb8: {  	[sflag:s29] =	ssyncadd.s32 $0xFFFFFFFF  }
0xb9: {  	_ =	strace $0x90000048  }
0xba: {  	_ =	sfence  }
0xbb: {  	s30 =	sld [smem:$0x0];
	_ =	sdelay $0x2  }
0xbc: {  	s31 =	sshll.u32 s1, $0xD;
	s1 =	sshrl.u32 s1, $0x2  }
0xbd: {  	s3 =	sand.u32 $0x4000, s31;
	s1 =	sadd.s32 s1, s30  }
0xbe: {  	s0 =	sor.u32 s3, s0;
	s1 =	sshll.u32 s1, $0x11  }
0xbf: {  	s0 =	sor.u32 s1, s0  }
0xc0: {  	s0 =	sadd.s32 $0x8F2B, s0  }
0xc1: {  	[sflag:s0] =	ssyncadd.remote.s32 $0x1  }
0xc2: {  	_ =	sfence.sel $0xFFFF  }
0xc3: {  	[dreg:$0x0] =	wrdreg $0xFFFFFFFF;
	(pc) =	sbr.abs _section_cstart, $3  }
0xc4: {  	[dreg:$0x1] =	wrdreg $0xFFFFFFFF  }
0xc5: {  	_ =	task.clear_ibuf [dreg:s9], $0x2FFFF;
	_ =	strace $0x9FFFFFFF  }
0xc6: {  	(tm) =	ssettm $0x7FFFFFFF  }
0xc7: {  	_ =	shalt  }
tec
execute0_lowered:
.L_overlay_start_1:
0x0: {  	(tag) =	ssettag $0x1  }
0x1: {  	v0 =	vimm.s32 $0xEFCDAB89;
	v1 =	vimm.s32 $0x67452301  }
0x2: {  	v0 =	vunpack.c.l.s4.s8 v0;
	v1 =	vunpack.c.l.s4.s8 v1  }
0x3: {  	v2 =	vimm.s32 $0xDCFE98BA;
	v3 =	vimm.s32 $0xBA98FEDC  }
0x4: {  	v4 =	vimm.s32 $0x32107654;
	v0 =	vunpack.c.0.s8.s32 v0;
	v1 =	vunpack.c.0.s8.s32 v1  }
0x5: {  	v5 =	vimm.s32 $0xFEDCBA98;
	v6 =	vimm.s32 $0x65432100;
	v8 =	vimm.s32 $0xDCBA9876  }
0x6: {  	v0 =	vcombine.low v1, v0;
	v1 =	vunpack.c.l.s4.s8 v2;
	v2 =	vimm.s32 $0x54761032  }
0x7: {  	v9 =	vimm.s32 $0xBA987654;
	v10 =	vimm.s32 $0x32100000;
	v2 =	vunpack.c.l.s4.s8 v2  }
0x8: {  	v11 =	vimm.s32 $0xE40000;
	vm0 =	vmmov $0x3;
	v3 =	vunpack.c.l.s4.s8 v3  }
0x9: {  	v4 =	vunpack.c.l.s4.s8 v4;
	v1 =	vunpack.c.0.s8.s32 v1;
	v2 =	vunpack.c.0.s8.s32 v2  }
0xa: {  	vm1 =	vmmov $0xf;
	v5 =	vunpack.c.l.s4.s8 v5;
	v3 =	vunpack.c.0.s8.s32 v3  }
0xb: {  	s0 =	rddreg [dreg:$0x0];
	v4 =	vunpack.c.0.s8.s32 v4;
	v1 =	vcombine.low v2, v1;
	v2 =	vimm.s32 $0x76543210  }
0xc: {  	s4 =	rddreg [dreg:$0x1];
	vm2 =	vcmask $0x3F30;
	vm3 =	vmmov $0xffff;
	v2 =	vunpack.c.l.s4.s8 v2  }
0xd: {  	s1 =	srdreg.scid;
	s2 =	stileid.u32;
	v6 =	vunpack.c.l.s4.s8 v6;
	v5 =	vunpack.c.0.s8.s32 v5;
	v3 =	vcombine.low v4, v3  }
0xe: {  	s5 =	simm.s32 $0x0;
	s7 =	simm.s32 $0x8080;
	s8 =	simm.s32 $0x8880;
	v8 =	vunpack.c.l.s4.s8 v8;
	v9 =	vunpack.c.l.s4.s8 v9;
	v7 =	vunpack.c.0.s8.s32 v2  }
0xf: {  	s9 =	simm.s32 $0x9080;
	s11 =	simm.s32 $0x9100;
	s1 =	sand.u32 $0x1, s1;
	v10 =	vunpack.c.l.s4.s8 v10;
	v2 =	vand.u32 $0xF, v3;
	v3 =	vand.u32 $0xF, v5  }
0x10: {  	s2 =	sshll.u32 s2, $0x7;
	[smem:$0x7FF] =	sst s5;
	s6 =	sadd.s32 $0xC00, s0;
	v11 =	vunpack.c.l.s2.s4 v11;
	v3 =	vcombine.low v3, v7;
	v7 =	vimm.s32 $0x54321000  }
0x11: {  	s0 =	sadd.s32 $0x400C00, s0;
	_ =	strace $0x80000047;
	[dreg:$0x6] =	wrdreg s6;
	v6 =	vunpack.c.0.s8.s32 v6;
	v8 =	vunpack.c.0.s8.s32 v8;
	v7 =	vunpack.c.l.s4.s8 v7  }
0x12: {  	s30 =	sadd.s32 $0x100, s4;
	s31 =	sadd.s32 $0x200, s4;
	[dreg:$0x8] =	wrdreg s0;
	v9 =	vunpack.c.0.s8.s32 v9;
	v11 =	vunpack.c.l.s4.s8 v11;
	v4 =	vimm.s32 $0xEDCBA987  }
0x13: {  	s3 =	sshll.u32 s1, $0x6;
	s1 =	ssub.s32 $0x2, s1;
	[dreg:$0xb] =	wrdreg s30;
	v10 =	vunpack.c.0.s8.s32 v10;
	v4 =	vunpack.c.l.s4.s8 v4;
	v7 =	vunpack.c.0.s8.s32 v7  }
0x14: {  	[dreg:$0xc] =	wrdreg s31;
	s24 =	sor.u32 s3, s2;
	s25 =	sshrl.u32 s1, $0x1;
	v8 =	vand.u32 $0xF, v8;
	v11 =	vunpack.c.0.s8.s32 v11;
	v0 =	vand.u32 $0xF, v0  }
0x15: {  	s2 =	sshll.u32 s24, $0xB;
	[dreg:$0x5] =	wrdreg s24;
	s29 =	sadd.s32 $0x40, s24;
	v5 =	vunpack.c.0.s8.s32 v4;
	v7 =	vcombine.low v7, v8;
	v8 =	vand.u32 $0xF, v9  }
0x16: {  	s26 =	ssub.s32 s1, s25;
	s2 =	sadd.s32 s6, s2;
	[dreg:$0xa] =	wrdreg s29;
	v11 =	vand.u32 $0x3, v11;
	v8 =	vcombine.low v10, v8;
	v10 =	vimm.s32 $0x7060504  }
0x17: {  	s5 =	simm.s32 $0xF780;
	s0 =	smax.u32 s26, $0x1;
	[dreg:$0x7] =	wrdreg s2;
	v1 =	vand.u32 $0xF, v1;
	v5 =	vand.u32 $0xF, v5;
	v10 =	vunpack.c.0.s8.s32 v10  }
0x18: {  	s3 =	simm.s32 $0x4;
	s28 =	sadd.s32 $0x10, s2;
	[dreg:$0xd] =	wrdreg s0;
	v4 =	vimm.f32 $-Inf;
	v5 =	vcombine.low v6, v5;
	v6 =	vimm.s32 $0x0  }
0x19: {  	s1 =	simm.s32 $0x0;
	s6 =	simm.s32 $0xF800;
	[dreg:$0x9] =	wrdreg s28;
	[tilespmem:$0x1FFF0] =	vst v0;
	v9 =	vlaneseq.u32;
	v10 =	vsel vm2, v10, v11;
	vm2 =	vmmov $0xff  }
.LBB2_1:
0x1a: {  	[dreg:$0xe] =	wrdreg s1  }
0x1b: {  	s0 =	rddreg [dreg:$0x2];
	s26 =	simm.s32 $0x0;
	s2 =	simm.s32 $0xF480  }
0x1c: {  	[tilespmem:s2], [sflag:$0x4] =	stream.linear.gather [hbm4b:s0+s26], $0x300, $0x38;
	[tilespmem:$0xF880] =	vst v63  }
0x1d: {  	_ =	swait.ge [sflag:s3], $0x300  }
0x1e: {  	s29 =	simm.s32 $0x80;
	[sflag:s3] =	ssyncset.done $0x0  }
0x1f: {  	s4 =	simm.s32 $0x400;
	s28 =	rddreg [dreg:$0x7];
	[sflag:s3] =	ssyncadd.s32 $0xFFFFFD00  }
0x20: {  	[tilespmem:s26], [sflag:$0x1] =	stream.strided.gather [hbm4b:s28+s29], $0x4000, s4, s29, $0x38;
	[tilespmem:$0xF880] =	vst v63  }
0x21: {  	s31 =	simm.s32 $0x4000;
	s2 =	simm.s32 $0x0;
	s30 =	rddreg [dreg:$0x9]  }
0x22: {  	[tilespmem:s31], [sflag:$0x2] =	stream.strided.gather [hbm4b:s30+s29], $0x4000, s4, s29, $0x38;
	[tilespmem:$0xF880] =	vst v63  }
.LBB2_2:
0x23: {  	s1 =	rddreg [dreg:$0x5]  }
0x24: {  	s0 =	sshll.u32 s2, $0x1;
	[dreg:$0xf] =	wrdreg s2  }
0x25: {  	s25 =	sshll.u32 s2, $0x8;
	s28 =	simm.s32 $0x1;
	s4 =	sadd.s32 s1, s0  }
0x26: {  	s30 =	simm.s32 $0x0;
	s31 =	simm.s32 $0x8000;
	s1 =	sshrl.u32 s4, $0x3  }
0x27: {  	s2 =	sand.u32 $0x300, s25;
	[dreg:$0x14] =	wrdreg s1;
	s26 =	sshll.u32 s1, $0xA  }
0x28: {  	_ =	swait.ge [sflag:s28], $0x4000;
	[dreg:$0x11] =	wrdreg s26;
	s0 =	sor.u32 s2, s26  }
0x29: {  	[sflag:s28] =	ssyncset.done $0x0;
	s0 =	sshrl.u32 s0, $0x3;
	s29 =	rddreg [dreg:$0x8]  }
0x2a: {  	[dreg:$0x12] =	wrdreg s2;
	[sflag:s28] =	ssyncadd.s32 $0xFFFFC000;
	s0 =	sadd.s32 s29, s0  }
0x2b: {  	[tilespmem:s31], [sflag:$0x4] =	stream.linear.gather [hbm4b:s0+s30], $0x80, $0x38;
	[tilespmem:$0xF880] =	vst v63  }
0x2c: {  	_ =	swait.ge [sflag:s3], $0x80  }
0x2d: {  	[sflag:s3] =	ssyncset.done $0x0  }
0x2e: {  	[sflag:s3] =	ssyncadd.s32 $0xFFFFFF80  }
0x2f: {  	v11 =	vld [tilespmem:$0x8000]  }
0x30: {  	v12 =	vld [tilespmem:$0x8010];
	_ =	sdelay $0x4  }
0x31: {  	v11 =	vsub.f32 $0.0e+00, v11;
	v12 =	vsub.f32 $0.0e+00, v12;
	_ =	sdelay $0x1  }
0x32: {  	v11 =	vmax.f32 v11, v12  }
0x33: {  	[tilespmem:$0xF780] =	vst v11  }
0x34: {  	v12 =	vld.idx.msk [tilespmem:v0+s5+$0x0], $0xffff;
	_ =	sdelay $0x4  }
0x35: {  	v11 =	vmax.f32 v11, v12  }
0x36: {  	[tilespmem:$0xF780] =	vst v11  }
0x37: {  	v12 =	vld.idx.msk [tilespmem:v1+s5+$0x0], $0xffff;
	_ =	sdelay $0x4  }
0x38: {  	v11 =	vmax.f32 v11, v12  }
0x39: {  	[tilespmem:$0xF780] =	vst v11  }
0x3a: {  	v12 =	vld.idx.msk [tilespmem:v2+s5+$0x0], $0xffff;
	_ =	sdelay $0x4  }
0x3b: {  	v11 =	vmax.f32 v11, v12  }
0x3c: {  	s0 =	simm.s32 $0x80C0;
	[tilespmem:$0xF780] =	vst v11  }
0x3d: {  	v12 =	vld.idx.msk [tilespmem:v3+s5+$0x0], $0xffff;
	[tilespmem:s0+$0xFFFFFFC0] =	vst v4  }
0x3e: {  	[tilespmem:s0+$0x30] =	vst v4  }
0x3f: {  	[tilespmem:s0+$0x20] =	vst v4  }
0x40: {  	[tilespmem:s0+$0x10] =	vst v4  }
0x41: {  	[tilespmem:s0+$0x0] =	vst v4  }
0x42: {  	[tilespmem:s0+$0xFFFFFFF0] =	vst v4  }
0x43: {  	s1 =	simm.s32 $0x0;
	[tilespmem:s0+$0xFFFFFFE0] =	vst v4  }
.LBB2_3:
0x44: {  	s1 =	sadd.s32 $0x8, s1;
	[tilespmem:s0+$0xFFFFFFD0] =	vst v4;
	s0 =	sadd.s32 $0x80, s0  }
0x45: {  	[tilespmem:s0+$0xFFFFFFC0] =	vst v4;
	p0 =	slt.u32 s1, $0x78  }
0x46: {  	[tilespmem:s0+$0x30] =	vst v4  }
.Ltmp0:
0x47: {  	[tilespmem:s0+$0x20] =	vst v4;
	(pc) =	sbr.rel @p0 .LBB2_3-.Ltmp0, $4  }
0x48: {  	[tilespmem:s0+$0x10] =	vst v4  }
0x49: {  	[tilespmem:s0+$0x0] =	vst v4  }
0x4a: {  	[tilespmem:s0+$0xFFFFFFF0] =	vst v4  }
0x4b: {  	[tilespmem:s0+$0xFFFFFFE0] =	vst v4  }
0x4c: {  	v11 =	vmax.f32 v11, v12;
	s1 =	simm.s32 $0x0  }
0x4d: {  	[tilespmem:s0+$0xFFFFFFD0] =	vst v4;
	s15 =	simm.s32 $0xFFFFFFF8;
	s19 =	simm.s32 $0x70;
	s10 =	simm.s32 $0x40;
	v11 =	vsub.f32 $0.0e+00, v11  }
.LBB2_5:
0x4e: {  	v12 =	vld [tilespmem:s10+$0xFFFFFFC0];
	_ =	sdelay $0x4  }
0x4f: {  	vm4 =	vge.f32 v12, v11  }
0x50: {  	v13 =	vmpcnt.ones.xlane vm4;
	_ =	sdelay $0x1  }
0x51: {  	(v2sf) =	vpush v13, $0x0;
	_ =	sdelay $0xe  }
0x52: {  	s0 =	spop (v2sf)  }
0x53: {  	p0 =	slt.s32 s0, $0x1  }
0x54: {  	v13 =	vsel @!p0 vm4, $0x1, v6  }
0x55: {  	[tilespmem:$0xF800] =	vst @!p0 v13  }
0x56: {  	v14 =	vld.idx.msk @!p0 [tilespmem:v5+s6+$0x0], $0xffff;
	_ =	sdelay $0x3  }
0x57: {  	vm5 =	veq.s32 @!p0 v9, $0x0  }
0x58: {  	v14 =	vsel @!p0 vm5, $0x0, v14  }
0x59: {  	v13 =	vadd.s32 @!p0 v13, v14  }
0x5a: {  	[tilespmem:$0xF800] =	vst @!p0 v13  }
0x5b: {  	v14 =	vld.idx.msk @!p0 [tilespmem:v7+s6+$0x0], $0xffff;
	_ =	sdelay $0x4  }
0x5c: {  	v14 =	vsel @!p0 vm0, $0x0, v14  }
0x5d: {  	v13 =	vadd.s32 @!p0 v13, v14  }
0x5e: {  	[tilespmem:$0xF800] =	vst @!p0 v13  }
0x5f: {  	v14 =	vld.idx.msk @!p0 [tilespmem:v8+s6+$0x0], $0xffff;
	_ =	sdelay $0x4  }
0x60: {  	v14 =	vsel @!p0 vm1, $0x0, v14  }
0x61: {  	v13 =	vadd.s32 @!p0 v13, v14  }
0x62: {  	[tilespmem:$0xF800] =	vst @!p0 v13  }
0x63: {  	v14 =	vld.idx.msk @!p0 [tilespmem:v10+s6+$0x0], $0xffff  }
0x64: {  	v15 =	vmov @!p0 s1  }
0x65: {  	v15 =	vadd.s32 @!p0 $0xFFFFFFFF, v15  }
0x66: {  	v15 =	vbroadcast @!p0 v15, $0x0;
	_ =	sdelay $0x1  }
0x67: {  	v13 =	vadd.s32 @!p0 v13, v15;
	v14 =	vsel @!p0 vm2, $0x0, v14  }
0x68: {  	v13 =	vadd.s32 @!p0 v14, v13  }
0x69: {  	vm5 =	vlt.s32 @!p0 v13, $0x7FF  }
0x6a: {  	v13 =	vnsel @!p0 vm5, $0x7FF, v13;
	_ =	sdelay $0x3  }
0x6b: {  	s2 =	sadd.s32 @!p0 $0xFFFFFF90, s19  }
0x6c: {  	[tilespmem:v13+s7+$0x0] =	vst.idx.msk @!p0 vm4, v12;
	v12 =	vor.u32 @!p0 s2, v9  }
0x6d: {  	[tilespmem:v13+s8+$0x0] =	vst.idx.msk @!p0 vm4, v12  }
0x6e: {  	v12 =	vld [tilespmem:s10+$0xFFFFFFD0];
	_ =	sdelay $0x4  }
0x6f: {  	vm4 =	vge.f32 v12, v11  }
0x70: {  	v57 =	vmpcnt.ones.xlane vm4;
	_ =	sdelay $0x1  }
0x71: {  	(v2sf) =	vpush v57, $0x0;
	_ =	sdelay $0xe  }
0x72: {  	s1 =	sadd.s32 @!p0 s1, s0;
	s0 =	spop (v2sf)  }
0x73: {  	p0 =	slt.s32 s0, $0x1  }
0x74: {  	v13 =	vsel @!p0 vm4, $0x1, v6  }
0x75: {  	[tilespmem:$0xF800] =	vst @!p0 v13  }
0x76: {  	v14 =	vld.idx.msk @!p0 [tilespmem:v5+s6+$0x0], $0xffff;
	_ =	sdelay $0x3  }
0x77: {  	vm5 =	veq.s32 @!p0 v9, $0x0  }
0x78: {  	v14 =	vsel @!p0 vm5, $0x0, v14  }
0x79: {  	v13 =	vadd.s32 @!p0 v13, v14  }
0x7a: {  	[tilespmem:$0xF800] =	vst @!p0 v13  }
0x7b: {  	v14 =	vld.idx.msk @!p0 [tilespmem:v7+s6+$0x0], $0xffff;
	_ =	sdelay $0x4  }
0x7c: {  	v14 =	vsel @!p0 vm0, $0x0, v14  }
0x7d: {  	v13 =	vadd.s32 @!p0 v13, v14  }
0x7e: {  	[tilespmem:$0xF800] =	vst @!p0 v13  }
0x7f: {  	v14 =	vld.idx.msk @!p0 [tilespmem:v8+s6+$0x0], $0xffff;
	_ =	sdelay $0x4  }
0x80: {  	v14 =	vsel @!p0 vm1, $0x0, v14  }
0x81: {  	v13 =	vadd.s32 @!p0 v13, v14  }
0x82: {  	[tilespmem:$0xF800] =	vst @!p0 v13  }
0x83: {  	v14 =	vld.idx.msk @!p0 [tilespmem:v10+s6+$0x0], $0xffff  }
0x84: {  	v15 =	vmov @!p0 s1  }
0x85: {  	v15 =	vadd.s32 @!p0 $0xFFFFFFFF, v15  }
0x86: {  	v15 =	vbroadcast @!p0 v15, $0x0;
	_ =	sdelay $0x1  }
0x87: {  	v13 =	vadd.s32 @!p0 v13, v15;
	v14 =	vsel @!p0 vm2, $0x0, v14  }
0x88: {  	v13 =	vadd.s32 @!p0 v14, v13  }
0x89: {  	vm5 =	vlt.s32 @!p0 v13, $0x7FF  }
0x8a: {  	v13 =	vnsel @!p0 vm5, $0x7FF, v13;
	_ =	sdelay $0x3  }
0x8b: {  	s2 =	sadd.s32 @!p0 $0xFFFFFFA0, s19  }
0x8c: {  	[tilespmem:v13+s7+$0x0] =	vst.idx.msk @!p0 vm4, v12;
	v12 =	vor.u32 @!p0 s2, v9  }
0x8d: {  	[tilespmem:v13+s8+$0x0] =	vst.idx.msk @!p0 vm4, v12  }
0x8e: {  	v12 =	vld [tilespmem:s10+$0xFFFFFFE0];
	_ =	sdelay $0x4  }
0x8f: {  	vm4 =	vge.f32 v12, v11  }
0x90: {  	v58 =	vmpcnt.ones.xlane vm4;
	_ =	sdelay $0x1  }
0x91: {  	(v2sf) =	vpush v58, $0x0;
	_ =	sdelay $0xe  }
0x92: {  	s1 =	sadd.s32 @!p0 s1, s0;
	s0 =	spop (v2sf)  }
0x93: {  	p0 =	slt.s32 s0, $0x1  }
0x94: {  	v13 =	vsel @!p0 vm4, $0x1, v6  }
0x95: {  	[tilespmem:$0xF800] =	vst @!p0 v13  }
0x96: {  	v14 =	vld.idx.msk @!p0 [tilespmem:v5+s6+$0x0], $0xffff;
	_ =	sdelay $0x3  }
0x97: {  	vm5 =	veq.s32 @!p0 v9, $0x0  }
0x98: {  	v14 =	vsel @!p0 vm5, $0x0, v14  }
0x99: {  	v13 =	vadd.s32 @!p0 v13, v14  }
0x9a: {  	[tilespmem:$0xF800] =	vst @!p0 v13  }
0x9b: {  	v14 =	vld.idx.msk @!p0 [tilespmem:v7+s6+$0x0], $0xffff;
	_ =	sdelay $0x4  }
0x9c: {  	v14 =	vsel @!p0 vm0, $0x0, v14  }
0x9d: {  	v13 =	vadd.s32 @!p0 v13, v14  }
0x9e: {  	[tilespmem:$0xF800] =	vst @!p0 v13  }
0x9f: {  	v14 =	vld.idx.msk @!p0 [tilespmem:v8+s6+$0x0], $0xffff;
	_ =	sdelay $0x4  }
0xa0: {  	v14 =	vsel @!p0 vm1, $0x0, v14  }
0xa1: {  	v13 =	vadd.s32 @!p0 v13, v14  }
0xa2: {  	[tilespmem:$0xF800] =	vst @!p0 v13  }
0xa3: {  	v14 =	vld.idx.msk @!p0 [tilespmem:v10+s6+$0x0], $0xffff  }
0xa4: {  	v15 =	vmov @!p0 s1  }
0xa5: {  	v15 =	vadd.s32 @!p0 $0xFFFFFFFF, v15  }
0xa6: {  	v15 =	vbroadcast @!p0 v15, $0x0;
	_ =	sdelay $0x1  }
0xa7: {  	v13 =	vadd.s32 @!p0 v13, v15;
	v14 =	vsel @!p0 vm2, $0x0, v14  }
0xa8: {  	v13 =	vadd.s32 @!p0 v14, v13  }
0xa9: {  	vm5 =	vlt.s32 @!p0 v13, $0x7FF  }
0xaa: {  	v13 =	vnsel @!p0 vm5, $0x7FF, v13;
	_ =	sdelay $0x3  }
0xab: {  	s2 =	sadd.s32 @!p0 $0xFFFFFFB0, s19  }
0xac: {  	[tilespmem:v13+s7+$0x0] =	vst.idx.msk @!p0 vm4, v12;
	v12 =	vor.u32 @!p0 s2, v9  }
0xad: {  	[tilespmem:v13+s8+$0x0] =	vst.idx.msk @!p0 vm4, v12  }
0xae: {  	v12 =	vld [tilespmem:s10+$0xFFFFFFF0];
	_ =	sdelay $0x4  }
0xaf: {  	vm4 =	vge.f32 v12, v11  }
0xb0: {  	v59 =	vmpcnt.ones.xlane vm4;
	_ =	sdelay $0x1  }
0xb1: {  	(v2sf) =	vpush v59, $0x0;
	_ =	sdelay $0xe  }
0xb2: {  	s1 =	sadd.s32 @!p0 s1, s0;
	s0 =	spop (v2sf)  }
0xb3: {  	p0 =	slt.s32 s0, $0x1  }
0xb4: {  	v13 =	vsel @!p0 vm4, $0x1, v6  }
0xb5: {  	[tilespmem:$0xF800] =	vst @!p0 v13  }
0xb6: {  	v14 =	vld.idx.msk @!p0 [tilespmem:v5+s6+$0x0], $0xffff;
	_ =	sdelay $0x3  }
0xb7: {  	vm5 =	veq.s32 @!p0 v9, $0x0  }
0xb8: {  	v14 =	vsel @!p0 vm5, $0x0, v14  }
0xb9: {  	v13 =	vadd.s32 @!p0 v13, v14  }
0xba: {  	[tilespmem:$0xF800] =	vst @!p0 v13  }
0xbb: {  	v14 =	vld.idx.msk @!p0 [tilespmem:v7+s6+$0x0], $0xffff;
	_ =	sdelay $0x4  }
0xbc: {  	v14 =	vsel @!p0 vm0, $0x0, v14  }
0xbd: {  	v13 =	vadd.s32 @!p0 v13, v14  }
0xbe: {  	[tilespmem:$0xF800] =	vst @!p0 v13  }
0xbf: {  	v14 =	vld.idx.msk @!p0 [tilespmem:v8+s6+$0x0], $0xffff;
	_ =	sdelay $0x4  }
0xc0: {  	v14 =	vsel @!p0 vm1, $0x0, v14  }
0xc1: {  	v13 =	vadd.s32 @!p0 v13, v14  }
0xc2: {  	[tilespmem:$0xF800] =	vst @!p0 v13  }
0xc3: {  	v14 =	vld.idx.msk @!p0 [tilespmem:v10+s6+$0x0], $0xffff  }
0xc4: {  	v15 =	vmov @!p0 s1  }
0xc5: {  	v15 =	vadd.s32 @!p0 $0xFFFFFFFF, v15  }
0xc6: {  	v15 =	vbroadcast @!p0 v15, $0x0;
	_ =	sdelay $0x1  }
0xc7: {  	v13 =	vadd.s32 @!p0 v13, v15;
	v14 =	vsel @!p0 vm2, $0x0, v14  }
0xc8: {  	v13 =	vadd.s32 @!p0 v14, v13  }
0xc9: {  	vm5 =	vlt.s32 @!p0 v13, $0x7FF  }
0xca: {  	v13 =	vnsel @!p0 vm5, $0x7FF, v13;
	_ =	sdelay $0x3  }
0xcb: {  	s2 =	sadd.s32 @!p0 $0xFFFFFFC0, s19  }
0xcc: {  	[tilespmem:v13+s7+$0x0] =	vst.idx.msk @!p0 vm4, v12;
	v12 =	vor.u32 @!p0 s2, v9  }
0xcd: {  	[tilespmem:v13+s8+$0x0] =	vst.idx.msk @!p0 vm4, v12  }
0xce: {  	v12 =	vld [tilespmem:s10+$0x0];
	_ =	sdelay $0x4  }
0xcf: {  	vm4 =	vge.f32 v12, v11  }
0xd0: {  	v60 =	vmpcnt.ones.xlane vm4;
	_ =	sdelay $0x1  }
0xd1: {  	(v2sf) =	vpush v60, $0x0;
	_ =	sdelay $0xe  }
0xd2: {  	s1 =	sadd.s32 @!p0 s1, s0;
	s0 =	spop (v2sf)  }
0xd3: {  	p0 =	slt.s32 s0, $0x1  }
0xd4: {  	v13 =	vsel @!p0 vm4, $0x1, v6  }
0xd5: {  	[tilespmem:$0xF800] =	vst @!p0 v13  }
0xd6: {  	v14 =	vld.idx.msk @!p0 [tilespmem:v5+s6+$0x0], $0xffff;
	_ =	sdelay $0x3  }
0xd7: {  	vm5 =	veq.s32 @!p0 v9, $0x0  }
0xd8: {  	v14 =	vsel @!p0 vm5, $0x0, v14  }
0xd9: {  	v13 =	vadd.s32 @!p0 v13, v14  }
0xda: {  	[tilespmem:$0xF800] =	vst @!p0 v13  }
0xdb: {  	v14 =	vld.idx.msk @!p0 [tilespmem:v7+s6+$0x0], $0xffff;
	_ =	sdelay $0x4  }
0xdc: {  	v14 =	vsel @!p0 vm0, $0x0, v14  }
0xdd: {  	v13 =	vadd.s32 @!p0 v13, v14  }
0xde: {  	[tilespmem:$0xF800] =	vst @!p0 v13  }
0xdf: {  	v14 =	vld.idx.msk @!p0 [tilespmem:v8+s6+$0x0], $0xffff;
	_ =	sdelay $0x4  }
0xe0: {  	v14 =	vsel @!p0 vm1, $0x0, v14  }
0xe1: {  	v13 =	vadd.s32 @!p0 v13, v14  }
0xe2: {  	[tilespmem:$0xF800] =	vst @!p0 v13  }
0xe3: {  	v14 =	vld.idx.msk @!p0 [tilespmem:v10+s6+$0x0], $0xffff  }
0xe4: {  	v15 =	vmov @!p0 s1  }
0xe5: {  	v15 =	vadd.s32 @!p0 $0xFFFFFFFF, v15  }
0xe6: {  	v15 =	vbroadcast @!p0 v15, $0x0;
	_ =	sdelay $0x1  }
0xe7: {  	v13 =	vadd.s32 @!p0 v13, v15;
	v14 =	vsel @!p0 vm2, $0x0, v14  }
0xe8: {  	v13 =	vadd.s32 @!p0 v14, v13  }
0xe9: {  	vm5 =	vlt.s32 @!p0 v13, $0x7FF  }
0xea: {  	v13 =	vnsel @!p0 vm5, $0x7FF, v13;
	_ =	sdelay $0x3  }
0xeb: {  	s2 =	sadd.s32 @!p0 $0xFFFFFFD0, s19  }
0xec: {  	[tilespmem:v13+s7+$0x0] =	vst.idx.msk @!p0 vm4, v12;
	v12 =	vor.u32 @!p0 s2, v9  }
0xed: {  	[tilespmem:v13+s8+$0x0] =	vst.idx.msk @!p0 vm4, v12  }
0xee: {  	v12 =	vld [tilespmem:s10+$0x10];
	_ =	sdelay $0x4  }
0xef: {  	vm4 =	vge.f32 v12, v11  }
0xf0: {  	v61 =	vmpcnt.ones.xlane vm4;
	_ =	sdelay $0x1  }
0xf1: {  	(v2sf) =	vpush v61, $0x0;
	_ =	sdelay $0xe  }
0xf2: {  	s1 =	sadd.s32 @!p0 s1, s0;
	s0 =	spop (v2sf)  }
0xf3: {  	p0 =	slt.s32 s0, $0x1  }
0xf4: {  	v13 =	vsel @!p0 vm4, $0x1, v6  }
0xf5: {  	[tilespmem:$0xF800] =	vst @!p0 v13  }
0xf6: {  	v14 =	vld.idx.msk @!p0 [tilespmem:v5+s6+$0x0], $0xffff;
	_ =	sdelay $0x3  }
0xf7: {  	vm5 =	veq.s32 @!p0 v9, $0x0  }
0xf8: {  	v14 =	vsel @!p0 vm5, $0x0, v14  }
0xf9: {  	v13 =	vadd.s32 @!p0 v13, v14  }
0xfa: {  	[tilespmem:$0xF800] =	vst @!p0 v13  }
0xfb: {  	v14 =	vld.idx.msk @!p0 [tilespmem:v7+s6+$0x0], $0xffff;
	_ =	sdelay $0x4  }
0xfc: {  	v14 =	vsel @!p0 vm0, $0x0, v14  }
0xfd: {  	v13 =	vadd.s32 @!p0 v13, v14  }
0xfe: {  	[tilespmem:$0xF800] =	vst @!p0 v13  }
0xff: {  	v14 =	vld.idx.msk @!p0 [tilespmem:v8+s6+$0x0], $0xffff;
	_ =	sdelay $0x4  }
0x100: {  	v14 =	vsel @!p0 vm1, $0x0, v14  }
0x101: {  	v13 =	vadd.s32 @!p0 v13, v14  }
0x102: {  	[tilespmem:$0xF800] =	vst @!p0 v13  }
0x103: {  	v14 =	vld.idx.msk @!p0 [tilespmem:v10+s6+$0x0], $0xffff  }
0x104: {  	v15 =	vmov @!p0 s1  }
0x105: {  	v15 =	vadd.s32 @!p0 $0xFFFFFFFF, v15  }
0x106: {  	v15 =	vbroadcast @!p0 v15, $0x0;
	_ =	sdelay $0x1  }
0x107: {  	v13 =	vadd.s32 @!p0 v13, v15;
	v14 =	vsel @!p0 vm2, $0x0, v14  }
0x108: {  	v13 =	vadd.s32 @!p0 v14, v13  }
0x109: {  	vm5 =	vlt.s32 @!p0 v13, $0x7FF  }
0x10a: {  	v13 =	vnsel @!p0 vm5, $0x7FF, v13;
	_ =	sdelay $0x3  }
0x10b: {  	s2 =	sadd.s32 @!p0 $0xFFFFFFE0, s19  }
0x10c: {  	[tilespmem:v13+s7+$0x0] =	vst.idx.msk @!p0 vm4, v12;
	v12 =	vor.u32 @!p0 s2, v9  }
0x10d: {  	[tilespmem:v13+s8+$0x0] =	vst.idx.msk @!p0 vm4, v12  }
0x10e: {  	v12 =	vld [tilespmem:s10+$0x20];
	_ =	sdelay $0x4  }
0x10f: {  	vm4 =	vge.f32 v12, v11  }
0x110: {  	v62 =	vmpcnt.ones.xlane vm4;
	_ =	sdelay $0x1  }
0x111: {  	(v2sf) =	vpush v62, $0x0;
	_ =	sdelay $0xe  }
0x112: {  	s1 =	sadd.s32 @!p0 s1, s0;
	s0 =	spop (v2sf)  }
0x113: {  	p0 =	slt.s32 s0, $0x1  }
0x114: {  	v13 =	vsel @!p0 vm4, $0x1, v6  }
0x115: {  	[tilespmem:$0xF800] =	vst @!p0 v13  }
0x116: {  	v14 =	vld.idx.msk @!p0 [tilespmem:v5+s6+$0x0], $0xffff;
	_ =	sdelay $0x3  }
0x117: {  	vm5 =	veq.s32 @!p0 v9, $0x0  }
0x118: {  	v14 =	vsel @!p0 vm5, $0x0, v14  }
0x119: {  	v13 =	vadd.s32 @!p0 v13, v14  }
0x11a: {  	[tilespmem:$0xF800] =	vst @!p0 v13  }
0x11b: {  	v14 =	vld.idx.msk @!p0 [tilespmem:v7+s6+$0x0], $0xffff;
	_ =	sdelay $0x4  }
0x11c: {  	v14 =	vsel @!p0 vm0, $0x0, v14  }
0x11d: {  	v13 =	vadd.s32 @!p0 v13, v14  }
0x11e: {  	[tilespmem:$0xF800] =	vst @!p0 v13  }
0x11f: {  	v14 =	vld.idx.msk @!p0 [tilespmem:v8+s6+$0x0], $0xffff;
	_ =	sdelay $0x4  }
0x120: {  	v14 =	vsel @!p0 vm1, $0x0, v14  }
0x121: {  	v13 =	vadd.s32 @!p0 v13, v14  }
0x122: {  	[tilespmem:$0xF800] =	vst @!p0 v13  }
0x123: {  	v14 =	vld.idx.msk @!p0 [tilespmem:v10+s6+$0x0], $0xffff  }
0x124: {  	v15 =	vmov @!p0 s1  }
0x125: {  	v15 =	vadd.s32 @!p0 $0xFFFFFFFF, v15  }
0x126: {  	v15 =	vbroadcast @!p0 v15, $0x0;
	_ =	sdelay $0x1  }
0x127: {  	v13 =	vadd.s32 @!p0 v13, v15;
	v14 =	vsel @!p0 vm2, $0x0, v14  }
0x128: {  	v13 =	vadd.s32 @!p0 v14, v13  }
0x129: {  	vm5 =	vlt.s32 @!p0 v13, $0x7FF  }
0x12a: {  	v13 =	vnsel @!p0 vm5, $0x7FF, v13;
	_ =	sdelay $0x3  }
0x12b: {  	s2 =	sadd.s32 @!p0 $0xFFFFFFF0, s19  }
0x12c: {  	[tilespmem:v13+s7+$0x0] =	vst.idx.msk @!p0 vm4, v12;
	v12 =	vor.u32 @!p0 s2, v9  }
0x12d: {  	[tilespmem:v13+s8+$0x0] =	vst.idx.msk @!p0 vm4, v12  }
0x12e: {  	v12 =	vld [tilespmem:s10+$0x30];
	_ =	sdelay $0x4  }
0x12f: {  	vm4 =	vge.f32 v12, v11  }
0x130: {  	v63 =	vmpcnt.ones.xlane vm4;
	_ =	sdelay $0x1  }
0x131: {  	(v2sf) =	vpush v63, $0x0;
	_ =	sdelay $0xe  }
0x132: {  	s1 =	sadd.s32 @!p0 s1, s0;
	s0 =	spop (v2sf)  }
0x133: {  	p0 =	slt.s32 s0, $0x1  }
0x134: {  	v13 =	vsel @!p0 vm4, $0x1, v6  }
0x135: {  	[tilespmem:$0xF800] =	vst @!p0 v13  }
0x136: {  	v14 =	vld.idx.msk @!p0 [tilespmem:v5+s6+$0x0], $0xffff;
	_ =	sdelay $0x3  }
0x137: {  	vm5 =	veq.s32 @!p0 v9, $0x0  }
0x138: {  	v14 =	vsel @!p0 vm5, $0x0, v14  }
0x139: {  	v13 =	vadd.s32 @!p0 v13, v14  }
0x13a: {  	[tilespmem:$0xF800] =	vst @!p0 v13  }
0x13b: {  	v14 =	vld.idx.msk @!p0 [tilespmem:v7+s6+$0x0], $0xffff;
	_ =	sdelay $0x4  }
0x13c: {  	v14 =	vsel @!p0 vm0, $0x0, v14  }
0x13d: {  	v13 =	vadd.s32 @!p0 v13, v14  }
0x13e: {  	[tilespmem:$0xF800] =	vst @!p0 v13  }
0x13f: {  	v14 =	vld.idx.msk @!p0 [tilespmem:v8+s6+$0x0], $0xffff;
	_ =	sdelay $0x4  }
0x140: {  	v14 =	vsel @!p0 vm1, $0x0, v14  }
0x141: {  	v13 =	vadd.s32 @!p0 v13, v14  }
0x142: {  	[tilespmem:$0xF800] =	vst @!p0 v13  }
0x143: {  	v14 =	vld.idx.msk @!p0 [tilespmem:v10+s6+$0x0], $0xffff  }
0x144: {  	v15 =	vmov @!p0 s1  }
0x145: {  	v15 =	vadd.s32 @!p0 $0xFFFFFFFF, v15  }
0x146: {  	v15 =	vbroadcast @!p0 v15, $0x0;
	_ =	sdelay $0x1  }
0x147: {  	v13 =	vadd.s32 @!p0 v13, v15;
	v14 =	vsel @!p0 vm2, $0x0, v14  }
0x148: {  	v13 =	vadd.s32 @!p0 v14, v13  }
0x149: {  	vm5 =	vlt.s32 @!p0 v13, $0x7FF  }
0x14a: {  	v13 =	vnsel @!p0 vm5, $0x7FF, v13;
	_ =	sdelay $0x4  }
0x14b: {  	s15 =	sadd.s32 $0x8, s15;
	[tilespmem:v13+s7+$0x0] =	vst.idx.msk @!p0 vm4, v12;
	v12 =	vor.u32 @!p0 s19, v9  }
0x14c: {  	s1 =	sadd.s32 @!p0 s1, s0;
	[tilespmem:v13+s8+$0x0] =	vst.idx.msk @!p0 vm4, v12;
	p0 =	slt.u32 s15, $0x3F8  }
.Ltmp1:
0x14d: {  	_ = 	snop;
	(pc) =	sbr.rel @p0 .LBB2_5-.Ltmp1, $2  }
0x14e: {  	_ =	sdelay $0x2  }
0x14f: {  	s10 =	sadd.s32 $0x80, s10;
	s19 =	sadd.s32 $0x80, s19  }
0x150: {  	[dreg:$0x10] =	wrdreg s4  }
0x151: {  	s0 =	sadd.s32 $0x2, s4;
	s2 =	rddreg [dreg:$0xa];
	s1 =	sadd.s32 $0xF, s1  }
0x152: {  	s3 =	rddreg [dreg:$0x6];
	p0 =	sge.u32 s0, s2;
	s29 =	sand.u32 $0xF, s1  }
0x153: {  	s30 =	sshra.s32 s1, $0x1F;
	p6 =	slt.s32 s1, $0x1;
	s2 =	sshll.u32 @!p0 s0, $0x4  }
0x154: {  	s0 =	sshll.u32 @!p0 s0, $0xB;
	s4 =	simm.s32 @!p0 $0x0;
	s2 =	sand.u32 @!p0 $0x60, s2  }
0x155: {  	p1 =	sne.s32 s29, $0x0;
	s0 =	sand.u32 @!p0 $0xFFFC000, s0;
	s2 =	sadd.s32 @!p0 s3, s2  }
0x156: {  	s3 =	simm.s32 @!p0 $0x400;
	s0 =	sadd.s32 @!p0 s0, s2;
	s2 =	simm.s32 @!p0 $0x80  }
0x157: {  	[tilespmem:s4], [sflag:$0x1] =	stream.strided.gather @!p0 [hbm4b:s0+s2], $0x4000, s3, s2, $0x38;
	[tilespmem:$0xF880] =	vst v63  }
.Ltmp2:
0x158: {  	s31 =	sshrl.u32 s30, $0x1C;
	p0 =	por !p6, !p1;
	(pc) =	sbr.rel .LBB2_7-.Ltmp2, $4  }
0x159: {  	s0 =	sadd.s32 s31, s1;
	s1 =	simm.s32 $0x1;
	p0 =	por !p0, !p0  }
0x15a: {  	s0 =	sshra.s32 s0, $0x4;
	s1 =	simm.s32 @!p0 $0x0  }
0x15b: {  	s0 =	ssub.s32 s0, s1  }
0x15c: {  	v11 =	vimm.f32 $+Inf;
	s1 =	simm.s32 $0x0;
	p0 =	slt.s32 s0, $0x1  }
.LBB2_10:
0x15d: {  	v12 =	vsel vm4, v13, v12  }
.LBB2_11:
0x15e: {  	_ =	sdelay $0x2  }
0x15f: {  	[tilespmem:$0xF780] =	vst v12  }
0x160: {  	v11 =	vld.idx.msk [tilespmem:v0+s5+$0x0], $0xffff;
	_ =	sdelay $0x4  }
0x161: {  	v11 =	vmax.f32 v12, v11  }
0x162: {  	[tilespmem:$0xF780] =	vst v11  }
0x163: {  	v61 =	vld.idx.msk [tilespmem:v1+s5+$0x0], $0xffff;
	_ =	sdelay $0x4  }
0x164: {  	v11 =	vmax.f32 v11, v61  }
0x165: {  	[tilespmem:$0xF780] =	vst v11  }
0x166: {  	v62 =	vld.idx.msk [tilespmem:v2+s5+$0x0], $0xffff;
	_ =	sdelay $0x4  }
0x167: {  	v11 =	vmax.f32 v11, v62  }
0x168: {  	s1 =	sadd.s32 $0x1, s1;
	[tilespmem:$0xF780] =	vst v11  }
0x169: {  	p1 =	seq.s32 s1, $0x20;
	v63 =	vld.idx.msk [tilespmem:v3+s5+$0x0], $0xffff  }
.Ltmp3:
0x16a: {  	_ = 	snop;
	(pc) =	sbr.rel @p1 .LBB2_12-.Ltmp3, $2  }
0x16b: {  	_ =	sdelay $0x2  }
0x16c: {  	v11 =	vmax.f32 v11, v63  }
.LBB2_7:
.Ltmp4:
0x16d: {  	(pc) =	sbr.rel @p0 .LBB2_11-.Ltmp4, $2  }
0x16e: {  	_ =	sdelay $0x2  }
0x16f: {  	v12 =	vimm.f32 $-Inf;
	s3 =	simm.s32 $0x8080  }
0x170: {  	v13 =	vld [tilespmem:s3+$0x0];
	p1 =	sne.s32 s0, $0x1  }
.Ltmp5:
0x171: {  	_ = 	snop;
	(pc) =	sbr.rel @!p1 .LBB2_10-.Ltmp5, $2  }
0x172: {  	_ =	sdelay $0x2  }
0x173: {  	s2 =	sadd.s32 $0xFFFFFFFF, s0;
	s3 =	sadd.s32 $0x10, s3;
	vm4 =	vlt.f32 v13, v11;
	v13 =	vmax.f32 v12, v13  }
.LBB2_9:
0x174: {  	v14 =	vld [tilespmem:s3+$0x0];
	p1 =	sne.s32 s2, $0x1;
	s2 =	sadd.s32 $0xFFFFFFFF, s2;
	v12 =	vsel vm4, v13, v12  }
.Ltmp6:
0x175: {  	(pc) =	sbr.rel @p1 .LBB2_9-.Ltmp6, $2  }
0x176: {  	_ =	sdelay $0x2  }
0x177: {  	s3 =	sadd.s32 $0x10, s3;
	vm4 =	vlt.f32 v14, v11;
	v13 =	vmax.f32 v12, v14  }
.Ltmp7:
0x178: {  	_ = 	snop;
	(pc) =	sbr.rel .LBB2_10-.Ltmp7, $1  }
0x179: {  	_ =	sdelay $0x3  }
.LBB2_12:
0x17a: {  	p0 =	sgt.s32 s0, $0x0  }
.Ltmp8:
0x17b: {  	_ = 	snop;
	(pc) =	sbr.rel @!p0 .LBB2_15-.Ltmp8, $1  }
0x17c: {  	_ =	sdelay $0x3  }
0x17d: {  	s1 =	simm.s32 $0x0;
	s2 =	simm.s32 $0x8080;
	s3 =	simm.s32 $0x8880  }
.LBB2_14:
0x17e: {  	v12 =	vld [tilespmem:s2+$0x0];
	_ =	sdelay $0x4  }
0x17f: {  	vm4 =	vge.f32 v12, v11  }
0x180: {  	v13 =	vmpcnt.ones.xlane vm4;
	_ =	sdelay $0x1  }
0x181: {  	(v2sf) =	vpush v13, $0x0;
	_ =	sdelay $0xe  }
0x182: {  	s4 =	spop (v2sf)  }
0x183: {  	p0 =	slt.s32 s4, $0x1  }
0x184: {  	v14 =	vsel @!p0 vm4, $0x1, v6  }
0x185: {  	v13 =	vld @!p0 [tilespmem:s3+$0x0];
	[tilespmem:$0xF800] =	vst @!p0 v14  }
0x186: {  	v15 =	vld.idx.msk @!p0 [tilespmem:v5+s6+$0x0], $0xffff;
	_ =	sdelay $0x3  }
0x187: {  	vm5 =	veq.s32 @!p0 v9, $0x0  }
0x188: {  	v15 =	vsel @!p0 vm5, $0x0, v15  }
0x189: {  	v14 =	vadd.s32 @!p0 v14, v15  }
0x18a: {  	[tilespmem:$0xF800] =	vst @!p0 v14  }
0x18b: {  	v15 =	vld.idx.msk @!p0 [tilespmem:v7+s6+$0x0], $0xffff;
	_ =	sdelay $0x4  }
0x18c: {  	v15 =	vsel @!p0 vm0, $0x0, v15  }
0x18d: {  	v14 =	vadd.s32 @!p0 v14, v15  }
0x18e: {  	[tilespmem:$0xF800] =	vst @!p0 v14  }
0x18f: {  	v15 =	vld.idx.msk @!p0 [tilespmem:v8+s6+$0x0], $0xffff;
	_ =	sdelay $0x4  }
0x190: {  	v15 =	vsel @!p0 vm1, $0x0, v15  }
0x191: {  	v14 =	vadd.s32 @!p0 v14, v15  }
0x192: {  	[tilespmem:$0xF800] =	vst @!p0 v14  }
0x193: {  	v15 =	vld.idx.msk @!p0 [tilespmem:v10+s6+$0x0], $0xffff  }
0x194: {  	v16 =	vmov @!p0 s1  }
0x195: {  	v16 =	vadd.s32 @!p0 $0xFFFFFFFF, v16  }
0x196: {  	v16 =	vbroadcast @!p0 v16, $0x0;
	_ =	sdelay $0x1  }
0x197: {  	v14 =	vadd.s32 @!p0 v14, v16;
	v15 =	vsel @!p0 vm2, $0x0, v15  }
0x198: {  	v14 =	vadd.s32 @!p0 v15, v14  }
0x199: {  	vm5 =	vlt.s32 @!p0 v14, $0x1F  }
0x19a: {  	v14 =	vnsel @!p0 vm5, $0x1F, v14;
	_ =	sdelay $0x4  }
0x19b: {  	s0 =	sadd.s32 $0xFFFFFFFF, s0;
	[tilespmem:v14+s9+$0x0] =	vst.idx.msk @!p0 vm4, v12  }
0x19c: {  	s1 =	sadd.s32 @!p0 s1, s4;
	[tilespmem:v14+s11+$0x0] =	vst.idx.msk @!p0 vm4, v13;
	p0 =	sne.s32 s0, $0x0  }
.Ltmp9:
0x19d: {  	_ = 	snop;
	(pc) =	sbr.rel @p0 .LBB2_14-.Ltmp9, $2  }
0x19e: {  	_ =	sdelay $0x2  }
0x19f: {  	s2 =	sadd.s32 $0x10, s2;
	s3 =	sadd.s32 $0x10, s3  }
.LBB2_15:
0x1a0: {  	v11 =	vld [tilespmem:$0x9100];
	_ =	sdelay $0x4  }
0x1a1: {  	v12 =	vshrl.u32 v11, $0x3  }
0x1a2: {  	v12 =	vmul.u32 $0x30, v12  }
0x1a3: {  	v11 =	vand.u32 $0x7, v11  }
0x1a4: {  	v14 =	vor.u32 v11, v12;
	v12 =	vand.u32 $0x7, v9;
	v11 =	vshrl.u32 v9, $0x3  }
0x1a5: {  	v13 =	vperm.xlane v14, v12;
	v0 =	vmul.u32 $0x8, v11;
	_ =	sdelay $0x1  }
0x1a6: {  	v15 =	vadd.s32 v0, v13;
	_ =	sdelay $0x2  }
0x1a7: {  	v11 =	vor.u32 $0x8, v9  }
0x1a8: {  	s1 =	simm.s32 $0x0;
	s0 =	rddreg [dreg:$0x1];
	s2 =	simm.s32 $0x9180;
	v14 =	vperm.xlane v14, v11  }
0x1a9: {  	[tilespmem:s2], [sflag:$0x3] =	stream.indirect_vreg.gather [hbm4b:s0+s1], $0x80, v15, vm3, $0xb8;
	[tilespmem:$0xF880] =	vst v63  }
0x1aa: {  	s19 =	rddreg [dreg:$0xb];
	s3 =	simm.s32 $0x9980;
	v14 =	vadd.s32 v0, v14  }
0x1ab: {  	[tilespmem:s3], [sflag:$0x3] =	stream.indirect_vreg.gather [hbm4b:s19+s1], $0x80, v15, vm3, $0xb8;
	[tilespmem:$0xF880] =	vst v63  }
0x1ac: {  	s20 =	rddreg [dreg:$0xc];
	s4 =	simm.s32 $0xA180  }
0x1ad: {  	[tilespmem:s4], [sflag:$0x3] =	stream.indirect_vreg.gather [hbm4b:s20+s1], $0x80, v15, vm3, $0xb8;
	[tilespmem:$0xF880] =	vst v63  }
0x1ae: {  	s21 =	simm.s32 $0xA980  }
0x1af: {  	[tilespmem:s21], [sflag:$0x3] =	stream.indirect_vreg.gather [hbm4b:s0+s1], $0x80, v14, vm3, $0xb8;
	[tilespmem:$0xF880] =	vst v63  }
0x1b0: {  	s22 =	simm.s32 $0xB180  }
0x1b1: {  	[tilespmem:s22], [sflag:$0x3] =	stream.indirect_vreg.gather [hbm4b:s19+s1], $0x80, v14, vm3, $0xb8;
	[tilespmem:$0xF880] =	vst v63  }
0x1b2: {  	s23 =	simm.s32 $0xB980  }
0x1b3: {  	[tilespmem:s23], [sflag:$0x3] =	stream.indirect_vreg.gather [hbm4b:s20+s1], $0x80, v14, vm3, $0xb8;
	[tilespmem:$0xF880] =	vst v63  }
0x1b4: {  	v14 =	vld [tilespmem:$0x9110];
	_ =	sdelay $0x4  }
0x1b5: {  	v15 =	vshrl.u32 v14, $0x3  }
0x1b6: {  	v15 =	vmul.u32 $0x30, v15  }
0x1b7: {  	v14 =	vand.u32 $0x7, v14  }
0x1b8: {  	v14 =	vor.u32 v14, v15  }
0x1b9: {  	v15 =	vperm.xlane v14, v12;
	_ =	sdelay $0x1  }
0x1ba: {  	v15 =	vadd.s32 v0, v15;
	_ =	sdelay $0x3  }
0x1bb: {  	s24 =	simm.s32 $0xC180;
	v14 =	vperm.xlane v14, v11  }
0x1bc: {  	[tilespmem:s24], [sflag:$0x3] =	stream.indirect_vreg.gather [hbm4b:s0+s1], $0x80, v15, vm3, $0xb8;
	[tilespmem:$0xF880] =	vst v63  }
0x1bd: {  	s25 =	simm.s32 $0xC980;
	v14 =	vadd.s32 v0, v14  }
0x1be: {  	[tilespmem:s25], [sflag:$0x3] =	stream.indirect_vreg.gather [hbm4b:s19+s1], $0x80, v15, vm3, $0xb8;
	[tilespmem:$0xF880] =	vst v63  }
0x1bf: {  	s26 =	simm.s32 $0xD180  }
0x1c0: {  	[tilespmem:s26], [sflag:$0x3] =	stream.indirect_vreg.gather [hbm4b:s20+s1], $0x80, v15, vm3, $0xb8;
	[tilespmem:$0xF880] =	vst v63  }
0x1c1: {  	s28 =	simm.s32 $0xD980;
	[tilespmem:$0x1FFC0] =	vst v12  }
0x1c2: {  	[tilespmem:s28], [sflag:$0x3] =	stream.indirect_vreg.gather [hbm4b:s0+s1], $0x80, v14, vm3, $0xb8;
	[tilespmem:$0xF880] =	vst v63  }
0x1c3: {  	s29 =	simm.s32 $0xE180;
	[tilespmem:$0x1FFD0] =	vst v11  }
0x1c4: {  	[tilespmem:s29], [sflag:$0x3] =	stream.indirect_vreg.gather [hbm4b:s19+s1], $0x80, v14, vm3, $0xb8;
	[tilespmem:$0xF880] =	vst v63  }
0x1c5: {  	s30 =	simm.s32 $0xE980;
	s31 =	simm.s32 $0x3;
	[tilespmem:$0x1FFE0] =	vst v0  }
0x1c6: {  	[tilespmem:s30], [sflag:$0x3] =	stream.indirect_vreg.gather [hbm4b:s20+s1], $0x80, v14, vm3, $0xb8;
	[tilespmem:$0xF880] =	vst v63  }
0x1c7: {  	_ =	swait.ge [sflag:s31], $0x6000  }
0x1c8: {  	[sflag:s31] =	ssyncset.done $0x0  }
0x1c9: {  	[sflag:s31] =	ssyncadd.s32 $0xFFFFA000  }
0x1ca: {  	v14 =	vld [tilespmem:$0x9080];
	_ =	sdelay $0x4  }
0x1cb: {  	v29 =	vmax.f32 v14, $0.0e+00  }
0x1cc: {  	v14 =	vbroadcast v29, $0x0;
	v15 =	vbroadcast v29, $0x1  }
0x1cd: {  	v16 =	vbroadcast v29, $0x2;
	v17 =	vbroadcast v29, $0x3  }
0x1ce: {  	v30 =	vld [tilespmem:$0x9090];
	v18 =	vbroadcast v29, $0x4;
	v19 =	vbroadcast v29, $0x5  }
0x1cf: {  	v20 =	vbroadcast v29, $0x6;
	v21 =	vbroadcast v29, $0x7  }
0x1d0: {  	v22 =	vbroadcast v29, $0x8;
	v23 =	vbroadcast v29, $0x9  }
0x1d1: {  	v24 =	vbroadcast v29, $0xA;
	v25 =	vbroadcast v29, $0xB  }
0x1d2: {  	v26 =	vbroadcast v29, $0xC;
	v27 =	vbroadcast v29, $0xD  }
0x1d3: {  	v45 =	vmax.f32 v30, $0.0e+00;
	v28 =	vbroadcast v29, $0xE;
	v29 =	vbroadcast v29, $0xF  }
0x1d4: {  	v30 =	vbroadcast v45, $0x0;
	v31 =	vbroadcast v45, $0x1  }
0x1d5: {  	v32 =	vbroadcast v45, $0x2;
	v33 =	vbroadcast v45, $0x3  }
0x1d6: {  	v34 =	vbroadcast v45, $0x4;
	v35 =	vbroadcast v45, $0x5  }
0x1d7: {  	v36 =	vbroadcast v45, $0x6;
	v37 =	vbroadcast v45, $0x7  }
0x1d8: {  	v38 =	vbroadcast v45, $0x8;
	v39 =	vbroadcast v45, $0x9  }
0x1d9: {  	v40 =	vbroadcast v45, $0xA;
	v41 =	vbroadcast v45, $0xB  }
0x1da: {  	s18 =	simm.s32 $0xFFFFFFFE;
	s15 =	simm.s32 $0xF480;
	v42 =	vbroadcast v45, $0xC;
	v43 =	vbroadcast v45, $0xD  }
0x1db: {  	s14 =	simm.s32 $0x0;
	s8 =	simm.s32 $0x0;
	s19 =	simm.s32 $0xF180;
	v44 =	vbroadcast v45, $0xE;
	v45 =	vbroadcast v45, $0xF  }
.LBB2_16:
0x1dc: {  	s0 =	sand.u32 $0x1C00, s8;
	s4 =	sor.u32 s8, s1  }
0x1dd: {  	s21 =	sand.u32 $0x60, s1;
	v46 =	vld [tilespmem:s15+$0x0];
	s2 =	sadd.s32 $0x9180, s0;
	s5 =	sor.u32 $0x380, s4  }
0x1de: {  	[dreg:$0x16] =	wrdreg s2;
	s2 =	sor.u32 s21, s2;
	v54 =	vld [tilespmem:s5+$0x9180]  }
0x1df: {  	v47 =	vld [tilespmem:s2+$0x0]  }
0x1e0: {  	v48 =	vld [tilespmem:s2+$0x80]  }
0x1e1: {  	v49 =	vld [tilespmem:s2+$0x100]  }
0x1e2: {  	v50 =	vld [tilespmem:s2+$0x180]  }
0x1e3: {  	s6 =	sadd.s32 $0xA980, s0;
	v51 =	vld [tilespmem:s2+$0x200]  }
0x1e4: {  	s9 =	sadd.s32 $0xAA00, s0;
	s7 =	sor.u32 s21, s6;
	v52 =	vld [tilespmem:s2+$0x280]  }
0x1e5: {  	s20 =	sadd.s32 $0xAA80, s0;
	s10 =	sor.u32 s21, s9;
	v55 =	vld [tilespmem:s7+$0x0]  }
0x1e6: {  	s17 =	sadd.s32 $0xAB00, s0;
	s11 =	sor.u32 s21, s20;
	v56 =	vld [tilespmem:s10+$0x0]  }
0x1e7: {  	s3 =	sand.u32 $0x3, s14;
	s30 =	sor.u32 $0xC200, s0;
	s12 =	sor.u32 s21, s17;
	v57 =	vld [tilespmem:s11+$0x0]  }
0x1e8: {  	s3 =	sshll.u32 s3, $0x5;
	s31 =	sor.u32 $0xC300, s0;
	s25 =	sor.u32 s21, s30;
	v58 =	vld [tilespmem:s12+$0x0]  }
0x1e9: {  	s3 =	sadd.s32 s3, s8;
	[dreg:$0x19] =	wrdreg s6;
	s28 =	sor.u32 s21, s31;
	v12 =	vld [tilespmem:s25+$0x0]  }
0x1ea: {  	s6 =	sadd.s32 $0xAC00, s0;
	[dreg:$0x18] =	wrdreg s3;
	s3 =	sor.u32 $0x300, s3;
	v13 =	vld [tilespmem:s28+$0x0]  }
0x1eb: {  	[dreg:$0x1c] =	wrdreg s9;
	s9 =	sadd.s32 $0xAC80, s0;
	s16 =	sor.u32 s21, s6;
	v53 =	vld [tilespmem:s3+$0x9180]  }
0x1ec: {  	s11 =	sadd.s32 $0xAB80, s0;
	s22 =	sor.u32 s21, s9;
	v60 =	vld [tilespmem:s16+$0x0]  }
0x1ed: {  	s7 =	sadd.s32 $0xAD00, s0;
	s13 =	sor.u32 s21, s11;
	v61 =	vld [tilespmem:s22+$0x0];
	v54 =	vmul.f32 v54, v21;
	v47 =	vmul.f32 v47, v14  }
0x1ee: {  	s12 =	sor.u32 $0xC380, s0;
	s23 =	sor.u32 s21, s7;
	v59 =	vld [tilespmem:s13+$0x0];
	v48 =	vmul.f32 v48, v15;
	v49 =	vmul.f32 v49, v16  }
0x1ef: {  	s16 =	sor.u32 $0xC180, s0;
	s29 =	sor.u32 s21, s12;
	v62 =	vld [tilespmem:s23+$0x0];
	v51 =	vmul.f32 v51, v18;
	v52 =	vmul.f32 v52, v19  }
0x1f0: {  	s5 =	sor.u32 $0xC280, s0;
	s24 =	sor.u32 s21, s16;
	v11 =	vld [tilespmem:s29+$0x0];
	v46 =	vadd.f32 v47, v46;
	v47 =	vadd.f32 $0.0e+00, v48;
	v48 =	vmul.f32 v50, v17  }
0x1f1: {  	s26 =	sor.u32 s21, s5;
	s13 =	sadd.s32 $0xC400, s0;
	v63 =	vld [tilespmem:s24+$0x0];
	v12 =	vmul.f32 v12, v31;
	v13 =	vmul.f32 v13, v33  }
0x1f2: {  	s29 =	sadd.s32 $0xC500, s0;
	s3 =	sor.u32 s21, s13;
	v53 =	vmul.f32 v53, v20;
	v50 =	vld [tilespmem:s26+$0x0];
	v49 =	vadd.f32 $0.0e+00, v49;
	v48 =	vadd.f32 $0.0e+00, v48  }
0x1f3: {  	s22 =	sor.u32 s21, s29;
	v60 =	vmul.f32 v60, v27;
	s26 =	sadd.s32 $0xD980, s0;
	v46 =	vadd.f32 v51, v46;
	v47 =	vadd.f32 v52, v47;
	v52 =	vld [tilespmem:s3+$0x0]  }
0x1f4: {  	s4 =	sadd.s32 $0xC480, s0;
	s23 =	sor.u32 s21, s26;
	v51 =	vmul.f32 v55, v22;
	v49 =	vadd.f32 v53, v49;
	v53 =	vmul.f32 v56, v23;
	v56 =	vld [tilespmem:s22+$0x0]  }
0x1f5: {  	s10 =	sor.u32 s21, s4;
	v61 =	vmul.f32 v61, v28;
	v55 =	vmul.f32 v58, v25;
	v58 =	vld [tilespmem:s23+$0x0];
	s22 =	sadd.s32 $0xDA80, s0  }
0x1f6: {  	s28 =	sadd.s32 $0xDA00, s0;
	s25 =	sor.u32 s21, s22;
	v48 =	vadd.f32 v54, v48;
	v54 =	vld [tilespmem:s10+$0x0];
	v46 =	vadd.f32 v51, v46;
	v51 =	vmul.f32 v57, v24  }
0x1f7: {  	s24 =	sor.u32 s21, s28;
	v11 =	vmul.f32 v11, v34;
	v47 =	vadd.f32 v53, v47;
	v53 =	vmul.f32 v59, v26;
	v57 =	vld [tilespmem:s25+$0x0];
	s25 =	sadd.s32 $0xDB80, s0  }
0x1f8: {  	s10 =	sor.u32 s21, s25;
	v50 =	vmul.f32 v50, v32;
	v49 =	vadd.f32 v51, v49;
	v48 =	vadd.f32 v55, v48;
	v55 =	vld [tilespmem:s24+$0x0];
	s24 =	sadd.s32 $0xDB00, s0  }
0x1f9: {  	s23 =	sadd.s32 $0xDC00, s0;
	v46 =	vadd.f32 v53, v46;
	v47 =	vadd.f32 v60, v47;
	v53 =	vmul.f32 v62, v29;
	v60 =	vld [tilespmem:s10+$0x0];
	s3 =	sor.u32 s21, s24  }
0x1fa: {  	v51 =	vmul.f32 v63, v30;
	s10 =	sor.u32 s21, s23;
	v62 =	vmul.f32 v52, v35;
	v59 =	vld [tilespmem:s3+$0x0];
	s3 =	sadd.s32 $0xDC80, s0  }
0x1fb: {  	s2 =	sadd.s32 $0xDD00, s0;
	v56 =	vmul.f32 v56, v37;
	v49 =	vadd.f32 v61, v49;
	v48 =	vadd.f32 v53, v48;
	v53 =	vld [tilespmem:s10+$0x0];
	s0 =	sor.u32 s21, s3  }
0x1fc: {  	v46 =	vadd.f32 v51, v46;
	v12 =	vadd.f32 v12, v47;
	v61 =	vmul.f32 v58, v38;
	v47 =	vld [tilespmem:s0+$0x0];
	s0 =	sor.u32 s21, s2  }
0x1fd: {  	v63 =	vmul.f32 v54, v36;
	v49 =	vadd.f32 v50, v49;
	v13 =	vadd.f32 v13, v48;
	v50 =	vld [tilespmem:s0+$0x0]  }
0x1fe: {  	v11 =	vadd.f32 v11, v46;
	v12 =	vadd.f32 v62, v12;
	v62 =	vmul.f32 v55, v39  }
0x1ff: {  	v55 =	vmul.f32 v60, v42;
	v46 =	vadd.f32 v63, v49;
	v63 =	vmul.f32 v57, v40  }
0x200: {  	v13 =	vadd.f32 v56, v13;
	v11 =	vadd.f32 v61, v11;
	v54 =	vmul.f32 v59, v41  }
0x201: {  	v12 =	vadd.f32 v62, v12;
	v56 =	vmul.f32 v53, v43;
	v46 =	vadd.f32 v63, v46  }
0x202: {  	v13 =	vadd.f32 v54, v13;
	v47 =	vmul.f32 v47, v44;
	v57 =	vmul.f32 v50, v45  }
0x203: {  	v11 =	vadd.f32 v55, v11;
	v12 =	vadd.f32 v56, v12  }
0x204: {  	v46 =	vadd.f32 v47, v46;
	v13 =	vadd.f32 v57, v13;
	_ =	sdelay $0x1  }
0x205: {  	v11 =	vadd.f32 v12, v11;
	v12 =	vadd.f32 v13, v46;
	_ =	sdelay $0x1  }
0x206: {  	v11 =	vadd.f32 v12, v11  }
0x207: {  	s10 =	rddreg [dreg:$0x16];
	s21 =	sor.u32 $0x10, s21  }
0x208: {  	s10 =	sor.u32 s21, s10;
	[tilespmem:s19+$0x0] =	vst v11  }
0x209: {  	v11 =	vld [tilespmem:s10+$0x0]  }
0x20a: {  	v12 =	vld [tilespmem:s10+$0x80]  }
0x20b: {  	v13 =	vld [tilespmem:s10+$0x100]  }
0x20c: {  	v46 =	vld [tilespmem:s10+$0x180]  }
0x20d: {  	v47 =	vld [tilespmem:s10+$0x200]  }
0x20e: {  	s0 =	rddreg [dreg:$0x18];
	s17 =	sor.u32 s21, s17;
	v48 =	vld [tilespmem:s10+$0x280]  }
0x20f: {  	s6 =	sor.u32 s21, s6;
	s0 =	sadd.s32 $0x10, s0;
	v54 =	vld [tilespmem:s17+$0x0]  }
0x210: {  	s10 =	sor.u32 $0x300, s0;
	v56 =	vld [tilespmem:s6+$0x0]  }
0x211: {  	s0 =	sor.u32 $0x380, s0;
	v49 =	vld [tilespmem:s10+$0x9180]  }
0x212: {  	s17 =	sor.u32 s21, s7;
	v50 =	vld [tilespmem:s0+$0x9180]  }
0x213: {  	s7 =	sor.u32 s21, s30;
	s10 =	rddreg [dreg:$0x19];
	v59 =	vld [tilespmem:s17+$0x0]  }
0x214: {  	v61 =	vld [tilespmem:s7+$0x0];
	s0 =	sor.u32 s21, s10;
	s10 =	rddreg [dreg:$0x1c]  }
0x215: {  	v51 =	vld [tilespmem:s0+$0x0];
	s0 =	sor.u32 s21, s10  }
0x216: {  	s10 =	sor.u32 s21, s20;
	v52 =	vld [tilespmem:s0+$0x0]  }
0x217: {  	s20 =	sor.u32 s21, s11;
	v53 =	vld [tilespmem:s10+$0x0];
	s10 =	sand.u32 $0x380, s1  }
0x218: {  	v55 =	vld [tilespmem:s20+$0x0];
	s6 =	sor.u32 s10, s21  }
0x219: {  	s11 =	sor.u32 s21, s9;
	v57 =	vld [tilespmem:s6+$0xF480]  }
0x21a: {  	s9 =	sor.u32 s21, s5;
	v58 =	vld [tilespmem:s11+$0x0];
	v11 =	vmul.f32 v11, v14;
	v12 =	vmul.f32 v12, v15  }
0x21b: {  	s20 =	sor.u32 s21, s16;
	v62 =	vld [tilespmem:s9+$0x0];
	v13 =	vmul.f32 v13, v16;
	v46 =	vmul.f32 v46, v17  }
0x21c: {  	s11 =	sor.u32 s21, s12;
	v60 =	vld [tilespmem:s20+$0x0];
	v47 =	vmul.f32 v47, v18;
	v48 =	vmul.f32 v48, v19  }
0x21d: {  	s12 =	sor.u32 s21, s13;
	v63 =	vld [tilespmem:s11+$0x0];
	v49 =	vmul.f32 v49, v20;
	v12 =	vadd.f32 $0.0e+00, v12;
	v13 =	vadd.f32 $0.0e+00, v13  }
0x21e: {  	s10 =	sor.u32 s21, s31;
	v0 =	vld [tilespmem:s12+$0x0];
	v50 =	vmul.f32 v50, v21;
	v46 =	vadd.f32 $0.0e+00, v46;
	v11 =	vadd.f32 v11, v57  }
0x21f: {  	s13 =	sor.u32 s21, s4;
	v12 =	vadd.f32 v48, v12;
	v13 =	vadd.f32 v49, v13;
	v49 =	vmul.f32 v52, v23;
	v57 =	vld [tilespmem:s10+$0x0]  }
0x220: {  	s16 =	sor.u32 s21, s29;
	v48 =	vld [tilespmem:s13+$0x0];
	v46 =	vadd.f32 v50, v46;
	v11 =	vadd.f32 v47, v11;
	v47 =	vmul.f32 v51, v22  }
0x221: {  	s17 =	sor.u32 s21, s26;
	v50 =	vld [tilespmem:s16+$0x0];
	v58 =	vmul.f32 v58, v28;
	v12 =	vadd.f32 v49, v12;
	v51 =	vmul.f32 v54, v25  }
0x222: {  	s30 =	sor.u32 s21, s3;
	v52 =	vld [tilespmem:s17+$0x0];
	v49 =	vmul.f32 v55, v26;
	v11 =	vadd.f32 v47, v11;
	v47 =	vmul.f32 v53, v24  }
0x223: {  	s20 =	sor.u32 s21, s28;
	v0 =	vmul.f32 v0, v35;
	v55 =	vld [tilespmem:s30+$0x0];
	v53 =	vmul.f32 v56, v27;
	v46 =	vadd.f32 v51, v46  }
0x224: {  	s22 =	sor.u32 s21, s22;
	v54 =	vld [tilespmem:s20+$0x0];
	v57 =	vmul.f32 v57, v33;
	v13 =	vadd.f32 v47, v13;
	v11 =	vadd.f32 v49, v11  }
0x225: {  	s28 =	sor.u32 s21, s25;
	v51 =	vld [tilespmem:s22+$0x0];
	v12 =	vadd.f32 v53, v12;
	v49 =	vmul.f32 v59, v29;
	v47 =	vmul.f32 v60, v30  }
0x226: {  	s26 =	sor.u32 s21, s24;
	v56 =	vld [tilespmem:s28+$0x0];
	v60 =	vmul.f32 v61, v31;
	v61 =	vmul.f32 v62, v32;
	v13 =	vadd.f32 v58, v13  }
0x227: {  	s29 =	sor.u32 s21, s23;
	v53 =	vld [tilespmem:s26+$0x0];
	v62 =	vmul.f32 v63, v34;
	v46 =	vadd.f32 v49, v46;
	v11 =	vadd.f32 v47, v11  }
0x228: {  	s31 =	sor.u32 s21, s2;
	v63 =	vmul.f32 v48, v36;
	v58 =	vld [tilespmem:s29+$0x0];
	v12 =	vadd.f32 v60, v12;
	v13 =	vadd.f32 v61, v13  }
0x229: {  	v59 =	vmul.f32 v54, v39;
	v49 =	vld [tilespmem:s31+$0x0];
	v46 =	vadd.f32 v57, v46;
	v11 =	vadd.f32 v62, v11  }
0x22a: {  	v57 =	vmul.f32 v50, v37;
	v0 =	vadd.f32 v0, v12;
	v12 =	vmul.f32 v52, v38  }
0x22b: {  	v60 =	vmul.f32 v51, v40;
	v61 =	vmul.f32 v56, v42;
	v13 =	vadd.f32 v63, v13  }
0x22c: {  	v46 =	vadd.f32 v57, v46;
	v11 =	vadd.f32 v12, v11;
	v12 =	vmul.f32 v53, v41  }
0x22d: {  	v0 =	vadd.f32 v59, v0;
	v63 =	vmul.f32 v55, v44;
	v62 =	vmul.f32 v58, v43  }
0x22e: {  	v49 =	vmul.f32 v49, v45;
	v13 =	vadd.f32 v60, v13;
	v12 =	vadd.f32 v12, v46  }
0x22f: {  	v11 =	vadd.f32 v61, v11;
	v0 =	vadd.f32 v62, v0  }
0x230: {  	s18 =	sadd.s32 $0x2, s18;
	v13 =	vadd.f32 v63, v13;
	v12 =	vadd.f32 v49, v12  }
0x231: {  	p0 =	slt.u32 s18, $0x2E  }
.Ltmp10:
0x232: {  	v0 =	vadd.f32 v0, v11;
	v11 =	vadd.f32 v12, v13;
	(pc) =	sbr.rel @p0 .LBB2_16-.Ltmp10, $4  }
0x233: {  	_ = 	snop  }
0x234: {  	v0 =	vadd.f32 v11, v0  }
0x235: {  	s14 =	sadd.s32 $0x1, s14;
	s15 =	sadd.s32 $0x20, s15  }
0x236: {  	s8 =	sadd.s32 $0x100, s8;
	s19 =	sadd.s32 $0x20, s19;
	s1 =	sadd.s32 $0x20, s1;
	[tilespmem:s6+$0xF180] =	vst v0  }
0x237: {  	s0 =	rddreg [dreg:$0x14]  }
0x238: {  	s4 =	rddreg [dreg:$0x12];
	s0 =	smul.u32 $0x1800, s0  }
0x239: {  	s1 =	rddreg [dreg:$0x3]  }
0x23a: {  	[dreg:$0x13] =	wrdreg s0;
	s0 =	sor.u32 s4, s0  }
0x23b: {  	s23 =	simm.s32 $0x80;
	s2 =	simm.s32 $0x400;
	s0 =	sshrl.u32 s0, $0x3  }
0x23c: {  	s3 =	simm.s32 $0xF180;
	s24 =	simm.s32 $0x4;
	s0 =	sadd.s32 s1, s0  }
0x23d: {  	[hbm4b:s0+s23] =	stream.strided.scatter [tilespmem:s3], [sflag:$0x4], $0x300, s2, s23, $0x38;
	[tilespmem:$0xF880] =	vst v63  }
0x23e: {  	_ =	swait.ge [sflag:s24], $0x300  }
0x23f: {  	[sflag:s24] =	ssyncset.done $0x0  }
0x240: {  	s26 =	simm.s32 $0x2;
	[sflag:s24] =	ssyncadd.s32 $0xFFFFFD00  }
0x241: {  	_ =	swait.ge [sflag:s26], $0x4000  }
0x242: {  	s25 =	sor.u32 $0x80, s4;
	s28 =	rddreg [dreg:$0x11]  }
0x243: {  	s30 =	simm.s32 $0x0;
	s31 =	simm.s32 $0x8000;
	s0 =	sor.u32 s25, s28  }
0x244: {  	[sflag:s26] =	ssyncset.done $0x0;
	s29 =	rddreg [dreg:$0x8];
	s0 =	sshrl.u32 s0, $0x3  }
0x245: {  	[dreg:$0x15] =	wrdreg s25;
	[sflag:s26] =	ssyncadd.s32 $0xFFFFC000;
	s0 =	sadd.s32 s29, s0  }
0x246: {  	[tilespmem:s31], [sflag:$0x4] =	stream.linear.gather [hbm4b:s0+s30], $0x80, $0x38;
	[tilespmem:$0xF880] =	vst v63  }
0x247: {  	_ =	swait.ge [sflag:s24], $0x80  }
0x248: {  	[sflag:s24] =	ssyncset.done $0x0  }
0x249: {  	[sflag:s24] =	ssyncadd.s32 $0xFFFFFF80  }
0x24a: {  	v0 =	vld [tilespmem:$0x8000]  }
0x24b: {  	v11 =	vld [tilespmem:$0x8010]  }
0x24c: {  	v13 =	vld [tilespmem:$0x1FFF0];
	_ =	sdelay $0x3  }
0x24d: {  	v0 =	vsub.f32 $0.0e+00, v0;
	v11 =	vsub.f32 $0.0e+00, v11;
	_ =	sdelay $0x1  }
0x24e: {  	v0 =	vmax.f32 v0, v11  }
0x24f: {  	s5 =	simm.s32 $0xF780;
	[tilespmem:$0xF780] =	vst v0  }
0x250: {  	v11 =	vld.idx.msk [tilespmem:v13+s5+$0x0], $0xffff;
	_ =	sdelay $0x4  }
0x251: {  	v0 =	vmax.f32 v0, v11  }
0x252: {  	[tilespmem:$0xF780] =	vst v0  }
0x253: {  	v11 =	vld.idx.msk [tilespmem:v1+s5+$0x0], $0xffff;
	_ =	sdelay $0x4  }
0x254: {  	v0 =	vmax.f32 v0, v11  }
0x255: {  	[tilespmem:$0xF780] =	vst v0  }
0x256: {  	v11 =	vld.idx.msk [tilespmem:v2+s5+$0x0], $0xffff;
	_ =	sdelay $0x4  }
0x257: {  	v14 =	vmax.f32 v0, v11  }
0x258: {  	s0 =	simm.s32 $0x80C0;
	[tilespmem:$0xF780] =	vst v14  }
0x259: {  	v15 =	vld.idx.msk [tilespmem:v3+s5+$0x0], $0xffff;
	[tilespmem:s0+$0xFFFFFFC0] =	vst v4  }
0x25a: {  	[tilespmem:s0+$0x30] =	vst v4  }
0x25b: {  	[tilespmem:s0+$0x20] =	vst v4  }
0x25c: {  	[tilespmem:s0+$0x10] =	vst v4  }
0x25d: {  	[tilespmem:s0+$0x0] =	vst v4  }
0x25e: {  	[tilespmem:s0+$0xFFFFFFF0] =	vst v4  }
0x25f: {  	s1 =	simm.s32 $0x0;
	[tilespmem:s0+$0xFFFFFFE0] =	vst v4  }
.LBB2_18:
0x260: {  	s1 =	sadd.s32 $0x8, s1;
	[tilespmem:s0+$0xFFFFFFD0] =	vst v4;
	s0 =	sadd.s32 $0x80, s0  }
0x261: {  	[tilespmem:s0+$0xFFFFFFC0] =	vst v4;
	p0 =	slt.u32 s1, $0x78  }
0x262: {  	[tilespmem:s0+$0x30] =	vst v4  }
.Ltmp11:
0x263: {  	[tilespmem:s0+$0x20] =	vst v4;
	(pc) =	sbr.rel @p0 .LBB2_18-.Ltmp11, $4  }
0x264: {  	[tilespmem:s0+$0x10] =	vst v4  }
0x265: {  	[tilespmem:s0+$0x0] =	vst v4  }
0x266: {  	[tilespmem:s0+$0xFFFFFFF0] =	vst v4  }
0x267: {  	[tilespmem:s0+$0xFFFFFFE0] =	vst v4  }
0x268: {  	s1 =	simm.s32 $0x0;
	s15 =	simm.s32 $0xFFFFFFF8;
	s19 =	simm.s32 $0x70  }
0x269: {  	v0 =	vmax.f32 v14, v15;
	s10 =	simm.s32 $0x4040;
	s6 =	simm.s32 $0xF800;
	s3 =	simm.s32 $0x8080  }
0x26a: {  	[tilespmem:s0+$0xFFFFFFD0] =	vst v4;
	s4 =	simm.s32 $0x8880;
	s7 =	simm.s32 $0x9080;
	s8 =	simm.s32 $0x9100;
	v14 =	vsub.f32 $0.0e+00, v0  }
.LBB2_20:
0x26b: {  	v15 =	vld [tilespmem:s10+$0xFFFFFFC0];
	_ =	sdelay $0x4  }
0x26c: {  	vm4 =	vge.f32 v15, v14  }
0x26d: {  	v0 =	vmpcnt.ones.xlane vm4;
	_ =	sdelay $0x1  }
0x26e: {  	(v2sf) =	vpush v0, $0x0;
	_ =	sdelay $0xe  }
0x26f: {  	s0 =	spop (v2sf)  }
0x270: {  	p0 =	slt.s32 s0, $0x1  }
0x271: {  	v0 =	vsel @!p0 vm4, $0x1, v6  }
0x272: {  	[tilespmem:$0xF800] =	vst @!p0 v0  }
0x273: {  	v11 =	vld.idx.msk @!p0 [tilespmem:v5+s6+$0x0], $0xffff;
	_ =	sdelay $0x3  }
0x274: {  	vm5 =	veq.s32 @!p0 v9, $0x0  }
0x275: {  	v11 =	vsel @!p0 vm5, $0x0, v11  }
0x276: {  	v0 =	vadd.s32 @!p0 v0, v11  }
0x277: {  	[tilespmem:$0xF800] =	vst @!p0 v0  }
0x278: {  	v11 =	vld.idx.msk @!p0 [tilespmem:v7+s6+$0x0], $0xffff;
	_ =	sdelay $0x4  }
0x279: {  	v11 =	vsel @!p0 vm0, $0x0, v11  }
0x27a: {  	v0 =	vadd.s32 @!p0 v0, v11  }
0x27b: {  	[tilespmem:$0xF800] =	vst @!p0 v0  }
0x27c: {  	v11 =	vld.idx.msk @!p0 [tilespmem:v8+s6+$0x0], $0xffff;
	_ =	sdelay $0x4  }
0x27d: {  	v11 =	vsel @!p0 vm1, $0x0, v11  }
0x27e: {  	v0 =	vadd.s32 @!p0 v0, v11  }
0x27f: {  	[tilespmem:$0xF800] =	vst @!p0 v0  }
0x280: {  	v11 =	vld.idx.msk @!p0 [tilespmem:v10+s6+$0x0], $0xffff  }
0x281: {  	v12 =	vmov @!p0 s1  }
0x282: {  	v12 =	vadd.s32 @!p0 $0xFFFFFFFF, v12  }
0x283: {  	v12 =	vbroadcast @!p0 v12, $0x0;
	_ =	sdelay $0x1  }
0x284: {  	v0 =	vadd.s32 @!p0 v0, v12;
	v11 =	vsel @!p0 vm2, $0x0, v11  }
0x285: {  	v0 =	vadd.s32 @!p0 v11, v0  }
0x286: {  	vm5 =	vlt.s32 @!p0 v0, $0x7FF  }
0x287: {  	v0 =	vnsel @!p0 vm5, $0x7FF, v0;
	_ =	sdelay $0x3  }
0x288: {  	s2 =	sadd.s32 @!p0 $0xFFFFFF90, s19  }
0x289: {  	v11 =	vor.u32 @!p0 s2, v9;
	[tilespmem:v0+s3+$0x0] =	vst.idx.msk @!p0 vm4, v15  }
0x28a: {  	[tilespmem:v0+s4+$0x0] =	vst.idx.msk @!p0 vm4, v11  }
0x28b: {  	v15 =	vld [tilespmem:s10+$0xFFFFFFD0];
	_ =	sdelay $0x4  }
0x28c: {  	vm4 =	vge.f32 v15, v14  }
0x28d: {  	v0 =	vmpcnt.ones.xlane vm4;
	_ =	sdelay $0x1  }
0x28e: {  	(v2sf) =	vpush v0, $0x0;
	_ =	sdelay $0xe  }
0x28f: {  	s1 =	sadd.s32 @!p0 s1, s0;
	s0 =	spop (v2sf)  }
0x290: {  	p0 =	slt.s32 s0, $0x1  }
0x291: {  	v0 =	vsel @!p0 vm4, $0x1, v6  }
0x292: {  	[tilespmem:$0xF800] =	vst @!p0 v0  }
0x293: {  	v11 =	vld.idx.msk @!p0 [tilespmem:v5+s6+$0x0], $0xffff;
	_ =	sdelay $0x3  }
0x294: {  	vm5 =	veq.s32 @!p0 v9, $0x0  }
0x295: {  	v11 =	vsel @!p0 vm5, $0x0, v11  }
0x296: {  	v0 =	vadd.s32 @!p0 v0, v11  }
0x297: {  	[tilespmem:$0xF800] =	vst @!p0 v0  }
0x298: {  	v11 =	vld.idx.msk @!p0 [tilespmem:v7+s6+$0x0], $0xffff;
	_ =	sdelay $0x4  }
0x299: {  	v11 =	vsel @!p0 vm0, $0x0, v11  }
0x29a: {  	v0 =	vadd.s32 @!p0 v0, v11  }
0x29b: {  	[tilespmem:$0xF800] =	vst @!p0 v0  }
0x29c: {  	v11 =	vld.idx.msk @!p0 [tilespmem:v8+s6+$0x0], $0xffff;
	_ =	sdelay $0x4  }
0x29d: {  	v11 =	vsel @!p0 vm1, $0x0, v11  }
0x29e: {  	v0 =	vadd.s32 @!p0 v0, v11  }
0x29f: {  	[tilespmem:$0xF800] =	vst @!p0 v0  }
0x2a0: {  	v11 =	vld.idx.msk @!p0 [tilespmem:v10+s6+$0x0], $0xffff  }
0x2a1: {  	v12 =	vmov @!p0 s1  }
0x2a2: {  	v12 =	vadd.s32 @!p0 $0xFFFFFFFF, v12  }
0x2a3: {  	v12 =	vbroadcast @!p0 v12, $0x0;
	_ =	sdelay $0x1  }
0x2a4: {  	v0 =	vadd.s32 @!p0 v0, v12;
	v11 =	vsel @!p0 vm2, $0x0, v11  }
0x2a5: {  	v0 =	vadd.s32 @!p0 v11, v0  }
0x2a6: {  	vm5 =	vlt.s32 @!p0 v0, $0x7FF  }
0x2a7: {  	v0 =	vnsel @!p0 vm5, $0x7FF, v0;
	_ =	sdelay $0x3  }
0x2a8: {  	s2 =	sadd.s32 @!p0 $0xFFFFFFA0, s19  }
0x2a9: {  	v11 =	vor.u32 @!p0 s2, v9;
	[tilespmem:v0+s3+$0x0] =	vst.idx.msk @!p0 vm4, v15  }
0x2aa: {  	[tilespmem:v0+s4+$0x0] =	vst.idx.msk @!p0 vm4, v11  }
0x2ab: {  	v15 =	vld [tilespmem:s10+$0xFFFFFFE0];
	_ =	sdelay $0x4  }
0x2ac: {  	vm4 =	vge.f32 v15, v14  }
0x2ad: {  	v0 =	vmpcnt.ones.xlane vm4;
	_ =	sdelay $0x1  }
0x2ae: {  	(v2sf) =	vpush v0, $0x0;
	_ =	sdelay $0xe  }
0x2af: {  	s1 =	sadd.s32 @!p0 s1, s0;
	s0 =	spop (v2sf)  }
0x2b0: {  	p0 =	slt.s32 s0, $0x1  }
0x2b1: {  	v0 =	vsel @!p0 vm4, $0x1, v6  }
0x2b2: {  	[tilespmem:$0xF800] =	vst @!p0 v0  }
0x2b3: {  	v11 =	vld.idx.msk @!p0 [tilespmem:v5+s6+$0x0], $0xffff;
	_ =	sdelay $0x3  }
0x2b4: {  	vm5 =	veq.s32 @!p0 v9, $0x0  }
0x2b5: {  	v11 =	vsel @!p0 vm5, $0x0, v11  }
0x2b6: {  	v0 =	vadd.s32 @!p0 v0, v11  }
0x2b7: {  	[tilespmem:$0xF800] =	vst @!p0 v0  }
0x2b8: {  	v11 =	vld.idx.msk @!p0 [tilespmem:v7+s6+$0x0], $0xffff;
	_ =	sdelay $0x4  }
0x2b9: {  	v11 =	vsel @!p0 vm0, $0x0, v11  }
0x2ba: {  	v0 =	vadd.s32 @!p0 v0, v11  }
0x2bb: {  	[tilespmem:$0xF800] =	vst @!p0 v0  }
0x2bc: {  	v11 =	vld.idx.msk @!p0 [tilespmem:v8+s6+$0x0], $0xffff;
	_ =	sdelay $0x4  }
0x2bd: {  	v11 =	vsel @!p0 vm1, $0x0, v11  }
0x2be: {  	v0 =	vadd.s32 @!p0 v0, v11  }
0x2bf: {  	[tilespmem:$0xF800] =	vst @!p0 v0  }
0x2c0: {  	v11 =	vld.idx.msk @!p0 [tilespmem:v10+s6+$0x0], $0xffff  }
0x2c1: {  	v12 =	vmov @!p0 s1  }
0x2c2: {  	v12 =	vadd.s32 @!p0 $0xFFFFFFFF, v12  }
0x2c3: {  	v12 =	vbroadcast @!p0 v12, $0x0;
	_ =	sdelay $0x1  }
0x2c4: {  	v0 =	vadd.s32 @!p0 v0, v12;
	v11 =	vsel @!p0 vm2, $0x0, v11  }
0x2c5: {  	v0 =	vadd.s32 @!p0 v11, v0  }
0x2c6: {  	vm5 =	vlt.s32 @!p0 v0, $0x7FF  }
0x2c7: {  	v0 =	vnsel @!p0 vm5, $0x7FF, v0;
	_ =	sdelay $0x3  }
0x2c8: {  	s2 =	sadd.s32 @!p0 $0xFFFFFFB0, s19  }
0x2c9: {  	v11 =	vor.u32 @!p0 s2, v9;
	[tilespmem:v0+s3+$0x0] =	vst.idx.msk @!p0 vm4, v15  }
0x2ca: {  	[tilespmem:v0+s4+$0x0] =	vst.idx.msk @!p0 vm4, v11  }
0x2cb: {  	v15 =	vld [tilespmem:s10+$0xFFFFFFF0];
	_ =	sdelay $0x4  }
0x2cc: {  	vm4 =	vge.f32 v15, v14  }
0x2cd: {  	v0 =	vmpcnt.ones.xlane vm4;
	_ =	sdelay $0x1  }
0x2ce: {  	(v2sf) =	vpush v0, $0x0;
	_ =	sdelay $0xe  }
0x2cf: {  	s1 =	sadd.s32 @!p0 s1, s0;
	s0 =	spop (v2sf)  }
0x2d0: {  	p0 =	slt.s32 s0, $0x1  }
0x2d1: {  	v0 =	vsel @!p0 vm4, $0x1, v6  }
0x2d2: {  	[tilespmem:$0xF800] =	vst @!p0 v0  }
0x2d3: {  	v11 =	vld.idx.msk @!p0 [tilespmem:v5+s6+$0x0], $0xffff;
	_ =	sdelay $0x3  }
0x2d4: {  	vm5 =	veq.s32 @!p0 v9, $0x0  }
0x2d5: {  	v11 =	vsel @!p0 vm5, $0x0, v11  }
0x2d6: {  	v0 =	vadd.s32 @!p0 v0, v11  }
0x2d7: {  	[tilespmem:$0xF800] =	vst @!p0 v0  }
0x2d8: {  	v11 =	vld.idx.msk @!p0 [tilespmem:v7+s6+$0x0], $0xffff;
	_ =	sdelay $0x4  }
0x2d9: {  	v11 =	vsel @!p0 vm0, $0x0, v11  }
0x2da: {  	v0 =	vadd.s32 @!p0 v0, v11  }
0x2db: {  	[tilespmem:$0xF800] =	vst @!p0 v0  }
0x2dc: {  	v11 =	vld.idx.msk @!p0 [tilespmem:v8+s6+$0x0], $0xffff;
	_ =	sdelay $0x4  }
0x2dd: {  	v11 =	vsel @!p0 vm1, $0x0, v11  }
0x2de: {  	v0 =	vadd.s32 @!p0 v0, v11  }
0x2df: {  	[tilespmem:$0xF800] =	vst @!p0 v0  }
0x2e0: {  	v11 =	vld.idx.msk @!p0 [tilespmem:v10+s6+$0x0], $0xffff  }
0x2e1: {  	v12 =	vmov @!p0 s1  }
0x2e2: {  	v12 =	vadd.s32 @!p0 $0xFFFFFFFF, v12  }
0x2e3: {  	v12 =	vbroadcast @!p0 v12, $0x0;
	_ =	sdelay $0x1  }
0x2e4: {  	v0 =	vadd.s32 @!p0 v0, v12;
	v11 =	vsel @!p0 vm2, $0x0, v11  }
0x2e5: {  	v0 =	vadd.s32 @!p0 v11, v0  }
0x2e6: {  	vm5 =	vlt.s32 @!p0 v0, $0x7FF  }
0x2e7: {  	v0 =	vnsel @!p0 vm5, $0x7FF, v0;
	_ =	sdelay $0x3  }
0x2e8: {  	s2 =	sadd.s32 @!p0 $0xFFFFFFC0, s19  }
0x2e9: {  	v11 =	vor.u32 @!p0 s2, v9;
	[tilespmem:v0+s3+$0x0] =	vst.idx.msk @!p0 vm4, v15  }
0x2ea: {  	[tilespmem:v0+s4+$0x0] =	vst.idx.msk @!p0 vm4, v11  }
0x2eb: {  	v15 =	vld [tilespmem:s10+$0x0];
	_ =	sdelay $0x4  }
0x2ec: {  	vm4 =	vge.f32 v15, v14  }
0x2ed: {  	v0 =	vmpcnt.ones.xlane vm4;
	_ =	sdelay $0x1  }
0x2ee: {  	(v2sf) =	vpush v0, $0x0;
	_ =	sdelay $0xe  }
0x2ef: {  	s1 =	sadd.s32 @!p0 s1, s0;
	s0 =	spop (v2sf)  }
0x2f0: {  	p0 =	slt.s32 s0, $0x1  }
0x2f1: {  	v0 =	vsel @!p0 vm4, $0x1, v6  }
0x2f2: {  	[tilespmem:$0xF800] =	vst @!p0 v0  }
0x2f3: {  	v11 =	vld.idx.msk @!p0 [tilespmem:v5+s6+$0x0], $0xffff;
	_ =	sdelay $0x3  }
0x2f4: {  	vm5 =	veq.s32 @!p0 v9, $0x0  }
0x2f5: {  	v11 =	vsel @!p0 vm5, $0x0, v11  }
0x2f6: {  	v0 =	vadd.s32 @!p0 v0, v11  }
0x2f7: {  	[tilespmem:$0xF800] =	vst @!p0 v0  }
0x2f8: {  	v11 =	vld.idx.msk @!p0 [tilespmem:v7+s6+$0x0], $0xffff;
	_ =	sdelay $0x4  }
0x2f9: {  	v11 =	vsel @!p0 vm0, $0x0, v11  }
0x2fa: {  	v0 =	vadd.s32 @!p0 v0, v11  }
0x2fb: {  	[tilespmem:$0xF800] =	vst @!p0 v0  }
0x2fc: {  	v11 =	vld.idx.msk @!p0 [tilespmem:v8+s6+$0x0], $0xffff;
	_ =	sdelay $0x4  }
0x2fd: {  	v11 =	vsel @!p0 vm1, $0x0, v11  }
0x2fe: {  	v0 =	vadd.s32 @!p0 v0, v11  }
0x2ff: {  	[tilespmem:$0xF800] =	vst @!p0 v0  }
0x300: {  	v11 =	vld.idx.msk @!p0 [tilespmem:v10+s6+$0x0], $0xffff  }
0x301: {  	v12 =	vmov @!p0 s1  }
0x302: {  	v12 =	vadd.s32 @!p0 $0xFFFFFFFF, v12  }
0x303: {  	v12 =	vbroadcast @!p0 v12, $0x0;
	_ =	sdelay $0x1  }
0x304: {  	v0 =	vadd.s32 @!p0 v0, v12;
	v11 =	vsel @!p0 vm2, $0x0, v11  }
0x305: {  	v0 =	vadd.s32 @!p0 v11, v0  }
0x306: {  	vm5 =	vlt.s32 @!p0 v0, $0x7FF  }
0x307: {  	v0 =	vnsel @!p0 vm5, $0x7FF, v0;
	_ =	sdelay $0x3  }
0x308: {  	s2 =	sadd.s32 @!p0 $0xFFFFFFD0, s19  }
0x309: {  	v11 =	vor.u32 @!p0 s2, v9;
	[tilespmem:v0+s3+$0x0] =	vst.idx.msk @!p0 vm4, v15  }
0x30a: {  	[tilespmem:v0+s4+$0x0] =	vst.idx.msk @!p0 vm4, v11  }
0x30b: {  	v15 =	vld [tilespmem:s10+$0x10];
	_ =	sdelay $0x4  }
0x30c: {  	vm4 =	vge.f32 v15, v14  }
0x30d: {  	v0 =	vmpcnt.ones.xlane vm4;
	_ =	sdelay $0x1  }
0x30e: {  	(v2sf) =	vpush v0, $0x0;
	_ =	sdelay $0xe  }
0x30f: {  	s1 =	sadd.s32 @!p0 s1, s0;
	s0 =	spop (v2sf)  }
0x310: {  	p0 =	slt.s32 s0, $0x1  }
0x311: {  	v0 =	vsel @!p0 vm4, $0x1, v6  }
0x312: {  	[tilespmem:$0xF800] =	vst @!p0 v0  }
0x313: {  	v11 =	vld.idx.msk @!p0 [tilespmem:v5+s6+$0x0], $0xffff;
	_ =	sdelay $0x3  }
0x314: {  	vm5 =	veq.s32 @!p0 v9, $0x0  }
0x315: {  	v11 =	vsel @!p0 vm5, $0x0, v11  }
0x316: {  	v0 =	vadd.s32 @!p0 v0, v11  }
0x317: {  	[tilespmem:$0xF800] =	vst @!p0 v0  }
0x318: {  	v11 =	vld.idx.msk @!p0 [tilespmem:v7+s6+$0x0], $0xffff;
	_ =	sdelay $0x4  }
0x319: {  	v11 =	vsel @!p0 vm0, $0x0, v11  }
0x31a: {  	v0 =	vadd.s32 @!p0 v0, v11  }
0x31b: {  	[tilespmem:$0xF800] =	vst @!p0 v0  }
0x31c: {  	v11 =	vld.idx.msk @!p0 [tilespmem:v8+s6+$0x0], $0xffff;
	_ =	sdelay $0x4  }
0x31d: {  	v11 =	vsel @!p0 vm1, $0x0, v11  }
0x31e: {  	v0 =	vadd.s32 @!p0 v0, v11  }
0x31f: {  	[tilespmem:$0xF800] =	vst @!p0 v0  }
0x320: {  	v11 =	vld.idx.msk @!p0 [tilespmem:v10+s6+$0x0], $0xffff  }
0x321: {  	v12 =	vmov @!p0 s1  }
0x322: {  	v12 =	vadd.s32 @!p0 $0xFFFFFFFF, v12  }
0x323: {  	v12 =	vbroadcast @!p0 v12, $0x0;
	_ =	sdelay $0x1  }
0x324: {  	v0 =	vadd.s32 @!p0 v0, v12;
	v11 =	vsel @!p0 vm2, $0x0, v11  }
0x325: {  	v0 =	vadd.s32 @!p0 v11, v0  }
0x326: {  	vm5 =	vlt.s32 @!p0 v0, $0x7FF  }
0x327: {  	v0 =	vnsel @!p0 vm5, $0x7FF, v0;
	_ =	sdelay $0x3  }
0x328: {  	s2 =	sadd.s32 @!p0 $0xFFFFFFE0, s19  }
0x329: {  	v11 =	vor.u32 @!p0 s2, v9;
	[tilespmem:v0+s3+$0x0] =	vst.idx.msk @!p0 vm4, v15  }
0x32a: {  	[tilespmem:v0+s4+$0x0] =	vst.idx.msk @!p0 vm4, v11  }
0x32b: {  	v15 =	vld [tilespmem:s10+$0x20];
	_ =	sdelay $0x4  }
0x32c: {  	vm4 =	vge.f32 v15, v14  }
0x32d: {  	v0 =	vmpcnt.ones.xlane vm4;
	_ =	sdelay $0x1  }
0x32e: {  	(v2sf) =	vpush v0, $0x0;
	_ =	sdelay $0xe  }
0x32f: {  	s1 =	sadd.s32 @!p0 s1, s0;
	s0 =	spop (v2sf)  }
0x330: {  	p0 =	slt.s32 s0, $0x1  }
0x331: {  	v0 =	vsel @!p0 vm4, $0x1, v6  }
0x332: {  	[tilespmem:$0xF800] =	vst @!p0 v0  }
0x333: {  	v11 =	vld.idx.msk @!p0 [tilespmem:v5+s6+$0x0], $0xffff;
	_ =	sdelay $0x3  }
0x334: {  	vm5 =	veq.s32 @!p0 v9, $0x0  }
0x335: {  	v11 =	vsel @!p0 vm5, $0x0, v11  }
0x336: {  	v0 =	vadd.s32 @!p0 v0, v11  }
0x337: {  	[tilespmem:$0xF800] =	vst @!p0 v0  }
0x338: {  	v11 =	vld.idx.msk @!p0 [tilespmem:v7+s6+$0x0], $0xffff;
	_ =	sdelay $0x4  }
0x339: {  	v11 =	vsel @!p0 vm0, $0x0, v11  }
0x33a: {  	v0 =	vadd.s32 @!p0 v0, v11  }
0x33b: {  	[tilespmem:$0xF800] =	vst @!p0 v0  }
0x33c: {  	v11 =	vld.idx.msk @!p0 [tilespmem:v8+s6+$0x0], $0xffff;
	_ =	sdelay $0x4  }
0x33d: {  	v11 =	vsel @!p0 vm1, $0x0, v11  }
0x33e: {  	v0 =	vadd.s32 @!p0 v0, v11  }
0x33f: {  	[tilespmem:$0xF800] =	vst @!p0 v0  }
0x340: {  	v11 =	vld.idx.msk @!p0 [tilespmem:v10+s6+$0x0], $0xffff  }
0x341: {  	v12 =	vmov @!p0 s1  }
0x342: {  	v12 =	vadd.s32 @!p0 $0xFFFFFFFF, v12  }
0x343: {  	v12 =	vbroadcast @!p0 v12, $0x0;
	_ =	sdelay $0x1  }
0x344: {  	v0 =	vadd.s32 @!p0 v0, v12;
	v11 =	vsel @!p0 vm2, $0x0, v11  }
0x345: {  	v0 =	vadd.s32 @!p0 v11, v0  }
0x346: {  	vm5 =	vlt.s32 @!p0 v0, $0x7FF  }
0x347: {  	v0 =	vnsel @!p0 vm5, $0x7FF, v0;
	_ =	sdelay $0x3  }
0x348: {  	s2 =	sadd.s32 @!p0 $0xFFFFFFF0, s19  }
0x349: {  	v11 =	vor.u32 @!p0 s2, v9;
	[tilespmem:v0+s3+$0x0] =	vst.idx.msk @!p0 vm4, v15  }
0x34a: {  	[tilespmem:v0+s4+$0x0] =	vst.idx.msk @!p0 vm4, v11  }
0x34b: {  	v15 =	vld [tilespmem:s10+$0x30];
	_ =	sdelay $0x4  }
0x34c: {  	vm4 =	vge.f32 v15, v14  }
0x34d: {  	v0 =	vmpcnt.ones.xlane vm4;
	_ =	sdelay $0x1  }
0x34e: {  	(v2sf) =	vpush v0, $0x0;
	_ =	sdelay $0xe  }
0x34f: {  	s1 =	sadd.s32 @!p0 s1, s0;
	s0 =	spop (v2sf)  }
0x350: {  	p0 =	slt.s32 s0, $0x1  }
0x351: {  	v0 =	vsel @!p0 vm4, $0x1, v6  }
0x352: {  	[tilespmem:$0xF800] =	vst @!p0 v0  }
0x353: {  	v11 =	vld.idx.msk @!p0 [tilespmem:v5+s6+$0x0], $0xffff;
	_ =	sdelay $0x3  }
0x354: {  	vm5 =	veq.s32 @!p0 v9, $0x0  }
0x355: {  	v11 =	vsel @!p0 vm5, $0x0, v11  }
0x356: {  	v0 =	vadd.s32 @!p0 v0, v11  }
0x357: {  	[tilespmem:$0xF800] =	vst @!p0 v0  }
0x358: {  	v11 =	vld.idx.msk @!p0 [tilespmem:v7+s6+$0x0], $0xffff;
	_ =	sdelay $0x4  }
0x359: {  	v11 =	vsel @!p0 vm0, $0x0, v11  }
0x35a: {  	v0 =	vadd.s32 @!p0 v0, v11  }
0x35b: {  	[tilespmem:$0xF800] =	vst @!p0 v0  }
0x35c: {  	v11 =	vld.idx.msk @!p0 [tilespmem:v8+s6+$0x0], $0xffff;
	_ =	sdelay $0x4  }
0x35d: {  	v11 =	vsel @!p0 vm1, $0x0, v11  }
0x35e: {  	v0 =	vadd.s32 @!p0 v0, v11  }
0x35f: {  	[tilespmem:$0xF800] =	vst @!p0 v0  }
0x360: {  	v11 =	vld.idx.msk @!p0 [tilespmem:v10+s6+$0x0], $0xffff  }
0x361: {  	v12 =	vmov @!p0 s1  }
0x362: {  	v12 =	vadd.s32 @!p0 $0xFFFFFFFF, v12  }
0x363: {  	v12 =	vbroadcast @!p0 v12, $0x0;
	_ =	sdelay $0x1  }
0x364: {  	v0 =	vadd.s32 @!p0 v0, v12;
	v11 =	vsel @!p0 vm2, $0x0, v11  }
0x365: {  	v0 =	vadd.s32 @!p0 v11, v0  }
0x366: {  	vm5 =	vlt.s32 @!p0 v0, $0x7FF  }
0x367: {  	v0 =	vnsel @!p0 vm5, $0x7FF, v0;
	_ =	sdelay $0x4  }
0x368: {  	s15 =	sadd.s32 $0x8, s15;
	v11 =	vor.u32 @!p0 s19, v9;
	[tilespmem:v0+s3+$0x0] =	vst.idx.msk @!p0 vm4, v15  }
0x369: {  	s1 =	sadd.s32 @!p0 s1, s0;
	[tilespmem:v0+s4+$0x0] =	vst.idx.msk @!p0 vm4, v11;
	p0 =	slt.u32 s15, $0x3F8  }
.Ltmp12:
0x36a: {  	_ = 	snop;
	(pc) =	sbr.rel @p0 .LBB2_20-.Ltmp12, $2  }
0x36b: {  	_ =	sdelay $0x2  }
0x36c: {  	s10 =	sadd.s32 $0x80, s10;
	s19 =	sadd.s32 $0x80, s19  }
0x36d: {  	s0 =	rddreg [dreg:$0x10]  }
0x36e: {  	s2 =	rddreg [dreg:$0xa];
	s1 =	sadd.s32 $0xF, s1;
	s0 =	sadd.s32 $0x3, s0  }
0x36f: {  	s3 =	rddreg [dreg:$0x6];
	s29 =	sand.u32 $0xF, s1;
	p0 =	sge.u32 s0, s2  }
0x370: {  	s30 =	sshra.s32 s1, $0x1F;
	p6 =	slt.s32 s1, $0x1;
	s2 =	sshll.u32 @!p0 s0, $0x4  }
0x371: {  	p1 =	sne.s32 s29, $0x0;
	s0 =	sshll.u32 @!p0 s0, $0xB;
	s2 =	sand.u32 @!p0 $0x70, s2  }
0x372: {  	s4 =	simm.s32 @!p0 $0x4000;
	s0 =	sand.u32 @!p0 $0xFFFC000, s0;
	s2 =	sadd.s32 @!p0 s3, s2  }
0x373: {  	s3 =	simm.s32 @!p0 $0x400;
	s0 =	sadd.s32 @!p0 s0, s2;
	s2 =	simm.s32 @!p0 $0x80  }
0x374: {  	[tilespmem:s4], [sflag:$0x2] =	stream.strided.gather @!p0 [hbm4b:s0+s2], $0x4000, s3, s2, $0x38;
	[tilespmem:$0xF880] =	vst v63  }
.Ltmp13:
0x375: {  	s31 =	sshrl.u32 s30, $0x1C;
	p0 =	por !p6, !p1;
	(pc) =	sbr.rel .LBB2_22-.Ltmp13, $4  }
0x376: {  	s0 =	sadd.s32 s31, s1;
	s1 =	simm.s32 $0x1;
	p0 =	por !p0, !p0  }
0x377: {  	s0 =	sshra.s32 s0, $0x4;
	s1 =	simm.s32 @!p0 $0x0  }
0x378: {  	s0 =	ssub.s32 s0, s1  }
0x379: {  	v14 =	vimm.f32 $+Inf;
	s1 =	simm.s32 $0x0;
	p0 =	slt.s32 s0, $0x1  }
.LBB2_25:
0x37a: {  	v15 =	vsel vm4, v16, v15  }
.LBB2_26:
0x37b: {  	_ =	sdelay $0x2  }
0x37c: {  	[tilespmem:$0xF780] =	vst v15  }
0x37d: {  	v0 =	vld.idx.msk [tilespmem:v13+s5+$0x0], $0xffff;
	_ =	sdelay $0x4  }
0x37e: {  	v0 =	vmax.f32 v15, v0  }
0x37f: {  	[tilespmem:$0xF780] =	vst v0  }
0x380: {  	v11 =	vld.idx.msk [tilespmem:v1+s5+$0x0], $0xffff;
	_ =	sdelay $0x4  }
0x381: {  	v0 =	vmax.f32 v0, v11  }
0x382: {  	[tilespmem:$0xF780] =	vst v0  }
0x383: {  	v11 =	vld.idx.msk [tilespmem:v2+s5+$0x0], $0xffff;
	_ =	sdelay $0x4  }
0x384: {  	v0 =	vmax.f32 v0, v11  }
0x385: {  	s1 =	sadd.s32 $0x1, s1;
	[tilespmem:$0xF780] =	vst v0  }
0x386: {  	p1 =	seq.s32 s1, $0x20;
	v11 =	vld.idx.msk [tilespmem:v3+s5+$0x0], $0xffff  }
.Ltmp14:
0x387: {  	_ = 	snop;
	(pc) =	sbr.rel @p1 .LBB2_27-.Ltmp14, $2  }
0x388: {  	_ =	sdelay $0x2  }
0x389: {  	v14 =	vmax.f32 v0, v11  }
.LBB2_22:
.Ltmp15:
0x38a: {  	(pc) =	sbr.rel @p0 .LBB2_26-.Ltmp15, $2  }
0x38b: {  	_ =	sdelay $0x2  }
0x38c: {  	v15 =	vimm.f32 $-Inf;
	s3 =	simm.s32 $0x8080  }
0x38d: {  	v0 =	vld [tilespmem:s3+$0x0];
	p1 =	sne.s32 s0, $0x1  }
.Ltmp16:
0x38e: {  	_ = 	snop;
	(pc) =	sbr.rel @!p1 .LBB2_25-.Ltmp16, $2  }
0x38f: {  	_ =	sdelay $0x2  }
0x390: {  	s2 =	sadd.s32 $0xFFFFFFFF, s0;
	s3 =	sadd.s32 $0x10, s3;
	vm4 =	vlt.f32 v0, v14;
	v16 =	vmax.f32 v15, v0  }
.LBB2_24:
0x391: {  	v0 =	vld [tilespmem:s3+$0x0];
	p1 =	sne.s32 s2, $0x1;
	s2 =	sadd.s32 $0xFFFFFFFF, s2;
	v15 =	vsel vm4, v16, v15  }
.Ltmp17:
0x392: {  	(pc) =	sbr.rel @p1 .LBB2_24-.Ltmp17, $2  }
0x393: {  	_ =	sdelay $0x2  }
0x394: {  	s3 =	sadd.s32 $0x10, s3;
	vm4 =	vlt.f32 v0, v14;
	v16 =	vmax.f32 v15, v0  }
.Ltmp18:
0x395: {  	_ = 	snop;
	(pc) =	sbr.rel .LBB2_25-.Ltmp18, $1  }
0x396: {  	_ =	sdelay $0x3  }
.LBB2_27:
0x397: {  	p0 =	sgt.s32 s0, $0x0  }
.Ltmp19:
0x398: {  	_ = 	snop;
	(pc) =	sbr.rel @!p0 .LBB2_30-.Ltmp19, $1  }
0x399: {  	_ =	sdelay $0x3  }
0x39a: {  	s1 =	simm.s32 $0x0;
	s2 =	simm.s32 $0x8080;
	s3 =	simm.s32 $0x8880  }
.LBB2_29:
0x39b: {  	v15 =	vld [tilespmem:s2+$0x0];
	_ =	sdelay $0x4  }
0x39c: {  	vm4 =	vge.f32 v15, v14  }
0x39d: {  	v0 =	vmpcnt.ones.xlane vm4;
	_ =	sdelay $0x1  }
0x39e: {  	(v2sf) =	vpush v0, $0x0;
	_ =	sdelay $0xe  }
0x39f: {  	s4 =	spop (v2sf)  }
0x3a0: {  	p0 =	slt.s32 s4, $0x1  }
0x3a1: {  	v11 =	vsel @!p0 vm4, $0x1, v6  }
0x3a2: {  	v0 =	vld @!p0 [tilespmem:s3+$0x0];
	[tilespmem:$0xF800] =	vst @!p0 v11  }
0x3a3: {  	v12 =	vld.idx.msk @!p0 [tilespmem:v5+s6+$0x0], $0xffff;
	_ =	sdelay $0x3  }
0x3a4: {  	vm5 =	veq.s32 @!p0 v9, $0x0  }
0x3a5: {  	v12 =	vsel @!p0 vm5, $0x0, v12  }
0x3a6: {  	v11 =	vadd.s32 @!p0 v11, v12  }
0x3a7: {  	[tilespmem:$0xF800] =	vst @!p0 v11  }
0x3a8: {  	v12 =	vld.idx.msk @!p0 [tilespmem:v7+s6+$0x0], $0xffff;
	_ =	sdelay $0x4  }
0x3a9: {  	v12 =	vsel @!p0 vm0, $0x0, v12  }
0x3aa: {  	v11 =	vadd.s32 @!p0 v11, v12  }
0x3ab: {  	[tilespmem:$0xF800] =	vst @!p0 v11  }
0x3ac: {  	v12 =	vld.idx.msk @!p0 [tilespmem:v8+s6+$0x0], $0xffff;
	_ =	sdelay $0x4  }
0x3ad: {  	v12 =	vsel @!p0 vm1, $0x0, v12  }
0x3ae: {  	v11 =	vadd.s32 @!p0 v11, v12  }
0x3af: {  	[tilespmem:$0xF800] =	vst @!p0 v11  }
0x3b0: {  	v12 =	vld.idx.msk @!p0 [tilespmem:v10+s6+$0x0], $0xffff  }
0x3b1: {  	v13 =	vmov @!p0 s1  }
0x3b2: {  	v13 =	vadd.s32 @!p0 $0xFFFFFFFF, v13  }
0x3b3: {  	v13 =	vbroadcast @!p0 v13, $0x0;
	_ =	sdelay $0x1  }
0x3b4: {  	v11 =	vadd.s32 @!p0 v11, v13;
	v12 =	vsel @!p0 vm2, $0x0, v12  }
0x3b5: {  	v11 =	vadd.s32 @!p0 v12, v11  }
0x3b6: {  	vm5 =	vlt.s32 @!p0 v11, $0x1F  }
0x3b7: {  	v11 =	vnsel @!p0 vm5, $0x1F, v11;
	_ =	sdelay $0x4  }
0x3b8: {  	s0 =	sadd.s32 $0xFFFFFFFF, s0;
	[tilespmem:v11+s7+$0x0] =	vst.idx.msk @!p0 vm4, v15  }
0x3b9: {  	s1 =	sadd.s32 @!p0 s1, s4;
	[tilespmem:v11+s8+$0x0] =	vst.idx.msk @!p0 vm4, v0;
	p0 =	sne.s32 s0, $0x0  }
.Ltmp20:
0x3ba: {  	_ = 	snop;
	(pc) =	sbr.rel @p0 .LBB2_29-.Ltmp20, $2  }
0x3bb: {  	_ =	sdelay $0x2  }
0x3bc: {  	s2 =	sadd.s32 $0x10, s2;
	s3 =	sadd.s32 $0x10, s3  }
.LBB2_30:
0x3bd: {  	v0 =	vld [tilespmem:$0x9100];
	_ =	sdelay $0x3  }
0x3be: {  	v13 =	vld [tilespmem:$0x1FFC0]  }
0x3bf: {  	v11 =	vshrl.u32 v0, $0x3  }
0x3c0: {  	v12 =	vld [tilespmem:$0x1FFE0];
	v11 =	vmul.u32 $0x30, v11  }
0x3c1: {  	v0 =	vand.u32 $0x7, v0  }
0x3c2: {  	v0 =	vor.u32 v0, v11  }
0x3c3: {  	v11 =	vperm.xlane v0, v13  }
0x3c4: {  	v14 =	vld [tilespmem:$0x1FFD0]  }
0x3c5: {  	v11 =	vadd.s32 v12, v11;
	_ =	sdelay $0x3  }
0x3c6: {  	s1 =	simm.s32 $0x0;
	s0 =	rddreg [dreg:$0x1];
	s2 =	simm.s32 $0x9180;
	v0 =	vperm.xlane v0, v14  }
0x3c7: {  	[tilespmem:s2], [sflag:$0x3] =	stream.indirect_vreg.gather [hbm4b:s0+s1], $0x80, v11, vm3, $0xb8;
	[tilespmem:$0xF880] =	vst v63  }
0x3c8: {  	s19 =	rddreg [dreg:$0xb];
	s3 =	simm.s32 $0x9980;
	v0 =	vadd.s32 v12, v0  }
0x3c9: {  	[tilespmem:s3], [sflag:$0x3] =	stream.indirect_vreg.gather [hbm4b:s19+s1], $0x80, v11, vm3, $0xb8;
	[tilespmem:$0xF880] =	vst v63  }
0x3ca: {  	s20 =	rddreg [dreg:$0xc];
	s4 =	simm.s32 $0xA180  }
0x3cb: {  	[tilespmem:s4], [sflag:$0x3] =	stream.indirect_vreg.gather [hbm4b:s20+s1], $0x80, v11, vm3, $0xb8;
	[tilespmem:$0xF880] =	vst v63  }
0x3cc: {  	s21 =	simm.s32 $0xA980  }
0x3cd: {  	[tilespmem:s21], [sflag:$0x3] =	stream.indirect_vreg.gather [hbm4b:s0+s1], $0x80, v0, vm3, $0xb8;
	[tilespmem:$0xF880] =	vst v63  }
0x3ce: {  	s22 =	simm.s32 $0xB180  }
0x3cf: {  	[tilespmem:s22], [sflag:$0x3] =	stream.indirect_vreg.gather [hbm4b:s19+s1], $0x80, v0, vm3, $0xb8;
	[tilespmem:$0xF880] =	vst v63  }
0x3d0: {  	s23 =	simm.s32 $0xB980  }
0x3d1: {  	[tilespmem:s23], [sflag:$0x3] =	stream.indirect_vreg.gather [hbm4b:s20+s1], $0x80, v0, vm3, $0xb8;
	[tilespmem:$0xF880] =	vst v63  }
0x3d2: {  	v0 =	vld [tilespmem:$0x9110];
	_ =	sdelay $0x4  }
0x3d3: {  	v11 =	vshrl.u32 v0, $0x3  }
0x3d4: {  	v11 =	vmul.u32 $0x30, v11  }
0x3d5: {  	v0 =	vand.u32 $0x7, v0  }
0x3d6: {  	v0 =	vor.u32 v0, v11  }
0x3d7: {  	v11 =	vperm.xlane v0, v13;
	_ =	sdelay $0x1  }
0x3d8: {  	v11 =	vadd.s32 v12, v11;
	_ =	sdelay $0x3  }
0x3d9: {  	s24 =	simm.s32 $0xC180;
	v0 =	vperm.xlane v0, v14  }
0x3da: {  	[tilespmem:s24], [sflag:$0x3] =	stream.indirect_vreg.gather [hbm4b:s0+s1], $0x80, v11, vm3, $0xb8;
	[tilespmem:$0xF880] =	vst v63  }
0x3db: {  	s25 =	simm.s32 $0xC980;
	v0 =	vadd.s32 v12, v0  }
0x3dc: {  	[tilespmem:s25], [sflag:$0x3] =	stream.indirect_vreg.gather [hbm4b:s19+s1], $0x80, v11, vm3, $0xb8;
	[tilespmem:$0xF880] =	vst v63  }
0x3dd: {  	s26 =	simm.s32 $0xD180  }
0x3de: {  	[tilespmem:s26], [sflag:$0x3] =	stream.indirect_vreg.gather [hbm4b:s20+s1], $0x80, v11, vm3, $0xb8;
	[tilespmem:$0xF880] =	vst v63  }
0x3df: {  	s28 =	simm.s32 $0xD980  }
0x3e0: {  	[tilespmem:s28], [sflag:$0x3] =	stream.indirect_vreg.gather [hbm4b:s0+s1], $0x80, v0, vm3, $0xb8;
	[tilespmem:$0xF880] =	vst v63  }
0x3e1: {  	s29 =	simm.s32 $0xE180  }
0x3e2: {  	[tilespmem:s29], [sflag:$0x3] =	stream.indirect_vreg.gather [hbm4b:s19+s1], $0x80, v0, vm3, $0xb8;
	[tilespmem:$0xF880] =	vst v63  }
0x3e3: {  	s30 =	simm.s32 $0xE980;
	s31 =	simm.s32 $0x3  }
0x3e4: {  	[tilespmem:s30], [sflag:$0x3] =	stream.indirect_vreg.gather [hbm4b:s20+s1], $0x80, v0, vm3, $0xb8;
	[tilespmem:$0xF880] =	vst v63  }
0x3e5: {  	_ =	swait.ge [sflag:s31], $0x6000  }
0x3e6: {  	[sflag:s31] =	ssyncset.done $0x0  }
0x3e7: {  	[sflag:s31] =	ssyncadd.s32 $0xFFFFA000  }
0x3e8: {  	v0 =	vld [tilespmem:$0x9080];
	_ =	sdelay $0x4  }
0x3e9: {  	v0 =	vmax.f32 v0, $0.0e+00  }
0x3ea: {  	v11 =	vbroadcast v0, $0x0;
	v12 =	vbroadcast v0, $0x1  }
0x3eb: {  	v13 =	vbroadcast v0, $0x2;
	v14 =	vbroadcast v0, $0x3  }
0x3ec: {  	v27 =	vld [tilespmem:$0x9090];
	v15 =	vbroadcast v0, $0x4;
	v16 =	vbroadcast v0, $0x5  }
0x3ed: {  	v17 =	vbroadcast v0, $0x6;
	v18 =	vbroadcast v0, $0x7  }
0x3ee: {  	v19 =	vbroadcast v0, $0x8;
	v20 =	vbroadcast v0, $0x9  }
0x3ef: {  	v21 =	vbroadcast v0, $0xA;
	v22 =	vbroadcast v0, $0xB  }
0x3f0: {  	v23 =	vbroadcast v0, $0xC;
	v24 =	vbroadcast v0, $0xD  }
0x3f1: {  	v25 =	vbroadcast v0, $0xE;
	v26 =	vbroadcast v0, $0xF;
	v0 =	vmax.f32 v27, $0.0e+00  }
0x3f2: {  	v27 =	vbroadcast v0, $0x0;
	v28 =	vbroadcast v0, $0x1  }
0x3f3: {  	v29 =	vbroadcast v0, $0x2;
	v30 =	vbroadcast v0, $0x3  }
0x3f4: {  	v31 =	vbroadcast v0, $0x4;
	v32 =	vbroadcast v0, $0x5  }
0x3f5: {  	v33 =	vbroadcast v0, $0x6;
	v34 =	vbroadcast v0, $0x7  }
0x3f6: {  	v35 =	vbroadcast v0, $0x8;
	v36 =	vbroadcast v0, $0x9  }
0x3f7: {  	v37 =	vbroadcast v0, $0xA;
	v38 =	vbroadcast v0, $0xB  }
0x3f8: {  	s18 =	simm.s32 $0xFFFFFFFE;
	s15 =	simm.s32 $0xF480;
	v39 =	vbroadcast v0, $0xC;
	v40 =	vbroadcast v0, $0xD  }
0x3f9: {  	s14 =	simm.s32 $0x0;
	s8 =	simm.s32 $0x0;
	s19 =	simm.s32 $0xF180;
	v41 =	vbroadcast v0, $0xE;
	v42 =	vbroadcast v0, $0xF  }
.LBB2_31:
0x3fa: {  	s0 =	sand.u32 $0x1C00, s8;
	s4 =	sor.u32 s8, s1  }
0x3fb: {  	s21 =	sand.u32 $0x60, s1;
	v0 =	vld [tilespmem:s15+$0x0];
	s2 =	sadd.s32 $0x9180, s0;
	s5 =	sor.u32 $0x380, s4  }
0x3fc: {  	[dreg:$0x17] =	wrdreg s2;
	s2 =	sor.u32 s21, s2;
	v50 =	vld [tilespmem:s5+$0x9180]  }
0x3fd: {  	v43 =	vld [tilespmem:s2+$0x0]  }
0x3fe: {  	v44 =	vld [tilespmem:s2+$0x80]  }
0x3ff: {  	v45 =	vld [tilespmem:s2+$0x100]  }
0x400: {  	v46 =	vld [tilespmem:s2+$0x180]  }
0x401: {  	s6 =	sadd.s32 $0xA980, s0;
	v47 =	vld [tilespmem:s2+$0x200]  }
0x402: {  	s9 =	sadd.s32 $0xAA00, s0;
	s7 =	sor.u32 s21, s6;
	v48 =	vld [tilespmem:s2+$0x280]  }
0x403: {  	s20 =	sadd.s32 $0xAA80, s0;
	s10 =	sor.u32 s21, s9;
	v51 =	vld [tilespmem:s7+$0x0]  }
0x404: {  	s17 =	sadd.s32 $0xAB00, s0;
	s11 =	sor.u32 s21, s20;
	v52 =	vld [tilespmem:s10+$0x0]  }
0x405: {  	s3 =	sand.u32 $0x3, s14;
	s30 =	sor.u32 $0xC200, s0;
	s12 =	sor.u32 s21, s17;
	v53 =	vld [tilespmem:s11+$0x0]  }
0x406: {  	s3 =	sshll.u32 s3, $0x5;
	s31 =	sor.u32 $0xC300, s0;
	s25 =	sor.u32 s21, s30;
	v54 =	vld [tilespmem:s12+$0x0]  }
0x407: {  	s3 =	sadd.s32 s3, s8;
	s28 =	sor.u32 s21, s31;
	v60 =	vld [tilespmem:s25+$0x0]  }
0x408: {  	s5 =	sadd.s32 $0xAB80, s0;
	[dreg:$0x1a] =	wrdreg s3;
	s3 =	sor.u32 $0x300, s3;
	v61 =	vld [tilespmem:s28+$0x0]  }
0x409: {  	[dreg:$0x1d] =	wrdreg s9;
	s9 =	sadd.s32 $0xAC80, s0;
	s13 =	sor.u32 s21, s5;
	v49 =	vld [tilespmem:s3+$0x9180]  }
0x40a: {  	[dreg:$0x1b] =	wrdreg s6;
	s6 =	sor.u32 $0xC380, s0;
	s22 =	sor.u32 s21, s9;
	v55 =	vld [tilespmem:s13+$0x0]  }
0x40b: {  	s7 =	sadd.s32 $0xAC00, s0;
	s29 =	sor.u32 s21, s6;
	v57 =	vld [tilespmem:s22+$0x0];
	v50 =	vmul.f32 v50, v18  }
0x40c: {  	s11 =	sadd.s32 $0xAD00, s0;
	s16 =	sor.u32 s21, s7;
	v62 =	vld [tilespmem:s29+$0x0];
	v43 =	vmul.f32 v43, v11;
	v44 =	vmul.f32 v44, v12  }
0x40d: {  	s23 =	sor.u32 s21, s11;
	v56 =	vld [tilespmem:s16+$0x0];
	s16 =	sor.u32 $0xC180, s0;
	v45 =	vmul.f32 v45, v13;
	v47 =	vmul.f32 v47, v15  }
0x40e: {  	s29 =	sadd.s32 $0xC500, s0;
	v58 =	vld [tilespmem:s23+$0x0];
	s24 =	sor.u32 s21, s16;
	v48 =	vmul.f32 v48, v16;
	v63 =	vmul.f32 v52, v20  }
0x40f: {  	s12 =	sor.u32 $0xC280, s0;
	s22 =	sor.u32 s21, s29;
	v59 =	vld [tilespmem:s24+$0x0];
	v0 =	vadd.f32 v43, v0;
	v43 =	vadd.f32 $0.0e+00, v44;
	v44 =	vmul.f32 v46, v14  }
0x410: {  	s26 =	sor.u32 s21, s12;
	s13 =	sadd.s32 $0xC400, s0;
	v52 =	vld [tilespmem:s22+$0x0];
	v60 =	vmul.f32 v60, v28;
	v49 =	vmul.f32 v49, v17  }
0x411: {  	s3 =	sor.u32 s21, s13;
	v57 =	vmul.f32 v57, v25;
	v46 =	vld [tilespmem:s26+$0x0];
	v45 =	vadd.f32 $0.0e+00, v45;
	s26 =	sadd.s32 $0xD980, s0;
	v44 =	vadd.f32 $0.0e+00, v44  }
0x412: {  	s4 =	sadd.s32 $0xC480, s0;
	s23 =	sor.u32 s21, s26;
	v0 =	vadd.f32 v47, v0;
	v43 =	vadd.f32 v48, v43;
	v47 =	vmul.f32 v51, v19;
	v48 =	vld [tilespmem:s3+$0x0]  }
0x413: {  	s10 =	sor.u32 s21, s4;
	s28 =	sadd.s32 $0xDA00, s0;
	v45 =	vadd.f32 v49, v45;
	v51 =	vmul.f32 v54, v22;
	v54 =	vld [tilespmem:s23+$0x0];
	v44 =	vadd.f32 v50, v44  }
0x414: {  	s24 =	sor.u32 s21, s28;
	s22 =	sadd.s32 $0xDA80, s0;
	v49 =	vmul.f32 v55, v23;
	v50 =	vld [tilespmem:s10+$0x0];
	v0 =	vadd.f32 v47, v0;
	v47 =	vmul.f32 v53, v21  }
0x415: {  	s25 =	sor.u32 s21, s22;
	v43 =	vadd.f32 v63, v43;
	v63 =	vmul.f32 v56, v24;
	v44 =	vadd.f32 v51, v44;
	v51 =	vld [tilespmem:s24+$0x0];
	s24 =	sadd.s32 $0xDB00, s0  }
0x416: {  	v53 =	vld [tilespmem:s25+$0x0];
	s25 =	sadd.s32 $0xDB80, s0;
	v46 =	vmul.f32 v46, v29;
	v45 =	vadd.f32 v47, v45;
	v0 =	vadd.f32 v49, v0;
	s3 =	sor.u32 s21, s24  }
0x417: {  	s23 =	sadd.s32 $0xDC00, s0;
	s10 =	sor.u32 s21, s25;
	v43 =	vadd.f32 v63, v43;
	v63 =	vmul.f32 v58, v26;
	v47 =	vmul.f32 v59, v27;
	v56 =	vld [tilespmem:s3+$0x0]  }
0x418: {  	v59 =	vmul.f32 v62, v31;
	v62 =	vmul.f32 v52, v34;
	v45 =	vadd.f32 v57, v45;
	v57 =	vld [tilespmem:s10+$0x0];
	s10 =	sor.u32 s21, s23;
	s3 =	sadd.s32 $0xDC80, s0  }
0x419: {  	s2 =	sadd.s32 $0xDD00, s0;
	v44 =	vadd.f32 v63, v44;
	v63 =	vmul.f32 v61, v30;
	v0 =	vadd.f32 v47, v0;
	v58 =	vld [tilespmem:s10+$0x0];
	s0 =	sor.u32 s21, s3  }
0x41a: {  	v43 =	vadd.f32 v60, v43;
	v60 =	vmul.f32 v48, v32;
	v55 =	vld [tilespmem:s0+$0x0];
	v45 =	vadd.f32 v46, v45;
	s0 =	sor.u32 s21, s2  }
0x41b: {  	v61 =	vmul.f32 v50, v33;
	v44 =	vadd.f32 v63, v44;
	v0 =	vadd.f32 v59, v0;
	v48 =	vld [tilespmem:s0+$0x0]  }
0x41c: {  	v43 =	vadd.f32 v60, v43;
	v63 =	vmul.f32 v54, v35;
	v52 =	vmul.f32 v51, v36  }
0x41d: {  	v54 =	vmul.f32 v53, v37;
	v45 =	vadd.f32 v61, v45;
	v44 =	vadd.f32 v62, v44  }
0x41e: {  	v0 =	vadd.f32 v63, v0;
	v43 =	vadd.f32 v52, v43;
	v56 =	vmul.f32 v56, v38  }
0x41f: {  	v59 =	vmul.f32 v57, v39;
	v45 =	vadd.f32 v54, v45;
	v60 =	vmul.f32 v58, v40  }
0x420: {  	v44 =	vadd.f32 v56, v44;
	v61 =	vmul.f32 v55, v41;
	v48 =	vmul.f32 v48, v42  }
0x421: {  	v0 =	vadd.f32 v59, v0;
	v43 =	vadd.f32 v60, v43  }
0x422: {  	v45 =	vadd.f32 v61, v45;
	v44 =	vadd.f32 v48, v44;
	_ =	sdelay $0x1  }
0x423: {  	v0 =	vadd.f32 v43, v0;
	v62 =	vadd.f32 v44, v45;
	_ =	sdelay $0x1  }
0x424: {  	v0 =	vadd.f32 v62, v0  }
0x425: {  	s10 =	rddreg [dreg:$0x17];
	s21 =	sor.u32 $0x10, s21  }
0x426: {  	s10 =	sor.u32 s21, s10;
	[tilespmem:s19+$0x0] =	vst v0  }
0x427: {  	v0 =	vld [tilespmem:s10+$0x0]  }
0x428: {  	v63 =	vld [tilespmem:s10+$0x80]  }
0x429: {  	v44 =	vld [tilespmem:s10+$0x100]  }
0x42a: {  	v45 =	vld [tilespmem:s10+$0x180]  }
0x42b: {  	v46 =	vld [tilespmem:s10+$0x200]  }
0x42c: {  	s0 =	rddreg [dreg:$0x1a];
	s20 =	sor.u32 s21, s20;
	v47 =	vld [tilespmem:s10+$0x280]  }
0x42d: {  	s7 =	sor.u32 s21, s7;
	s0 =	sadd.s32 $0x10, s0;
	v52 =	vld [tilespmem:s20+$0x0]  }
0x42e: {  	s10 =	sor.u32 $0x300, s0;
	v55 =	vld [tilespmem:s7+$0x0]  }
0x42f: {  	s0 =	sor.u32 $0x380, s0;
	v48 =	vld [tilespmem:s10+$0x9180]  }
0x430: {  	s7 =	sor.u32 s21, s30;
	v49 =	vld [tilespmem:s0+$0x9180];
	s10 =	rddreg [dreg:$0x1b]  }
0x431: {  	v60 =	vld [tilespmem:s7+$0x0];
	s0 =	sor.u32 s21, s10;
	s10 =	rddreg [dreg:$0x1d]  }
0x432: {  	v50 =	vld [tilespmem:s0+$0x0];
	s0 =	sor.u32 s21, s10  }
0x433: {  	s10 =	sor.u32 s21, s17;
	v51 =	vld [tilespmem:s0+$0x0]  }
0x434: {  	s20 =	sand.u32 $0x380, s1;
	s17 =	sor.u32 s21, s5;
	v53 =	vld [tilespmem:s10+$0x0]  }
0x435: {  	s5 =	sor.u32 s20, s21;
	v54 =	vld [tilespmem:s17+$0x0]  }
0x436: {  	s20 =	sor.u32 s21, s16;
	v56 =	vld [tilespmem:s5+$0xF480]  }
0x437: {  	s10 =	sor.u32 s21, s9;
	v59 =	vld [tilespmem:s20+$0x0]  }
0x438: {  	s17 =	sor.u32 s21, s11;
	v57 =	vld [tilespmem:s10+$0x0];
	v0 =	vmul.f32 v0, v11;
	v43 =	vmul.f32 v63, v12  }
0x439: {  	s9 =	sor.u32 s21, s12;
	v58 =	vld [tilespmem:s17+$0x0];
	v44 =	vmul.f32 v44, v13;
	v45 =	vmul.f32 v45, v14  }
0x43a: {  	s11 =	sor.u32 s21, s6;
	v61 =	vld [tilespmem:s9+$0x0];
	v46 =	vmul.f32 v46, v15;
	v47 =	vmul.f32 v47, v16  }
0x43b: {  	s12 =	sor.u32 s21, s13;
	v62 =	vld [tilespmem:s11+$0x0];
	v48 =	vmul.f32 v48, v17;
	v43 =	vadd.f32 $0.0e+00, v43;
	v44 =	vadd.f32 $0.0e+00, v44  }
0x43c: {  	s10 =	sor.u32 s21, s31;
	v63 =	vld [tilespmem:s12+$0x0];
	v49 =	vmul.f32 v49, v18;
	v45 =	vadd.f32 $0.0e+00, v45;
	v0 =	vadd.f32 v0, v56  }
0x43d: {  	s13 =	sor.u32 s21, s4;
	v60 =	vmul.f32 v60, v28;
	v56 =	vld [tilespmem:s10+$0x0];
	v43 =	vadd.f32 v47, v43;
	v44 =	vadd.f32 v48, v44  }
0x43e: {  	s16 =	sor.u32 s21, s29;
	v47 =	vld [tilespmem:s13+$0x0];
	v45 =	vadd.f32 v49, v45;
	v48 =	vmul.f32 v51, v20;
	v57 =	vmul.f32 v57, v25  }
0x43f: {  	s17 =	sor.u32 s21, s26;
	v49 =	vld [tilespmem:s16+$0x0];
	v58 =	vmul.f32 v58, v26;
	v0 =	vadd.f32 v46, v0;
	v46 =	vmul.f32 v50, v19  }
0x440: {  	s20 =	sor.u32 s21, s28;
	v51 =	vld [tilespmem:s17+$0x0];
	v61 =	vmul.f32 v61, v29;
	v50 =	vmul.f32 v53, v22;
	v43 =	vadd.f32 v48, v43  }
0x441: {  	s28 =	sor.u32 s21, s25;
	v48 =	vmul.f32 v54, v23;
	v53 =	vld [tilespmem:s20+$0x0];
	v0 =	vadd.f32 v46, v0;
	v46 =	vmul.f32 v52, v21  }
0x442: {  	s30 =	sor.u32 s21, s3;
	v62 =	vmul.f32 v62, v31;
	v52 =	vmul.f32 v55, v24;
	v45 =	vadd.f32 v50, v45;
	v55 =	vld [tilespmem:s28+$0x0]  }
0x443: {  	s22 =	sor.u32 s21, s22;
	v54 =	vld [tilespmem:s30+$0x0];
	v44 =	vadd.f32 v46, v44;
	v0 =	vadd.f32 v48, v0;
	v46 =	vmul.f32 v59, v27  }
0x444: {  	s26 =	sor.u32 s21, s24;
	v50 =	vld [tilespmem:s22+$0x0];
	v56 =	vmul.f32 v56, v30;
	v43 =	vadd.f32 v52, v43;
	v45 =	vadd.f32 v58, v45  }
0x445: {  	s29 =	sor.u32 s21, s23;
	v63 =	vmul.f32 v63, v32;
	v52 =	vld [tilespmem:s26+$0x0];
	v44 =	vadd.f32 v57, v44;
	v0 =	vadd.f32 v46, v0  }
0x446: {  	s31 =	sor.u32 s21, s2;
	v57 =	vld [tilespmem:s29+$0x0];
	v43 =	vadd.f32 v60, v43;
	v45 =	vadd.f32 v56, v45;
	v60 =	vmul.f32 v47, v33  }
0x447: {  	v56 =	vld [tilespmem:s31+$0x0];
	v59 =	vmul.f32 v55, v39;
	v44 =	vadd.f32 v61, v44;
	v0 =	vadd.f32 v62, v0  }
0x448: {  	v61 =	vmul.f32 v49, v34;
	v43 =	vadd.f32 v63, v43;
	v62 =	vmul.f32 v51, v35  }
0x449: {  	v63 =	vmul.f32 v53, v36;
	v53 =	vmul.f32 v50, v37;
	v44 =	vadd.f32 v60, v44  }
0x44a: {  	v58 =	vmul.f32 v52, v38;
	v45 =	vadd.f32 v61, v45;
	v0 =	vadd.f32 v62, v0  }
0x44b: {  	v43 =	vadd.f32 v63, v43;
	v61 =	vmul.f32 v54, v41;
	v60 =	vmul.f32 v57, v40  }
0x44c: {  	v62 =	vmul.f32 v56, v42;
	v44 =	vadd.f32 v53, v44;
	v45 =	vadd.f32 v58, v45  }
0x44d: {  	v0 =	vadd.f32 v59, v0;
	v43 =	vadd.f32 v60, v43  }
0x44e: {  	s18 =	sadd.s32 $0x2, s18;
	v44 =	vadd.f32 v61, v44;
	v45 =	vadd.f32 v62, v45  }
0x44f: {  	p0 =	slt.u32 s18, $0x2E  }
.Ltmp21:
0x450: {  	v0 =	vadd.f32 v43, v0;
	v63 =	vadd.f32 v45, v44;
	(pc) =	sbr.rel @p0 .LBB2_31-.Ltmp21, $4  }
0x451: {  	_ = 	snop  }
0x452: {  	v0 =	vadd.f32 v63, v0  }
0x453: {  	s14 =	sadd.s32 $0x1, s14;
	s15 =	sadd.s32 $0x20, s15  }
0x454: {  	s8 =	sadd.s32 $0x100, s8;
	s19 =	sadd.s32 $0x20, s19;
	s1 =	sadd.s32 $0x20, s1;
	[tilespmem:s5+$0xF180] =	vst v0  }
0x455: {  	s0 =	rddreg [dreg:$0x13]  }
0x456: {  	s1 =	rddreg [dreg:$0x15]  }
0x457: {  	s0 =	sor.u32 s1, s0  }
0x458: {  	s29 =	rddreg [dreg:$0x3];
	s30 =	simm.s32 $0x80;
	s0 =	sshrl.u32 s0, $0x3  }
0x459: {  	s2 =	simm.s32 $0x400;
	s3 =	simm.s32 $0xF180;
	s0 =	sadd.s32 s29, s0  }
0x45a: {  	[hbm4b:s0+s30] =	stream.strided.scatter [tilespmem:s3], [sflag:$0x4], $0x300, s2, s30, $0x38;
	[tilespmem:$0xF880] =	vst v63  }
0x45b: {  	s3 =	simm.s32 $0x4  }
0x45c: {  	_ =	swait.ge [sflag:s3], $0x300  }
0x45d: {  	s31 =	rddreg [dreg:$0xf]  }
0x45e: {  	s2 =	sadd.s32 $0x1, s31  }
0x45f: {  	p0 =	sne.s32 s2, $0x20  }
.Ltmp22:
0x460: {  	_ = 	snop;
	(pc) =	sbr.rel @p0 .LBB2_2-.Ltmp22, $4  }
0x461: {  	_ = 	snop  }
0x462: {  	s5 =	simm.s32 $0xF780;
	s6 =	simm.s32 $0xF800  }
0x463: {  	s7 =	simm.s32 $0x8080;
	s8 =	simm.s32 $0x8880;
	[sflag:s3] =	ssyncset.done $0x0  }
0x464: {  	s9 =	simm.s32 $0x9080;
	s11 =	simm.s32 $0x9100;
	v0 =	vld [tilespmem:$0x1FFF0];
	[sflag:s3] =	ssyncadd.s32 $0xFFFFFD00  }
0x465: {  	s1 =	rddreg [dreg:$0xe]  }
0x466: {  	s0 =	rddreg [dreg:$0xd];
	s1 =	sadd.s32 $0x1, s1  }
0x467: {  	p0 =	sne.s32 s1, s0  }
.Ltmp23:
0x468: {  	_ = 	snop;
	(pc) =	sbr.rel @p0 .LBB2_1-.Ltmp23, $1  }
0x469: {  	_ =	sdelay $0x3  }
0x46a: {  	_ =	sfence.sel $0x180000  }
0x46b: {  	[bflag:$0x0] =	sbarrier.arrive $0xFFFF  }
0x46c: {  	_ =	strace $0x90000047  }
0x46d: {  	s0 =	stileid.u32;
	[bflag:$0x2] =	sbarrier.arrive $0xFFFF  }
0x46e: {  	p0 =	sne.s32 s0, $0x0;
	s0 =	rddreg [dreg:$0x4]  }
0x46f: {  	s0 =	sadd.s32 @!p0 $0x100000, s0  }
0x470: {  	[sflag:s0] =	ssyncadd.tile.s32 @!p0 $0x1;
	_ =	shalt  }
.Lfunc_end2:
_tile_overlayer_lowered:
.L_overlay_start_2:
0x471: {  	(tag) =	ssettag $0x2  }
0x472: {  	s0 =	rddreg [dreg:$0x0];
	s2 =	stileid.u32  }
0x473: {  	s1 =	rddreg [dreg:$0x1];
	p0 =	sne.s32 s2, $0x0  }
0x474: {  	s3 =	rddreg [dreg:$0x2];
	[bflag:$0x3] =	sbarrier.arrive $0xFFFF;
	s2 =	simm.s32 @!p0 $0x1C04  }
0x475: {  	[timem:s3], [sflag:s2] =	dma.local @!p0 [hbm:s0], s1  }
0x476: {  	s0 =	simm.s32 @!p0 $0x4  }
0x477: {  	_ =	swait.ge @!p0 [sflag:s0], s1  }
0x478: {  	s1 =	ssub.s32 @!p0 $0x0, s1;
	[sflag:s0] =	ssyncset.done @!p0 $0x0  }
0x479: {  	[sflag:s0] =	ssyncadd.s32 @!p0 s1  }
0x47a: {  	[bflag:$0x3] =	sbarrier.arrive $0xFFFF  }
0x47b: {  	_ =	shalt  }

</sc_bundles>
